<compile_context>
chip_gen: v7x
topology: tpu7x:2x2x1
jax: 0.10.2.dev20260603
libtpu: 0.0.44.dev20260713+nightly
codegen_flags: <defaults>
</compile_context>

<pallas_src>
import functools

import jax
import jax.numpy as jnp
from jax import lax
from jax.experimental import pallas as pl
from jax.experimental.pallas import tpu as pltpu
from jax.experimental.pallas import tpu_sc as plsc

N = 10000
E = 160000
D_IN = 256
D_H = 512
N_CLS = 64

NC, NS = 2, 16
NW = NC * NS
EB = 128
R_TOT = 1280
E_PAD = R_TOT * EB
RPW = R_TOT // NW
ACC_ROWS = 10240
MB = 1000

_mesh = plsc.VectorSubcoreMesh(core_axis_name="c", subcore_axis_name="s")


def _make_agg(n_chunks, width):
    NBUF = 2
    NGRP = RPW // NBUF
    out_type = [jax.ShapeDtypeStruct((NC, ACC_ROWS, width), jnp.float32)
                for _ in range(n_chunks)]
    scratch = [
        pltpu.VMEM_SHARED((ACC_ROWS, width), jnp.float32),
        pltpu.VMEM((RPW, EB), jnp.int32),
        pltpu.VMEM((RPW, EB), jnp.int32),
        pltpu.VMEM((NBUF, EB, width), jnp.float32),
        [pltpu.SemaphoreType.DMA] * NBUF,
        [pltpu.SemaphoreType.DMA] * NBUF,
    ]

    @functools.partial(pl.kernel, out_type=out_type, mesh=_mesh,
                       scratch_types=scratch)
    def agg(*refs):
        tables = refs[:n_chunks]
        src3, dst3 = refs[n_chunks], refs[n_chunks + 1]
        outs = refs[n_chunks + 2: 2 * n_chunks + 2]
        acc, src_v, dst_v, rows, gsem, ssem = refs[2 * n_chunks + 2:]
        cid = lax.axis_index("c")
        sid = lax.axis_index("s")
        wid = sid * NC + cid
        pltpu.sync_copy(src3.at[pl.ds(wid * RPW, RPW)], src_v)
        pltpu.sync_copy(dst3.at[pl.ds(wid * RPW, RPW)], dst_v)
        zrow0 = sid * (ACC_ROWS // NS)

        def _gather(t, j, b):
            pltpu.async_copy(tables[t].at[src_v.at[j]], rows.at[b], gsem[b])

        def _gather_wait(t, j, b):
            pltpu.make_async_copy(tables[t].at[src_v.at[j]], rows.at[b],
                                  gsem[b]).wait()

        def _scat(j, b):
            pltpu.async_copy(rows.at[b], acc.at[dst_v.at[j]], ssem[b],
                             add=True)

        def _scat_wait(j, b):
            pltpu.make_async_copy(rows.at[b], acc.at[dst_v.at[j]],
                                  ssem[b]).wait()

        for t in range(n_chunks):
            def _zr(i, carry):
                for k in range(width // 16):
                    rows[0, i, pl.ds(k * 16, 16)] = jnp.zeros((16,),
                                                              jnp.float32)
                return carry
            lax.fori_loop(0, EB, _zr, 0)
            for z in range(ACC_ROWS // NS // EB):
                pltpu.sync_copy(rows.at[0], acc.at[pl.ds(zrow0 + z * EB, EB)])
            plsc.subcore_barrier()

            for b in range(NBUF):
                _gather(t, b, b)

            def _group(g, carry):
                for b in range(NBUF):
                    j = g * NBUF + b
                    _gather_wait(t, j, b)
                    _scat(j, b)
                for b in range(NBUF):
                    j = g * NBUF + b
                    jn = j + NBUF

                    @pl.when(jn < RPW)
                    def _():
                        _scat_wait(j, b)
                        _gather(t, jn, b)
                return carry
            lax.fori_loop(0, NGRP, _group, 0)
            for b in range(NBUF):
                _scat_wait((NGRP - 1) * NBUF + b, b)
            plsc.subcore_barrier()

            pltpu.sync_copy(acc.at[pl.ds(zrow0, ACC_ROWS // NS)],
                            outs[t].at[cid, pl.ds(zrow0, ACC_ROWS // NS)])

    return agg


def _make_deg():
    out_type = jax.ShapeDtypeStruct((NC, ACC_ROWS, 128), jnp.float32)
    scratch = [
        pltpu.VMEM_SHARED((ACC_ROWS, 128), jnp.float32),
        pltpu.VMEM((RPW, EB), jnp.int32),
        pltpu.VMEM((EB, 128), jnp.float32),
        pltpu.VMEM((EB, 128), jnp.float32),
        pltpu.SemaphoreType.DMA,
    ]

    @functools.partial(pl.kernel, out_type=out_type, mesh=_mesh,
                       scratch_types=scratch)
    def deg(dst3, out, acc, dst_v, ones_v, zero_v, sem):
        cid = lax.axis_index("c")
        sid = lax.axis_index("s")
        wid = sid * NC + cid
        pltpu.sync_copy(dst3.at[pl.ds(wid * RPW, RPW)], dst_v)

        def _fill(i, carry):
            for k in range(128 // 16):
                ones_v[i, pl.ds(k * 16, 16)] = jnp.ones((16,), jnp.float32)
                zero_v[i, pl.ds(k * 16, 16)] = jnp.zeros((16,), jnp.float32)
            return carry
        lax.fori_loop(0, EB, _fill, 0)
        zrow0 = sid * (ACC_ROWS // NS)
        for z in range(ACC_ROWS // NS // EB):
            pltpu.sync_copy(zero_v, acc.at[pl.ds(zrow0 + z * EB, EB)])
        plsc.subcore_barrier()

        def _round(j, carry):
            pltpu.sync_copy(ones_v, acc.at[dst_v.at[j]], add=True)
            return carry
        lax.fori_loop(0, RPW, _round, 0)
        plsc.subcore_barrier()

        pltpu.sync_copy(acc.at[pl.ds(zrow0, ACC_ROWS // NS)],
                        out.at[cid, pl.ds(zrow0, ACC_ROWS // NS)])

    return deg


_agg2 = _make_agg(2, 128)
_agg4 = _make_agg(4, 128)
_agg1w = _make_agg(1, 128)
_deg = _make_deg()



def _norm_body(deg_ref, norm_ref):
    d = deg_ref[0, :, :1] + deg_ref[1, :, :1]
    norm_ref[...] = jnp.where(d > 0, lax.rsqrt(jnp.maximum(d, 1.0)), 0.0)


def _tc_norm(deg2):
    return pl.pallas_call(
        _norm_body,
        grid=(N // MB,),
        in_specs=[pl.BlockSpec((NC, MB, 128), lambda i: (0, i, 0))],
        out_specs=pl.BlockSpec((MB, 1), lambda i: (i, 0)),
        out_shape=jax.ShapeDtypeStruct((N, 1), jnp.float32),
    )(deg2)


def _scale_body(x_ref, n_ref, o0_ref, o1_ref):
    xs = x_ref[...] * n_ref[...]
    o0_ref[...] = xs[:, :128]
    o1_ref[...] = xs[:, 128:]


def _tc_scale(x, norm):
    return pl.pallas_call(
        _scale_body,
        grid=(N // MB,),
        in_specs=[
            pl.BlockSpec((MB, D_IN), lambda i: (i, 0)),
            pl.BlockSpec((MB, 1), lambda i: (i, 0)),
        ],
        out_specs=[
            pl.BlockSpec((MB, 128), lambda i: (i, 0)),
            pl.BlockSpec((MB, 128), lambda i: (i, 0)),
        ],
        out_shape=[jax.ShapeDtypeStruct((N, 128), jnp.float32)] * 2,
    )(x, norm)


def _mm1_body(s0_ref, s1_ref, n_ref, w_ref, b_ref, o_ref):
    x = jnp.concatenate([s0_ref[0] + s0_ref[1], s1_ref[0] + s1_ref[1]], axis=1)
    y = jnp.dot(x, w_ref[...], preferred_element_type=jnp.float32)
    o_ref[...] = jnp.maximum(y * n_ref[...] + b_ref[...], 0.0)


def _tc_mm1(s0, s1, norm, W1, b1):
    return pl.pallas_call(
        _mm1_body,
        grid=(N // MB,),
        in_specs=[
            pl.BlockSpec((NC, MB, 128), lambda i: (0, i, 0)),
            pl.BlockSpec((NC, MB, 128), lambda i: (0, i, 0)),
            pl.BlockSpec((MB, 1), lambda i: (i, 0)),
            pl.BlockSpec((D_IN, D_H), lambda i: (0, 0)),
            pl.BlockSpec((1, D_H), lambda i: (0, 0)),
        ],
        out_specs=pl.BlockSpec((MB, D_H), lambda i: (i, 0)),
        out_shape=jax.ShapeDtypeStruct((N, D_H), jnp.float32),
    )(s0, s1, norm, W1, b1[None, :])


def _mm2_body(h_ref, n_ref, w_ref, o0, o1, o2, o3):
    p = jnp.dot(h_ref[...] * n_ref[...], w_ref[...],
                preferred_element_type=jnp.float32)
    o0[...] = p[:, 0:128]
    o1[...] = p[:, 128:256]
    o2[...] = p[:, 256:384]
    o3[...] = p[:, 384:512]


def _tc_mm2(h1, norm, W2):
    return pl.pallas_call(
        _mm2_body,
        grid=(N // MB,),
        in_specs=[
            pl.BlockSpec((MB, D_H), lambda i: (i, 0)),
            pl.BlockSpec((MB, 1), lambda i: (i, 0)),
            pl.BlockSpec((D_H, D_H), lambda i: (0, 0)),
        ],
        out_specs=[pl.BlockSpec((MB, 128), lambda i: (i, 0))] * 4,
        out_shape=[jax.ShapeDtypeStruct((N, 128), jnp.float32)] * 4,
    )(h1, norm, W2)


def _mm3_body(s0, s1, s2, s3, n_ref, b_ref, w_ref, o_ref):
    s = jnp.concatenate([s0[0] + s0[1], s1[0] + s1[1],
                         s2[0] + s2[1], s3[0] + s3[1]], axis=1)
    h2 = jnp.maximum(s * n_ref[...] + b_ref[...], 0.0)
    p = jnp.dot(h2 * n_ref[...], w_ref[...],
                preferred_element_type=jnp.float32)
    o_ref[...] = jnp.concatenate([p, jnp.zeros_like(p)], axis=1)


def _tc_mm3(s, norm, b2, W3):
    return pl.pallas_call(
        _mm3_body,
        grid=(N // MB,),
        in_specs=[pl.BlockSpec((NC, MB, 128), lambda i: (0, i, 0))] * 4 + [
            pl.BlockSpec((MB, 1), lambda i: (i, 0)),
            pl.BlockSpec((1, D_H), lambda i: (0, 0)),
            pl.BlockSpec((D_H, N_CLS), lambda i: (0, 0)),
        ],
        out_specs=pl.BlockSpec((MB, 2 * N_CLS), lambda i: (i, 0)),
        out_shape=jax.ShapeDtypeStruct((N, 2 * N_CLS), jnp.float32),
    )(*s, norm, b2[None, :], W3)


def _out_body(s_ref, n_ref, b_ref, o_ref):
    s = s_ref[0, :, :N_CLS] + s_ref[1, :, :N_CLS]
    o_ref[...] = s * n_ref[...] + b_ref[...]


def _tc_out(s3, norm, b3):
    return pl.pallas_call(
        _out_body,
        grid=(N // MB,),
        in_specs=[
            pl.BlockSpec((NC, MB, 2 * N_CLS), lambda i: (0, i, 0)),
            pl.BlockSpec((MB, 1), lambda i: (i, 0)),
            pl.BlockSpec((1, N_CLS), lambda i: (0, 0)),
        ],
        out_specs=pl.BlockSpec((MB, N_CLS), lambda i: (i, 0)),
        out_shape=jax.ShapeDtypeStruct((N, N_CLS), jnp.float32),
    )(s3, norm, b3[None, :])


def kernel(features, edge_index, W1, b1, W2, b2, W3, b3):
    src = edge_index[0]
    dst = edge_index[1]
    pad = E_PAD - E
    src3 = jnp.concatenate([src, jnp.zeros((pad,), jnp.int32)]).reshape(R_TOT, EB)
    dst3 = jnp.concatenate([dst, jnp.full((pad,), N, jnp.int32)]).reshape(R_TOT, EB)

    deg2 = _deg(dst3)
    norm = _tc_norm(deg2)
    xs0, xs1 = _tc_scale(features, norm)
    s1 = _agg2(xs0, xs1, src3, dst3)
    h1 = _tc_mm1(s1[0], s1[1], norm, W1, b1)
    p2 = _tc_mm2(h1, norm, W2)
    s2 = _agg4(*p2, src3, dst3)
    p3 = _tc_mm3(s2, norm, b2, W3)
    (s3,) = _agg1w(p3, src3, dst3)
    return _tc_out(s3, norm, b3)

# --- scband reference (transcript-rebuilt; emitter-appended) ---
"""Pipeline reference for scband-gcn-2473901162738 (READ-ONLY COPY).

The authoritative reference and input builder live on the scoring server;
editing this copy changes nothing except your own understanding.
"""

import jax, jax.numpy as jnp
import numpy as np

N_NODES = 10000
N_EDGES = 160000
D_IN = 256
D_H = 512
N_CLS = 64


def setup_inputs(seed: int = 0) -> dict:
    key = jax.random.key(seed)
    ks = jax.random.split(key, 10)
    features = jax.random.normal(ks[0], (N_NODES, D_IN), dtype=jnp.float32)
    edge_index = jax.random.randint(ks[1], (2, N_EDGES), 0, N_NODES, dtype=jnp.int32)
    W1 = jax.random.normal(ks[2], (D_IN, D_H), dtype=jnp.float32) / np.sqrt(D_IN)
    b1 = jnp.zeros((D_H,), dtype=jnp.float32)
    W2 = jax.random.normal(ks[3], (D_H, D_H), dtype=jnp.float32) / np.sqrt(D_H)
    b2 = jnp.zeros((D_H,), dtype=jnp.float32)
    W3 = jax.random.normal(ks[4], (D_H, N_CLS), dtype=jnp.float32) / np.sqrt(D_H)
    b3 = jnp.zeros((N_CLS,), dtype=jnp.float32)
    return {"features": features, "edge_index": edge_index,
            "W1": W1, "b1": b1, "W2": W2, "b2": b2, "W3": W3, "b3": b3}


def _gcn_layer(h, W, b, src, dst, norm, apply_act):
    # DGL-style GraphConv with 'both' normalization:
    # h' = norm * (A @ (norm * h @ W)) + b
    h = h * norm
    h = h @ W
    msg = jnp.take(h, src, axis=0)                     # gather (SparseCore)
    agg = jnp.zeros((N_NODES, W.shape[1]), dtype=h.dtype).at[dst].add(msg)  # scatter-add
    agg = agg * norm + b[None, :]
    if apply_act:
        agg = jax.nn.relu(agg)
    return agg


def reference(features, edge_index, W1, b1, W2, b2, W3, b3):
    src = edge_index[0]
    dst = edge_index[1]
    deg = jnp.bincount(dst, length=N_NODES).astype(jnp.float32)
    norm = jnp.where(deg > 0, jnp.power(jnp.maximum(deg, 1.0), -0.5), 0.0)[:, None]
    h = _gcn_layer(features, W1, b1, src, dst, norm, True)
    h = _gcn_layer(h, W2, b2, src, dst, norm, True)
    h = _gcn_layer(h, W3, b3, src, dst, norm, False)
    return h

if __name__ == "__main__":
    import jax
    _d = setup_inputs()
    print(jax.jit(kernel)(*tuple(_d.values())))

</pallas_src>

<mosaic_0001>
#map = affine_map<(d0, d1) -> (0, 0)>
#map1 = affine_map<(d0, d1) -> (0, 0, 0)>
module attributes {stable_mosaic.version = 14 : i64} {
  func.func @deg(%arg0: i32, %arg1: i32, %arg2: memref<1280x128xi32, #tpu.memory_space<hbm>>, %arg3: memref<2x10240x128xf32, #tpu.memory_space<hbm>>, %arg4: memref<10240x128xf32, #tpu.memory_space<vmem_shared>>, %arg5: memref<40x128xi32, #tpu.memory_space<vmem>>, %arg6: memref<128x128xf32, #tpu.memory_space<vmem>>, %arg7: memref<128x128xf32, #tpu.memory_space<vmem>>, %arg8: memref<!tpu.dma_semaphore, #tpu.memory_space<semaphore_mem>>) attributes {dimension_semantics = [#tpu.dimension_semantics<core_parallel>, #tpu.dimension_semantics<subcore_parallel>], iteration_bounds = array<i64: 2, 16>, scalar_prefetch = 0 : i64, scratch_operands = 5 : i64, tpu.core_type = #tpu.core_type<sc_vector_subcore>, window_params = [{transform_indices = #map}, {transform_indices = #map1}]} {
    %mul3A = arith.constant 2 : i32
    %mul3A_0 = arith.muli %arg1, %mul3A : i32
    %add3A = arith.addi %mul3A_0, %arg0 : i32
    %mul3A_1 = arith.constant 40 : i32
    %mul3A_2 = arith.muli %add3A, %mul3A_1 : i32
    "tpu.region"() ({
      %run_scoped3A = tpu.sem_alloc : memref<!tpu.dma_semaphore, #tpu.memory_space<semaphore_mem>>
      %dma_start3A = arith.constant 0 : i32
      %dma_start3A_27 = tpu.memref_slice %arg2[%mul3A_2, %dma_start3A] : memref<1280x128xi32, #tpu.memory_space<hbm>> -> memref<40x128xi32, #tpu.memory_space<hbm>>
      %dma_start3A_28 = arith.constant 0 : i32
      %dma_start3A_29 = tpu.memref_slice %arg2[%mul3A_2, %dma_start3A_28] : memref<1280x128xi32, #tpu.memory_space<hbm>> -> memref<40x128xi32, #tpu.memory_space<hbm>>
      tpu.enqueue_dma source(%dma_start3A_29 : memref<40x128xi32, #tpu.memory_space<hbm>>) target(%arg5 : memref<40x128xi32, #tpu.memory_space<vmem>>) target_semaphore(%run_scoped3A : memref<!tpu.dma_semaphore, #tpu.memory_space<semaphore_mem>>)
      %dma_wait3A = arith.constant 0 : i32
      %dma_wait3A_30 = tpu.memref_slice %arg2[%mul3A_2, %dma_wait3A] : memref<1280x128xi32, #tpu.memory_space<hbm>> -> memref<40x128xi32, #tpu.memory_space<hbm>>
      %dma_wait3A_31 = arith.constant 0 : i32
      %dma_wait3A_32 = tpu.memref_slice %arg2[%mul3A_2, %dma_wait3A_31] : memref<1280x128xi32, #tpu.memory_space<hbm>> -> memref<40x128xi32, #tpu.memory_space<hbm>>
      tpu.wait_dma2 semaphore(%run_scoped3A : memref<!tpu.dma_semaphore, #tpu.memory_space<semaphore_mem>>) src(%dma_wait3A_32 : memref<40x128xi32, #tpu.memory_space<hbm>>) dst(%arg5 : memref<40x128xi32, #tpu.memory_space<vmem>>)
      tpu.yield
    }) : () -> ()
    %scan3A = arith.constant 0 : i32
    %scan3A_3 = arith.constant 0 : i32
    %scan3A_4 = arith.constant 128 : i32
    %scan3A_5 = arith.addi %scan3A_3, %scan3A_4 : i32
    %scan3A_6 = arith.constant 1 : i32
    scf.for %scan3A_27 = %scan3A_3 to %scan3A_5 step %scan3A_6  : i32 {
      %broadcast_in_dim3A = arith.constant 1.000000e+00 : f32
      %broadcast_in_dim3A_28 = vector.broadcast %broadcast_in_dim3A : f32 to vector<16xf32>
      %swap3A = arith.index_cast %scan3A_27 : i32 to index
      %swap3A_29 = arith.constant 0 : index
      %swap3A_30 = tpu.vector_load %arg6[%swap3A, %swap3A_29] {strides = array<i32>} : memref<128x128xf32, #tpu.memory_space<vmem>>, vector<1x16xf32>,
      %swap3A_31 = vector.shape_cast %swap3A_30 : vector<1x16xf32> to vector<16xf32>
      %swap3A_32 = vector.shape_cast %broadcast_in_dim3A_28 : vector<16xf32> to vector<1x16xf32>
      tpu.vector_store %arg6[%swap3A, %swap3A_29], %swap3A_32 {strides = array<i32>} : memref<128x128xf32, #tpu.memory_space<vmem>>, vector<1x16xf32>,
      %broadcast_in_dim3A_33 = arith.constant 0.000000e+00 : f32
      %broadcast_in_dim3A_34 = vector.broadcast %broadcast_in_dim3A_33 : f32 to vector<16xf32>
      %swap3A_35 = arith.index_cast %scan3A_27 : i32 to index
      %swap3A_36 = arith.constant 0 : index
      %swap3A_37 = tpu.vector_load %arg7[%swap3A_35, %swap3A_36] {strides = array<i32>} : memref<128x128xf32, #tpu.memory_space<vmem>>, vector<1x16xf32>,
      %swap3A_38 = vector.shape_cast %swap3A_37 : vector<1x16xf32> to vector<16xf32>
      %swap3A_39 = vector.shape_cast %broadcast_in_dim3A_34 : vector<16xf32> to vector<1x16xf32>
      tpu.vector_store %arg7[%swap3A_35, %swap3A_36], %swap3A_39 {strides = array<i32>} : memref<128x128xf32, #tpu.memory_space<vmem>>, vector<1x16xf32>,
      %broadcast_in_dim3A_40 = arith.constant 1.000000e+00 : f32
      %broadcast_in_dim3A_41 = vector.broadcast %broadcast_in_dim3A_40 : f32 to vector<16xf32>
      %swap3A_42 = arith.index_cast %scan3A_27 : i32 to index
      %swap3A_43 = arith.constant 16 : index
      %swap3A_44 = tpu.vector_load %arg6[%swap3A_42, %swap3A_43] {strides = array<i32>} : memref<128x128xf32, #tpu.memory_space<vmem>>, vector<1x16xf32>,
      %swap3A_45 = vector.shape_cast %swap3A_44 : vector<1x16xf32> to vector<16xf32>
      %swap3A_46 = vector.shape_cast %broadcast_in_dim3A_41 : vector<16xf32> to vector<1x16xf32>
      tpu.vector_store %arg6[%swap3A_42, %swap3A_43], %swap3A_46 {strides = array<i32>} : memref<128x128xf32, #tpu.memory_space<vmem>>, vector<1x16xf32>,
      %broadcast_in_dim3A_47 = arith.constant 0.000000e+00 : f32
      %broadcast_in_dim3A_48 = vector.broadcast %broadcast_in_dim3A_47 : f32 to vector<16xf32>
      %swap3A_49 = arith.index_cast %scan3A_27 : i32 to index
      %swap3A_50 = arith.constant 16 : index
      %swap3A_51 = tpu.vector_load %arg7[%swap3A_49, %swap3A_50] {strides = array<i32>} : memref<128x128xf32, #tpu.memory_space<vmem>>, vector<1x16xf32>,
      %swap3A_52 = vector.shape_cast %swap3A_51 : vector<1x16xf32> to vector<16xf32>
      %swap3A_53 = vector.shape_cast %broadcast_in_dim3A_48 : vector<16xf32> to vector<1x16xf32>
      tpu.vector_store %arg7[%swap3A_49, %swap3A_50], %swap3A_53 {strides = array<i32>} : memref<128x128xf32, #tpu.memory_space<vmem>>, vector<1x16xf32>,
      %broadcast_in_dim3A_54 = arith.constant 1.000000e+00 : f32
      %broadcast_in_dim3A_55 = vector.broadcast %broadcast_in_dim3A_54 : f32 to vector<16xf32>
      %swap3A_56 = arith.index_cast %scan3A_27 : i32 to index
      %swap3A_57 = arith.constant 32 : index
      %swap3A_58 = tpu.vector_load %arg6[%swap3A_56, %swap3A_57] {strides = array<i32>} : memref<128x128xf32, #tpu.memory_space<vmem>>, vector<1x16xf32>,
      %swap3A_59 = vector.shape_cast %swap3A_58 : vector<1x16xf32> to vector<16xf32>
      %swap3A_60 = vector.shape_cast %broadcast_in_dim3A_55 : vector<16xf32> to vector<1x16xf32>
      tpu.vector_store %arg6[%swap3A_56, %swap3A_57], %swap3A_60 {strides = array<i32>} : memref<128x128xf32, #tpu.memory_space<vmem>>, vector<1x16xf32>,
      %broadcast_in_dim3A_61 = arith.constant 0.000000e+00 : f32
      %broadcast_in_dim3A_62 = vector.broadcast %broadcast_in_dim3A_61 : f32 to vector<16xf32>
      %swap3A_63 = arith.index_cast %scan3A_27 : i32 to index
      %swap3A_64 = arith.constant 32 : index
      %swap3A_65 = tpu.vector_load %arg7[%swap3A_63, %swap3A_64] {strides = array<i32>} : memref<128x128xf32, #tpu.memory_space<vmem>>, vector<1x16xf32>,
      %swap3A_66 = vector.shape_cast %swap3A_65 : vector<1x16xf32> to vector<16xf32>
      %swap3A_67 = vector.shape_cast %broadcast_in_dim3A_62 : vector<16xf32> to vector<1x16xf32>
      tpu.vector_store %arg7[%swap3A_63, %swap3A_64], %swap3A_67 {strides = array<i32>} : memref<128x128xf32, #tpu.memory_space<vmem>>, vector<1x16xf32>,
      %broadcast_in_dim3A_68 = arith.constant 1.000000e+00 : f32
      %broadcast_in_dim3A_69 = vector.broadcast %broadcast_in_dim3A_68 : f32 to vector<16xf32>
      %swap3A_70 = arith.index_cast %scan3A_27 : i32 to index
      %swap3A_71 = arith.constant 48 : index
      %swap3A_72 = tpu.vector_load %arg6[%swap3A_70, %swap3A_71] {strides = array<i32>} : memref<128x128xf32, #tpu.memory_space<vmem>>, vector<1x16xf32>,
      %swap3A_73 = vector.shape_cast %swap3A_72 : vector<1x16xf32> to vector<16xf32>
      %swap3A_74 = vector.shape_cast %broadcast_in_dim3A_69 : vector<16xf32> to vector<1x16xf32>
      tpu.vector_store %arg6[%swap3A_70, %swap3A_71], %swap3A_74 {strides = array<i32>} : memref<128x128xf32, #tpu.memory_space<vmem>>, vector<1x16xf32>,
      %broadcast_in_dim3A_75 = arith.constant 0.000000e+00 : f32
      %broadcast_in_dim3A_76 = vector.broadcast %broadcast_in_dim3A_75 : f32 to vector<16xf32>
      %swap3A_77 = arith.index_cast %scan3A_27 : i32 to index
      %swap3A_78 = arith.constant 48 : index
      %swap3A_79 = tpu.vector_load %arg7[%swap3A_77, %swap3A_78] {strides = array<i32>} : memref<128x128xf32, #tpu.memory_space<vmem>>, vector<1x16xf32>,
      %swap3A_80 = vector.shape_cast %swap3A_79 : vector<1x16xf32> to vector<16xf32>
      %swap3A_81 = vector.shape_cast %broadcast_in_dim3A_76 : vector<16xf32> to vector<1x16xf32>
      tpu.vector_store %arg7[%swap3A_77, %swap3A_78], %swap3A_81 {strides = array<i32>} : memref<128x128xf32, #tpu.memory_space<vmem>>, vector<1x16xf32>,
      %broadcast_in_dim3A_82 = arith.constant 1.000000e+00 : f32
      %broadcast_in_dim3A_83 = vector.broadcast %broadcast_in_dim3A_82 : f32 to vector<16xf32>
      %swap3A_84 = arith.index_cast %scan3A_27 : i32 to index
      %swap3A_85 = arith.constant 64 : index
      %swap3A_86 = tpu.vector_load %arg6[%swap3A_84, %swap3A_85] {strides = array<i32>} : memref<128x128xf32, #tpu.memory_space<vmem>>, vector<1x16xf32>,
      %swap3A_87 = vector.shape_cast %swap3A_86 : vector<1x16xf32> to vector<16xf32>
      %swap3A_88 = vector.shape_cast %broadcast_in_dim3A_83 : vector<16xf32> to vector<1x16xf32>
      tpu.vector_store %arg6[%swap3A_84, %swap3A_85], %swap3A_88 {strides = array<i32>} : memref<128x128xf32, #tpu.memory_space<vmem>>, vector<1x16xf32>,
      %broadcast_in_dim3A_89 = arith.constant 0.000000e+00 : f32
      %broadcast_in_dim3A_90 = vector.broadcast %broadcast_in_dim3A_89 : f32 to vector<16xf32>
      %swap3A_91 = arith.index_cast %scan3A_27 : i32 to index
      %swap3A_92 = arith.constant 64 : index
      %swap3A_93 = tpu.vector_load %arg7[%swap3A_91, %swap3A_92] {strides = array<i32>} : memref<128x128xf32, #tpu.memory_space<vmem>>, vector<1x16xf32>,
      %swap3A_94 = vector.shape_cast %swap3A_93 : vector<1x16xf32> to vector<16xf32>
      %swap3A_95 = vector.shape_cast %broadcast_in_dim3A_90 : vector<16xf32> to vector<1x16xf32>
      tpu.vector_store %arg7[%swap3A_91, %swap3A_92], %swap3A_95 {strides = array<i32>} : memref<128x128xf32, #tpu.memory_space<vmem>>, vector<1x16xf32>,
      %broadcast_in_dim3A_96 = arith.constant 1.000000e+00 : f32
      %broadcast_in_dim3A_97 = vector.broadcast %broadcast_in_dim3A_96 : f32 to vector<16xf32>
      %swap3A_98 = arith.index_cast %scan3A_27 : i32 to index
      %swap3A_99 = arith.constant 80 : index
      %swap3A_100 = tpu.vector_load %arg6[%swap3A_98, %swap3A_99] {strides = array<i32>} : memref<128x128xf32, #tpu.memory_space<vmem>>, vector<1x16xf32>,
      %swap3A_101 = vector.shape_cast %swap3A_100 : vector<1x16xf32> to vector<16xf32>
      %swap3A_102 = vector.shape_cast %broadcast_in_dim3A_97 : vector<16xf32> to vector<1x16xf32>
      tpu.vector_store %arg6[%swap3A_98, %swap3A_99], %swap3A_102 {strides = array<i32>} : memref<128x128xf32, #tpu.memory_space<vmem>>, vector<1x16xf32>,
      %broadcast_in_dim3A_103 = arith.constant 0.000000e+00 : f32
      %broadcast_in_dim3A_104 = vector.broadcast %broadcast_in_dim3A_103 : f32 to vector<16xf32>
      %swap3A_105 = arith.index_cast %scan3A_27 : i32 to index
      %swap3A_106 = arith.constant 80 : index
      %swap3A_107 = tpu.vector_load %arg7[%swap3A_105, %swap3A_106] {strides = array<i32>} : memref<128x128xf32, #tpu.memory_space<vmem>>, vector<1x16xf32>,
      %swap3A_108 = vector.shape_cast %swap3A_107 : vector<1x16xf32> to vector<16xf32>
      %swap3A_109 = vector.shape_cast %broadcast_in_dim3A_104 : vector<16xf32> to vector<1x16xf32>
      tpu.vector_store %arg7[%swap3A_105, %swap3A_106], %swap3A_109 {strides = array<i32>} : memref<128x128xf32, #tpu.memory_space<vmem>>, vector<1x16xf32>,
      %broadcast_in_dim3A_110 = arith.constant 1.000000e+00 : f32
      %broadcast_in_dim3A_111 = vector.broadcast %broadcast_in_dim3A_110 : f32 to vector<16xf32>
      %swap3A_112 = arith.index_cast %scan3A_27 : i32 to index
      %swap3A_113 = arith.constant 96 : index
      %swap3A_114 = tpu.vector_load %arg6[%swap3A_112, %swap3A_113] {strides = array<i32>} : memref<128x128xf32, #tpu.memory_space<vmem>>, vector<1x16xf32>,
      %swap3A_115 = vector.shape_cast %swap3A_114 : vector<1x16xf32> to vector<16xf32>
      %swap3A_116 = vector.shape_cast %broadcast_in_dim3A_111 : vector<16xf32> to vector<1x16xf32>
      tpu.vector_store %arg6[%swap3A_112, %swap3A_113], %swap3A_116 {strides = array<i32>} : memref<128x128xf32, #tpu.memory_space<vmem>>, vector<1x16xf32>,
      %broadcast_in_dim3A_117 = arith.constant 0.000000e+00 : f32
      %broadcast_in_dim3A_118 = vector.broadcast %broadcast_in_dim3A_117 : f32 to vector<16xf32>
      %swap3A_119 = arith.index_cast %scan3A_27 : i32 to index
      %swap3A_120 = arith.constant 96 : index
      %swap3A_121 = tpu.vector_load %arg7[%swap3A_119, %swap3A_120] {strides = array<i32>} : memref<128x128xf32, #tpu.memory_space<vmem>>, vector<1x16xf32>,
      %swap3A_122 = vector.shape_cast %swap3A_121 : vector<1x16xf32> to vector<16xf32>
      %swap3A_123 = vector.shape_cast %broadcast_in_dim3A_118 : vector<16xf32> to vector<1x16xf32>
      tpu.vector_store %arg7[%swap3A_119, %swap3A_120], %swap3A_123 {strides = array<i32>} : memref<128x128xf32, #tpu.memory_space<vmem>>, vector<1x16xf32>,
      %broadcast_in_dim3A_124 = arith.constant 1.000000e+00 : f32
      %broadcast_in_dim3A_125 = vector.broadcast %broadcast_in_dim3A_124 : f32 to vector<16xf32>
      %swap3A_126 = arith.index_cast %scan3A_27 : i32 to index
      %swap3A_127 = arith.constant 112 : index
      %swap3A_128 = tpu.vector_load %arg6[%swap3A_126, %swap3A_127] {strides = array<i32>} : memref<128x128xf32, #tpu.memory_space<vmem>>, vector<1x16xf32>,
      %swap3A_129 = vector.shape_cast %swap3A_128 : vector<1x16xf32> to vector<16xf32>
      %swap3A_130 = vector.shape_cast %broadcast_in_dim3A_125 : vector<16xf32> to vector<1x16xf32>
      tpu.vector_store %arg6[%swap3A_126, %swap3A_127], %swap3A_130 {strides = array<i32>} : memref<128x128xf32, #tpu.memory_space<vmem>>, vector<1x16xf32>,
      %broadcast_in_dim3A_131 = arith.constant 0.000000e+00 : f32
      %broadcast_in_dim3A_132 = vector.broadcast %broadcast_in_dim3A_131 : f32 to vector<16xf32>
      %swap3A_133 = arith.index_cast %scan3A_27 : i32 to index
      %swap3A_134 = arith.constant 112 : index
      %swap3A_135 = tpu.vector_load %arg7[%swap3A_133, %swap3A_134] {strides = array<i32>} : memref<128x128xf32, #tpu.memory_space<vmem>>, vector<1x16xf32>,
      %swap3A_136 = vector.shape_cast %swap3A_135 : vector<1x16xf32> to vector<16xf32>
      %swap3A_137 = vector.shape_cast %broadcast_in_dim3A_132 : vector<16xf32> to vector<1x16xf32>
      tpu.vector_store %arg7[%swap3A_133, %swap3A_134], %swap3A_137 {strides = array<i32>} : memref<128x128xf32, #tpu.memory_space<vmem>>, vector<1x16xf32>,
    }
    %scan3A_7 = arith.constant 128 : i32
    %mul3A_8 = arith.constant 640 : i32
    %mul3A_9 = arith.muli %arg1, %mul3A_8 : i32
    %add3A_10 = arith.constant 0 : i32
    %add3A_11 = arith.addi %mul3A_9, %add3A_10 : i32
    "tpu.region"() ({
      %run_scoped3A = tpu.sem_alloc : memref<!tpu.dma_semaphore, #tpu.memory_space<semaphore_mem>>
      %dma_start3A = arith.constant 0 : i32
      %dma_start3A_27 = tpu.memref_slice %arg4[%add3A_11, %dma_start3A] : memref<10240x128xf32, #tpu.memory_space<vmem_shared>> -> memref<128x128xf32, #tpu.memory_space<vmem_shared>>
      %dma_start3A_28 = arith.constant 0 : i32
      %dma_start3A_29 = tpu.memref_slice %arg4[%add3A_11, %dma_start3A_28] : memref<10240x128xf32, #tpu.memory_space<vmem_shared>> -> memref<128x128xf32, #tpu.memory_space<vmem_shared>>
      tpu.enqueue_dma source(%arg7 : memref<128x128xf32, #tpu.memory_space<vmem>>) target(%dma_start3A_29 : memref<128x128xf32, #tpu.memory_space<vmem_shared>>) target_semaphore(%run_scoped3A : memref<!tpu.dma_semaphore, #tpu.memory_space<semaphore_mem>>)
      %dma_wait3A = arith.constant 0 : i32
      %dma_wait3A_30 = tpu.memref_slice %arg4[%add3A_11, %dma_wait3A] : memref<10240x128xf32, #tpu.memory_space<vmem_shared>> -> memref<128x128xf32, #tpu.memory_space<vmem_shared>>
      %dma_wait3A_31 = arith.constant 0 : i32
      %dma_wait3A_32 = tpu.memref_slice %arg4[%add3A_11, %dma_wait3A_31] : memref<10240x128xf32, #tpu.memory_space<vmem_shared>> -> memref<128x128xf32, #tpu.memory_space<vmem_shared>>
      tpu.wait_dma2 semaphore(%run_scoped3A : memref<!tpu.dma_semaphore, #tpu.memory_space<semaphore_mem>>) src(%arg7 : memref<128x128xf32, #tpu.memory_space<vmem>>) dst(%dma_wait3A_32 : memref<128x128xf32, #tpu.memory_space<vmem_shared>>)
      tpu.yield
    }) : () -> ()
    %add3A_12 = arith.constant 128 : i32
    %add3A_13 = arith.addi %mul3A_9, %add3A_12 : i32
    "tpu.region"() ({
      %run_scoped3A = tpu.sem_alloc : memref<!tpu.dma_semaphore, #tpu.memory_space<semaphore_mem>>
      %dma_start3A = arith.constant 0 : i32
      %dma_start3A_27 = tpu.memref_slice %arg4[%add3A_13, %dma_start3A] : memref<10240x128xf32, #tpu.memory_space<vmem_shared>> -> memref<128x128xf32, #tpu.memory_space<vmem_shared>>
      %dma_start3A_28 = arith.constant 0 : i32
      %dma_start3A_29 = tpu.memref_slice %arg4[%add3A_13, %dma_start3A_28] : memref<10240x128xf32, #tpu.memory_space<vmem_shared>> -> memref<128x128xf32, #tpu.memory_space<vmem_shared>>
      tpu.enqueue_dma source(%arg7 : memref<128x128xf32, #tpu.memory_space<vmem>>) target(%dma_start3A_29 : memref<128x128xf32, #tpu.memory_space<vmem_shared>>) target_semaphore(%run_scoped3A : memref<!tpu.dma_semaphore, #tpu.memory_space<semaphore_mem>>)
      %dma_wait3A = arith.constant 0 : i32
      %dma_wait3A_30 = tpu.memref_slice %arg4[%add3A_13, %dma_wait3A] : memref<10240x128xf32, #tpu.memory_space<vmem_shared>> -> memref<128x128xf32, #tpu.memory_space<vmem_shared>>
      %dma_wait3A_31 = arith.constant 0 : i32
      %dma_wait3A_32 = tpu.memref_slice %arg4[%add3A_13, %dma_wait3A_31] : memref<10240x128xf32, #tpu.memory_space<vmem_shared>> -> memref<128x128xf32, #tpu.memory_space<vmem_shared>>
      tpu.wait_dma2 semaphore(%run_scoped3A : memref<!tpu.dma_semaphore, #tpu.memory_space<semaphore_mem>>) src(%arg7 : memref<128x128xf32, #tpu.memory_space<vmem>>) dst(%dma_wait3A_32 : memref<128x128xf32, #tpu.memory_space<vmem_shared>>)
      tpu.yield
    }) : () -> ()
    %add3A_14 = arith.constant 256 : i32
    %add3A_15 = arith.addi %mul3A_9, %add3A_14 : i32
    "tpu.region"() ({
      %run_scoped3A = tpu.sem_alloc : memref<!tpu.dma_semaphore, #tpu.memory_space<semaphore_mem>>
      %dma_start3A = arith.constant 0 : i32
      %dma_start3A_27 = tpu.memref_slice %arg4[%add3A_15, %dma_start3A] : memref<10240x128xf32, #tpu.memory_space<vmem_shared>> -> memref<128x128xf32, #tpu.memory_space<vmem_shared>>
      %dma_start3A_28 = arith.constant 0 : i32
      %dma_start3A_29 = tpu.memref_slice %arg4[%add3A_15, %dma_start3A_28] : memref<10240x128xf32, #tpu.memory_space<vmem_shared>> -> memref<128x128xf32, #tpu.memory_space<vmem_shared>>
      tpu.enqueue_dma source(%arg7 : memref<128x128xf32, #tpu.memory_space<vmem>>) target(%dma_start3A_29 : memref<128x128xf32, #tpu.memory_space<vmem_shared>>) target_semaphore(%run_scoped3A : memref<!tpu.dma_semaphore, #tpu.memory_space<semaphore_mem>>)
      %dma_wait3A = arith.constant 0 : i32
      %dma_wait3A_30 = tpu.memref_slice %arg4[%add3A_15, %dma_wait3A] : memref<10240x128xf32, #tpu.memory_space<vmem_shared>> -> memref<128x128xf32, #tpu.memory_space<vmem_shared>>
      %dma_wait3A_31 = arith.constant 0 : i32
      %dma_wait3A_32 = tpu.memref_slice %arg4[%add3A_15, %dma_wait3A_31] : memref<10240x128xf32, #tpu.memory_space<vmem_shared>> -> memref<128x128xf32, #tpu.memory_space<vmem_shared>>
      tpu.wait_dma2 semaphore(%run_scoped3A : memref<!tpu.dma_semaphore, #tpu.memory_space<semaphore_mem>>) src(%arg7 : memref<128x128xf32, #tpu.memory_space<vmem>>) dst(%dma_wait3A_32 : memref<128x128xf32, #tpu.memory_space<vmem_shared>>)
      tpu.yield
    }) : () -> ()
    %add3A_16 = arith.constant 384 : i32
    %add3A_17 = arith.addi %mul3A_9, %add3A_16 : i32
    "tpu.region"() ({
      %run_scoped3A = tpu.sem_alloc : memref<!tpu.dma_semaphore, #tpu.memory_space<semaphore_mem>>
      %dma_start3A = arith.constant 0 : i32
      %dma_start3A_27 = tpu.memref_slice %arg4[%add3A_17, %dma_start3A] : memref<10240x128xf32, #tpu.memory_space<vmem_shared>> -> memref<128x128xf32, #tpu.memory_space<vmem_shared>>
      %dma_start3A_28 = arith.constant 0 : i32
      %dma_start3A_29 = tpu.memref_slice %arg4[%add3A_17, %dma_start3A_28] : memref<10240x128xf32, #tpu.memory_space<vmem_shared>> -> memref<128x128xf32, #tpu.memory_space<vmem_shared>>
      tpu.enqueue_dma source(%arg7 : memref<128x128xf32, #tpu.memory_space<vmem>>) target(%dma_start3A_29 : memref<128x128xf32, #tpu.memory_space<vmem_shared>>) target_semaphore(%run_scoped3A : memref<!tpu.dma_semaphore, #tpu.memory_space<semaphore_mem>>)
      %dma_wait3A = arith.constant 0 : i32
      %dma_wait3A_30 = tpu.memref_slice %arg4[%add3A_17, %dma_wait3A] : memref<10240x128xf32, #tpu.memory_space<vmem_shared>> -> memref<128x128xf32, #tpu.memory_space<vmem_shared>>
      %dma_wait3A_31 = arith.constant 0 : i32
      %dma_wait3A_32 = tpu.memref_slice %arg4[%add3A_17, %dma_wait3A_31] : memref<10240x128xf32, #tpu.memory_space<vmem_shared>> -> memref<128x128xf32, #tpu.memory_space<vmem_shared>>
      tpu.wait_dma2 semaphore(%run_scoped3A : memref<!tpu.dma_semaphore, #tpu.memory_space<semaphore_mem>>) src(%arg7 : memref<128x128xf32, #tpu.memory_space<vmem>>) dst(%dma_wait3A_32 : memref<128x128xf32, #tpu.memory_space<vmem_shared>>)
      tpu.yield
    }) : () -> ()
    %add3A_18 = arith.constant 512 : i32
    %add3A_19 = arith.addi %mul3A_9, %add3A_18 : i32
    "tpu.region"() ({
      %run_scoped3A = tpu.sem_alloc : memref<!tpu.dma_semaphore, #tpu.memory_space<semaphore_mem>>
      %dma_start3A = arith.constant 0 : i32
      %dma_start3A_27 = tpu.memref_slice %arg4[%add3A_19, %dma_start3A] : memref<10240x128xf32, #tpu.memory_space<vmem_shared>> -> memref<128x128xf32, #tpu.memory_space<vmem_shared>>
      %dma_start3A_28 = arith.constant 0 : i32
      %dma_start3A_29 = tpu.memref_slice %arg4[%add3A_19, %dma_start3A_28] : memref<10240x128xf32, #tpu.memory_space<vmem_shared>> -> memref<128x128xf32, #tpu.memory_space<vmem_shared>>
      tpu.enqueue_dma source(%arg7 : memref<128x128xf32, #tpu.memory_space<vmem>>) target(%dma_start3A_29 : memref<128x128xf32, #tpu.memory_space<vmem_shared>>) target_semaphore(%run_scoped3A : memref<!tpu.dma_semaphore, #tpu.memory_space<semaphore_mem>>)
      %dma_wait3A = arith.constant 0 : i32
      %dma_wait3A_30 = tpu.memref_slice %arg4[%add3A_19, %dma_wait3A] : memref<10240x128xf32, #tpu.memory_space<vmem_shared>> -> memref<128x128xf32, #tpu.memory_space<vmem_shared>>
      %dma_wait3A_31 = arith.constant 0 : i32
      %dma_wait3A_32 = tpu.memref_slice %arg4[%add3A_19, %dma_wait3A_31] : memref<10240x128xf32, #tpu.memory_space<vmem_shared>> -> memref<128x128xf32, #tpu.memory_space<vmem_shared>>
      tpu.wait_dma2 semaphore(%run_scoped3A : memref<!tpu.dma_semaphore, #tpu.memory_space<semaphore_mem>>) src(%arg7 : memref<128x128xf32, #tpu.memory_space<vmem>>) dst(%dma_wait3A_32 : memref<128x128xf32, #tpu.memory_space<vmem_shared>>)
      tpu.yield
    }) : () -> ()
    %barrier3A = arith.constant 0 : index
    tpu.barrier barrier_id(%barrier3A)
    %scan3A_20 = arith.constant 0 : i32
    %scan3A_21 = arith.constant 0 : i32
    %scan3A_22 = arith.constant 40 : i32
    %scan3A_23 = arith.addi %scan3A_21, %scan3A_22 : i32
    %scan3A_24 = arith.constant 1 : i32
    scf.for %scan3A_27 = %scan3A_21 to %scan3A_23 step %scan3A_24  : i32 {
      "tpu.region"() ({
        %run_scoped3A = tpu.sem_alloc : memref<!tpu.dma_semaphore, #tpu.memory_space<semaphore_mem>>
        %dma_start3A = arith.constant 0 : i32
        %dma_start3A_28 = tpu.memref_slice %arg5[%scan3A_27, %dma_start3A] : memref<40x128xi32, #tpu.memory_space<vmem>> -> memref<1x128xi32, #tpu.memory_space<vmem>>
        %dma_start3A_29 = tpu.memref_squeeze %dma_start3A_28 : memref<1x128xi32, #tpu.memory_space<vmem>> -> memref<128xi32, #tpu.memory_space<vmem>>
        %dma_start3A_30 = arith.constant 0 : i32
        %dma_start3A_31 = arith.constant 0 : i32
        %dma_start3A_32 = tpu.memref_slice %arg4[%dma_start3A_30, %dma_start3A_31] : memref<10240x128xf32, #tpu.memory_space<vmem_shared>> -> memref<10240x128xf32, #tpu.memory_space<vmem_shared>>
        tpu.enqueue_indirect_dma source(%arg6 : memref<128x128xf32, #tpu.memory_space<vmem>>) target(%dma_start3A_32 : memref<10240x128xf32, #tpu.memory_space<vmem_shared>>) offsets(%dma_start3A_29 : memref<128xi32, #tpu.memory_space<vmem>>) semaphore(%run_scoped3A : memref<!tpu.dma_semaphore, #tpu.memory_space<semaphore_mem>>) {add = true}
        %dma_wait3A = arith.constant 0 : i32
        %dma_wait3A_33 = tpu.memref_slice %arg5[%scan3A_27, %dma_wait3A] : memref<40x128xi32, #tpu.memory_space<vmem>> -> memref<1x128xi32, #tpu.memory_space<vmem>>
        %dma_wait3A_34 = tpu.memref_squeeze %dma_wait3A_33 : memref<1x128xi32, #tpu.memory_space<vmem>> -> memref<128xi32, #tpu.memory_space<vmem>>
        %dma_wait3A_35 = arith.constant 0 : i32
        %dma_wait3A_36 = arith.constant 0 : i32
        %dma_wait3A_37 = tpu.memref_slice %arg4[%dma_wait3A_35, %dma_wait3A_36] : memref<10240x128xf32, #tpu.memory_space<vmem_shared>> -> memref<10240x128xf32, #tpu.memory_space<vmem_shared>>
        tpu.wait_indirect_dma semaphore(%run_scoped3A : memref<!tpu.dma_semaphore, #tpu.memory_space<semaphore_mem>>) src(%arg6 : memref<128x128xf32, #tpu.memory_space<vmem>>) dst(%dma_wait3A_37 : memref<10240x128xf32, #tpu.memory_space<vmem_shared>>)
        tpu.yield
      }) : () -> ()
    }
    %scan3A_25 = arith.constant 40 : i32
    %barrier3A_26 = arith.constant 0 : index
    tpu.barrier barrier_id(%barrier3A_26)
    "tpu.region"() ({
      %run_scoped3A = tpu.sem_alloc : memref<!tpu.dma_semaphore, #tpu.memory_space<semaphore_mem>>
      %dma_start3A = arith.constant 0 : i32
      %dma_start3A_27 = tpu.memref_slice %arg3[%arg0, %mul3A_9, %dma_start3A] : memref<2x10240x128xf32, #tpu.memory_space<hbm>> -> memref<1x640x128xf32, #tpu.memory_space<hbm>>
      %dma_start3A_28 = tpu.memref_squeeze %dma_start3A_27 : memref<1x640x128xf32, #tpu.memory_space<hbm>> -> memref<640x128xf32, #tpu.memory_space<hbm>>
      %dma_start3A_29 = arith.constant 0 : i32
      %dma_start3A_30 = tpu.memref_slice %arg4[%mul3A_9, %dma_start3A_29] : memref<10240x128xf32, #tpu.memory_space<vmem_shared>> -> memref<640x128xf32, #tpu.memory_space<vmem_shared>>
      tpu.enqueue_dma source(%dma_start3A_30 : memref<640x128xf32, #tpu.memory_space<vmem_shared>>) target(%dma_start3A_28 : memref<640x128xf32, #tpu.memory_space<hbm>>) target_semaphore(%run_scoped3A : memref<!tpu.dma_semaphore, #tpu.memory_space<semaphore_mem>>)
      %dma_wait3A = arith.constant 0 : i32
      %dma_wait3A_31 = tpu.memref_slice %arg3[%arg0, %mul3A_9, %dma_wait3A] : memref<2x10240x128xf32, #tpu.memory_space<hbm>> -> memref<1x640x128xf32, #tpu.memory_space<hbm>>
      %dma_wait3A_32 = tpu.memref_squeeze %dma_wait3A_31 : memref<1x640x128xf32, #tpu.memory_space<hbm>> -> memref<640x128xf32, #tpu.memory_space<hbm>>
      %dma_wait3A_33 = arith.constant 0 : i32
      %dma_wait3A_34 = tpu.memref_slice %arg4[%mul3A_9, %dma_wait3A_33] : memref<10240x128xf32, #tpu.memory_space<vmem_shared>> -> memref<640x128xf32, #tpu.memory_space<vmem_shared>>
      tpu.wait_dma2 semaphore(%run_scoped3A : memref<!tpu.dma_semaphore, #tpu.memory_space<semaphore_mem>>) src(%dma_wait3A_34 : memref<640x128xf32, #tpu.memory_space<vmem_shared>>) dst(%dma_wait3A_32 : memref<640x128xf32, #tpu.memory_space<hbm>>)
      tpu.yield
    }) : () -> ()
    return
  }
}

#map = affine_map<(d0, d1) -> (0, 0)>
#map1 = affine_map<(d0, d1) -> (0, 0, 0)>
module attributes {stable_mosaic.version = 14 : i64} {
  func.func @agg(%arg0: i32, %arg1: i32, %arg2: memref<10000x128xf32, #tpu.memory_space<hbm>>, %arg3: memref<1280x128xi32, #tpu.memory_space<hbm>>, %arg4: memref<1280x128xi32, #tpu.memory_space<hbm>>, %arg5: memref<2x10240x128xf32, #tpu.memory_space<hbm>>, %arg6: memref<10240x128xf32, #tpu.memory_space<vmem_shared>>, %arg7: memref<40x128xi32, #tpu.memory_space<vmem>>, %arg8: memref<40x128xi32, #tpu.memory_space<vmem>>, %arg9: memref<2x128x128xf32, #tpu.memory_space<vmem>>, %arg10: memref<!tpu.dma_semaphore, #tpu.memory_space<semaphore_mem>>, %arg11: memref<!tpu.dma_semaphore, #tpu.memory_space<semaphore_mem>>, %arg12: memref<!tpu.dma_semaphore, #tpu.memory_space<semaphore_mem>>, %arg13: memref<!tpu.dma_semaphore, #tpu.memory_space<semaphore_mem>>) attributes {dimension_semantics = [#tpu.dimension_semantics<core_parallel>, #tpu.dimension_semantics<subcore_parallel>], iteration_bounds = array<i64: 2, 16>, scalar_prefetch = 0 : i64, scratch_operands = 8 : i64, tpu.core_type = #tpu.core_type<sc_vector_subcore>, window_params = [{transform_indices = #map}, {transform_indices = #map}, {transform_indices = #map}, {transform_indices = #map1}]} {
    %mul3A = arith.constant 2 : i32
    %mul3A_0 = arith.muli %arg1, %mul3A : i32
    %add3A = arith.addi %mul3A_0, %arg0 : i32
    %mul3A_1 = arith.constant 40 : i32
    %mul3A_2 = arith.muli %add3A, %mul3A_1 : i32
    "tpu.region"() ({
      %run_scoped3A_79 = tpu.sem_alloc : memref<!tpu.dma_semaphore, #tpu.memory_space<semaphore_mem>>
      %dma_start3A_80 = arith.constant 0 : i32
      %dma_start3A_81 = tpu.memref_slice %arg3[%mul3A_2, %dma_start3A_80] : memref<1280x128xi32, #tpu.memory_space<hbm>> -> memref<40x128xi32, #tpu.memory_space<hbm>>
      %dma_start3A_82 = arith.constant 0 : i32
      %dma_start3A_83 = tpu.memref_slice %arg3[%mul3A_2, %dma_start3A_82] : memref<1280x128xi32, #tpu.memory_space<hbm>> -> memref<40x128xi32, #tpu.memory_space<hbm>>
      tpu.enqueue_dma source(%dma_start3A_83 : memref<40x128xi32, #tpu.memory_space<hbm>>) target(%arg7 : memref<40x128xi32, #tpu.memory_space<vmem>>) target_semaphore(%run_scoped3A_79 : memref<!tpu.dma_semaphore, #tpu.memory_space<semaphore_mem>>)
      %dma_wait3A_84 = arith.constant 0 : i32
      %dma_wait3A_85 = tpu.memref_slice %arg3[%mul3A_2, %dma_wait3A_84] : memref<1280x128xi32, #tpu.memory_space<hbm>> -> memref<40x128xi32, #tpu.memory_space<hbm>>
      %dma_wait3A_86 = arith.constant 0 : i32
      %dma_wait3A_87 = tpu.memref_slice %arg3[%mul3A_2, %dma_wait3A_86] : memref<1280x128xi32, #tpu.memory_space<hbm>> -> memref<40x128xi32, #tpu.memory_space<hbm>>
      tpu.wait_dma2 semaphore(%run_scoped3A_79 : memref<!tpu.dma_semaphore, #tpu.memory_space<semaphore_mem>>) src(%dma_wait3A_87 : memref<40x128xi32, #tpu.memory_space<hbm>>) dst(%arg7 : memref<40x128xi32, #tpu.memory_space<vmem>>)
      tpu.yield
    }) : () -> ()
    %mul3A_3 = arith.constant 40 : i32
    %mul3A_4 = arith.muli %add3A, %mul3A_3 : i32
    "tpu.region"() ({
      %run_scoped3A_79 = tpu.sem_alloc : memref<!tpu.dma_semaphore, #tpu.memory_space<semaphore_mem>>
      %dma_start3A_80 = arith.constant 0 : i32
      %dma_start3A_81 = tpu.memref_slice %arg4[%mul3A_4, %dma_start3A_80] : memref<1280x128xi32, #tpu.memory_space<hbm>> -> memref<40x128xi32, #tpu.memory_space<hbm>>
      %dma_start3A_82 = arith.constant 0 : i32
      %dma_start3A_83 = tpu.memref_slice %arg4[%mul3A_4, %dma_start3A_82] : memref<1280x128xi32, #tpu.memory_space<hbm>> -> memref<40x128xi32, #tpu.memory_space<hbm>>
      tpu.enqueue_dma source(%dma_start3A_83 : memref<40x128xi32, #tpu.memory_space<hbm>>) target(%arg8 : memref<40x128xi32, #tpu.memory_space<vmem>>) target_semaphore(%run_scoped3A_79 : memref<!tpu.dma_semaphore, #tpu.memory_space<semaphore_mem>>)
      %dma_wait3A_84 = arith.constant 0 : i32
      %dma_wait3A_85 = tpu.memref_slice %arg4[%mul3A_4, %dma_wait3A_84] : memref<1280x128xi32, #tpu.memory_space<hbm>> -> memref<40x128xi32, #tpu.memory_space<hbm>>
      %dma_wait3A_86 = arith.constant 0 : i32
      %dma_wait3A_87 = tpu.memref_slice %arg4[%mul3A_4, %dma_wait3A_86] : memref<1280x128xi32, #tpu.memory_space<hbm>> -> memref<40x128xi32, #tpu.memory_space<hbm>>
      tpu.wait_dma2 semaphore(%run_scoped3A_79 : memref<!tpu.dma_semaphore, #tpu.memory_space<semaphore_mem>>) src(%dma_wait3A_87 : memref<40x128xi32, #tpu.memory_space<hbm>>) dst(%arg8 : memref<40x128xi32, #tpu.memory_space<vmem>>)
      tpu.yield
    }) : () -> ()
    %mul3A_5 = arith.constant 640 : i32
    %mul3A_6 = arith.muli %arg1, %mul3A_5 : i32
    %scan3A = arith.constant 0 : i32
    %scan3A_7 = arith.constant 0 : i32
    %scan3A_8 = arith.constant 128 : i32
    %scan3A_9 = arith.addi %scan3A_7, %scan3A_8 : i32
    %scan3A_10 = arith.constant 1 : i32
    scf.for %scan3A_79 = %scan3A_7 to %scan3A_9 step %scan3A_10  : i32 {
      %broadcast_in_dim3A = arith.constant 0.000000e+00 : f32
      %broadcast_in_dim3A_80 = vector.broadcast %broadcast_in_dim3A : f32 to vector<16xf32>
      %swap3A = arith.constant 0 : i32
      %swap3A_81 = arith.index_cast %swap3A : i32 to index
      %swap3A_82 = arith.index_cast %scan3A_79 : i32 to index
      %swap3A_83 = arith.constant 0 : index
      %swap3A_84 = tpu.vector_load %arg9[%swap3A_81, %swap3A_82, %swap3A_83] {strides = array<i32>} : memref<2x128x128xf32, #tpu.memory_space<vmem>>, vector<1x1x16xf32>,
      %swap3A_85 = vector.shape_cast %swap3A_84 : vector<1x1x16xf32> to vector<16xf32>
      %swap3A_86 = vector.shape_cast %broadcast_in_dim3A_80 : vector<16xf32> to vector<1x1x16xf32>
      tpu.vector_store %arg9[%swap3A_81, %swap3A_82, %swap3A_83], %swap3A_86 {strides = array<i32>} : memref<2x128x128xf32, #tpu.memory_space<vmem>>, vector<1x1x16xf32>,
      %broadcast_in_dim3A_87 = arith.constant 0.000000e+00 : f32
      %broadcast_in_dim3A_88 = vector.broadcast %broadcast_in_dim3A_87 : f32 to vector<16xf32>
      %swap3A_89 = arith.constant 0 : i32
      %swap3A_90 = arith.index_cast %swap3A_89 : i32 to index
      %swap3A_91 = arith.index_cast %scan3A_79 : i32 to index
      %swap3A_92 = arith.constant 16 : index
      %swap3A_93 = tpu.vector_load %arg9[%swap3A_90, %swap3A_91, %swap3A_92] {strides = array<i32>} : memref<2x128x128xf32, #tpu.memory_space<vmem>>, vector<1x1x16xf32>,
      %swap3A_94 = vector.shape_cast %swap3A_93 : vector<1x1x16xf32> to vector<16xf32>
      %swap3A_95 = vector.shape_cast %broadcast_in_dim3A_88 : vector<16xf32> to vector<1x1x16xf32>
      tpu.vector_store %arg9[%swap3A_90, %swap3A_91, %swap3A_92], %swap3A_95 {strides = array<i32>} : memref<2x128x128xf32, #tpu.memory_space<vmem>>, vector<1x1x16xf32>,
      %broadcast_in_dim3A_96 = arith.constant 0.000000e+00 : f32
      %broadcast_in_dim3A_97 = vector.broadcast %broadcast_in_dim3A_96 : f32 to vector<16xf32>
      %swap3A_98 = arith.constant 0 : i32
      %swap3A_99 = arith.index_cast %swap3A_98 : i32 to index
      %swap3A_100 = arith.index_cast %scan3A_79 : i32 to index
      %swap3A_101 = arith.constant 32 : index
      %swap3A_102 = tpu.vector_load %arg9[%swap3A_99, %swap3A_100, %swap3A_101] {strides = array<i32>} : memref<2x128x128xf32, #tpu.memory_space<vmem>>, vector<1x1x16xf32>,
      %swap3A_103 = vector.shape_cast %swap3A_102 : vector<1x1x16xf32> to vector<16xf32>
      %swap3A_104 = vector.shape_cast %broadcast_in_dim3A_97 : vector<16xf32> to vector<1x1x16xf32>
      tpu.vector_store %arg9[%swap3A_99, %swap3A_100, %swap3A_101], %swap3A_104 {strides = array<i32>} : memref<2x128x128xf32, #tpu.memory_space<vmem>>, vector<1x1x16xf32>,
      %broadcast_in_dim3A_105 = arith.constant 0.000000e+00 : f32
      %broadcast_in_dim3A_106 = vector.broadcast %broadcast_in_dim3A_105 : f32 to vector<16xf32>
      %swap3A_107 = arith.constant 0 : i32
      %swap3A_108 = arith.index_cast %swap3A_107 : i32 to index
      %swap3A_109 = arith.index_cast %scan3A_79 : i32 to index
      %swap3A_110 = arith.constant 48 : index
      %swap3A_111 = tpu.vector_load %arg9[%swap3A_108, %swap3A_109, %swap3A_110] {strides = array<i32>} : memref<2x128x128xf32, #tpu.memory_space<vmem>>, vector<1x1x16xf32>,
      %swap3A_112 = vector.shape_cast %swap3A_111 : vector<1x1x16xf32> to vector<16xf32>
      %swap3A_113 = vector.shape_cast %broadcast_in_dim3A_106 : vector<16xf32> to vector<1x1x16xf32>
      tpu.vector_store %arg9[%swap3A_108, %swap3A_109, %swap3A_110], %swap3A_113 {strides = array<i32>} : memref<2x128x128xf32, #tpu.memory_space<vmem>>, vector<1x1x16xf32>,
      %broadcast_in_dim3A_114 = arith.constant 0.000000e+00 : f32
      %broadcast_in_dim3A_115 = vector.broadcast %broadcast_in_dim3A_114 : f32 to vector<16xf32>
      %swap3A_116 = arith.constant 0 : i32
      %swap3A_117 = arith.index_cast %swap3A_116 : i32 to index
      %swap3A_118 = arith.index_cast %scan3A_79 : i32 to index
      %swap3A_119 = arith.constant 64 : index
      %swap3A_120 = tpu.vector_load %arg9[%swap3A_117, %swap3A_118, %swap3A_119] {strides = array<i32>} : memref<2x128x128xf32, #tpu.memory_space<vmem>>, vector<1x1x16xf32>,
      %swap3A_121 = vector.shape_cast %swap3A_120 : vector<1x1x16xf32> to vector<16xf32>
      %swap3A_122 = vector.shape_cast %broadcast_in_dim3A_115 : vector<16xf32> to vector<1x1x16xf32>
      tpu.vector_store %arg9[%swap3A_117, %swap3A_118, %swap3A_119], %swap3A_122 {strides = array<i32>} : memref<2x128x128xf32, #tpu.memory_space<vmem>>, vector<1x1x16xf32>,
      %broadcast_in_dim3A_123 = arith.constant 0.000000e+00 : f32
      %broadcast_in_dim3A_124 = vector.broadcast %broadcast_in_dim3A_123 : f32 to vector<16xf32>
      %swap3A_125 = arith.constant 0 : i32
      %swap3A_126 = arith.index_cast %swap3A_125 : i32 to index
      %swap3A_127 = arith.index_cast %scan3A_79 : i32 to index
      %swap3A_128 = arith.constant 80 : index
      %swap3A_129 = tpu.vector_load %arg9[%swap3A_126, %swap3A_127, %swap3A_128] {strides = array<i32>} : memref<2x128x128xf32, #tpu.memory_space<vmem>>, vector<1x1x16xf32>,
      %swap3A_130 = vector.shape_cast %swap3A_129 : vector<1x1x16xf32> to vector<16xf32>
      %swap3A_131 = vector.shape_cast %broadcast_in_dim3A_124 : vector<16xf32> to vector<1x1x16xf32>
      tpu.vector_store %arg9[%swap3A_126, %swap3A_127, %swap3A_128], %swap3A_131 {strides = array<i32>} : memref<2x128x128xf32, #tpu.memory_space<vmem>>, vector<1x1x16xf32>,
      %broadcast_in_dim3A_132 = arith.constant 0.000000e+00 : f32
      %broadcast_in_dim3A_133 = vector.broadcast %broadcast_in_dim3A_132 : f32 to vector<16xf32>
      %swap3A_134 = arith.constant 0 : i32
      %swap3A_135 = arith.index_cast %swap3A_134 : i32 to index
      %swap3A_136 = arith.index_cast %scan3A_79 : i32 to index
      %swap3A_137 = arith.constant 96 : index
      %swap3A_138 = tpu.vector_load %arg9[%swap3A_135, %swap3A_136, %swap3A_137] {strides = array<i32>} : memref<2x128x128xf32, #tpu.memory_space<vmem>>, vector<1x1x16xf32>,
      %swap3A_139 = vector.shape_cast %swap3A_138 : vector<1x1x16xf32> to vector<16xf32>
      %swap3A_140 = vector.shape_cast %broadcast_in_dim3A_133 : vector<16xf32> to vector<1x1x16xf32>
      tpu.vector_store %arg9[%swap3A_135, %swap3A_136, %swap3A_137], %swap3A_140 {strides = array<i32>} : memref<2x128x128xf32, #tpu.memory_space<vmem>>, vector<1x1x16xf32>,
      %broadcast_in_dim3A_141 = arith.constant 0.000000e+00 : f32
      %broadcast_in_dim3A_142 = vector.broadcast %broadcast_in_dim3A_141 : f32 to vector<16xf32>
      %swap3A_143 = arith.constant 0 : i32
      %swap3A_144 = arith.index_cast %swap3A_143 : i32 to index
      %swap3A_145 = arith.index_cast %scan3A_79 : i32 to index
      %swap3A_146 = arith.constant 112 : index
      %swap3A_147 = tpu.vector_load %arg9[%swap3A_144, %swap3A_145, %swap3A_146] {strides = array<i32>} : memref<2x128x128xf32, #tpu.memory_space<vmem>>, vector<1x1x16xf32>,
      %swap3A_148 = vector.shape_cast %swap3A_147 : vector<1x1x16xf32> to vector<16xf32>
      %swap3A_149 = vector.shape_cast %broadcast_in_dim3A_142 : vector<16xf32> to vector<1x1x16xf32>
      tpu.vector_store %arg9[%swap3A_144, %swap3A_145, %swap3A_146], %swap3A_149 {strides = array<i32>} : memref<2x128x128xf32, #tpu.memory_space<vmem>>, vector<1x1x16xf32>,
    }
    %scan3A_11 = arith.constant 128 : i32
    %add3A_12 = arith.constant 0 : i32
    %add3A_13 = arith.addi %mul3A_6, %add3A_12 : i32
    %run_scoped3A = arith.constant 0 : i32
    "tpu.region"() ({
      %run_scoped3A_79 = tpu.sem_alloc : memref<!tpu.dma_semaphore, #tpu.memory_space<semaphore_mem>>
      %dma_start3A_80 = arith.constant 0 : i32
      %dma_start3A_81 = arith.constant 0 : i32
      %dma_start3A_82 = tpu.memref_slice %arg9[%run_scoped3A, %dma_start3A_80, %dma_start3A_81] : memref<2x128x128xf32, #tpu.memory_space<vmem>> -> memref<1x128x128xf32, #tpu.memory_space<vmem>>
      %dma_start3A_83 = tpu.memref_squeeze %dma_start3A_82 : memref<1x128x128xf32, #tpu.memory_space<vmem>> -> memref<128x128xf32, #tpu.memory_space<vmem>>
      %dma_start3A_84 = arith.constant 0 : i32
      %dma_start3A_85 = tpu.memref_slice %arg6[%add3A_13, %dma_start3A_84] : memref<10240x128xf32, #tpu.memory_space<vmem_shared>> -> memref<128x128xf32, #tpu.memory_space<vmem_shared>>
      %dma_start3A_86 = arith.constant 0 : i32
      %dma_start3A_87 = tpu.memref_slice %arg6[%add3A_13, %dma_start3A_86] : memref<10240x128xf32, #tpu.memory_space<vmem_shared>> -> memref<128x128xf32, #tpu.memory_space<vmem_shared>>
      %dma_start3A_88 = arith.constant 0 : i32
      %dma_start3A_89 = arith.constant 0 : i32
      %dma_start3A_90 = tpu.memref_slice %arg9[%run_scoped3A, %dma_start3A_88, %dma_start3A_89] : memref<2x128x128xf32, #tpu.memory_space<vmem>> -> memref<1x128x128xf32, #tpu.memory_space<vmem>>
      %dma_start3A_91 = tpu.memref_squeeze %dma_start3A_90 : memref<1x128x128xf32, #tpu.memory_space<vmem>> -> memref<128x128xf32, #tpu.memory_space<vmem>>
      tpu.enqueue_dma source(%dma_start3A_91 : memref<128x128xf32, #tpu.memory_space<vmem>>) target(%dma_start3A_87 : memref<128x128xf32, #tpu.memory_space<vmem_shared>>) target_semaphore(%run_scoped3A_79 : memref<!tpu.dma_semaphore, #tpu.memory_space<semaphore_mem>>)
      %dma_wait3A_92 = arith.constant 0 : i32
      %dma_wait3A_93 = arith.constant 0 : i32
      %dma_wait3A_94 = tpu.memref_slice %arg9[%run_scoped3A, %dma_wait3A_92, %dma_wait3A_93] : memref<2x128x128xf32, #tpu.memory_space<vmem>> -> memref<1x128x128xf32, #tpu.memory_space<vmem>>
      %dma_wait3A_95 = tpu.memref_squeeze %dma_wait3A_94 : memref<1x128x128xf32, #tpu.memory_space<vmem>> -> memref<128x128xf32, #tpu.memory_space<vmem>>
      %dma_wait3A_96 = arith.constant 0 : i32
      %dma_wait3A_97 = tpu.memref_slice %arg6[%add3A_13, %dma_wait3A_96] : memref<10240x128xf32, #tpu.memory_space<vmem_shared>> -> memref<128x128xf32, #tpu.memory_space<vmem_shared>>
      %dma_wait3A_98 = arith.constant 0 : i32
      %dma_wait3A_99 = tpu.memref_slice %arg6[%add3A_13, %dma_wait3A_98] : memref<10240x128xf32, #tpu.memory_space<vmem_shared>> -> memref<128x128xf32, #tpu.memory_space<vmem_shared>>
      %dma_wait3A_100 = arith.constant 0 : i32
      %dma_wait3A_101 = arith.constant 0 : i32
      %dma_wait3A_102 = tpu.memref_slice %arg9[%run_scoped3A, %dma_wait3A_100, %dma_wait3A_101] : memref<2x128x128xf32, #tpu.memory_space<vmem>> -> memref<1x128x128xf32, #tpu.memory_space<vmem>>
      %dma_wait3A_103 = tpu.memref_squeeze %dma_wait3A_102 : memref<1x128x128xf32, #tpu.memory_space<vmem>> -> memref<128x128xf32, #tpu.memory_space<vmem>>
      tpu.wait_dma2 semaphore(%run_scoped3A_79 : memref<!tpu.dma_semaphore, #tpu.memory_space<semaphore_mem>>) src(%dma_wait3A_103 : memref<128x128xf32, #tpu.memory_space<vmem>>) dst(%dma_wait3A_99 : memref<128x128xf32, #tpu.memory_space<vmem_shared>>)
      tpu.yield
    }) : () -> ()
    %add3A_14 = arith.constant 128 : i32
    %add3A_15 = arith.addi %mul3A_6, %add3A_14 : i32
    %run_scoped3A_16 = arith.constant 0 : i32
    "tpu.region"() ({
      %run_scoped3A_79 = tpu.sem_alloc : memref<!tpu.dma_semaphore, #tpu.memory_space<semaphore_mem>>
      %dma_start3A_80 = arith.constant 0 : i32
      %dma_start3A_81 = arith.constant 0 : i32
      %dma_start3A_82 = tpu.memref_slice %arg9[%run_scoped3A_16, %dma_start3A_80, %dma_start3A_81] : memref<2x128x128xf32, #tpu.memory_space<vmem>> -> memref<1x128x128xf32, #tpu.memory_space<vmem>>
      %dma_start3A_83 = tpu.memref_squeeze %dma_start3A_82 : memref<1x128x128xf32, #tpu.memory_space<vmem>> -> memref<128x128xf32, #tpu.memory_space<vmem>>
      %dma_start3A_84 = arith.constant 0 : i32
      %dma_start3A_85 = tpu.memref_slice %arg6[%add3A_15, %dma_start3A_84] : memref<10240x128xf32, #tpu.memory_space<vmem_shared>> -> memref<128x128xf32, #tpu.memory_space<vmem_shared>>
      %dma_start3A_86 = arith.constant 0 : i32
      %dma_start3A_87 = tpu.memref_slice %arg6[%add3A_15, %dma_start3A_86] : memref<10240x128xf32, #tpu.memory_space<vmem_shared>> -> memref<128x128xf32, #tpu.memory_space<vmem_shared>>
      %dma_start3A_88 = arith.constant 0 : i32
      %dma_start3A_89 = arith.constant 0 : i32
      %dma_start3A_90 = tpu.memref_slice %arg9[%run_scoped3A_16, %dma_start3A_88, %dma_start3A_89] : memref<2x128x128xf32, #tpu.memory_space<vmem>> -> memref<1x128x128xf32, #tpu.memory_space<vmem>>
      %dma_start3A_91 = tpu.memref_squeeze %dma_start3A_90 : memref<1x128x128xf32, #tpu.memory_space<vmem>> -> memref<128x128xf32, #tpu.memory_space<vmem>>
      tpu.enqueue_dma source(%dma_start3A_91 : memref<128x128xf32, #tpu.memory_space<vmem>>) target(%dma_start3A_87 : memref<128x128xf32, #tpu.memory_space<vmem_shared>>) target_semaphore(%run_scoped3A_79 : memref<!tpu.dma_semaphore, #tpu.memory_space<semaphore_mem>>)
      %dma_wait3A_92 = arith.constant 0 : i32
      %dma_wait3A_93 = arith.constant 0 : i32
      %dma_wait3A_94 = tpu.memref_slice %arg9[%run_scoped3A_16, %dma_wait3A_92, %dma_wait3A_93] : memref<2x128x128xf32, #tpu.memory_space<vmem>> -> memref<1x128x128xf32, #tpu.memory_space<vmem>>
      %dma_wait3A_95 = tpu.memref_squeeze %dma_wait3A_94 : memref<1x128x128xf32, #tpu.memory_space<vmem>> -> memref<128x128xf32, #tpu.memory_space<vmem>>
      %dma_wait3A_96 = arith.constant 0 : i32
      %dma_wait3A_97 = tpu.memref_slice %arg6[%add3A_15, %dma_wait3A_96] : memref<10240x128xf32, #tpu.memory_space<vmem_shared>> -> memref<128x128xf32, #tpu.memory_space<vmem_shared>>
      %dma_wait3A_98 = arith.constant 0 : i32
      %dma_wait3A_99 = tpu.memref_slice %arg6[%add3A_15, %dma_wait3A_98] : memref<10240x128xf32, #tpu.memory_space<vmem_shared>> -> memref<128x128xf32, #tpu.memory_space<vmem_shared>>
      %dma_wait3A_100 = arith.constant 0 : i32
      %dma_wait3A_101 = arith.constant 0 : i32
      %dma_wait3A_102 = tpu.memref_slice %arg9[%run_scoped3A_16, %dma_wait3A_100, %dma_wait3A_101] : memref<2x128x128xf32, #tpu.memory_space<vmem>> -> memref<1x128x128xf32, #tpu.memory_space<vmem>>
      %dma_wait3A_103 = tpu.memref_squeeze %dma_wait3A_102 : memref<1x128x128xf32, #tpu.memory_space<vmem>> -> memref<128x128xf32, #tpu.memory_space<vmem>>
      tpu.wait_dma2 semaphore(%run_scoped3A_79 : memref<!tpu.dma_semaphore, #tpu.memory_space<semaphore_mem>>) src(%dma_wait3A_103 : memref<128x128xf32, #tpu.memory_space<vmem>>) dst(%dma_wait3A_99 : memref<128x128xf32, #tpu.memory_space<vmem_shared>>)
      tpu.yield
    }) : () -> ()
    %add3A_17 = arith.constant 256 : i32
    %add3A_18 = arith.addi %mul3A_6, %add3A_17 : i32
    %run_scoped3A_19 = arith.constant 0 : i32
    "tpu.region"() ({
      %run_scoped3A_79 = tpu.sem_alloc : memref<!tpu.dma_semaphore, #tpu.memory_space<semaphore_mem>>
      %dma_start3A_80 = arith.constant 0 : i32
      %dma_start3A_81 = arith.constant 0 : i32
      %dma_start3A_82 = tpu.memref_slice %arg9[%run_scoped3A_19, %dma_start3A_80, %dma_start3A_81] : memref<2x128x128xf32, #tpu.memory_space<vmem>> -> memref<1x128x128xf32, #tpu.memory_space<vmem>>
      %dma_start3A_83 = tpu.memref_squeeze %dma_start3A_82 : memref<1x128x128xf32, #tpu.memory_space<vmem>> -> memref<128x128xf32, #tpu.memory_space<vmem>>
      %dma_start3A_84 = arith.constant 0 : i32
      %dma_start3A_85 = tpu.memref_slice %arg6[%add3A_18, %dma_start3A_84] : memref<10240x128xf32, #tpu.memory_space<vmem_shared>> -> memref<128x128xf32, #tpu.memory_space<vmem_shared>>
      %dma_start3A_86 = arith.constant 0 : i32
      %dma_start3A_87 = tpu.memref_slice %arg6[%add3A_18, %dma_start3A_86] : memref<10240x128xf32, #tpu.memory_space<vmem_shared>> -> memref<128x128xf32, #tpu.memory_space<vmem_shared>>
      %dma_start3A_88 = arith.constant 0 : i32
      %dma_start3A_89 = arith.constant 0 : i32
      %dma_start3A_90 = tpu.memref_slice %arg9[%run_scoped3A_19, %dma_start3A_88, %dma_start3A_89] : memref<2x128x128xf32, #tpu.memory_space<vmem>> -> memref<1x128x128xf32, #tpu.memory_space<vmem>>
      %dma_start3A_91 = tpu.memref_squeeze %dma_start3A_90 : memref<1x128x128xf32, #tpu.memory_space<vmem>> -> memref<128x128xf32, #tpu.memory_space<vmem>>
      tpu.enqueue_dma source(%dma_start3A_91 : memref<128x128xf32, #tpu.memory_space<vmem>>) target(%dma_start3A_87 : memref<128x128xf32, #tpu.memory_space<vmem_shared>>) target_semaphore(%run_scoped3A_79 : memref<!tpu.dma_semaphore, #tpu.memory_space<semaphore_mem>>)
      %dma_wait3A_92 = arith.constant 0 : i32
      %dma_wait3A_93 = arith.constant 0 : i32
      %dma_wait3A_94 = tpu.memref_slice %arg9[%run_scoped3A_19, %dma_wait3A_92, %dma_wait3A_93] : memref<2x128x128xf32, #tpu.memory_space<vmem>> -> memref<1x128x128xf32, #tpu.memory_space<vmem>>
      %dma_wait3A_95 = tpu.memref_squeeze %dma_wait3A_94 : memref<1x128x128xf32, #tpu.memory_space<vmem>> -> memref<128x128xf32, #tpu.memory_space<vmem>>
      %dma_wait3A_96 = arith.constant 0 : i32
      %dma_wait3A_97 = tpu.memref_slice %arg6[%add3A_18, %dma_wait3A_96] : memref<10240x128xf32, #tpu.memory_space<vmem_shared>> -> memref<128x128xf32, #tpu.memory_space<vmem_shared>>
      %dma_wait3A_98 = arith.constant 0 : i32
      %dma_wait3A_99 = tpu.memref_slice %arg6[%add3A_18, %dma_wait3A_98] : memref<10240x128xf32, #tpu.memory_space<vmem_shared>> -> memref<128x128xf32, #tpu.memory_space<vmem_shared>>
      %dma_wait3A_100 = arith.constant 0 : i32
      %dma_wait3A_101 = arith.constant 0 : i32
      %dma_wait3A_102 = tpu.memref_slice %arg9[%run_scoped3A_19, %dma_wait3A_100, %dma_wait3A_101] : memref<2x128x128xf32, #tpu.memory_space<vmem>> -> memref<1x128x128xf32, #tpu.memory_space<vmem>>
      %dma_wait3A_103 = tpu.memref_squeeze %dma_wait3A_102 : memref<1x128x128xf32, #tpu.memory_space<vmem>> -> memref<128x128xf32, #tpu.memory_space<vmem>>
      tpu.wait_dma2 semaphore(%run_scoped3A_79 : memref<!tpu.dma_semaphore, #tpu.memory_space<semaphore_mem>>) src(%dma_wait3A_103 : memref<128x128xf32, #tpu.memory_space<vmem>>) dst(%dma_wait3A_99 : memref<128x128xf32, #tpu.memory_space<vmem_shared>>)
      tpu.yield
    }) : () -> ()
    %add3A_20 = arith.constant 384 : i32
    %add3A_21 = arith.addi %mul3A_6, %add3A_20 : i32
    %run_scoped3A_22 = arith.constant 0 : i32
    "tpu.region"() ({
      %run_scoped3A_79 = tpu.sem_alloc : memref<!tpu.dma_semaphore, #tpu.memory_space<semaphore_mem>>
      %dma_start3A_80 = arith.constant 0 : i32
      %dma_start3A_81 = arith.constant 0 : i32
      %dma_start3A_82 = tpu.memref_slice %arg9[%run_scoped3A_22, %dma_start3A_80, %dma_start3A_81] : memref<2x128x128xf32, #tpu.memory_space<vmem>> -> memref<1x128x128xf32, #tpu.memory_space<vmem>>
      %dma_start3A_83 = tpu.memref_squeeze %dma_start3A_82 : memref<1x128x128xf32, #tpu.memory_space<vmem>> -> memref<128x128xf32, #tpu.memory_space<vmem>>
      %dma_start3A_84 = arith.constant 0 : i32
      %dma_start3A_85 = tpu.memref_slice %arg6[%add3A_21, %dma_start3A_84] : memref<10240x128xf32, #tpu.memory_space<vmem_shared>> -> memref<128x128xf32, #tpu.memory_space<vmem_shared>>
      %dma_start3A_86 = arith.constant 0 : i32
      %dma_start3A_87 = tpu.memref_slice %arg6[%add3A_21, %dma_start3A_86] : memref<10240x128xf32, #tpu.memory_space<vmem_shared>> -> memref<128x128xf32, #tpu.memory_space<vmem_shared>>
      %dma_start3A_88 = arith.constant 0 : i32
      %dma_start3A_89 = arith.constant 0 : i32
      %dma_start3A_90 = tpu.memref_slice %arg9[%run_scoped3A_22, %dma_start3A_88, %dma_start3A_89] : memref<2x128x128xf32, #tpu.memory_space<vmem>> -> memref<1x128x128xf32, #tpu.memory_space<vmem>>
      %dma_start3A_91 = tpu.memref_squeeze %dma_start3A_90 : memref<1x128x128xf32, #tpu.memory_space<vmem>> -> memref<128x128xf32, #tpu.memory_space<vmem>>
      tpu.enqueue_dma source(%dma_start3A_91 : memref<128x128xf32, #tpu.memory_space<vmem>>) target(%dma_start3A_87 : memref<128x128xf32, #tpu.memory_space<vmem_shared>>) target_semaphore(%run_scoped3A_79 : memref<!tpu.dma_semaphore, #tpu.memory_space<semaphore_mem>>)
      %dma_wait3A_92 = arith.constant 0 : i32
      %dma_wait3A_93 = arith.constant 0 : i32
      %dma_wait3A_94 = tpu.memref_slice %arg9[%run_scoped3A_22, %dma_wait3A_92, %dma_wait3A_93] : memref<2x128x128xf32, #tpu.memory_space<vmem>> -> memref<1x128x128xf32, #tpu.memory_space<vmem>>
      %dma_wait3A_95 = tpu.memref_squeeze %dma_wait3A_94 : memref<1x128x128xf32, #tpu.memory_space<vmem>> -> memref<128x128xf32, #tpu.memory_space<vmem>>
      %dma_wait3A_96 = arith.constant 0 : i32
      %dma_wait3A_97 = tpu.memref_slice %arg6[%add3A_21, %dma_wait3A_96] : memref<10240x128xf32, #tpu.memory_space<vmem_shared>> -> memref<128x128xf32, #tpu.memory_space<vmem_shared>>
      %dma_wait3A_98 = arith.constant 0 : i32
      %dma_wait3A_99 = tpu.memref_slice %arg6[%add3A_21, %dma_wait3A_98] : memref<10240x128xf32, #tpu.memory_space<vmem_shared>> -> memref<128x128xf32, #tpu.memory_space<vmem_shared>>
      %dma_wait3A_100 = arith.constant 0 : i32
      %dma_wait3A_101 = arith.constant 0 : i32
      %dma_wait3A_102 = tpu.memref_slice %arg9[%run_scoped3A_22, %dma_wait3A_100, %dma_wait3A_101] : memref<2x128x128xf32, #tpu.memory_space<vmem>> -> memref<1x128x128xf32, #tpu.memory_space<vmem>>
      %dma_wait3A_103 = tpu.memref_squeeze %dma_wait3A_102 : memref<1x128x128xf32, #tpu.memory_space<vmem>> -> memref<128x128xf32, #tpu.memory_space<vmem>>
      tpu.wait_dma2 semaphore(%run_scoped3A_79 : memref<!tpu.dma_semaphore, #tpu.memory_space<semaphore_mem>>) src(%dma_wait3A_103 : memref<128x128xf32, #tpu.memory_space<vmem>>) dst(%dma_wait3A_99 : memref<128x128xf32, #tpu.memory_space<vmem_shared>>)
      tpu.yield
    }) : () -> ()
    %add3A_23 = arith.constant 512 : i32
    %add3A_24 = arith.addi %mul3A_6, %add3A_23 : i32
    %run_scoped3A_25 = arith.constant 0 : i32
    "tpu.region"() ({
      %run_scoped3A_79 = tpu.sem_alloc : memref<!tpu.dma_semaphore, #tpu.memory_space<semaphore_mem>>
      %dma_start3A_80 = arith.constant 0 : i32
      %dma_start3A_81 = arith.constant 0 : i32
      %dma_start3A_82 = tpu.memref_slice %arg9[%run_scoped3A_25, %dma_start3A_80, %dma_start3A_81] : memref<2x128x128xf32, #tpu.memory_space<vmem>> -> memref<1x128x128xf32, #tpu.memory_space<vmem>>
      %dma_start3A_83 = tpu.memref_squeeze %dma_start3A_82 : memref<1x128x128xf32, #tpu.memory_space<vmem>> -> memref<128x128xf32, #tpu.memory_space<vmem>>
      %dma_start3A_84 = arith.constant 0 : i32
      %dma_start3A_85 = tpu.memref_slice %arg6[%add3A_24, %dma_start3A_84] : memref<10240x128xf32, #tpu.memory_space<vmem_shared>> -> memref<128x128xf32, #tpu.memory_space<vmem_shared>>
      %dma_start3A_86 = arith.constant 0 : i32
      %dma_start3A_87 = tpu.memref_slice %arg6[%add3A_24, %dma_start3A_86] : memref<10240x128xf32, #tpu.memory_space<vmem_shared>> -> memref<128x128xf32, #tpu.memory_space<vmem_shared>>
      %dma_start3A_88 = arith.constant 0 : i32
      %dma_start3A_89 = arith.constant 0 : i32
      %dma_start3A_90 = tpu.memref_slice %arg9[%run_scoped3A_25, %dma_start3A_88, %dma_start3A_89] : memref<2x128x128xf32, #tpu.memory_space<vmem>> -> memref<1x128x128xf32, #tpu.memory_space<vmem>>
      %dma_start3A_91 = tpu.memref_squeeze %dma_start3A_90 : memref<1x128x128xf32, #tpu.memory_space<vmem>> -> memref<128x128xf32, #tpu.memory_space<vmem>>
      tpu.enqueue_dma source(%dma_start3A_91 : memref<128x128xf32, #tpu.memory_space<vmem>>) target(%dma_start3A_87 : memref<128x128xf32, #tpu.memory_space<vmem_shared>>) target_semaphore(%run_scoped3A_79 : memref<!tpu.dma_semaphore, #tpu.memory_space<semaphore_mem>>)
      %dma_wait3A_92 = arith.constant 0 : i32
      %dma_wait3A_93 = arith.constant 0 : i32
      %dma_wait3A_94 = tpu.memref_slice %arg9[%run_scoped3A_25, %dma_wait3A_92, %dma_wait3A_93] : memref<2x128x128xf32, #tpu.memory_space<vmem>> -> memref<1x128x128xf32, #tpu.memory_space<vmem>>
      %dma_wait3A_95 = tpu.memref_squeeze %dma_wait3A_94 : memref<1x128x128xf32, #tpu.memory_space<vmem>> -> memref<128x128xf32, #tpu.memory_space<vmem>>
      %dma_wait3A_96 = arith.constant 0 : i32
      %dma_wait3A_97 = tpu.memref_slice %arg6[%add3A_24, %dma_wait3A_96] : memref<10240x128xf32, #tpu.memory_space<vmem_shared>> -> memref<128x128xf32, #tpu.memory_space<vmem_shared>>
      %dma_wait3A_98 = arith.constant 0 : i32
      %dma_wait3A_99 = tpu.memref_slice %arg6[%add3A_24, %dma_wait3A_98] : memref<10240x128xf32, #tpu.memory_space<vmem_shared>> -> memref<128x128xf32, #tpu.memory_space<vmem_shared>>
      %dma_wait3A_100 = arith.constant 0 : i32
      %dma_wait3A_101 = arith.constant 0 : i32
      %dma_wait3A_102 = tpu.memref_slice %arg9[%run_scoped3A_25, %dma_wait3A_100, %dma_wait3A_101] : memref<2x128x128xf32, #tpu.memory_space<vmem>> -> memref<1x128x128xf32, #tpu.memory_space<vmem>>
      %dma_wait3A_103 = tpu.memref_squeeze %dma_wait3A_102 : memref<1x128x128xf32, #tpu.memory_space<vmem>> -> memref<128x128xf32, #tpu.memory_space<vmem>>
      tpu.wait_dma2 semaphore(%run_scoped3A_79 : memref<!tpu.dma_semaphore, #tpu.memory_space<semaphore_mem>>) src(%dma_wait3A_103 : memref<128x128xf32, #tpu.memory_space<vmem>>) dst(%dma_wait3A_99 : memref<128x128xf32, #tpu.memory_space<vmem_shared>>)
      tpu.yield
    }) : () -> ()
    %barrier3A = arith.constant 0 : index
    tpu.barrier barrier_id(%barrier3A)
    %dma_start3A = arith.constant 0 : i32
    %dma_start3A_26 = arith.constant 0 : i32
    %dma_start3A_27 = arith.constant 0 : i32
    %dma_start3A_28 = arith.constant 0 : i32
    %dma_start3A_29 = tpu.memref_slice %arg9[%dma_start3A_26, %dma_start3A_27, %dma_start3A_28] : memref<2x128x128xf32, #tpu.memory_space<vmem>> -> memref<1x128x128xf32, #tpu.memory_space<vmem>>
    %dma_start3A_30 = tpu.memref_squeeze %dma_start3A_29 : memref<1x128x128xf32, #tpu.memory_space<vmem>> -> memref<128x128xf32, #tpu.memory_space<vmem>>
    %dma_start3A_31 = arith.constant 0 : i32
    %dma_start3A_32 = tpu.memref_slice %arg7[%dma_start3A, %dma_start3A_31] : memref<40x128xi32, #tpu.memory_space<vmem>> -> memref<1x128xi32, #tpu.memory_space<vmem>>
    %dma_start3A_33 = tpu.memref_squeeze %dma_start3A_32 : memref<1x128xi32, #tpu.memory_space<vmem>> -> memref<128xi32, #tpu.memory_space<vmem>>
    %dma_start3A_34 = arith.constant 0 : i32
    %dma_start3A_35 = arith.constant 0 : i32
    %dma_start3A_36 = tpu.memref_slice %arg2[%dma_start3A_34, %dma_start3A_35] : memref<10000x128xf32, #tpu.memory_space<hbm>> -> memref<10000x128xf32, #tpu.memory_space<hbm>>
    tpu.enqueue_indirect_dma source(%dma_start3A_36 : memref<10000x128xf32, #tpu.memory_space<hbm>>) target(%dma_start3A_30 : memref<128x128xf32, #tpu.memory_space<vmem>>) offsets(%dma_start3A_33 : memref<128xi32, #tpu.memory_space<vmem>>) semaphore(%arg10 : memref<!tpu.dma_semaphore, #tpu.memory_space<semaphore_mem>>)
    %dma_start3A_37 = arith.constant 1 : i32
    %dma_start3A_38 = arith.constant 1 : i32
    %dma_start3A_39 = arith.constant 0 : i32
    %dma_start3A_40 = arith.constant 0 : i32
    %dma_start3A_41 = tpu.memref_slice %arg9[%dma_start3A_38, %dma_start3A_39, %dma_start3A_40] : memref<2x128x128xf32, #tpu.memory_space<vmem>> -> memref<1x128x128xf32, #tpu.memory_space<vmem>>
    %dma_start3A_42 = tpu.memref_squeeze %dma_start3A_41 : memref<1x128x128xf32, #tpu.memory_space<vmem>> -> memref<128x128xf32, #tpu.memory_space<vmem>>
    %dma_start3A_43 = arith.constant 0 : i32
    %dma_start3A_44 = tpu.memref_slice %arg7[%dma_start3A_37, %dma_start3A_43] : memref<40x128xi32, #tpu.memory_space<vmem>> -> memref<1x128xi32, #tpu.memory_space<vmem>>
    %dma_start3A_45 = tpu.memref_squeeze %dma_start3A_44 : memref<1x128xi32, #tpu.memory_space<vmem>> -> memref<128xi32, #tpu.memory_space<vmem>>
    %dma_start3A_46 = arith.constant 0 : i32
    %dma_start3A_47 = arith.constant 0 : i32
    %dma_start3A_48 = tpu.memref_slice %arg2[%dma_start3A_46, %dma_start3A_47] : memref<10000x128xf32, #tpu.memory_space<hbm>> -> memref<10000x128xf32, #tpu.memory_space<hbm>>
    tpu.enqueue_indirect_dma source(%dma_start3A_48 : memref<10000x128xf32, #tpu.memory_space<hbm>>) target(%dma_start3A_42 : memref<128x128xf32, #tpu.memory_space<vmem>>) offsets(%dma_start3A_45 : memref<128xi32, #tpu.memory_space<vmem>>) semaphore(%arg11 : memref<!tpu.dma_semaphore, #tpu.memory_space<semaphore_mem>>)
    %scan3A_49 = arith.constant 0 : i32
    %scan3A_50 = arith.constant 0 : i32
    %scan3A_51 = arith.constant 20 : i32
    %scan3A_52 = arith.addi %scan3A_50, %scan3A_51 : i32
    %scan3A_53 = arith.constant 1 : i32
    scf.for %scan3A_79 = %scan3A_50 to %scan3A_52 step %scan3A_53  : i32 {
      %mul3A_80 = arith.constant 2 : i32
      %mul3A_81 = arith.muli %scan3A_79, %mul3A_80 : i32
      %add3A_82 = arith.constant 0 : i32
      %add3A_83 = arith.addi %mul3A_81, %add3A_82 : i32
      %dma_wait3A_84 = arith.constant 0 : i32
      %dma_wait3A_85 = arith.constant 0 : i32
      %dma_wait3A_86 = arith.constant 0 : i32
      %dma_wait3A_87 = tpu.memref_slice %arg9[%dma_wait3A_84, %dma_wait3A_85, %dma_wait3A_86] : memref<2x128x128xf32, #tpu.memory_space<vmem>> -> memref<1x128x128xf32, #tpu.memory_space<vmem>>
      %dma_wait3A_88 = tpu.memref_squeeze %dma_wait3A_87 : memref<1x128x128xf32, #tpu.memory_space<vmem>> -> memref<128x128xf32, #tpu.memory_space<vmem>>
      %dma_wait3A_89 = arith.constant 0 : i32
      %dma_wait3A_90 = tpu.memref_slice %arg7[%add3A_83, %dma_wait3A_89] : memref<40x128xi32, #tpu.memory_space<vmem>> -> memref<1x128xi32, #tpu.memory_space<vmem>>
      %dma_wait3A_91 = tpu.memref_squeeze %dma_wait3A_90 : memref<1x128xi32, #tpu.memory_space<vmem>> -> memref<128xi32, #tpu.memory_space<vmem>>
      %dma_wait3A_92 = arith.constant 0 : i32
      %dma_wait3A_93 = arith.constant 0 : i32
      %dma_wait3A_94 = tpu.memref_slice %arg2[%dma_wait3A_92, %dma_wait3A_93] : memref<10000x128xf32, #tpu.memory_space<hbm>> -> memref<10000x128xf32, #tpu.memory_space<hbm>>
      tpu.wait_indirect_dma semaphore(%arg10 : memref<!tpu.dma_semaphore, #tpu.memory_space<semaphore_mem>>) src(%dma_wait3A_94 : memref<10000x128xf32, #tpu.memory_space<hbm>>) dst(%dma_wait3A_88 : memref<128x128xf32, #tpu.memory_space<vmem>>)
      %dma_start3A_95 = arith.constant 0 : i32
      %dma_start3A_96 = arith.constant 0 : i32
      %dma_start3A_97 = arith.constant 0 : i32
      %dma_start3A_98 = tpu.memref_slice %arg9[%dma_start3A_95, %dma_start3A_96, %dma_start3A_97] : memref<2x128x128xf32, #tpu.memory_space<vmem>> -> memref<1x128x128xf32, #tpu.memory_space<vmem>>
      %dma_start3A_99 = tpu.memref_squeeze %dma_start3A_98 : memref<1x128x128xf32, #tpu.memory_space<vmem>> -> memref<128x128xf32, #tpu.memory_space<vmem>>
      %dma_start3A_100 = arith.constant 0 : i32
      %dma_start3A_101 = tpu.memref_slice %arg8[%add3A_83, %dma_start3A_100] : memref<40x128xi32, #tpu.memory_space<vmem>> -> memref<1x128xi32, #tpu.memory_space<vmem>>
      %dma_start3A_102 = tpu.memref_squeeze %dma_start3A_101 : memref<1x128xi32, #tpu.memory_space<vmem>> -> memref<128xi32, #tpu.memory_space<vmem>>
      %dma_start3A_103 = arith.constant 0 : i32
      %dma_start3A_104 = arith.constant 0 : i32
      %dma_start3A_105 = tpu.memref_slice %arg6[%dma_start3A_103, %dma_start3A_104] : memref<10240x128xf32, #tpu.memory_space<vmem_shared>> -> memref<10240x128xf32, #tpu.memory_space<vmem_shared>>
      tpu.enqueue_indirect_dma source(%dma_start3A_99 : memref<128x128xf32, #tpu.memory_space<vmem>>) target(%dma_start3A_105 : memref<10240x128xf32, #tpu.memory_space<vmem_shared>>) offsets(%dma_start3A_102 : memref<128xi32, #tpu.memory_space<vmem>>) semaphore(%arg12 : memref<!tpu.dma_semaphore, #tpu.memory_space<semaphore_mem>>) {add = true}
      %mul3A_106 = arith.constant 2 : i32
      %mul3A_107 = arith.muli %scan3A_79, %mul3A_106 : i32
      %add3A_108 = arith.constant 1 : i32
      %add3A_109 = arith.addi %mul3A_107, %add3A_108 : i32
      %dma_wait3A_110 = arith.constant 1 : i32
      %dma_wait3A_111 = arith.constant 0 : i32
      %dma_wait3A_112 = arith.constant 0 : i32
      %dma_wait3A_113 = tpu.memref_slice %arg9[%dma_wait3A_110, %dma_wait3A_111, %dma_wait3A_112] : memref<2x128x128xf32, #tpu.memory_space<vmem>> -> memref<1x128x128xf32, #tpu.memory_space<vmem>>
      %dma_wait3A_114 = tpu.memref_squeeze %dma_wait3A_113 : memref<1x128x128xf32, #tpu.memory_space<vmem>> -> memref<128x128xf32, #tpu.memory_space<vmem>>
      %dma_wait3A_115 = arith.constant 0 : i32
      %dma_wait3A_116 = tpu.memref_slice %arg7[%add3A_109, %dma_wait3A_115] : memref<40x128xi32, #tpu.memory_space<vmem>> -> memref<1x128xi32, #tpu.memory_space<vmem>>
      %dma_wait3A_117 = tpu.memref_squeeze %dma_wait3A_116 : memref<1x128xi32, #tpu.memory_space<vmem>> -> memref<128xi32, #tpu.memory_space<vmem>>
      %dma_wait3A_118 = arith.constant 0 : i32
      %dma_wait3A_119 = arith.constant 0 : i32
      %dma_wait3A_120 = tpu.memref_slice %arg2[%dma_wait3A_118, %dma_wait3A_119] : memref<10000x128xf32, #tpu.memory_space<hbm>> -> memref<10000x128xf32, #tpu.memory_space<hbm>>
      tpu.wait_indirect_dma semaphore(%arg11 : memref<!tpu.dma_semaphore, #tpu.memory_space<semaphore_mem>>) src(%dma_wait3A_120 : memref<10000x128xf32, #tpu.memory_space<hbm>>) dst(%dma_wait3A_114 : memref<128x128xf32, #tpu.memory_space<vmem>>)
      %dma_start3A_121 = arith.constant 1 : i32
      %dma_start3A_122 = arith.constant 0 : i32
      %dma_start3A_123 = arith.constant 0 : i32
      %dma_start3A_124 = tpu.memref_slice %arg9[%dma_start3A_121, %dma_start3A_122, %dma_start3A_123] : memref<2x128x128xf32, #tpu.memory_space<vmem>> -> memref<1x128x128xf32, #tpu.memory_space<vmem>>
      %dma_start3A_125 = tpu.memref_squeeze %dma_start3A_124 : memref<1x128x128xf32, #tpu.memory_space<vmem>> -> memref<128x128xf32, #tpu.memory_space<vmem>>
      %dma_start3A_126 = arith.constant 0 : i32
      %dma_start3A_127 = tpu.memref_slice %arg8[%add3A_109, %dma_start3A_126] : memref<40x128xi32, #tpu.memory_space<vmem>> -> memref<1x128xi32, #tpu.memory_space<vmem>>
      %dma_start3A_128 = tpu.memref_squeeze %dma_start3A_127 : memref<1x128xi32, #tpu.memory_space<vmem>> -> memref<128xi32, #tpu.memory_space<vmem>>
      %dma_start3A_129 = arith.constant 0 : i32
      %dma_start3A_130 = arith.constant 0 : i32
      %dma_start3A_131 = tpu.memref_slice %arg6[%dma_start3A_129, %dma_start3A_130] : memref<10240x128xf32, #tpu.memory_space<vmem_shared>> -> memref<10240x128xf32, #tpu.memory_space<vmem_shared>>
      tpu.enqueue_indirect_dma source(%dma_start3A_125 : memref<128x128xf32, #tpu.memory_space<vmem>>) target(%dma_start3A_131 : memref<10240x128xf32, #tpu.memory_space<vmem_shared>>) offsets(%dma_start3A_128 : memref<128xi32, #tpu.memory_space<vmem>>) semaphore(%arg13 : memref<!tpu.dma_semaphore, #tpu.memory_space<semaphore_mem>>) {add = true}
      %mul3A_132 = arith.constant 2 : i32
      %mul3A_133 = arith.muli %scan3A_79, %mul3A_132 : i32
      %add3A_134 = arith.constant 0 : i32
      %add3A_135 = arith.addi %mul3A_133, %add3A_134 : i32
      %add3A_136 = arith.constant 2 : i32
      %add3A_137 = arith.addi %add3A_135, %add3A_136 : i32
      %lt3A = arith.constant 40 : i32
      %lt3A_138 = arith.cmpi slt, %add3A_137, %lt3A : i32
      %convert_element_type3A = arith.extui %lt3A_138 : i1 to i32
      %cond3A = arith.constant 0 : i32
      %cond3A_139 = arith.cmpi ne, %convert_element_type3A, %cond3A : i32
      scf.if %cond3A_139 {
        %dma_wait3A_151 = arith.constant 0 : i32
        %dma_wait3A_152 = arith.constant 0 : i32
        %dma_wait3A_153 = arith.constant 0 : i32
        %dma_wait3A_154 = tpu.memref_slice %arg9[%dma_wait3A_151, %dma_wait3A_152, %dma_wait3A_153] : memref<2x128x128xf32, #tpu.memory_space<vmem>> -> memref<1x128x128xf32, #tpu.memory_space<vmem>>
        %dma_wait3A_155 = tpu.memref_squeeze %dma_wait3A_154 : memref<1x128x128xf32, #tpu.memory_space<vmem>> -> memref<128x128xf32, #tpu.memory_space<vmem>>
        %dma_wait3A_156 = arith.constant 0 : i32
        %dma_wait3A_157 = tpu.memref_slice %arg8[%add3A_135, %dma_wait3A_156] : memref<40x128xi32, #tpu.memory_space<vmem>> -> memref<1x128xi32, #tpu.memory_space<vmem>>
        %dma_wait3A_158 = tpu.memref_squeeze %dma_wait3A_157 : memref<1x128xi32, #tpu.memory_space<vmem>> -> memref<128xi32, #tpu.memory_space<vmem>>
        %dma_wait3A_159 = arith.constant 0 : i32
        %dma_wait3A_160 = arith.constant 0 : i32
        %dma_wait3A_161 = tpu.memref_slice %arg6[%dma_wait3A_159, %dma_wait3A_160] : memref<10240x128xf32, #tpu.memory_space<vmem_shared>> -> memref<10240x128xf32, #tpu.memory_space<vmem_shared>>
        tpu.wait_indirect_dma semaphore(%arg12 : memref<!tpu.dma_semaphore, #tpu.memory_space<semaphore_mem>>) src(%dma_wait3A_155 : memref<128x128xf32, #tpu.memory_space<vmem>>) dst(%dma_wait3A_161 : memref<10240x128xf32, #tpu.memory_space<vmem_shared>>)
        %dma_start3A_162 = arith.constant 0 : i32
        %dma_start3A_163 = arith.constant 0 : i32
        %dma_start3A_164 = arith.constant 0 : i32
        %dma_start3A_165 = tpu.memref_slice %arg9[%dma_start3A_162, %dma_start3A_163, %dma_start3A_164] : memref<2x128x128xf32, #tpu.memory_space<vmem>> -> memref<1x128x128xf32, #tpu.memory_space<vmem>>
        %dma_start3A_166 = tpu.memref_squeeze %dma_start3A_165 : memref<1x128x128xf32, #tpu.memory_space<vmem>> -> memref<128x128xf32, #tpu.memory_space<vmem>>
        %dma_start3A_167 = arith.constant 0 : i32
        %dma_start3A_168 = tpu.memref_slice %arg7[%add3A_137, %dma_start3A_167] : memref<40x128xi32, #tpu.memory_space<vmem>> -> memref<1x128xi32, #tpu.memory_space<vmem>>
        %dma_start3A_169 = tpu.memref_squeeze %dma_start3A_168 : memref<1x128xi32, #tpu.memory_space<vmem>> -> memref<128xi32, #tpu.memory_space<vmem>>
        %dma_start3A_170 = arith.constant 0 : i32
        %dma_start3A_171 = arith.constant 0 : i32
        %dma_start3A_172 = tpu.memref_slice %arg2[%dma_start3A_170, %dma_start3A_171] : memref<10000x128xf32, #tpu.memory_space<hbm>> -> memref<10000x128xf32, #tpu.memory_space<hbm>>
        tpu.enqueue_indirect_dma source(%dma_start3A_172 : memref<10000x128xf32, #tpu.memory_space<hbm>>) target(%dma_start3A_166 : memref<128x128xf32, #tpu.memory_space<vmem>>) offsets(%dma_start3A_169 : memref<128xi32, #tpu.memory_space<vmem>>) semaphore(%arg10 : memref<!tpu.dma_semaphore, #tpu.memory_space<semaphore_mem>>)
      } else {
      }
      %mul3A_140 = arith.constant 2 : i32
      %mul3A_141 = arith.muli %scan3A_79, %mul3A_140 : i32
      %add3A_142 = arith.constant 1 : i32
      %add3A_143 = arith.addi %mul3A_141, %add3A_142 : i32
      %add3A_144 = arith.constant 2 : i32
      %add3A_145 = arith.addi %add3A_143, %add3A_144 : i32
      %lt3A_146 = arith.constant 40 : i32
      %lt3A_147 = arith.cmpi slt, %add3A_145, %lt3A_146 : i32
      %convert_element_type3A_148 = arith.extui %lt3A_147 : i1 to i32
      %cond3A_149 = arith.constant 0 : i32
      %cond3A_150 = arith.cmpi ne, %convert_element_type3A_148, %cond3A_149 : i32
      scf.if %cond3A_150 {
        %dma_wait3A_151 = arith.constant 1 : i32
        %dma_wait3A_152 = arith.constant 0 : i32
        %dma_wait3A_153 = arith.constant 0 : i32
        %dma_wait3A_154 = tpu.memref_slice %arg9[%dma_wait3A_151, %dma_wait3A_152, %dma_wait3A_153] : memref<2x128x128xf32, #tpu.memory_space<vmem>> -> memref<1x128x128xf32, #tpu.memory_space<vmem>>
        %dma_wait3A_155 = tpu.memref_squeeze %dma_wait3A_154 : memref<1x128x128xf32, #tpu.memory_space<vmem>> -> memref<128x128xf32, #tpu.memory_space<vmem>>
        %dma_wait3A_156 = arith.constant 0 : i32
        %dma_wait3A_157 = tpu.memref_slice %arg8[%add3A_143, %dma_wait3A_156] : memref<40x128xi32, #tpu.memory_space<vmem>> -> memref<1x128xi32, #tpu.memory_space<vmem>>
        %dma_wait3A_158 = tpu.memref_squeeze %dma_wait3A_157 : memref<1x128xi32, #tpu.memory_space<vmem>> -> memref<128xi32, #tpu.memory_space<vmem>>
        %dma_wait3A_159 = arith.constant 0 : i32
        %dma_wait3A_160 = arith.constant 0 : i32
        %dma_wait3A_161 = tpu.memref_slice %arg6[%dma_wait3A_159, %dma_wait3A_160] : memref<10240x128xf32, #tpu.memory_space<vmem_shared>> -> memref<10240x128xf32, #tpu.memory_space<vmem_shared>>
        tpu.wait_indirect_dma semaphore(%arg13 : memref<!tpu.dma_semaphore, #tpu.memory_space<semaphore_mem>>) src(%dma_wait3A_155 : memref<128x128xf32, #tpu.memory_space<vmem>>) dst(%dma_wait3A_161 : memref<10240x128xf32, #tpu.memory_space<vmem_shared>>)
        %dma_start3A_162 = arith.constant 1 : i32
        %dma_start3A_163 = arith.constant 0 : i32
        %dma_start3A_164 = arith.constant 0 : i32
        %dma_start3A_165 = tpu.memref_slice %arg9[%dma_start3A_162, %dma_start3A_163, %dma_start3A_164] : memref<2x128x128xf32, #tpu.memory_space<vmem>> -> memref<1x128x128xf32, #tpu.memory_space<vmem>>
        %dma_start3A_166 = tpu.memref_squeeze %dma_start3A_165 : memref<1x128x128xf32, #tpu.memory_space<vmem>> -> memref<128x128xf32, #tpu.memory_space<vmem>>
        %dma_start3A_167 = arith.constant 0 : i32
        %dma_start3A_168 = tpu.memref_slice %arg7[%add3A_145, %dma_start3A_167] : memref<40x128xi32, #tpu.memory_space<vmem>> -> memref<1x128xi32, #tpu.memory_space<vmem>>
        %dma_start3A_169 = tpu.memref_squeeze %dma_start3A_168 : memref<1x128xi32, #tpu.memory_space<vmem>> -> memref<128xi32, #tpu.memory_space<vmem>>
        %dma_start3A_170 = arith.constant 0 : i32
        %dma_start3A_171 = arith.constant 0 : i32
        %dma_start3A_172 = tpu.memref_slice %arg2[%dma_start3A_170, %dma_start3A_171] : memref<10000x128xf32, #tpu.memory_space<hbm>> -> memref<10000x128xf32, #tpu.memory_space<hbm>>
        tpu.enqueue_indirect_dma source(%dma_start3A_172 : memref<10000x128xf32, #tpu.memory_space<hbm>>) target(%dma_start3A_166 : memref<128x128xf32, #tpu.memory_space<vmem>>) offsets(%dma_start3A_169 : memref<128xi32, #tpu.memory_space<vmem>>) semaphore(%arg11 : memref<!tpu.dma_semaphore, #tpu.memory_space<semaphore_mem>>)
      } else {
      }
    }
    %scan3A_54 = arith.constant 20 : i32
    %dma_wait3A = arith.constant 0 : i32
    %dma_wait3A_55 = arith.constant 38 : i32
    %dma_wait3A_56 = arith.constant 0 : i32
    %dma_wait3A_57 = arith.constant 0 : i32
    %dma_wait3A_58 = tpu.memref_slice %arg9[%dma_wait3A, %dma_wait3A_56, %dma_wait3A_57] : memref<2x128x128xf32, #tpu.memory_space<vmem>> -> memref<1x128x128xf32, #tpu.memory_space<vmem>>
    %dma_wait3A_59 = tpu.memref_squeeze %dma_wait3A_58 : memref<1x128x128xf32, #tpu.memory_space<vmem>> -> memref<128x128xf32, #tpu.memory_space<vmem>>
    %dma_wait3A_60 = arith.constant 0 : i32
    %dma_wait3A_61 = tpu.memref_slice %arg8[%dma_wait3A_55, %dma_wait3A_60] : memref<40x128xi32, #tpu.memory_space<vmem>> -> memref<1x128xi32, #tpu.memory_space<vmem>>
    %dma_wait3A_62 = tpu.memref_squeeze %dma_wait3A_61 : memref<1x128xi32, #tpu.memory_space<vmem>> -> memref<128xi32, #tpu.memory_space<vmem>>
    %dma_wait3A_63 = arith.constant 0 : i32
    %dma_wait3A_64 = arith.constant 0 : i32
    %dma_wait3A_65 = tpu.memref_slice %arg6[%dma_wait3A_63, %dma_wait3A_64] : memref<10240x128xf32, #tpu.memory_space<vmem_shared>> -> memref<10240x128xf32, #tpu.memory_space<vmem_shared>>
    tpu.wait_indirect_dma semaphore(%arg12 : memref<!tpu.dma_semaphore, #tpu.memory_space<semaphore_mem>>) src(%dma_wait3A_59 : memref<128x128xf32, #tpu.memory_space<vmem>>) dst(%dma_wait3A_65 : memref<10240x128xf32, #tpu.memory_space<vmem_shared>>)
    %dma_wait3A_66 = arith.constant 1 : i32
    %dma_wait3A_67 = arith.constant 39 : i32
    %dma_wait3A_68 = arith.constant 0 : i32
    %dma_wait3A_69 = arith.constant 0 : i32
    %dma_wait3A_70 = tpu.memref_slice %arg9[%dma_wait3A_66, %dma_wait3A_68, %dma_wait3A_69] : memref<2x128x128xf32, #tpu.memory_space<vmem>> -> memref<1x128x128xf32, #tpu.memory_space<vmem>>
    %dma_wait3A_71 = tpu.memref_squeeze %dma_wait3A_70 : memref<1x128x128xf32, #tpu.memory_space<vmem>> -> memref<128x128xf32, #tpu.memory_space<vmem>>
    %dma_wait3A_72 = arith.constant 0 : i32
    %dma_wait3A_73 = tpu.memref_slice %arg8[%dma_wait3A_67, %dma_wait3A_72] : memref<40x128xi32, #tpu.memory_space<vmem>> -> memref<1x128xi32, #tpu.memory_space<vmem>>
    %dma_wait3A_74 = tpu.memref_squeeze %dma_wait3A_73 : memref<1x128xi32, #tpu.memory_space<vmem>> -> memref<128xi32, #tpu.memory_space<vmem>>
    %dma_wait3A_75 = arith.constant 0 : i32
    %dma_wait3A_76 = arith.constant 0 : i32
    %dma_wait3A_77 = tpu.memref_slice %arg6[%dma_wait3A_75, %dma_wait3A_76] : memref<10240x128xf32, #tpu.memory_space<vmem_shared>> -> memref<10240x128xf32, #tpu.memory_space<vmem_shared>>
    tpu.wait_indirect_dma semaphore(%arg13 : memref<!tpu.dma_semaphore, #tpu.memory_space<semaphore_mem>>) src(%dma_wait3A_71 : memref<128x128xf32, #tpu.memory_space<vmem>>) dst(%dma_wait3A_77 : memref<10240x128xf32, #tpu.memory_space<vmem_shared>>)
    %barrier3A_78 = arith.constant 0 : index
    tpu.barrier barrier_id(%barrier3A_78)
    "tpu.region"() ({
      %run_scoped3A_79 = tpu.sem_alloc : memref<!tpu.dma_semaphore, #tpu.memory_space<semaphore_mem>>
      %dma_start3A_80 = arith.constant 0 : i32
      %dma_start3A_81 = tpu.memref_slice %arg5[%arg0, %mul3A_6, %dma_start3A_80] : memref<2x10240x128xf32, #tpu.memory_space<hbm>> -> memref<1x640x128xf32, #tpu.memory_space<hbm>>
      %dma_start3A_82 = tpu.memref_squeeze %dma_start3A_81 : memref<1x640x128xf32, #tpu.memory_space<hbm>> -> memref<640x128xf32, #tpu.memory_space<hbm>>
      %dma_start3A_83 = arith.constant 0 : i32
      %dma_start3A_84 = tpu.memref_slice %arg6[%mul3A_6, %dma_start3A_83] : memref<10240x128xf32, #tpu.memory_space<vmem_shared>> -> memref<640x128xf32, #tpu.memory_space<vmem_shared>>
      tpu.enqueue_dma source(%dma_start3A_84 : memref<640x128xf32, #tpu.memory_space<vmem_shared>>) target(%dma_start3A_82 : memref<640x128xf32, #tpu.memory_space<hbm>>) target_semaphore(%run_scoped3A_79 : memref<!tpu.dma_semaphore, #tpu.memory_space<semaphore_mem>>)
      %dma_wait3A_85 = arith.constant 0 : i32
      %dma_wait3A_86 = tpu.memref_slice %arg5[%arg0, %mul3A_6, %dma_wait3A_85] : memref<2x10240x128xf32, #tpu.memory_space<hbm>> -> memref<1x640x128xf32, #tpu.memory_space<hbm>>
      %dma_wait3A_87 = tpu.memref_squeeze %dma_wait3A_86 : memref<1x640x128xf32, #tpu.memory_space<hbm>> -> memref<640x128xf32, #tpu.memory_space<hbm>>
      %dma_wait3A_88 = arith.constant 0 : i32
      %dma_wait3A_89 = tpu.memref_slice %arg6[%mul3A_6, %dma_wait3A_88] : memref<10240x128xf32, #tpu.memory_space<vmem_shared>> -> memref<640x128xf32, #tpu.memory_space<vmem_shared>>
      tpu.wait_dma2 semaphore(%run_scoped3A_79 : memref<!tpu.dma_semaphore, #tpu.memory_space<semaphore_mem>>) src(%dma_wait3A_89 : memref<640x128xf32, #tpu.memory_space<vmem_shared>>) dst(%dma_wait3A_87 : memref<640x128xf32, #tpu.memory_space<hbm>>)
      tpu.yield
    }) : () -> ()
    return
  }
}

#map = affine_map<(d0, d1) -> (0, 0)>
#map1 = affine_map<(d0, d1) -> (0, 0, 0)>
module attributes {stable_mosaic.version = 14 : i64} {
  func.func @agg(%arg0: i32, %arg1: i32, %arg2: memref<10000x128xf32, #tpu.memory_space<hbm>>, %arg3: memref<10000x128xf32, #tpu.memory_space<hbm>>, %arg4: memref<10000x128xf32, #tpu.memory_space<hbm>>, %arg5: memref<10000x128xf32, #tpu.memory_space<hbm>>, %arg6: memref<1280x128xi32, #tpu.memory_space<hbm>>, %arg7: memref<1280x128xi32, #tpu.memory_space<hbm>>, %arg8: memref<2x10240x128xf32, #tpu.memory_space<hbm>>, %arg9: memref<2x10240x128xf32, #tpu.memory_space<hbm>>, %arg10: memref<2x10240x128xf32, #tpu.memory_space<hbm>>, %arg11: memref<2x10240x128xf32, #tpu.memory_space<hbm>>, %arg12: memref<10240x128xf32, #tpu.memory_space<vmem_shared>>, %arg13: memref<40x128xi32, #tpu.memory_space<vmem>>, %arg14: memref<40x128xi32, #tpu.memory_space<vmem>>, %arg15: memref<2x128x128xf32, #tpu.memory_space<vmem>>, %arg16: memref<!tpu.dma_semaphore, #tpu.memory_space<semaphore_mem>>, %arg17: memref<!tpu.dma_semaphore, #tpu.memory_space<semaphore_mem>>, %arg18: memref<!tpu.dma_semaphore, #tpu.memory_space<semaphore_mem>>, %arg19: memref<!tpu.dma_semaphore, #tpu.memory_space<semaphore_mem>>) attributes {dimension_semantics = [#tpu.dimension_semantics<core_parallel>, #tpu.dimension_semantics<subcore_parallel>], iteration_bounds = array<i64: 2, 16>, scalar_prefetch = 0 : i64, scratch_operands = 8 : i64, tpu.core_type = #tpu.core_type<sc_vector_subcore>, window_params = [{transform_indices = #map}, {transform_indices = #map}, {transform_indices = #map}, {transform_indices = #map}, {transform_indices = #map}, {transform_indices = #map}, {transform_indices = #map1}, {transform_indices = #map1}, {transform_indices = #map1}, {transform_indices = #map1}]} {
    %mul3A = arith.constant 2 : i32
    %mul3A_0 = arith.muli %arg1, %mul3A : i32
    %add3A = arith.addi %mul3A_0, %arg0 : i32
    %mul3A_1 = arith.constant 40 : i32
    %mul3A_2 = arith.muli %add3A, %mul3A_1 : i32
    "tpu.region"() ({
      %run_scoped3A_310 = tpu.sem_alloc : memref<!tpu.dma_semaphore, #tpu.memory_space<semaphore_mem>>
      %dma_start3A_311 = arith.constant 0 : i32
      %dma_start3A_312 = tpu.memref_slice %arg6[%mul3A_2, %dma_start3A_311] : memref<1280x128xi32, #tpu.memory_space<hbm>> -> memref<40x128xi32, #tpu.memory_space<hbm>>
      %dma_start3A_313 = arith.constant 0 : i32
      %dma_start3A_314 = tpu.memref_slice %arg6[%mul3A_2, %dma_start3A_313] : memref<1280x128xi32, #tpu.memory_space<hbm>> -> memref<40x128xi32, #tpu.memory_space<hbm>>
      tpu.enqueue_dma source(%dma_start3A_314 : memref<40x128xi32, #tpu.memory_space<hbm>>) target(%arg13 : memref<40x128xi32, #tpu.memory_space<vmem>>) target_semaphore(%run_scoped3A_310 : memref<!tpu.dma_semaphore, #tpu.memory_space<semaphore_mem>>)
      %dma_wait3A_315 = arith.constant 0 : i32
      %dma_wait3A_316 = tpu.memref_slice %arg6[%mul3A_2, %dma_wait3A_315] : memref<1280x128xi32, #tpu.memory_space<hbm>> -> memref<40x128xi32, #tpu.memory_space<hbm>>
      %dma_wait3A_317 = arith.constant 0 : i32
      %dma_wait3A_318 = tpu.memref_slice %arg6[%mul3A_2, %dma_wait3A_317] : memref<1280x128xi32, #tpu.memory_space<hbm>> -> memref<40x128xi32, #tpu.memory_space<hbm>>
      tpu.wait_dma2 semaphore(%run_scoped3A_310 : memref<!tpu.dma_semaphore, #tpu.memory_space<semaphore_mem>>) src(%dma_wait3A_318 : memref<40x128xi32, #tpu.memory_space<hbm>>) dst(%arg13 : memref<40x128xi32, #tpu.memory_space<vmem>>)
      tpu.yield
    }) : () -> ()
    %mul3A_3 = arith.constant 40 : i32
    %mul3A_4 = arith.muli %add3A, %mul3A_3 : i32
    "tpu.region"() ({
      %run_scoped3A_310 = tpu.sem_alloc : memref<!tpu.dma_semaphore, #tpu.memory_space<semaphore_mem>>
      %dma_start3A_311 = arith.constant 0 : i32
      %dma_start3A_312 = tpu.memref_slice %arg7[%mul3A_4, %dma_start3A_311] : memref<1280x128xi32, #tpu.memory_space<hbm>> -> memref<40x128xi32, #tpu.memory_space<hbm>>
      %dma_start3A_313 = arith.constant 0 : i32
      %dma_start3A_314 = tpu.memref_slice %arg7[%mul3A_4, %dma_start3A_313] : memref<1280x128xi32, #tpu.memory_space<hbm>> -> memref<40x128xi32, #tpu.memory_space<hbm>>
      tpu.enqueue_dma source(%dma_start3A_314 : memref<40x128xi32, #tpu.memory_space<hbm>>) target(%arg14 : memref<40x128xi32, #tpu.memory_space<vmem>>) target_semaphore(%run_scoped3A_310 : memref<!tpu.dma_semaphore, #tpu.memory_space<semaphore_mem>>)
      %dma_wait3A_315 = arith.constant 0 : i32
      %dma_wait3A_316 = tpu.memref_slice %arg7[%mul3A_4, %dma_wait3A_315] : memref<1280x128xi32, #tpu.memory_space<hbm>> -> memref<40x128xi32, #tpu.memory_space<hbm>>
      %dma_wait3A_317 = arith.constant 0 : i32
      %dma_wait3A_318 = tpu.memref_slice %arg7[%mul3A_4, %dma_wait3A_317] : memref<1280x128xi32, #tpu.memory_space<hbm>> -> memref<40x128xi32, #tpu.memory_space<hbm>>
      tpu.wait_dma2 semaphore(%run_scoped3A_310 : memref<!tpu.dma_semaphore, #tpu.memory_space<semaphore_mem>>) src(%dma_wait3A_318 : memref<40x128xi32, #tpu.memory_space<hbm>>) dst(%arg14 : memref<40x128xi32, #tpu.memory_space<vmem>>)
      tpu.yield
    }) : () -> ()
    %mul3A_5 = arith.constant 640 : i32
    %mul3A_6 = arith.muli %arg1, %mul3A_5 : i32
    %scan3A = arith.constant 0 : i32
    %scan3A_7 = arith.constant 0 : i32
    %scan3A_8 = arith.constant 128 : i32
    %scan3A_9 = arith.addi %scan3A_7, %scan3A_8 : i32
    %scan3A_10 = arith.constant 1 : i32
    scf.for %scan3A_310 = %scan3A_7 to %scan3A_9 step %scan3A_10  : i32 {
      %broadcast_in_dim3A = arith.constant 0.000000e+00 : f32
      %broadcast_in_dim3A_311 = vector.broadcast %broadcast_in_dim3A : f32 to vector<16xf32>
      %swap3A = arith.constant 0 : i32
      %swap3A_312 = arith.index_cast %swap3A : i32 to index
      %swap3A_313 = arith.index_cast %scan3A_310 : i32 to index
      %swap3A_314 = arith.constant 0 : index
      %swap3A_315 = tpu.vector_load %arg15[%swap3A_312, %swap3A_313, %swap3A_314] {strides = array<i32>} : memref<2x128x128xf32, #tpu.memory_space<vmem>>, vector<1x1x16xf32>,
      %swap3A_316 = vector.shape_cast %swap3A_315 : vector<1x1x16xf32> to vector<16xf32>
      %swap3A_317 = vector.shape_cast %broadcast_in_dim3A_311 : vector<16xf32> to vector<1x1x16xf32>
      tpu.vector_store %arg15[%swap3A_312, %swap3A_313, %swap3A_314], %swap3A_317 {strides = array<i32>} : memref<2x128x128xf32, #tpu.memory_space<vmem>>, vector<1x1x16xf32>,
      %broadcast_in_dim3A_318 = arith.constant 0.000000e+00 : f32
      %broadcast_in_dim3A_319 = vector.broadcast %broadcast_in_dim3A_318 : f32 to vector<16xf32>
      %swap3A_320 = arith.constant 0 : i32
      %swap3A_321 = arith.index_cast %swap3A_320 : i32 to index
      %swap3A_322 = arith.index_cast %scan3A_310 : i32 to index
      %swap3A_323 = arith.constant 16 : index
      %swap3A_324 = tpu.vector_load %arg15[%swap3A_321, %swap3A_322, %swap3A_323] {strides = array<i32>} : memref<2x128x128xf32, #tpu.memory_space<vmem>>, vector<1x1x16xf32>,
      %swap3A_325 = vector.shape_cast %swap3A_324 : vector<1x1x16xf32> to vector<16xf32>
      %swap3A_326 = vector.shape_cast %broadcast_in_dim3A_319 : vector<16xf32> to vector<1x1x16xf32>
      tpu.vector_store %arg15[%swap3A_321, %swap3A_322, %swap3A_323], %swap3A_326 {strides = array<i32>} : memref<2x128x128xf32, #tpu.memory_space<vmem>>, vector<1x1x16xf32>,
      %broadcast_in_dim3A_327 = arith.constant 0.000000e+00 : f32
      %broadcast_in_dim3A_328 = vector.broadcast %broadcast_in_dim3A_327 : f32 to vector<16xf32>
      %swap3A_329 = arith.constant 0 : i32
      %swap3A_330 = arith.index_cast %swap3A_329 : i32 to index
      %swap3A_331 = arith.index_cast %scan3A_310 : i32 to index
      %swap3A_332 = arith.constant 32 : index
      %swap3A_333 = tpu.vector_load %arg15[%swap3A_330, %swap3A_331, %swap3A_332] {strides = array<i32>} : memref<2x128x128xf32, #tpu.memory_space<vmem>>, vector<1x1x16xf32>,
      %swap3A_334 = vector.shape_cast %swap3A_333 : vector<1x1x16xf32> to vector<16xf32>
      %swap3A_335 = vector.shape_cast %broadcast_in_dim3A_328 : vector<16xf32> to vector<1x1x16xf32>
      tpu.vector_store %arg15[%swap3A_330, %swap3A_331, %swap3A_332], %swap3A_335 {strides = array<i32>} : memref<2x128x128xf32, #tpu.memory_space<vmem>>, vector<1x1x16xf32>,
      %broadcast_in_dim3A_336 = arith.constant 0.000000e+00 : f32
      %broadcast_in_dim3A_337 = vector.broadcast %broadcast_in_dim3A_336 : f32 to vector<16xf32>
      %swap3A_338 = arith.constant 0 : i32
      %swap3A_339 = arith.index_cast %swap3A_338 : i32 to index
      %swap3A_340 = arith.index_cast %scan3A_310 : i32 to index
      %swap3A_341 = arith.constant 48 : index
      %swap3A_342 = tpu.vector_load %arg15[%swap3A_339, %swap3A_340, %swap3A_341] {strides = array<i32>} : memref<2x128x128xf32, #tpu.memory_space<vmem>>, vector<1x1x16xf32>,
      %swap3A_343 = vector.shape_cast %swap3A_342 : vector<1x1x16xf32> to vector<16xf32>
      %swap3A_344 = vector.shape_cast %broadcast_in_dim3A_337 : vector<16xf32> to vector<1x1x16xf32>
      tpu.vector_store %arg15[%swap3A_339, %swap3A_340, %swap3A_341], %swap3A_344 {strides = array<i32>} : memref<2x128x128xf32, #tpu.memory_space<vmem>>, vector<1x1x16xf32>,
      %broadcast_in_dim3A_345 = arith.constant 0.000000e+00 : f32
      %broadcast_in_dim3A_346 = vector.broadcast %broadcast_in_dim3A_345 : f32 to vector<16xf32>
      %swap3A_347 = arith.constant 0 : i32
      %swap3A_348 = arith.index_cast %swap3A_347 : i32 to index
      %swap3A_349 = arith.index_cast %scan3A_310 : i32 to index
      %swap3A_350 = arith.constant 64 : index
      %swap3A_351 = tpu.vector_load %arg15[%swap3A_348, %swap3A_349, %swap3A_350] {strides = array<i32>} : memref<2x128x128xf32, #tpu.memory_space<vmem>>, vector<1x1x16xf32>,
      %swap3A_352 = vector.shape_cast %swap3A_351 : vector<1x1x16xf32> to vector<16xf32>
      %swap3A_353 = vector.shape_cast %broadcast_in_dim3A_346 : vector<16xf32> to vector<1x1x16xf32>
      tpu.vector_store %arg15[%swap3A_348, %swap3A_349, %swap3A_350], %swap3A_353 {strides = array<i32>} : memref<2x128x128xf32, #tpu.memory_space<vmem>>, vector<1x1x16xf32>,
      %broadcast_in_dim3A_354 = arith.constant 0.000000e+00 : f32
      %broadcast_in_dim3A_355 = vector.broadcast %broadcast_in_dim3A_354 : f32 to vector<16xf32>
      %swap3A_356 = arith.constant 0 : i32
      %swap3A_357 = arith.index_cast %swap3A_356 : i32 to index
      %swap3A_358 = arith.index_cast %scan3A_310 : i32 to index
      %swap3A_359 = arith.constant 80 : index
      %swap3A_360 = tpu.vector_load %arg15[%swap3A_357, %swap3A_358, %swap3A_359] {strides = array<i32>} : memref<2x128x128xf32, #tpu.memory_space<vmem>>, vector<1x1x16xf32>,
      %swap3A_361 = vector.shape_cast %swap3A_360 : vector<1x1x16xf32> to vector<16xf32>
      %swap3A_362 = vector.shape_cast %broadcast_in_dim3A_355 : vector<16xf32> to vector<1x1x16xf32>
      tpu.vector_store %arg15[%swap3A_357, %swap3A_358, %swap3A_359], %swap3A_362 {strides = array<i32>} : memref<2x128x128xf32, #tpu.memory_space<vmem>>, vector<1x1x16xf32>,
      %broadcast_in_dim3A_363 = arith.constant 0.000000e+00 : f32
      %broadcast_in_dim3A_364 = vector.broadcast %broadcast_in_dim3A_363 : f32 to vector<16xf32>
      %swap3A_365 = arith.constant 0 : i32
      %swap3A_366 = arith.index_cast %swap3A_365 : i32 to index
      %swap3A_367 = arith.index_cast %scan3A_310 : i32 to index
      %swap3A_368 = arith.constant 96 : index
      %swap3A_369 = tpu.vector_load %arg15[%swap3A_366, %swap3A_367, %swap3A_368] {strides = array<i32>} : memref<2x128x128xf32, #tpu.memory_space<vmem>>, vector<1x1x16xf32>,
      %swap3A_370 = vector.shape_cast %swap3A_369 : vector<1x1x16xf32> to vector<16xf32>
      %swap3A_371 = vector.shape_cast %broadcast_in_dim3A_364 : vector<16xf32> to vector<1x1x16xf32>
      tpu.vector_store %arg15[%swap3A_366, %swap3A_367, %swap3A_368], %swap3A_371 {strides = array<i32>} : memref<2x128x128xf32, #tpu.memory_space<vmem>>, vector<1x1x16xf32>,
      %broadcast_in_dim3A_372 = arith.constant 0.000000e+00 : f32
      %broadcast_in_dim3A_373 = vector.broadcast %broadcast_in_dim3A_372 : f32 to vector<16xf32>
      %swap3A_374 = arith.constant 0 : i32
      %swap3A_375 = arith.index_cast %swap3A_374 : i32 to index
      %swap3A_376 = arith.index_cast %scan3A_310 : i32 to index
      %swap3A_377 = arith.constant 112 : index
      %swap3A_378 = tpu.vector_load %arg15[%swap3A_375, %swap3A_376, %swap3A_377] {strides = array<i32>} : memref<2x128x128xf32, #tpu.memory_space<vmem>>, vector<1x1x16xf32>,
      %swap3A_379 = vector.shape_cast %swap3A_378 : vector<1x1x16xf32> to vector<16xf32>
      %swap3A_380 = vector.shape_cast %broadcast_in_dim3A_373 : vector<16xf32> to vector<1x1x16xf32>
      tpu.vector_store %arg15[%swap3A_375, %swap3A_376, %swap3A_377], %swap3A_380 {strides = array<i32>} : memref<2x128x128xf32, #tpu.memory_space<vmem>>, vector<1x1x16xf32>,
    }
    %scan3A_11 = arith.constant 128 : i32
    %add3A_12 = arith.constant 0 : i32
    %add3A_13 = arith.addi %mul3A_6, %add3A_12 : i32
    %run_scoped3A = arith.constant 0 : i32
    "tpu.region"() ({
      %run_scoped3A_310 = tpu.sem_alloc : memref<!tpu.dma_semaphore, #tpu.memory_space<semaphore_mem>>
      %dma_start3A_311 = arith.constant 0 : i32
      %dma_start3A_312 = arith.constant 0 : i32
      %dma_start3A_313 = tpu.memref_slice %arg15[%run_scoped3A, %dma_start3A_311, %dma_start3A_312] : memref<2x128x128xf32, #tpu.memory_space<vmem>> -> memref<1x128x128xf32, #tpu.memory_space<vmem>>
      %dma_start3A_314 = tpu.memref_squeeze %dma_start3A_313 : memref<1x128x128xf32, #tpu.memory_space<vmem>> -> memref<128x128xf32, #tpu.memory_space<vmem>>
      %dma_start3A_315 = arith.constant 0 : i32
      %dma_start3A_316 = tpu.memref_slice %arg12[%add3A_13, %dma_start3A_315] : memref<10240x128xf32, #tpu.memory_space<vmem_shared>> -> memref<128x128xf32, #tpu.memory_space<vmem_shared>>
      %dma_start3A_317 = arith.constant 0 : i32
      %dma_start3A_318 = tpu.memref_slice %arg12[%add3A_13, %dma_start3A_317] : memref<10240x128xf32, #tpu.memory_space<vmem_shared>> -> memref<128x128xf32, #tpu.memory_space<vmem_shared>>
      %dma_start3A_319 = arith.constant 0 : i32
      %dma_start3A_320 = arith.constant 0 : i32
      %dma_start3A_321 = tpu.memref_slice %arg15[%run_scoped3A, %dma_start3A_319, %dma_start3A_320] : memref<2x128x128xf32, #tpu.memory_space<vmem>> -> memref<1x128x128xf32, #tpu.memory_space<vmem>>
      %dma_start3A_322 = tpu.memref_squeeze %dma_start3A_321 : memref<1x128x128xf32, #tpu.memory_space<vmem>> -> memref<128x128xf32, #tpu.memory_space<vmem>>
      tpu.enqueue_dma source(%dma_start3A_322 : memref<128x128xf32, #tpu.memory_space<vmem>>) target(%dma_start3A_318 : memref<128x128xf32, #tpu.memory_space<vmem_shared>>) target_semaphore(%run_scoped3A_310 : memref<!tpu.dma_semaphore, #tpu.memory_space<semaphore_mem>>)
      %dma_wait3A_323 = arith.constant 0 : i32
      %dma_wait3A_324 = arith.constant 0 : i32
      %dma_wait3A_325 = tpu.memref_slice %arg15[%run_scoped3A, %dma_wait3A_323, %dma_wait3A_324] : memref<2x128x128xf32, #tpu.memory_space<vmem>> -> memref<1x128x128xf32, #tpu.memory_space<vmem>>
      %dma_wait3A_326 = tpu.memref_squeeze %dma_wait3A_325 : memref<1x128x128xf32, #tpu.memory_space<vmem>> -> memref<128x128xf32, #tpu.memory_space<vmem>>
      %dma_wait3A_327 = arith.constant 0 : i32
      %dma_wait3A_328 = tpu.memref_slice %arg12[%add3A_13, %dma_wait3A_327] : memref<10240x128xf32, #tpu.memory_space<vmem_shared>> -> memref<128x128xf32, #tpu.memory_space<vmem_shared>>
      %dma_wait3A_329 = arith.constant 0 : i32
      %dma_wait3A_330 = tpu.memref_slice %arg12[%add3A_13, %dma_wait3A_329] : memref<10240x128xf32, #tpu.memory_space<vmem_shared>> -> memref<128x128xf32, #tpu.memory_space<vmem_shared>>
      %dma_wait3A_331 = arith.constant 0 : i32
      %dma_wait3A_332 = arith.constant 0 : i32
      %dma_wait3A_333 = tpu.memref_slice %arg15[%run_scoped3A, %dma_wait3A_331, %dma_wait3A_332] : memref<2x128x128xf32, #tpu.memory_space<vmem>> -> memref<1x128x128xf32, #tpu.memory_space<vmem>>
      %dma_wait3A_334 = tpu.memref_squeeze %dma_wait3A_333 : memref<1x128x128xf32, #tpu.memory_space<vmem>> -> memref<128x128xf32, #tpu.memory_space<vmem>>
      tpu.wait_dma2 semaphore(%run_scoped3A_310 : memref<!tpu.dma_semaphore, #tpu.memory_space<semaphore_mem>>) src(%dma_wait3A_334 : memref<128x128xf32, #tpu.memory_space<vmem>>) dst(%dma_wait3A_330 : memref<128x128xf32, #tpu.memory_space<vmem_shared>>)
      tpu.yield
    }) : () -> ()
    %add3A_14 = arith.constant 128 : i32
    %add3A_15 = arith.addi %mul3A_6, %add3A_14 : i32
    %run_scoped3A_16 = arith.constant 0 : i32
    "tpu.region"() ({
      %run_scoped3A_310 = tpu.sem_alloc : memref<!tpu.dma_semaphore, #tpu.memory_space<semaphore_mem>>
      %dma_start3A_311 = arith.constant 0 : i32
      %dma_start3A_312 = arith.constant 0 : i32
      %dma_start3A_313 = tpu.memref_slice %arg15[%run_scoped3A_16, %dma_start3A_311, %dma_start3A_312] : memref<2x128x128xf32, #tpu.memory_space<vmem>> -> memref<1x128x128xf32, #tpu.memory_space<vmem>>
      %dma_start3A_314 = tpu.memref_squeeze %dma_start3A_313 : memref<1x128x128xf32, #tpu.memory_space<vmem>> -> memref<128x128xf32, #tpu.memory_space<vmem>>
      %dma_start3A_315 = arith.constant 0 : i32
      %dma_start3A_316 = tpu.memref_slice %arg12[%add3A_15, %dma_start3A_315] : memref<10240x128xf32, #tpu.memory_space<vmem_shared>> -> memref<128x128xf32, #tpu.memory_space<vmem_shared>>
      %dma_start3A_317 = arith.constant 0 : i32
      %dma_start3A_318 = tpu.memref_slice %arg12[%add3A_15, %dma_start3A_317] : memref<10240x128xf32, #tpu.memory_space<vmem_shared>> -> memref<128x128xf32, #tpu.memory_space<vmem_shared>>
      %dma_start3A_319 = arith.constant 0 : i32
      %dma_start3A_320 = arith.constant 0 : i32
      %dma_start3A_321 = tpu.memref_slice %arg15[%run_scoped3A_16, %dma_start3A_319, %dma_start3A_320] : memref<2x128x128xf32, #tpu.memory_space<vmem>> -> memref<1x128x128xf32, #tpu.memory_space<vmem>>
      %dma_start3A_322 = tpu.memref_squeeze %dma_start3A_321 : memref<1x128x128xf32, #tpu.memory_space<vmem>> -> memref<128x128xf32, #tpu.memory_space<vmem>>
      tpu.enqueue_dma source(%dma_start3A_322 : memref<128x128xf32, #tpu.memory_space<vmem>>) target(%dma_start3A_318 : memref<128x128xf32, #tpu.memory_space<vmem_shared>>) target_semaphore(%run_scoped3A_310 : memref<!tpu.dma_semaphore, #tpu.memory_space<semaphore_mem>>)
      %dma_wait3A_323 = arith.constant 0 : i32
      %dma_wait3A_324 = arith.constant 0 : i32
      %dma_wait3A_325 = tpu.memref_slice %arg15[%run_scoped3A_16, %dma_wait3A_323, %dma_wait3A_324] : memref<2x128x128xf32, #tpu.memory_space<vmem>> -> memref<1x128x128xf32, #tpu.memory_space<vmem>>
      %dma_wait3A_326 = tpu.memref_squeeze %dma_wait3A_325 : memref<1x128x128xf32, #tpu.memory_space<vmem>> -> memref<128x128xf32, #tpu.memory_space<vmem>>
      %dma_wait3A_327 = arith.constant 0 : i32
      %dma_wait3A_328 = tpu.memref_slice %arg12[%add3A_15, %dma_wait3A_327] : memref<10240x128xf32, #tpu.memory_space<vmem_shared>> -> memref<128x128xf32, #tpu.memory_space<vmem_shared>>
      %dma_wait3A_329 = arith.constant 0 : i32
      %dma_wait3A_330 = tpu.memref_slice %arg12[%add3A_15, %dma_wait3A_329] : memref<10240x128xf32, #tpu.memory_space<vmem_shared>> -> memref<128x128xf32, #tpu.memory_space<vmem_shared>>
      %dma_wait3A_331 = arith.constant 0 : i32
      %dma_wait3A_332 = arith.constant 0 : i32
      %dma_wait3A_333 = tpu.memref_slice %arg15[%run_scoped3A_16, %dma_wait3A_331, %dma_wait3A_332] : memref<2x128x128xf32, #tpu.memory_space<vmem>> -> memref<1x128x128xf32, #tpu.memory_space<vmem>>
      %dma_wait3A_334 = tpu.memref_squeeze %dma_wait3A_333 : memref<1x128x128xf32, #tpu.memory_space<vmem>> -> memref<128x128xf32, #tpu.memory_space<vmem>>
      tpu.wait_dma2 semaphore(%run_scoped3A_310 : memref<!tpu.dma_semaphore, #tpu.memory_space<semaphore_mem>>) src(%dma_wait3A_334 : memref<128x128xf32, #tpu.memory_space<vmem>>) dst(%dma_wait3A_330 : memref<128x128xf32, #tpu.memory_space<vmem_shared>>)
      tpu.yield
    }) : () -> ()
    %add3A_17 = arith.constant 256 : i32
    %add3A_18 = arith.addi %mul3A_6, %add3A_17 : i32
    %run_scoped3A_19 = arith.constant 0 : i32
    "tpu.region"() ({
      %run_scoped3A_310 = tpu.sem_alloc : memref<!tpu.dma_semaphore, #tpu.memory_space<semaphore_mem>>
      %dma_start3A_311 = arith.constant 0 : i32
      %dma_start3A_312 = arith.constant 0 : i32
      %dma_start3A_313 = tpu.memref_slice %arg15[%run_scoped3A_19, %dma_start3A_311, %dma_start3A_312] : memref<2x128x128xf32, #tpu.memory_space<vmem>> -> memref<1x128x128xf32, #tpu.memory_space<vmem>>
      %dma_start3A_314 = tpu.memref_squeeze %dma_start3A_313 : memref<1x128x128xf32, #tpu.memory_space<vmem>> -> memref<128x128xf32, #tpu.memory_space<vmem>>
      %dma_start3A_315 = arith.constant 0 : i32
      %dma_start3A_316 = tpu.memref_slice %arg12[%add3A_18, %dma_start3A_315] : memref<10240x128xf32, #tpu.memory_space<vmem_shared>> -> memref<128x128xf32, #tpu.memory_space<vmem_shared>>
      %dma_start3A_317 = arith.constant 0 : i32
      %dma_start3A_318 = tpu.memref_slice %arg12[%add3A_18, %dma_start3A_317] : memref<10240x128xf32, #tpu.memory_space<vmem_shared>> -> memref<128x128xf32, #tpu.memory_space<vmem_shared>>
      %dma_start3A_319 = arith.constant 0 : i32
      %dma_start3A_320 = arith.constant 0 : i32
      %dma_start3A_321 = tpu.memref_slice %arg15[%run_scoped3A_19, %dma_start3A_319, %dma_start3A_320] : memref<2x128x128xf32, #tpu.memory_space<vmem>> -> memref<1x128x128xf32, #tpu.memory_space<vmem>>
      %dma_start3A_322 = tpu.memref_squeeze %dma_start3A_321 : memref<1x128x128xf32, #tpu.memory_space<vmem>> -> memref<128x128xf32, #tpu.memory_space<vmem>>
      tpu.enqueue_dma source(%dma_start3A_322 : memref<128x128xf32, #tpu.memory_space<vmem>>) target(%dma_start3A_318 : memref<128x128xf32, #tpu.memory_space<vmem_shared>>) target_semaphore(%run_scoped3A_310 : memref<!tpu.dma_semaphore, #tpu.memory_space<semaphore_mem>>)
      %dma_wait3A_323 = arith.constant 0 : i32
      %dma_wait3A_324 = arith.constant 0 : i32
      %dma_wait3A_325 = tpu.memref_slice %arg15[%run_scoped3A_19, %dma_wait3A_323, %dma_wait3A_324] : memref<2x128x128xf32, #tpu.memory_space<vmem>> -> memref<1x128x128xf32, #tpu.memory_space<vmem>>
      %dma_wait3A_326 = tpu.memref_squeeze %dma_wait3A_325 : memref<1x128x128xf32, #tpu.memory_space<vmem>> -> memref<128x128xf32, #tpu.memory_space<vmem>>
      %dma_wait3A_327 = arith.constant 0 : i32
      %dma_wait3A_328 = tpu.memref_slice %arg12[%add3A_18, %dma_wait3A_327] : memref<10240x128xf32, #tpu.memory_space<vmem_shared>> -> memref<128x128xf32, #tpu.memory_space<vmem_shared>>
      %dma_wait3A_329 = arith.constant 0 : i32
      %dma_wait3A_330 = tpu.memref_slice %arg12[%add3A_18, %dma_wait3A_329] : memref<10240x128xf32, #tpu.memory_space<vmem_shared>> -> memref<128x128xf32, #tpu.memory_space<vmem_shared>>
      %dma_wait3A_331 = arith.constant 0 : i32
      %dma_wait3A_332 = arith.constant 0 : i32
      %dma_wait3A_333 = tpu.memref_slice %arg15[%run_scoped3A_19, %dma_wait3A_331, %dma_wait3A_332] : memref<2x128x128xf32, #tpu.memory_space<vmem>> -> memref<1x128x128xf32, #tpu.memory_space<vmem>>
      %dma_wait3A_334 = tpu.memref_squeeze %dma_wait3A_333 : memref<1x128x128xf32, #tpu.memory_space<vmem>> -> memref<128x128xf32, #tpu.memory_space<vmem>>
      tpu.wait_dma2 semaphore(%run_scoped3A_310 : memref<!tpu.dma_semaphore, #tpu.memory_space<semaphore_mem>>) src(%dma_wait3A_334 : memref<128x128xf32, #tpu.memory_space<vmem>>) dst(%dma_wait3A_330 : memref<128x128xf32, #tpu.memory_space<vmem_shared>>)
      tpu.yield
    }) : () -> ()
    %add3A_20 = arith.constant 384 : i32
    %add3A_21 = arith.addi %mul3A_6, %add3A_20 : i32
    %run_scoped3A_22 = arith.constant 0 : i32
    "tpu.region"() ({
      %run_scoped3A_310 = tpu.sem_alloc : memref<!tpu.dma_semaphore, #tpu.memory_space<semaphore_mem>>
      %dma_start3A_311 = arith.constant 0 : i32
      %dma_start3A_312 = arith.constant 0 : i32
      %dma_start3A_313 = tpu.memref_slice %arg15[%run_scoped3A_22, %dma_start3A_311, %dma_start3A_312] : memref<2x128x128xf32, #tpu.memory_space<vmem>> -> memref<1x128x128xf32, #tpu.memory_space<vmem>>
      %dma_start3A_314 = tpu.memref_squeeze %dma_start3A_313 : memref<1x128x128xf32, #tpu.memory_space<vmem>> -> memref<128x128xf32, #tpu.memory_space<vmem>>
      %dma_start3A_315 = arith.constant 0 : i32
      %dma_start3A_316 = tpu.memref_slice %arg12[%add3A_21, %dma_start3A_315] : memref<10240x128xf32, #tpu.memory_space<vmem_shared>> -> memref<128x128xf32, #tpu.memory_space<vmem_shared>>
      %dma_start3A_317 = arith.constant 0 : i32
      %dma_start3A_318 = tpu.memref_slice %arg12[%add3A_21, %dma_start3A_317] : memref<10240x128xf32, #tpu.memory_space<vmem_shared>> -> memref<128x128xf32, #tpu.memory_space<vmem_shared>>
      %dma_start3A_319 = arith.constant 0 : i32
      %dma_start3A_320 = arith.constant 0 : i32
      %dma_start3A_321 = tpu.memref_slice %arg15[%run_scoped3A_22, %dma_start3A_319, %dma_start3A_320] : memref<2x128x128xf32, #tpu.memory_space<vmem>> -> memref<1x128x128xf32, #tpu.memory_space<vmem>>
      %dma_start3A_322 = tpu.memref_squeeze %dma_start3A_321 : memref<1x128x128xf32, #tpu.memory_space<vmem>> -> memref<128x128xf32, #tpu.memory_space<vmem>>
      tpu.enqueue_dma source(%dma_start3A_322 : memref<128x128xf32, #tpu.memory_space<vmem>>) target(%dma_start3A_318 : memref<128x128xf32, #tpu.memory_space<vmem_shared>>) target_semaphore(%run_scoped3A_310 : memref<!tpu.dma_semaphore, #tpu.memory_space<semaphore_mem>>)
      %dma_wait3A_323 = arith.constant 0 : i32
      %dma_wait3A_324 = arith.constant 0 : i32
      %dma_wait3A_325 = tpu.memref_slice %arg15[%run_scoped3A_22, %dma_wait3A_323, %dma_wait3A_324] : memref<2x128x128xf32, #tpu.memory_space<vmem>> -> memref<1x128x128xf32, #tpu.memory_space<vmem>>
      %dma_wait3A_326 = tpu.memref_squeeze %dma_wait3A_325 : memref<1x128x128xf32, #tpu.memory_space<vmem>> -> memref<128x128xf32, #tpu.memory_space<vmem>>
      %dma_wait3A_327 = arith.constant 0 : i32
      %dma_wait3A_328 = tpu.memref_slice %arg12[%add3A_21, %dma_wait3A_327] : memref<10240x128xf32, #tpu.memory_space<vmem_shared>> -> memref<128x128xf32, #tpu.memory_space<vmem_shared>>
      %dma_wait3A_329 = arith.constant 0 : i32
      %dma_wait3A_330 = tpu.memref_slice %arg12[%add3A_21, %dma_wait3A_329] : memref<10240x128xf32, #tpu.memory_space<vmem_shared>> -> memref<128x128xf32, #tpu.memory_space<vmem_shared>>
      %dma_wait3A_331 = arith.constant 0 : i32
      %dma_wait3A_332 = arith.constant 0 : i32
      %dma_wait3A_333 = tpu.memref_slice %arg15[%run_scoped3A_22, %dma_wait3A_331, %dma_wait3A_332] : memref<2x128x128xf32, #tpu.memory_space<vmem>> -> memref<1x128x128xf32, #tpu.memory_space<vmem>>
      %dma_wait3A_334 = tpu.memref_squeeze %dma_wait3A_333 : memref<1x128x128xf32, #tpu.memory_space<vmem>> -> memref<128x128xf32, #tpu.memory_space<vmem>>
      tpu.wait_dma2 semaphore(%run_scoped3A_310 : memref<!tpu.dma_semaphore, #tpu.memory_space<semaphore_mem>>) src(%dma_wait3A_334 : memref<128x128xf32, #tpu.memory_space<vmem>>) dst(%dma_wait3A_330 : memref<128x128xf32, #tpu.memory_space<vmem_shared>>)
      tpu.yield
    }) : () -> ()
    %add3A_23 = arith.constant 512 : i32
    %add3A_24 = arith.addi %mul3A_6, %add3A_23 : i32
    %run_scoped3A_25 = arith.constant 0 : i32
    "tpu.region"() ({
      %run_scoped3A_310 = tpu.sem_alloc : memref<!tpu.dma_semaphore, #tpu.memory_space<semaphore_mem>>
      %dma_start3A_311 = arith.constant 0 : i32
      %dma_start3A_312 = arith.constant 0 : i32
      %dma_start3A_313 = tpu.memref_slice %arg15[%run_scoped3A_25, %dma_start3A_311, %dma_start3A_312] : memref<2x128x128xf32, #tpu.memory_space<vmem>> -> memref<1x128x128xf32, #tpu.memory_space<vmem>>
      %dma_start3A_314 = tpu.memref_squeeze %dma_start3A_313 : memref<1x128x128xf32, #tpu.memory_space<vmem>> -> memref<128x128xf32, #tpu.memory_space<vmem>>
      %dma_start3A_315 = arith.constant 0 : i32
      %dma_start3A_316 = tpu.memref_slice %arg12[%add3A_24, %dma_start3A_315] : memref<10240x128xf32, #tpu.memory_space<vmem_shared>> -> memref<128x128xf32, #tpu.memory_space<vmem_shared>>
      %dma_start3A_317 = arith.constant 0 : i32
      %dma_start3A_318 = tpu.memref_slice %arg12[%add3A_24, %dma_start3A_317] : memref<10240x128xf32, #tpu.memory_space<vmem_shared>> -> memref<128x128xf32, #tpu.memory_space<vmem_shared>>
      %dma_start3A_319 = arith.constant 0 : i32
      %dma_start3A_320 = arith.constant 0 : i32
      %dma_start3A_321 = tpu.memref_slice %arg15[%run_scoped3A_25, %dma_start3A_319, %dma_start3A_320] : memref<2x128x128xf32, #tpu.memory_space<vmem>> -> memref<1x128x128xf32, #tpu.memory_space<vmem>>
      %dma_start3A_322 = tpu.memref_squeeze %dma_start3A_321 : memref<1x128x128xf32, #tpu.memory_space<vmem>> -> memref<128x128xf32, #tpu.memory_space<vmem>>
      tpu.enqueue_dma source(%dma_start3A_322 : memref<128x128xf32, #tpu.memory_space<vmem>>) target(%dma_start3A_318 : memref<128x128xf32, #tpu.memory_space<vmem_shared>>) target_semaphore(%run_scoped3A_310 : memref<!tpu.dma_semaphore, #tpu.memory_space<semaphore_mem>>)
      %dma_wait3A_323 = arith.constant 0 : i32
      %dma_wait3A_324 = arith.constant 0 : i32
      %dma_wait3A_325 = tpu.memref_slice %arg15[%run_scoped3A_25, %dma_wait3A_323, %dma_wait3A_324] : memref<2x128x128xf32, #tpu.memory_space<vmem>> -> memref<1x128x128xf32, #tpu.memory_space<vmem>>
      %dma_wait3A_326 = tpu.memref_squeeze %dma_wait3A_325 : memref<1x128x128xf32, #tpu.memory_space<vmem>> -> memref<128x128xf32, #tpu.memory_space<vmem>>
      %dma_wait3A_327 = arith.constant 0 : i32
      %dma_wait3A_328 = tpu.memref_slice %arg12[%add3A_24, %dma_wait3A_327] : memref<10240x128xf32, #tpu.memory_space<vmem_shared>> -> memref<128x128xf32, #tpu.memory_space<vmem_shared>>
      %dma_wait3A_329 = arith.constant 0 : i32
      %dma_wait3A_330 = tpu.memref_slice %arg12[%add3A_24, %dma_wait3A_329] : memref<10240x128xf32, #tpu.memory_space<vmem_shared>> -> memref<128x128xf32, #tpu.memory_space<vmem_shared>>
      %dma_wait3A_331 = arith.constant 0 : i32
      %dma_wait3A_332 = arith.constant 0 : i32
      %dma_wait3A_333 = tpu.memref_slice %arg15[%run_scoped3A_25, %dma_wait3A_331, %dma_wait3A_332] : memref<2x128x128xf32, #tpu.memory_space<vmem>> -> memref<1x128x128xf32, #tpu.memory_space<vmem>>
      %dma_wait3A_334 = tpu.memref_squeeze %dma_wait3A_333 : memref<1x128x128xf32, #tpu.memory_space<vmem>> -> memref<128x128xf32, #tpu.memory_space<vmem>>
      tpu.wait_dma2 semaphore(%run_scoped3A_310 : memref<!tpu.dma_semaphore, #tpu.memory_space<semaphore_mem>>) src(%dma_wait3A_334 : memref<128x128xf32, #tpu.memory_space<vmem>>) dst(%dma_wait3A_330 : memref<128x128xf32, #tpu.memory_space<vmem_shared>>)
      tpu.yield
    }) : () -> ()
    %barrier3A = arith.constant 0 : index
    tpu.barrier barrier_id(%barrier3A)
    %dma_start3A = arith.constant 0 : i32
    %dma_start3A_26 = arith.constant 0 : i32
    %dma_start3A_27 = arith.constant 0 : i32
    %dma_start3A_28 = arith.constant 0 : i32
    %dma_start3A_29 = tpu.memref_slice %arg15[%dma_start3A_26, %dma_start3A_27, %dma_start3A_28] : memref<2x128x128xf32, #tpu.memory_space<vmem>> -> memref<1x128x128xf32, #tpu.memory_space<vmem>>
    %dma_start3A_30 = tpu.memref_squeeze %dma_start3A_29 : memref<1x128x128xf32, #tpu.memory_space<vmem>> -> memref<128x128xf32, #tpu.memory_space<vmem>>
    %dma_start3A_31 = arith.constant 0 : i32
    %dma_start3A_32 = tpu.memref_slice %arg13[%dma_start3A, %dma_start3A_31] : memref<40x128xi32, #tpu.memory_space<vmem>> -> memref<1x128xi32, #tpu.memory_space<vmem>>
    %dma_start3A_33 = tpu.memref_squeeze %dma_start3A_32 : memref<1x128xi32, #tpu.memory_space<vmem>> -> memref<128xi32, #tpu.memory_space<vmem>>
    %dma_start3A_34 = arith.constant 0 : i32
    %dma_start3A_35 = arith.constant 0 : i32
    %dma_start3A_36 = tpu.memref_slice %arg2[%dma_start3A_34, %dma_start3A_35] : memref<10000x128xf32, #tpu.memory_space<hbm>> -> memref<10000x128xf32, #tpu.memory_space<hbm>>
    tpu.enqueue_indirect_dma source(%dma_start3A_36 : memref<10000x128xf32, #tpu.memory_space<hbm>>) target(%dma_start3A_30 : memref<128x128xf32, #tpu.memory_space<vmem>>) offsets(%dma_start3A_33 : memref<128xi32, #tpu.memory_space<vmem>>) semaphore(%arg16 : memref<!tpu.dma_semaphore, #tpu.memory_space<semaphore_mem>>)
    %dma_start3A_37 = arith.constant 1 : i32
    %dma_start3A_38 = arith.constant 1 : i32
    %dma_start3A_39 = arith.constant 0 : i32
    %dma_start3A_40 = arith.constant 0 : i32
    %dma_start3A_41 = tpu.memref_slice %arg15[%dma_start3A_38, %dma_start3A_39, %dma_start3A_40] : memref<2x128x128xf32, #tpu.memory_space<vmem>> -> memref<1x128x128xf32, #tpu.memory_space<vmem>>
    %dma_start3A_42 = tpu.memref_squeeze %dma_start3A_41 : memref<1x128x128xf32, #tpu.memory_space<vmem>> -> memref<128x128xf32, #tpu.memory_space<vmem>>
    %dma_start3A_43 = arith.constant 0 : i32
    %dma_start3A_44 = tpu.memref_slice %arg13[%dma_start3A_37, %dma_start3A_43] : memref<40x128xi32, #tpu.memory_space<vmem>> -> memref<1x128xi32, #tpu.memory_space<vmem>>
    %dma_start3A_45 = tpu.memref_squeeze %dma_start3A_44 : memref<1x128xi32, #tpu.memory_space<vmem>> -> memref<128xi32, #tpu.memory_space<vmem>>
    %dma_start3A_46 = arith.constant 0 : i32
    %dma_start3A_47 = arith.constant 0 : i32
    %dma_start3A_48 = tpu.memref_slice %arg2[%dma_start3A_46, %dma_start3A_47] : memref<10000x128xf32, #tpu.memory_space<hbm>> -> memref<10000x128xf32, #tpu.memory_space<hbm>>
    tpu.enqueue_indirect_dma source(%dma_start3A_48 : memref<10000x128xf32, #tpu.memory_space<hbm>>) target(%dma_start3A_42 : memref<128x128xf32, #tpu.memory_space<vmem>>) offsets(%dma_start3A_45 : memref<128xi32, #tpu.memory_space<vmem>>) semaphore(%arg17 : memref<!tpu.dma_semaphore, #tpu.memory_space<semaphore_mem>>)
    %scan3A_49 = arith.constant 0 : i32
    %scan3A_50 = arith.constant 0 : i32
    %scan3A_51 = arith.constant 20 : i32
    %scan3A_52 = arith.addi %scan3A_50, %scan3A_51 : i32
    %scan3A_53 = arith.constant 1 : i32
    scf.for %scan3A_310 = %scan3A_50 to %scan3A_52 step %scan3A_53  : i32 {
      %mul3A_311 = arith.constant 2 : i32
      %mul3A_312 = arith.muli %scan3A_310, %mul3A_311 : i32
      %add3A_313 = arith.constant 0 : i32
      %add3A_314 = arith.addi %mul3A_312, %add3A_313 : i32
      %dma_wait3A_315 = arith.constant 0 : i32
      %dma_wait3A_316 = arith.constant 0 : i32
      %dma_wait3A_317 = arith.constant 0 : i32
      %dma_wait3A_318 = tpu.memref_slice %arg15[%dma_wait3A_315, %dma_wait3A_316, %dma_wait3A_317] : memref<2x128x128xf32, #tpu.memory_space<vmem>> -> memref<1x128x128xf32, #tpu.memory_space<vmem>>
      %dma_wait3A_319 = tpu.memref_squeeze %dma_wait3A_318 : memref<1x128x128xf32, #tpu.memory_space<vmem>> -> memref<128x128xf32, #tpu.memory_space<vmem>>
      %dma_wait3A_320 = arith.constant 0 : i32
      %dma_wait3A_321 = tpu.memref_slice %arg13[%add3A_314, %dma_wait3A_320] : memref<40x128xi32, #tpu.memory_space<vmem>> -> memref<1x128xi32, #tpu.memory_space<vmem>>
      %dma_wait3A_322 = tpu.memref_squeeze %dma_wait3A_321 : memref<1x128xi32, #tpu.memory_space<vmem>> -> memref<128xi32, #tpu.memory_space<vmem>>
      %dma_wait3A_323 = arith.constant 0 : i32
      %dma_wait3A_324 = arith.constant 0 : i32
      %dma_wait3A_325 = tpu.memref_slice %arg2[%dma_wait3A_323, %dma_wait3A_324] : memref<10000x128xf32, #tpu.memory_space<hbm>> -> memref<10000x128xf32, #tpu.memory_space<hbm>>
      tpu.wait_indirect_dma semaphore(%arg16 : memref<!tpu.dma_semaphore, #tpu.memory_space<semaphore_mem>>) src(%dma_wait3A_325 : memref<10000x128xf32, #tpu.memory_space<hbm>>) dst(%dma_wait3A_319 : memref<128x128xf32, #tpu.memory_space<vmem>>)
      %dma_start3A_326 = arith.constant 0 : i32
      %dma_start3A_327 = arith.constant 0 : i32
      %dma_start3A_328 = arith.constant 0 : i32
      %dma_start3A_329 = tpu.memref_slice %arg15[%dma_start3A_326, %dma_start3A_327, %dma_start3A_328] : memref<2x128x128xf32, #tpu.memory_space<vmem>> -> memref<1x128x128xf32, #tpu.memory_space<vmem>>
      %dma_start3A_330 = tpu.memref_squeeze %dma_start3A_329 : memref<1x128x128xf32, #tpu.memory_space<vmem>> -> memref<128x128xf32, #tpu.memory_space<vmem>>
      %dma_start3A_331 = arith.constant 0 : i32
      %dma_start3A_332 = tpu.memref_slice %arg14[%add3A_314, %dma_start3A_331] : memref<40x128xi32, #tpu.memory_space<vmem>> -> memref<1x128xi32, #tpu.memory_space<vmem>>
      %dma_start3A_333 = tpu.memref_squeeze %dma_start3A_332 : memref<1x128xi32, #tpu.memory_space<vmem>> -> memref<128xi32, #tpu.memory_space<vmem>>
      %dma_start3A_334 = arith.constant 0 : i32
      %dma_start3A_335 = arith.constant 0 : i32
      %dma_start3A_336 = tpu.memref_slice %arg12[%dma_start3A_334, %dma_start3A_335] : memref<10240x128xf32, #tpu.memory_space<vmem_shared>> -> memref<10240x128xf32, #tpu.memory_space<vmem_shared>>
      tpu.enqueue_indirect_dma source(%dma_start3A_330 : memref<128x128xf32, #tpu.memory_space<vmem>>) target(%dma_start3A_336 : memref<10240x128xf32, #tpu.memory_space<vmem_shared>>) offsets(%dma_start3A_333 : memref<128xi32, #tpu.memory_space<vmem>>) semaphore(%arg18 : memref<!tpu.dma_semaphore, #tpu.memory_space<semaphore_mem>>) {add = true}
      %mul3A_337 = arith.constant 2 : i32
      %mul3A_338 = arith.muli %scan3A_310, %mul3A_337 : i32
      %add3A_339 = arith.constant 1 : i32
      %add3A_340 = arith.addi %mul3A_338, %add3A_339 : i32
      %dma_wait3A_341 = arith.constant 1 : i32
      %dma_wait3A_342 = arith.constant 0 : i32
      %dma_wait3A_343 = arith.constant 0 : i32
      %dma_wait3A_344 = tpu.memref_slice %arg15[%dma_wait3A_341, %dma_wait3A_342, %dma_wait3A_343] : memref<2x128x128xf32, #tpu.memory_space<vmem>> -> memref<1x128x128xf32, #tpu.memory_space<vmem>>
      %dma_wait3A_345 = tpu.memref_squeeze %dma_wait3A_344 : memref<1x128x128xf32, #tpu.memory_space<vmem>> -> memref<128x128xf32, #tpu.memory_space<vmem>>
      %dma_wait3A_346 = arith.constant 0 : i32
      %dma_wait3A_347 = tpu.memref_slice %arg13[%add3A_340, %dma_wait3A_346] : memref<40x128xi32, #tpu.memory_space<vmem>> -> memref<1x128xi32, #tpu.memory_space<vmem>>
      %dma_wait3A_348 = tpu.memref_squeeze %dma_wait3A_347 : memref<1x128xi32, #tpu.memory_space<vmem>> -> memref<128xi32, #tpu.memory_space<vmem>>
      %dma_wait3A_349 = arith.constant 0 : i32
      %dma_wait3A_350 = arith.constant 0 : i32
      %dma_wait3A_351 = tpu.memref_slice %arg2[%dma_wait3A_349, %dma_wait3A_350] : memref<10000x128xf32, #tpu.memory_space<hbm>> -> memref<10000x128xf32, #tpu.memory_space<hbm>>
      tpu.wait_indirect_dma semaphore(%arg17 : memref<!tpu.dma_semaphore, #tpu.memory_space<semaphore_mem>>) src(%dma_wait3A_351 : memref<10000x128xf32, #tpu.memory_space<hbm>>) dst(%dma_wait3A_345 : memref<128x128xf32, #tpu.memory_space<vmem>>)
      %dma_start3A_352 = arith.constant 1 : i32
      %dma_start3A_353 = arith.constant 0 : i32
      %dma_start3A_354 = arith.constant 0 : i32
      %dma_start3A_355 = tpu.memref_slice %arg15[%dma_start3A_352, %dma_start3A_353, %dma_start3A_354] : memref<2x128x128xf32, #tpu.memory_space<vmem>> -> memref<1x128x128xf32, #tpu.memory_space<vmem>>
      %dma_start3A_356 = tpu.memref_squeeze %dma_start3A_355 : memref<1x128x128xf32, #tpu.memory_space<vmem>> -> memref<128x128xf32, #tpu.memory_space<vmem>>
      %dma_start3A_357 = arith.constant 0 : i32
      %dma_start3A_358 = tpu.memref_slice %arg14[%add3A_340, %dma_start3A_357] : memref<40x128xi32, #tpu.memory_space<vmem>> -> memref<1x128xi32, #tpu.memory_space<vmem>>
      %dma_start3A_359 = tpu.memref_squeeze %dma_start3A_358 : memref<1x128xi32, #tpu.memory_space<vmem>> -> memref<128xi32, #tpu.memory_space<vmem>>
      %dma_start3A_360 = arith.constant 0 : i32
      %dma_start3A_361 = arith.constant 0 : i32
      %dma_start3A_362 = tpu.memref_slice %arg12[%dma_start3A_360, %dma_start3A_361] : memref<10240x128xf32, #tpu.memory_space<vmem_shared>> -> memref<10240x128xf32, #tpu.memory_space<vmem_shared>>
      tpu.enqueue_indirect_dma source(%dma_start3A_356 : memref<128x128xf32, #tpu.memory_space<vmem>>) target(%dma_start3A_362 : memref<10240x128xf32, #tpu.memory_space<vmem_shared>>) offsets(%dma_start3A_359 : memref<128xi32, #tpu.memory_space<vmem>>) semaphore(%arg19 : memref<!tpu.dma_semaphore, #tpu.memory_space<semaphore_mem>>) {add = true}
      %mul3A_363 = arith.constant 2 : i32
      %mul3A_364 = arith.muli %scan3A_310, %mul3A_363 : i32
      %add3A_365 = arith.constant 0 : i32
      %add3A_366 = arith.addi %mul3A_364, %add3A_365 : i32
      %add3A_367 = arith.constant 2 : i32
      %add3A_368 = arith.addi %add3A_366, %add3A_367 : i32
      %lt3A = arith.constant 40 : i32
      %lt3A_369 = arith.cmpi slt, %add3A_368, %lt3A : i32
      %convert_element_type3A = arith.extui %lt3A_369 : i1 to i32
      %cond3A = arith.constant 0 : i32
      %cond3A_370 = arith.cmpi ne, %convert_element_type3A, %cond3A : i32
      scf.if %cond3A_370 {
        %dma_wait3A_382 = arith.constant 0 : i32
        %dma_wait3A_383 = arith.constant 0 : i32
        %dma_wait3A_384 = arith.constant 0 : i32
        %dma_wait3A_385 = tpu.memref_slice %arg15[%dma_wait3A_382, %dma_wait3A_383, %dma_wait3A_384] : memref<2x128x128xf32, #tpu.memory_space<vmem>> -> memref<1x128x128xf32, #tpu.memory_space<vmem>>
        %dma_wait3A_386 = tpu.memref_squeeze %dma_wait3A_385 : memref<1x128x128xf32, #tpu.memory_space<vmem>> -> memref<128x128xf32, #tpu.memory_space<vmem>>
        %dma_wait3A_387 = arith.constant 0 : i32
        %dma_wait3A_388 = tpu.memref_slice %arg14[%add3A_366, %dma_wait3A_387] : memref<40x128xi32, #tpu.memory_space<vmem>> -> memref<1x128xi32, #tpu.memory_space<vmem>>
        %dma_wait3A_389 = tpu.memref_squeeze %dma_wait3A_388 : memref<1x128xi32, #tpu.memory_space<vmem>> -> memref<128xi32, #tpu.memory_space<vmem>>
        %dma_wait3A_390 = arith.constant 0 : i32
        %dma_wait3A_391 = arith.constant 0 : i32
        %dma_wait3A_392 = tpu.memref_slice %arg12[%dma_wait3A_390, %dma_wait3A_391] : memref<10240x128xf32, #tpu.memory_space<vmem_shared>> -> memref<10240x128xf32, #tpu.memory_space<vmem_shared>>
        tpu.wait_indirect_dma semaphore(%arg18 : memref<!tpu.dma_semaphore, #tpu.memory_space<semaphore_mem>>) src(%dma_wait3A_386 : memref<128x128xf32, #tpu.memory_space<vmem>>) dst(%dma_wait3A_392 : memref<10240x128xf32, #tpu.memory_space<vmem_shared>>)
        %dma_start3A_393 = arith.constant 0 : i32
        %dma_start3A_394 = arith.constant 0 : i32
        %dma_start3A_395 = arith.constant 0 : i32
        %dma_start3A_396 = tpu.memref_slice %arg15[%dma_start3A_393, %dma_start3A_394, %dma_start3A_395] : memref<2x128x128xf32, #tpu.memory_space<vmem>> -> memref<1x128x128xf32, #tpu.memory_space<vmem>>
        %dma_start3A_397 = tpu.memref_squeeze %dma_start3A_396 : memref<1x128x128xf32, #tpu.memory_space<vmem>> -> memref<128x128xf32, #tpu.memory_space<vmem>>
        %dma_start3A_398 = arith.constant 0 : i32
        %dma_start3A_399 = tpu.memref_slice %arg13[%add3A_368, %dma_start3A_398] : memref<40x128xi32, #tpu.memory_space<vmem>> -> memref<1x128xi32, #tpu.memory_space<vmem>>
        %dma_start3A_400 = tpu.memref_squeeze %dma_start3A_399 : memref<1x128xi32, #tpu.memory_space<vmem>> -> memref<128xi32, #tpu.memory_space<vmem>>
        %dma_start3A_401 = arith.constant 0 : i32
        %dma_start3A_402 = arith.constant 0 : i32
        %dma_start3A_403 = tpu.memref_slice %arg2[%dma_start3A_401, %dma_start3A_402] : memref<10000x128xf32, #tpu.memory_space<hbm>> -> memref<10000x128xf32, #tpu.memory_space<hbm>>
        tpu.enqueue_indirect_dma source(%dma_start3A_403 : memref<10000x128xf32, #tpu.memory_space<hbm>>) target(%dma_start3A_397 : memref<128x128xf32, #tpu.memory_space<vmem>>) offsets(%dma_start3A_400 : memref<128xi32, #tpu.memory_space<vmem>>) semaphore(%arg16 : memref<!tpu.dma_semaphore, #tpu.memory_space<semaphore_mem>>)
      } else {
      }
      %mul3A_371 = arith.constant 2 : i32
      %mul3A_372 = arith.muli %scan3A_310, %mul3A_371 : i32
      %add3A_373 = arith.constant 1 : i32
      %add3A_374 = arith.addi %mul3A_372, %add3A_373 : i32
      %add3A_375 = arith.constant 2 : i32
      %add3A_376 = arith.addi %add3A_374, %add3A_375 : i32
      %lt3A_377 = arith.constant 40 : i32
      %lt3A_378 = arith.cmpi slt, %add3A_376, %lt3A_377 : i32
      %convert_element_type3A_379 = arith.extui %lt3A_378 : i1 to i32
      %cond3A_380 = arith.constant 0 : i32
      %cond3A_381 = arith.cmpi ne, %convert_element_type3A_379, %cond3A_380 : i32
      scf.if %cond3A_381 {
        %dma_wait3A_382 = arith.constant 1 : i32
        %dma_wait3A_383 = arith.constant 0 : i32
        %dma_wait3A_384 = arith.constant 0 : i32
        %dma_wait3A_385 = tpu.memref_slice %arg15[%dma_wait3A_382, %dma_wait3A_383, %dma_wait3A_384] : memref<2x128x128xf32, #tpu.memory_space<vmem>> -> memref<1x128x128xf32, #tpu.memory_space<vmem>>
        %dma_wait3A_386 = tpu.memref_squeeze %dma_wait3A_385 : memref<1x128x128xf32, #tpu.memory_space<vmem>> -> memref<128x128xf32, #tpu.memory_space<vmem>>
        %dma_wait3A_387 = arith.constant 0 : i32
        %dma_wait3A_388 = tpu.memref_slice %arg14[%add3A_374, %dma_wait3A_387] : memref<40x128xi32, #tpu.memory_space<vmem>> -> memref<1x128xi32, #tpu.memory_space<vmem>>
        %dma_wait3A_389 = tpu.memref_squeeze %dma_wait3A_388 : memref<1x128xi32, #tpu.memory_space<vmem>> -> memref<128xi32, #tpu.memory_space<vmem>>
        %dma_wait3A_390 = arith.constant 0 : i32
        %dma_wait3A_391 = arith.constant 0 : i32
        %dma_wait3A_392 = tpu.memref_slice %arg12[%dma_wait3A_390, %dma_wait3A_391] : memref<10240x128xf32, #tpu.memory_space<vmem_shared>> -> memref<10240x128xf32, #tpu.memory_space<vmem_shared>>
        tpu.wait_indirect_dma semaphore(%arg19 : memref<!tpu.dma_semaphore, #tpu.memory_space<semaphore_mem>>) src(%dma_wait3A_386 : memref<128x128xf32, #tpu.memory_space<vmem>>) dst(%dma_wait3A_392 : memref<10240x128xf32, #tpu.memory_space<vmem_shared>>)
        %dma_start3A_393 = arith.constant 1 : i32
        %dma_start3A_394 = arith.constant 0 : i32
        %dma_start3A_395 = arith.constant 0 : i32
        %dma_start3A_396 = tpu.memref_slice %arg15[%dma_start3A_393, %dma_start3A_394, %dma_start3A_395] : memref<2x128x128xf32, #tpu.memory_space<vmem>> -> memref<1x128x128xf32, #tpu.memory_space<vmem>>
        %dma_start3A_397 = tpu.memref_squeeze %dma_start3A_396 : memref<1x128x128xf32, #tpu.memory_space<vmem>> -> memref<128x128xf32, #tpu.memory_space<vmem>>
        %dma_start3A_398 = arith.constant 0 : i32
        %dma_start3A_399 = tpu.memref_slice %arg13[%add3A_376, %dma_start3A_398] : memref<40x128xi32, #tpu.memory_space<vmem>> -> memref<1x128xi32, #tpu.memory_space<vmem>>
        %dma_start3A_400 = tpu.memref_squeeze %dma_start3A_399 : memref<1x128xi32, #tpu.memory_space<vmem>> -> memref<128xi32, #tpu.memory_space<vmem>>
        %dma_start3A_401 = arith.constant 0 : i32
        %dma_start3A_402 = arith.constant 0 : i32
        %dma_start3A_403 = tpu.memref_slice %arg2[%dma_start3A_401, %dma_start3A_402] : memref<10000x128xf32, #tpu.memory_space<hbm>> -> memref<10000x128xf32, #tpu.memory_space<hbm>>
        tpu.enqueue_indirect_dma source(%dma_start3A_403 : memref<10000x128xf32, #tpu.memory_space<hbm>>) target(%dma_start3A_397 : memref<128x128xf32, #tpu.memory_space<vmem>>) offsets(%dma_start3A_400 : memref<128xi32, #tpu.memory_space<vmem>>) semaphore(%arg17 : memref<!tpu.dma_semaphore, #tpu.memory_space<semaphore_mem>>)
      } else {
      }
    }
    %scan3A_54 = arith.constant 20 : i32
    %dma_wait3A = arith.constant 0 : i32
    %dma_wait3A_55 = arith.constant 38 : i32
    %dma_wait3A_56 = arith.constant 0 : i32
    %dma_wait3A_57 = arith.constant 0 : i32
    %dma_wait3A_58 = tpu.memref_slice %arg15[%dma_wait3A, %dma_wait3A_56, %dma_wait3A_57] : memref<2x128x128xf32, #tpu.memory_space<vmem>> -> memref<1x128x128xf32, #tpu.memory_space<vmem>>
    %dma_wait3A_59 = tpu.memref_squeeze %dma_wait3A_58 : memref<1x128x128xf32, #tpu.memory_space<vmem>> -> memref<128x128xf32, #tpu.memory_space<vmem>>
    %dma_wait3A_60 = arith.constant 0 : i32
    %dma_wait3A_61 = tpu.memref_slice %arg14[%dma_wait3A_55, %dma_wait3A_60] : memref<40x128xi32, #tpu.memory_space<vmem>> -> memref<1x128xi32, #tpu.memory_space<vmem>>
    %dma_wait3A_62 = tpu.memref_squeeze %dma_wait3A_61 : memref<1x128xi32, #tpu.memory_space<vmem>> -> memref<128xi32, #tpu.memory_space<vmem>>
    %dma_wait3A_63 = arith.constant 0 : i32
    %dma_wait3A_64 = arith.constant 0 : i32
    %dma_wait3A_65 = tpu.memref_slice %arg12[%dma_wait3A_63, %dma_wait3A_64] : memref<10240x128xf32, #tpu.memory_space<vmem_shared>> -> memref<10240x128xf32, #tpu.memory_space<vmem_shared>>
    tpu.wait_indirect_dma semaphore(%arg18 : memref<!tpu.dma_semaphore, #tpu.memory_space<semaphore_mem>>) src(%dma_wait3A_59 : memref<128x128xf32, #tpu.memory_space<vmem>>) dst(%dma_wait3A_65 : memref<10240x128xf32, #tpu.memory_space<vmem_shared>>)
    %dma_wait3A_66 = arith.constant 1 : i32
    %dma_wait3A_67 = arith.constant 39 : i32
    %dma_wait3A_68 = arith.constant 0 : i32
    %dma_wait3A_69 = arith.constant 0 : i32
    %dma_wait3A_70 = tpu.memref_slice %arg15[%dma_wait3A_66, %dma_wait3A_68, %dma_wait3A_69] : memref<2x128x128xf32, #tpu.memory_space<vmem>> -> memref<1x128x128xf32, #tpu.memory_space<vmem>>
    %dma_wait3A_71 = tpu.memref_squeeze %dma_wait3A_70 : memref<1x128x128xf32, #tpu.memory_space<vmem>> -> memref<128x128xf32, #tpu.memory_space<vmem>>
    %dma_wait3A_72 = arith.constant 0 : i32
    %dma_wait3A_73 = tpu.memref_slice %arg14[%dma_wait3A_67, %dma_wait3A_72] : memref<40x128xi32, #tpu.memory_space<vmem>> -> memref<1x128xi32, #tpu.memory_space<vmem>>
    %dma_wait3A_74 = tpu.memref_squeeze %dma_wait3A_73 : memref<1x128xi32, #tpu.memory_space<vmem>> -> memref<128xi32, #tpu.memory_space<vmem>>
    %dma_wait3A_75 = arith.constant 0 : i32
    %dma_wait3A_76 = arith.constant 0 : i32
    %dma_wait3A_77 = tpu.memref_slice %arg12[%dma_wait3A_75, %dma_wait3A_76] : memref<10240x128xf32, #tpu.memory_space<vmem_shared>> -> memref<10240x128xf32, #tpu.memory_space<vmem_shared>>
    tpu.wait_indirect_dma semaphore(%arg19 : memref<!tpu.dma_semaphore, #tpu.memory_space<semaphore_mem>>) src(%dma_wait3A_71 : memref<128x128xf32, #tpu.memory_space<vmem>>) dst(%dma_wait3A_77 : memref<10240x128xf32, #tpu.memory_space<vmem_shared>>)
    %barrier3A_78 = arith.constant 0 : index
    tpu.barrier barrier_id(%barrier3A_78)
    "tpu.region"() ({
      %run_scoped3A_310 = tpu.sem_alloc : memref<!tpu.dma_semaphore, #tpu.memory_space<semaphore_mem>>
      %dma_start3A_311 = arith.constant 0 : i32
      %dma_start3A_312 = tpu.memref_slice %arg8[%arg0, %mul3A_6, %dma_start3A_311] : memref<2x10240x128xf32, #tpu.memory_space<hbm>> -> memref<1x640x128xf32, #tpu.memory_space<hbm>>
      %dma_start3A_313 = tpu.memref_squeeze %dma_start3A_312 : memref<1x640x128xf32, #tpu.memory_space<hbm>> -> memref<640x128xf32, #tpu.memory_space<hbm>>
      %dma_start3A_314 = arith.constant 0 : i32
      %dma_start3A_315 = tpu.memref_slice %arg12[%mul3A_6, %dma_start3A_314] : memref<10240x128xf32, #tpu.memory_space<vmem_shared>> -> memref<640x128xf32, #tpu.memory_space<vmem_shared>>
      tpu.enqueue_dma source(%dma_start3A_315 : memref<640x128xf32, #tpu.memory_space<vmem_shared>>) target(%dma_start3A_313 : memref<640x128xf32, #tpu.memory_space<hbm>>) target_semaphore(%run_scoped3A_310 : memref<!tpu.dma_semaphore, #tpu.memory_space<semaphore_mem>>)
      %dma_wait3A_316 = arith.constant 0 : i32
      %dma_wait3A_317 = tpu.memref_slice %arg8[%arg0, %mul3A_6, %dma_wait3A_316] : memref<2x10240x128xf32, #tpu.memory_space<hbm>> -> memref<1x640x128xf32, #tpu.memory_space<hbm>>
      %dma_wait3A_318 = tpu.memref_squeeze %dma_wait3A_317 : memref<1x640x128xf32, #tpu.memory_space<hbm>> -> memref<640x128xf32, #tpu.memory_space<hbm>>
      %dma_wait3A_319 = arith.constant 0 : i32
      %dma_wait3A_320 = tpu.memref_slice %arg12[%mul3A_6, %dma_wait3A_319] : memref<10240x128xf32, #tpu.memory_space<vmem_shared>> -> memref<640x128xf32, #tpu.memory_space<vmem_shared>>
      tpu.wait_dma2 semaphore(%run_scoped3A_310 : memref<!tpu.dma_semaphore, #tpu.memory_space<semaphore_mem>>) src(%dma_wait3A_320 : memref<640x128xf32, #tpu.memory_space<vmem_shared>>) dst(%dma_wait3A_318 : memref<640x128xf32, #tpu.memory_space<hbm>>)
      tpu.yield
    }) : () -> ()
    %scan3A_79 = arith.constant 0 : i32
    %scan3A_80 = arith.constant 0 : i32
    %scan3A_81 = arith.constant 128 : i32
    %scan3A_82 = arith.addi %scan3A_80, %scan3A_81 : i32
    %scan3A_83 = arith.constant 1 : i32
    scf.for %scan3A_310 = %scan3A_80 to %scan3A_82 step %scan3A_83  : i32 {
      %broadcast_in_dim3A = arith.constant 0.000000e+00 : f32
      %broadcast_in_dim3A_311 = vector.broadcast %broadcast_in_dim3A : f32 to vector<16xf32>
      %swap3A = arith.constant 0 : i32
      %swap3A_312 = arith.index_cast %swap3A : i32 to index
      %swap3A_313 = arith.index_cast %scan3A_310 : i32 to index
      %swap3A_314 = arith.constant 0 : index
      %swap3A_315 = tpu.vector_load %arg15[%swap3A_312, %swap3A_313, %swap3A_314] {strides = array<i32>} : memref<2x128x128xf32, #tpu.memory_space<vmem>>, vector<1x1x16xf32>,
      %swap3A_316 = vector.shape_cast %swap3A_315 : vector<1x1x16xf32> to vector<16xf32>
      %swap3A_317 = vector.shape_cast %broadcast_in_dim3A_311 : vector<16xf32> to vector<1x1x16xf32>
      tpu.vector_store %arg15[%swap3A_312, %swap3A_313, %swap3A_314], %swap3A_317 {strides = array<i32>} : memref<2x128x128xf32, #tpu.memory_space<vmem>>, vector<1x1x16xf32>,
      %broadcast_in_dim3A_318 = arith.constant 0.000000e+00 : f32
      %broadcast_in_dim3A_319 = vector.broadcast %broadcast_in_dim3A_318 : f32 to vector<16xf32>
      %swap3A_320 = arith.constant 0 : i32
      %swap3A_321 = arith.index_cast %swap3A_320 : i32 to index
      %swap3A_322 = arith.index_cast %scan3A_310 : i32 to index
      %swap3A_323 = arith.constant 16 : index
      %swap3A_324 = tpu.vector_load %arg15[%swap3A_321, %swap3A_322, %swap3A_323] {strides = array<i32>} : memref<2x128x128xf32, #tpu.memory_space<vmem>>, vector<1x1x16xf32>,
      %swap3A_325 = vector.shape_cast %swap3A_324 : vector<1x1x16xf32> to vector<16xf32>
      %swap3A_326 = vector.shape_cast %broadcast_in_dim3A_319 : vector<16xf32> to vector<1x1x16xf32>
      tpu.vector_store %arg15[%swap3A_321, %swap3A_322, %swap3A_323], %swap3A_326 {strides = array<i32>} : memref<2x128x128xf32, #tpu.memory_space<vmem>>, vector<1x1x16xf32>,
      %broadcast_in_dim3A_327 = arith.constant 0.000000e+00 : f32
      %broadcast_in_dim3A_328 = vector.broadcast %broadcast_in_dim3A_327 : f32 to vector<16xf32>
      %swap3A_329 = arith.constant 0 : i32
      %swap3A_330 = arith.index_cast %swap3A_329 : i32 to index
      %swap3A_331 = arith.index_cast %scan3A_310 : i32 to index
      %swap3A_332 = arith.constant 32 : index
      %swap3A_333 = tpu.vector_load %arg15[%swap3A_330, %swap3A_331, %swap3A_332] {strides = array<i32>} : memref<2x128x128xf32, #tpu.memory_space<vmem>>, vector<1x1x16xf32>,
      %swap3A_334 = vector.shape_cast %swap3A_333 : vector<1x1x16xf32> to vector<16xf32>
      %swap3A_335 = vector.shape_cast %broadcast_in_dim3A_328 : vector<16xf32> to vector<1x1x16xf32>
      tpu.vector_store %arg15[%swap3A_330, %swap3A_331, %swap3A_332], %swap3A_335 {strides = array<i32>} : memref<2x128x128xf32, #tpu.memory_space<vmem>>, vector<1x1x16xf32>,
      %broadcast_in_dim3A_336 = arith.constant 0.000000e+00 : f32
      %broadcast_in_dim3A_337 = vector.broadcast %broadcast_in_dim3A_336 : f32 to vector<16xf32>
      %swap3A_338 = arith.constant 0 : i32
      %swap3A_339 = arith.index_cast %swap3A_338 : i32 to index
      %swap3A_340 = arith.index_cast %scan3A_310 : i32 to index
      %swap3A_341 = arith.constant 48 : index
      %swap3A_342 = tpu.vector_load %arg15[%swap3A_339, %swap3A_340, %swap3A_341] {strides = array<i32>} : memref<2x128x128xf32, #tpu.memory_space<vmem>>, vector<1x1x16xf32>,
      %swap3A_343 = vector.shape_cast %swap3A_342 : vector<1x1x16xf32> to vector<16xf32>
      %swap3A_344 = vector.shape_cast %broadcast_in_dim3A_337 : vector<16xf32> to vector<1x1x16xf32>
      tpu.vector_store %arg15[%swap3A_339, %swap3A_340, %swap3A_341], %swap3A_344 {strides = array<i32>} : memref<2x128x128xf32, #tpu.memory_space<vmem>>, vector<1x1x16xf32>,
      %broadcast_in_dim3A_345 = arith.constant 0.000000e+00 : f32
      %broadcast_in_dim3A_346 = vector.broadcast %broadcast_in_dim3A_345 : f32 to vector<16xf32>
      %swap3A_347 = arith.constant 0 : i32
      %swap3A_348 = arith.index_cast %swap3A_347 : i32 to index
      %swap3A_349 = arith.index_cast %scan3A_310 : i32 to index
      %swap3A_350 = arith.constant 64 : index
      %swap3A_351 = tpu.vector_load %arg15[%swap3A_348, %swap3A_349, %swap3A_350] {strides = array<i32>} : memref<2x128x128xf32, #tpu.memory_space<vmem>>, vector<1x1x16xf32>,
      %swap3A_352 = vector.shape_cast %swap3A_351 : vector<1x1x16xf32> to vector<16xf32>
      %swap3A_353 = vector.shape_cast %broadcast_in_dim3A_346 : vector<16xf32> to vector<1x1x16xf32>
      tpu.vector_store %arg15[%swap3A_348, %swap3A_349, %swap3A_350], %swap3A_353 {strides = array<i32>} : memref<2x128x128xf32, #tpu.memory_space<vmem>>, vector<1x1x16xf32>,
      %broadcast_in_dim3A_354 = arith.constant 0.000000e+00 : f32
      %broadcast_in_dim3A_355 = vector.broadcast %broadcast_in_dim3A_354 : f32 to vector<16xf32>
      %swap3A_356 = arith.constant 0 : i32
      %swap3A_357 = arith.index_cast %swap3A_356 : i32 to index
      %swap3A_358 = arith.index_cast %scan3A_310 : i32 to index
      %swap3A_359 = arith.constant 80 : index
      %swap3A_360 = tpu.vector_load %arg15[%swap3A_357, %swap3A_358, %swap3A_359] {strides = array<i32>} : memref<2x128x128xf32, #tpu.memory_space<vmem>>, vector<1x1x16xf32>,
      %swap3A_361 = vector.shape_cast %swap3A_360 : vector<1x1x16xf32> to vector<16xf32>
      %swap3A_362 = vector.shape_cast %broadcast_in_dim3A_355 : vector<16xf32> to vector<1x1x16xf32>
      tpu.vector_store %arg15[%swap3A_357, %swap3A_358, %swap3A_359], %swap3A_362 {strides = array<i32>} : memref<2x128x128xf32, #tpu.memory_space<vmem>>, vector<1x1x16xf32>,
      %broadcast_in_dim3A_363 = arith.constant 0.000000e+00 : f32
      %broadcast_in_dim3A_364 = vector.broadcast %broadcast_in_dim3A_363 : f32 to vector<16xf32>
      %swap3A_365 = arith.constant 0 : i32
      %swap3A_366 = arith.index_cast %swap3A_365 : i32 to index
      %swap3A_367 = arith.index_cast %scan3A_310 : i32 to index
      %swap3A_368 = arith.constant 96 : index
      %swap3A_369 = tpu.vector_load %arg15[%swap3A_366, %swap3A_367, %swap3A_368] {strides = array<i32>} : memref<2x128x128xf32, #tpu.memory_space<vmem>>, vector<1x1x16xf32>,
      %swap3A_370 = vector.shape_cast %swap3A_369 : vector<1x1x16xf32> to vector<16xf32>
      %swap3A_371 = vector.shape_cast %broadcast_in_dim3A_364 : vector<16xf32> to vector<1x1x16xf32>
      tpu.vector_store %arg15[%swap3A_366, %swap3A_367, %swap3A_368], %swap3A_371 {strides = array<i32>} : memref<2x128x128xf32, #tpu.memory_space<vmem>>, vector<1x1x16xf32>,
      %broadcast_in_dim3A_372 = arith.constant 0.000000e+00 : f32
      %broadcast_in_dim3A_373 = vector.broadcast %broadcast_in_dim3A_372 : f32 to vector<16xf32>
      %swap3A_374 = arith.constant 0 : i32
      %swap3A_375 = arith.index_cast %swap3A_374 : i32 to index
      %swap3A_376 = arith.index_cast %scan3A_310 : i32 to index
      %swap3A_377 = arith.constant 112 : index
      %swap3A_378 = tpu.vector_load %arg15[%swap3A_375, %swap3A_376, %swap3A_377] {strides = array<i32>} : memref<2x128x128xf32, #tpu.memory_space<vmem>>, vector<1x1x16xf32>,
      %swap3A_379 = vector.shape_cast %swap3A_378 : vector<1x1x16xf32> to vector<16xf32>
      %swap3A_380 = vector.shape_cast %broadcast_in_dim3A_373 : vector<16xf32> to vector<1x1x16xf32>
      tpu.vector_store %arg15[%swap3A_375, %swap3A_376, %swap3A_377], %swap3A_380 {strides = array<i32>} : memref<2x128x128xf32, #tpu.memory_space<vmem>>, vector<1x1x16xf32>,
    }
    %scan3A_84 = arith.constant 128 : i32
    %add3A_85 = arith.constant 0 : i32
    %add3A_86 = arith.addi %mul3A_6, %add3A_85 : i32
    %run_scoped3A_87 = arith.constant 0 : i32
    "tpu.region"() ({
      %run_scoped3A_310 = tpu.sem_alloc : memref<!tpu.dma_semaphore, #tpu.memory_space<semaphore_mem>>
      %dma_start3A_311 = arith.constant 0 : i32
      %dma_start3A_312 = arith.constant 0 : i32
      %dma_start3A_313 = tpu.memref_slice %arg15[%run_scoped3A_87, %dma_start3A_311, %dma_start3A_312] : memref<2x128x128xf32, #tpu.memory_space<vmem>> -> memref<1x128x128xf32, #tpu.memory_space<vmem>>
      %dma_start3A_314 = tpu.memref_squeeze %dma_start3A_313 : memref<1x128x128xf32, #tpu.memory_space<vmem>> -> memref<128x128xf32, #tpu.memory_space<vmem>>
      %dma_start3A_315 = arith.constant 0 : i32
      %dma_start3A_316 = tpu.memref_slice %arg12[%add3A_86, %dma_start3A_315] : memref<10240x128xf32, #tpu.memory_space<vmem_shared>> -> memref<128x128xf32, #tpu.memory_space<vmem_shared>>
      %dma_start3A_317 = arith.constant 0 : i32
      %dma_start3A_318 = tpu.memref_slice %arg12[%add3A_86, %dma_start3A_317] : memref<10240x128xf32, #tpu.memory_space<vmem_shared>> -> memref<128x128xf32, #tpu.memory_space<vmem_shared>>
      %dma_start3A_319 = arith.constant 0 : i32
      %dma_start3A_320 = arith.constant 0 : i32
      %dma_start3A_321 = tpu.memref_slice %arg15[%run_scoped3A_87, %dma_start3A_319, %dma_start3A_320] : memref<2x128x128xf32, #tpu.memory_space<vmem>> -> memref<1x128x128xf32, #tpu.memory_space<vmem>>
      %dma_start3A_322 = tpu.memref_squeeze %dma_start3A_321 : memref<1x128x128xf32, #tpu.memory_space<vmem>> -> memref<128x128xf32, #tpu.memory_space<vmem>>
      tpu.enqueue_dma source(%dma_start3A_322 : memref<128x128xf32, #tpu.memory_space<vmem>>) target(%dma_start3A_318 : memref<128x128xf32, #tpu.memory_space<vmem_shared>>) target_semaphore(%run_scoped3A_310 : memref<!tpu.dma_semaphore, #tpu.memory_space<semaphore_mem>>)
      %dma_wait3A_323 = arith.constant 0 : i32
      %dma_wait3A_324 = arith.constant 0 : i32
      %dma_wait3A_325 = tpu.memref_slice %arg15[%run_scoped3A_87, %dma_wait3A_323, %dma_wait3A_324] : memref<2x128x128xf32, #tpu.memory_space<vmem>> -> memref<1x128x128xf32, #tpu.memory_space<vmem>>
      %dma_wait3A_326 = tpu.memref_squeeze %dma_wait3A_325 : memref<1x128x128xf32, #tpu.memory_space<vmem>> -> memref<128x128xf32, #tpu.memory_space<vmem>>
      %dma_wait3A_327 = arith.constant 0 : i32
      %dma_wait3A_328 = tpu.memref_slice %arg12[%add3A_86, %dma_wait3A_327] : memref<10240x128xf32, #tpu.memory_space<vmem_shared>> -> memref<128x128xf32, #tpu.memory_space<vmem_shared>>
      %dma_wait3A_329 = arith.constant 0 : i32
      %dma_wait3A_330 = tpu.memref_slice %arg12[%add3A_86, %dma_wait3A_329] : memref<10240x128xf32, #tpu.memory_space<vmem_shared>> -> memref<128x128xf32, #tpu.memory_space<vmem_shared>>
      %dma_wait3A_331 = arith.constant 0 : i32
      %dma_wait3A_332 = arith.constant 0 : i32
      %dma_wait3A_333 = tpu.memref_slice %arg15[%run_scoped3A_87, %dma_wait3A_331, %dma_wait3A_332] : memref<2x128x128xf32, #tpu.memory_space<vmem>> -> memref<1x128x128xf32, #tpu.memory_space<vmem>>
      %dma_wait3A_334 = tpu.memref_squeeze %dma_wait3A_333 : memref<1x128x128xf32, #tpu.memory_space<vmem>> -> memref<128x128xf32, #tpu.memory_space<vmem>>
      tpu.wait_dma2 semaphore(%run_scoped3A_310 : memref<!tpu.dma_semaphore, #tpu.memory_space<semaphore_mem>>) src(%dma_wait3A_334 : memref<128x128xf32, #tpu.memory_space<vmem>>) dst(%dma_wait3A_330 : memref<128x128xf32, #tpu.memory_space<vmem_shared>>)
      tpu.yield
    }) : () -> ()
    %add3A_88 = arith.constant 128 : i32
    %add3A_89 = arith.addi %mul3A_6, %add3A_88 : i32
    %run_scoped3A_90 = arith.constant 0 : i32
    "tpu.region"() ({
      %run_scoped3A_310 = tpu.sem_alloc : memref<!tpu.dma_semaphore, #tpu.memory_space<semaphore_mem>>
      %dma_start3A_311 = arith.constant 0 : i32
      %dma_start3A_312 = arith.constant 0 : i32
      %dma_start3A_313 = tpu.memref_slice %arg15[%run_scoped3A_90, %dma_start3A_311, %dma_start3A_312] : memref<2x128x128xf32, #tpu.memory_space<vmem>> -> memref<1x128x128xf32, #tpu.memory_space<vmem>>
      %dma_start3A_314 = tpu.memref_squeeze %dma_start3A_313 : memref<1x128x128xf32, #tpu.memory_space<vmem>> -> memref<128x128xf32, #tpu.memory_space<vmem>>
      %dma_start3A_315 = arith.constant 0 : i32
      %dma_start3A_316 = tpu.memref_slice %arg12[%add3A_89, %dma_start3A_315] : memref<10240x128xf32, #tpu.memory_space<vmem_shared>> -> memref<128x128xf32, #tpu.memory_space<vmem_shared>>
      %dma_start3A_317 = arith.constant 0 : i32
      %dma_start3A_318 = tpu.memref_slice %arg12[%add3A_89, %dma_start3A_317] : memref<10240x128xf32, #tpu.memory_space<vmem_shared>> -> memref<128x128xf32, #tpu.memory_space<vmem_shared>>
      %dma_start3A_319 = arith.constant 0 : i32
      %dma_start3A_320 = arith.constant 0 : i32
      %dma_start3A_321 = tpu.memref_slice %arg15[%run_scoped3A_90, %dma_start3A_319, %dma_start3A_320] : memref<2x128x128xf32, #tpu.memory_space<vmem>> -> memref<1x128x128xf32, #tpu.memory_space<vmem>>
      %dma_start3A_322 = tpu.memref_squeeze %dma_start3A_321 : memref<1x128x128xf32, #tpu.memory_space<vmem>> -> memref<128x128xf32, #tpu.memory_space<vmem>>
      tpu.enqueue_dma source(%dma_start3A_322 : memref<128x128xf32, #tpu.memory_space<vmem>>) target(%dma_start3A_318 : memref<128x128xf32, #tpu.memory_space<vmem_shared>>) target_semaphore(%run_scoped3A_310 : memref<!tpu.dma_semaphore, #tpu.memory_space<semaphore_mem>>)
      %dma_wait3A_323 = arith.constant 0 : i32
      %dma_wait3A_324 = arith.constant 0 : i32
      %dma_wait3A_325 = tpu.memref_slice %arg15[%run_scoped3A_90, %dma_wait3A_323, %dma_wait3A_324] : memref<2x128x128xf32, #tpu.memory_space<vmem>> -> memref<1x128x128xf32, #tpu.memory_space<vmem>>
      %dma_wait3A_326 = tpu.memref_squeeze %dma_wait3A_325 : memref<1x128x128xf32, #tpu.memory_space<vmem>> -> memref<128x128xf32, #tpu.memory_space<vmem>>
      %dma_wait3A_327 = arith.constant 0 : i32
      %dma_wait3A_328 = tpu.memref_slice %arg12[%add3A_89, %dma_wait3A_327] : memref<10240x128xf32, #tpu.memory_space<vmem_shared>> -> memref<128x128xf32, #tpu.memory_space<vmem_shared>>
      %dma_wait3A_329 = arith.constant 0 : i32
      %dma_wait3A_330 = tpu.memref_slice %arg12[%add3A_89, %dma_wait3A_329] : memref<10240x128xf32, #tpu.memory_space<vmem_shared>> -> memref<128x128xf32, #tpu.memory_space<vmem_shared>>
      %dma_wait3A_331 = arith.constant 0 : i32
      %dma_wait3A_332 = arith.constant 0 : i32
      %dma_wait3A_333 = tpu.memref_slice %arg15[%run_scoped3A_90, %dma_wait3A_331, %dma_wait3A_332] : memref<2x128x128xf32, #tpu.memory_space<vmem>> -> memref<1x128x128xf32, #tpu.memory_space<vmem>>
      %dma_wait3A_334 = tpu.memref_squeeze %dma_wait3A_333 : memref<1x128x128xf32, #tpu.memory_space<vmem>> -> memref<128x128xf32, #tpu.memory_space<vmem>>
      tpu.wait_dma2 semaphore(%run_scoped3A_310 : memref<!tpu.dma_semaphore, #tpu.memory_space<semaphore_mem>>) src(%dma_wait3A_334 : memref<128x128xf32, #tpu.memory_space<vmem>>) dst(%dma_wait3A_330 : memref<128x128xf32, #tpu.memory_space<vmem_shared>>)
      tpu.yield
    }) : () -> ()
    %add3A_91 = arith.constant 256 : i32
    %add3A_92 = arith.addi %mul3A_6, %add3A_91 : i32
    %run_scoped3A_93 = arith.constant 0 : i32
    "tpu.region"() ({
      %run_scoped3A_310 = tpu.sem_alloc : memref<!tpu.dma_semaphore, #tpu.memory_space<semaphore_mem>>
      %dma_start3A_311 = arith.constant 0 : i32
      %dma_start3A_312 = arith.constant 0 : i32
      %dma_start3A_313 = tpu.memref_slice %arg15[%run_scoped3A_93, %dma_start3A_311, %dma_start3A_312] : memref<2x128x128xf32, #tpu.memory_space<vmem>> -> memref<1x128x128xf32, #tpu.memory_space<vmem>>
      %dma_start3A_314 = tpu.memref_squeeze %dma_start3A_313 : memref<1x128x128xf32, #tpu.memory_space<vmem>> -> memref<128x128xf32, #tpu.memory_space<vmem>>
      %dma_start3A_315 = arith.constant 0 : i32
      %dma_start3A_316 = tpu.memref_slice %arg12[%add3A_92, %dma_start3A_315] : memref<10240x128xf32, #tpu.memory_space<vmem_shared>> -> memref<128x128xf32, #tpu.memory_space<vmem_shared>>
      %dma_start3A_317 = arith.constant 0 : i32
      %dma_start3A_318 = tpu.memref_slice %arg12[%add3A_92, %dma_start3A_317] : memref<10240x128xf32, #tpu.memory_space<vmem_shared>> -> memref<128x128xf32, #tpu.memory_space<vmem_shared>>
      %dma_start3A_319 = arith.constant 0 : i32
      %dma_start3A_320 = arith.constant 0 : i32
      %dma_start3A_321 = tpu.memref_slice %arg15[%run_scoped3A_93, %dma_start3A_319, %dma_start3A_320] : memref<2x128x128xf32, #tpu.memory_space<vmem>> -> memref<1x128x128xf32, #tpu.memory_space<vmem>>
      %dma_start3A_322 = tpu.memref_squeeze %dma_start3A_321 : memref<1x128x128xf32, #tpu.memory_space<vmem>> -> memref<128x128xf32, #tpu.memory_space<vmem>>
      tpu.enqueue_dma source(%dma_start3A_322 : memref<128x128xf32, #tpu.memory_space<vmem>>) target(%dma_start3A_318 : memref<128x128xf32, #tpu.memory_space<vmem_shared>>) target_semaphore(%run_scoped3A_310 : memref<!tpu.dma_semaphore, #tpu.memory_space<semaphore_mem>>)
      %dma_wait3A_323 = arith.constant 0 : i32
      %dma_wait3A_324 = arith.constant 0 : i32
      %dma_wait3A_325 = tpu.memref_slice %arg15[%run_scoped3A_93, %dma_wait3A_323, %dma_wait3A_324] : memref<2x128x128xf32, #tpu.memory_space<vmem>> -> memref<1x128x128xf32, #tpu.memory_space<vmem>>
      %dma_wait3A_326 = tpu.memref_squeeze %dma_wait3A_325 : memref<1x128x128xf32, #tpu.memory_space<vmem>> -> memref<128x128xf32, #tpu.memory_space<vmem>>
      %dma_wait3A_327 = arith.constant 0 : i32
      %dma_wait3A_328 = tpu.memref_slice %arg12[%add3A_92, %dma_wait3A_327] : memref<10240x128xf32, #tpu.memory_space<vmem_shared>> -> memref<128x128xf32, #tpu.memory_space<vmem_shared>>
      %dma_wait3A_329 = arith.constant 0 : i32
      %dma_wait3A_330 = tpu.memref_slice %arg12[%add3A_92, %dma_wait3A_329] : memref<10240x128xf32, #tpu.memory_space<vmem_shared>> -> memref<128x128xf32, #tpu.memory_space<vmem_shared>>
      %dma_wait3A_331 = arith.constant 0 : i32
      %dma_wait3A_332 = arith.constant 0 : i32
      %dma_wait3A_333 = tpu.memref_slice %arg15[%run_scoped3A_93, %dma_wait3A_331, %dma_wait3A_332] : memref<2x128x128xf32, #tpu.memory_space<vmem>> -> memref<1x128x128xf32, #tpu.memory_space<vmem>>
      %dma_wait3A_334 = tpu.memref_squeeze %dma_wait3A_333 : memref<1x128x128xf32, #tpu.memory_space<vmem>> -> memref<128x128xf32, #tpu.memory_space<vmem>>
      tpu.wait_dma2 semaphore(%run_scoped3A_310 : memref<!tpu.dma_semaphore, #tpu.memory_space<semaphore_mem>>) src(%dma_wait3A_334 : memref<128x128xf32, #tpu.memory_space<vmem>>) dst(%dma_wait3A_330 : memref<128x128xf32, #tpu.memory_space<vmem_shared>>)
      tpu.yield
    }) : () -> ()
    %add3A_94 = arith.constant 384 : i32
    %add3A_95 = arith.addi %mul3A_6, %add3A_94 : i32
    %run_scoped3A_96 = arith.constant 0 : i32
    "tpu.region"() ({
      %run_scoped3A_310 = tpu.sem_alloc : memref<!tpu.dma_semaphore, #tpu.memory_space<semaphore_mem>>
      %dma_start3A_311 = arith.constant 0 : i32
      %dma_start3A_312 = arith.constant 0 : i32
      %dma_start3A_313 = tpu.memref_slice %arg15[%run_scoped3A_96, %dma_start3A_311, %dma_start3A_312] : memref<2x128x128xf32, #tpu.memory_space<vmem>> -> memref<1x128x128xf32, #tpu.memory_space<vmem>>
      %dma_start3A_314 = tpu.memref_squeeze %dma_start3A_313 : memref<1x128x128xf32, #tpu.memory_space<vmem>> -> memref<128x128xf32, #tpu.memory_space<vmem>>
      %dma_start3A_315 = arith.constant 0 : i32
      %dma_start3A_316 = tpu.memref_slice %arg12[%add3A_95, %dma_start3A_315] : memref<10240x128xf32, #tpu.memory_space<vmem_shared>> -> memref<128x128xf32, #tpu.memory_space<vmem_shared>>
      %dma_start3A_317 = arith.constant 0 : i32
      %dma_start3A_318 = tpu.memref_slice %arg12[%add3A_95, %dma_start3A_317] : memref<10240x128xf32, #tpu.memory_space<vmem_shared>> -> memref<128x128xf32, #tpu.memory_space<vmem_shared>>
      %dma_start3A_319 = arith.constant 0 : i32
      %dma_start3A_320 = arith.constant 0 : i32
      %dma_start3A_321 = tpu.memref_slice %arg15[%run_scoped3A_96, %dma_start3A_319, %dma_start3A_320] : memref<2x128x128xf32, #tpu.memory_space<vmem>> -> memref<1x128x128xf32, #tpu.memory_space<vmem>>
      %dma_start3A_322 = tpu.memref_squeeze %dma_start3A_321 : memref<1x128x128xf32, #tpu.memory_space<vmem>> -> memref<128x128xf32, #tpu.memory_space<vmem>>
      tpu.enqueue_dma source(%dma_start3A_322 : memref<128x128xf32, #tpu.memory_space<vmem>>) target(%dma_start3A_318 : memref<128x128xf32, #tpu.memory_space<vmem_shared>>) target_semaphore(%run_scoped3A_310 : memref<!tpu.dma_semaphore, #tpu.memory_space<semaphore_mem>>)
      %dma_wait3A_323 = arith.constant 0 : i32
      %dma_wait3A_324 = arith.constant 0 : i32
      %dma_wait3A_325 = tpu.memref_slice %arg15[%run_scoped3A_96, %dma_wait3A_323, %dma_wait3A_324] : memref<2x128x128xf32, #tpu.memory_space<vmem>> -> memref<1x128x128xf32, #tpu.memory_space<vmem>>
      %dma_wait3A_326 = tpu.memref_squeeze %dma_wait3A_325 : memref<1x128x128xf32, #tpu.memory_space<vmem>> -> memref<128x128xf32, #tpu.memory_space<vmem>>
      %dma_wait3A_327 = arith.constant 0 : i32
      %dma_wait3A_328 = tpu.memref_slice %arg12[%add3A_95, %dma_wait3A_327] : memref<10240x128xf32, #tpu.memory_space<vmem_shared>> -> memref<128x128xf32, #tpu.memory_space<vmem_shared>>
      %dma_wait3A_329 = arith.constant 0 : i32
      %dma_wait3A_330 = tpu.memref_slice %arg12[%add3A_95, %dma_wait3A_329] : memref<10240x128xf32, #tpu.memory_space<vmem_shared>> -> memref<128x128xf32, #tpu.memory_space<vmem_shared>>
      %dma_wait3A_331 = arith.constant 0 : i32
      %dma_wait3A_332 = arith.constant 0 : i32
      %dma_wait3A_333 = tpu.memref_slice %arg15[%run_scoped3A_96, %dma_wait3A_331, %dma_wait3A_332] : memref<2x128x128xf32, #tpu.memory_space<vmem>> -> memref<1x128x128xf32, #tpu.memory_space<vmem>>
      %dma_wait3A_334 = tpu.memref_squeeze %dma_wait3A_333 : memref<1x128x128xf32, #tpu.memory_space<vmem>> -> memref<128x128xf32, #tpu.memory_space<vmem>>
      tpu.wait_dma2 semaphore(%run_scoped3A_310 : memref<!tpu.dma_semaphore, #tpu.memory_space<semaphore_mem>>) src(%dma_wait3A_334 : memref<128x128xf32, #tpu.memory_space<vmem>>) dst(%dma_wait3A_330 : memref<128x128xf32, #tpu.memory_space<vmem_shared>>)
      tpu.yield
    }) : () -> ()
    %add3A_97 = arith.constant 512 : i32
    %add3A_98 = arith.addi %mul3A_6, %add3A_97 : i32
    %run_scoped3A_99 = arith.constant 0 : i32
    "tpu.region"() ({
      %run_scoped3A_310 = tpu.sem_alloc : memref<!tpu.dma_semaphore, #tpu.memory_space<semaphore_mem>>
      %dma_start3A_311 = arith.constant 0 : i32
      %dma_start3A_312 = arith.constant 0 : i32
      %dma_start3A_313 = tpu.memref_slice %arg15[%run_scoped3A_99, %dma_start3A_311, %dma_start3A_312] : memref<2x128x128xf32, #tpu.memory_space<vmem>> -> memref<1x128x128xf32, #tpu.memory_space<vmem>>
      %dma_start3A_314 = tpu.memref_squeeze %dma_start3A_313 : memref<1x128x128xf32, #tpu.memory_space<vmem>> -> memref<128x128xf32, #tpu.memory_space<vmem>>
      %dma_start3A_315 = arith.constant 0 : i32
      %dma_start3A_316 = tpu.memref_slice %arg12[%add3A_98, %dma_start3A_315] : memref<10240x128xf32, #tpu.memory_space<vmem_shared>> -> memref<128x128xf32, #tpu.memory_space<vmem_shared>>
      %dma_start3A_317 = arith.constant 0 : i32
      %dma_start3A_318 = tpu.memref_slice %arg12[%add3A_98, %dma_start3A_317] : memref<10240x128xf32, #tpu.memory_space<vmem_shared>> -> memref<128x128xf32, #tpu.memory_space<vmem_shared>>
      %dma_start3A_319 = arith.constant 0 : i32
      %dma_start3A_320 = arith.constant 0 : i32
      %dma_start3A_321 = tpu.memref_slice %arg15[%run_scoped3A_99, %dma_start3A_319, %dma_start3A_320] : memref<2x128x128xf32, #tpu.memory_space<vmem>> -> memref<1x128x128xf32, #tpu.memory_space<vmem>>
      %dma_start3A_322 = tpu.memref_squeeze %dma_start3A_321 : memref<1x128x128xf32, #tpu.memory_space<vmem>> -> memref<128x128xf32, #tpu.memory_space<vmem>>
      tpu.enqueue_dma source(%dma_start3A_322 : memref<128x128xf32, #tpu.memory_space<vmem>>) target(%dma_start3A_318 : memref<128x128xf32, #tpu.memory_space<vmem_shared>>) target_semaphore(%run_scoped3A_310 : memref<!tpu.dma_semaphore, #tpu.memory_space<semaphore_mem>>)
      %dma_wait3A_323 = arith.constant 0 : i32
      %dma_wait3A_324 = arith.constant 0 : i32
      %dma_wait3A_325 = tpu.memref_slice %arg15[%run_scoped3A_99, %dma_wait3A_323, %dma_wait3A_324] : memref<2x128x128xf32, #tpu.memory_space<vmem>> -> memref<1x128x128xf32, #tpu.memory_space<vmem>>
      %dma_wait3A_326 = tpu.memref_squeeze %dma_wait3A_325 : memref<1x128x128xf32, #tpu.memory_space<vmem>> -> memref<128x128xf32, #tpu.memory_space<vmem>>
      %dma_wait3A_327 = arith.constant 0 : i32
      %dma_wait3A_328 = tpu.memref_slice %arg12[%add3A_98, %dma_wait3A_327] : memref<10240x128xf32, #tpu.memory_space<vmem_shared>> -> memref<128x128xf32, #tpu.memory_space<vmem_shared>>
      %dma_wait3A_329 = arith.constant 0 : i32
      %dma_wait3A_330 = tpu.memref_slice %arg12[%add3A_98, %dma_wait3A_329] : memref<10240x128xf32, #tpu.memory_space<vmem_shared>> -> memref<128x128xf32, #tpu.memory_space<vmem_shared>>
      %dma_wait3A_331 = arith.constant 0 : i32
      %dma_wait3A_332 = arith.constant 0 : i32
      %dma_wait3A_333 = tpu.memref_slice %arg15[%run_scoped3A_99, %dma_wait3A_331, %dma_wait3A_332] : memref<2x128x128xf32, #tpu.memory_space<vmem>> -> memref<1x128x128xf32, #tpu.memory_space<vmem>>
      %dma_wait3A_334 = tpu.memref_squeeze %dma_wait3A_333 : memref<1x128x128xf32, #tpu.memory_space<vmem>> -> memref<128x128xf32, #tpu.memory_space<vmem>>
      tpu.wait_dma2 semaphore(%run_scoped3A_310 : memref<!tpu.dma_semaphore, #tpu.memory_space<semaphore_mem>>) src(%dma_wait3A_334 : memref<128x128xf32, #tpu.memory_space<vmem>>) dst(%dma_wait3A_330 : memref<128x128xf32, #tpu.memory_space<vmem_shared>>)
      tpu.yield
    }) : () -> ()
    %barrier3A_100 = arith.constant 0 : index
    tpu.barrier barrier_id(%barrier3A_100)
    %dma_start3A_101 = arith.constant 0 : i32
    %dma_start3A_102 = arith.constant 0 : i32
    %dma_start3A_103 = arith.constant 0 : i32
    %dma_start3A_104 = arith.constant 0 : i32
    %dma_start3A_105 = tpu.memref_slice %arg15[%dma_start3A_102, %dma_start3A_103, %dma_start3A_104] : memref<2x128x128xf32, #tpu.memory_space<vmem>> -> memref<1x128x128xf32, #tpu.memory_space<vmem>>
    %dma_start3A_106 = tpu.memref_squeeze %dma_start3A_105 : memref<1x128x128xf32, #tpu.memory_space<vmem>> -> memref<128x128xf32, #tpu.memory_space<vmem>>
    %dma_start3A_107 = arith.constant 0 : i32
    %dma_start3A_108 = tpu.memref_slice %arg13[%dma_start3A_101, %dma_start3A_107] : memref<40x128xi32, #tpu.memory_space<vmem>> -> memref<1x128xi32, #tpu.memory_space<vmem>>
    %dma_start3A_109 = tpu.memref_squeeze %dma_start3A_108 : memref<1x128xi32, #tpu.memory_space<vmem>> -> memref<128xi32, #tpu.memory_space<vmem>>
    %dma_start3A_110 = arith.constant 0 : i32
    %dma_start3A_111 = arith.constant 0 : i32
    %dma_start3A_112 = tpu.memref_slice %arg3[%dma_start3A_110, %dma_start3A_111] : memref<10000x128xf32, #tpu.memory_space<hbm>> -> memref<10000x128xf32, #tpu.memory_space<hbm>>
    tpu.enqueue_indirect_dma source(%dma_start3A_112 : memref<10000x128xf32, #tpu.memory_space<hbm>>) target(%dma_start3A_106 : memref<128x128xf32, #tpu.memory_space<vmem>>) offsets(%dma_start3A_109 : memref<128xi32, #tpu.memory_space<vmem>>) semaphore(%arg16 : memref<!tpu.dma_semaphore, #tpu.memory_space<semaphore_mem>>)
    %dma_start3A_113 = arith.constant 1 : i32
    %dma_start3A_114 = arith.constant 1 : i32
    %dma_start3A_115 = arith.constant 0 : i32
    %dma_start3A_116 = arith.constant 0 : i32
    %dma_start3A_117 = tpu.memref_slice %arg15[%dma_start3A_114, %dma_start3A_115, %dma_start3A_116] : memref<2x128x128xf32, #tpu.memory_space<vmem>> -> memref<1x128x128xf32, #tpu.memory_space<vmem>>
    %dma_start3A_118 = tpu.memref_squeeze %dma_start3A_117 : memref<1x128x128xf32, #tpu.memory_space<vmem>> -> memref<128x128xf32, #tpu.memory_space<vmem>>
    %dma_start3A_119 = arith.constant 0 : i32
    %dma_start3A_120 = tpu.memref_slice %arg13[%dma_start3A_113, %dma_start3A_119] : memref<40x128xi32, #tpu.memory_space<vmem>> -> memref<1x128xi32, #tpu.memory_space<vmem>>
    %dma_start3A_121 = tpu.memref_squeeze %dma_start3A_120 : memref<1x128xi32, #tpu.memory_space<vmem>> -> memref<128xi32, #tpu.memory_space<vmem>>
    %dma_start3A_122 = arith.constant 0 : i32
    %dma_start3A_123 = arith.constant 0 : i32
    %dma_start3A_124 = tpu.memref_slice %arg3[%dma_start3A_122, %dma_start3A_123] : memref<10000x128xf32, #tpu.memory_space<hbm>> -> memref<10000x128xf32, #tpu.memory_space<hbm>>
    tpu.enqueue_indirect_dma source(%dma_start3A_124 : memref<10000x128xf32, #tpu.memory_space<hbm>>) target(%dma_start3A_118 : memref<128x128xf32, #tpu.memory_space<vmem>>) offsets(%dma_start3A_121 : memref<128xi32, #tpu.memory_space<vmem>>) semaphore(%arg17 : memref<!tpu.dma_semaphore, #tpu.memory_space<semaphore_mem>>)
    %scan3A_125 = arith.constant 0 : i32
    %scan3A_126 = arith.constant 0 : i32
    %scan3A_127 = arith.constant 20 : i32
    %scan3A_128 = arith.addi %scan3A_126, %scan3A_127 : i32
    %scan3A_129 = arith.constant 1 : i32
    scf.for %scan3A_310 = %scan3A_126 to %scan3A_128 step %scan3A_129  : i32 {
      %mul3A_311 = arith.constant 2 : i32
      %mul3A_312 = arith.muli %scan3A_310, %mul3A_311 : i32
      %add3A_313 = arith.constant 0 : i32
      %add3A_314 = arith.addi %mul3A_312, %add3A_313 : i32
      %dma_wait3A_315 = arith.constant 0 : i32
      %dma_wait3A_316 = arith.constant 0 : i32
      %dma_wait3A_317 = arith.constant 0 : i32
      %dma_wait3A_318 = tpu.memref_slice %arg15[%dma_wait3A_315, %dma_wait3A_316, %dma_wait3A_317] : memref<2x128x128xf32, #tpu.memory_space<vmem>> -> memref<1x128x128xf32, #tpu.memory_space<vmem>>
      %dma_wait3A_319 = tpu.memref_squeeze %dma_wait3A_318 : memref<1x128x128xf32, #tpu.memory_space<vmem>> -> memref<128x128xf32, #tpu.memory_space<vmem>>
      %dma_wait3A_320 = arith.constant 0 : i32
      %dma_wait3A_321 = tpu.memref_slice %arg13[%add3A_314, %dma_wait3A_320] : memref<40x128xi32, #tpu.memory_space<vmem>> -> memref<1x128xi32, #tpu.memory_space<vmem>>
      %dma_wait3A_322 = tpu.memref_squeeze %dma_wait3A_321 : memref<1x128xi32, #tpu.memory_space<vmem>> -> memref<128xi32, #tpu.memory_space<vmem>>
      %dma_wait3A_323 = arith.constant 0 : i32
      %dma_wait3A_324 = arith.constant 0 : i32
      %dma_wait3A_325 = tpu.memref_slice %arg3[%dma_wait3A_323, %dma_wait3A_324] : memref<10000x128xf32, #tpu.memory_space<hbm>> -> memref<10000x128xf32, #tpu.memory_space<hbm>>
      tpu.wait_indirect_dma semaphore(%arg16 : memref<!tpu.dma_semaphore, #tpu.memory_space<semaphore_mem>>) src(%dma_wait3A_325 : memref<10000x128xf32, #tpu.memory_space<hbm>>) dst(%dma_wait3A_319 : memref<128x128xf32, #tpu.memory_space<vmem>>)
      %dma_start3A_326 = arith.constant 0 : i32
      %dma_start3A_327 = arith.constant 0 : i32
      %dma_start3A_328 = arith.constant 0 : i32
      %dma_start3A_329 = tpu.memref_slice %arg15[%dma_start3A_326, %dma_start3A_327, %dma_start3A_328] : memref<2x128x128xf32, #tpu.memory_space<vmem>> -> memref<1x128x128xf32, #tpu.memory_space<vmem>>
      %dma_start3A_330 = tpu.memref_squeeze %dma_start3A_329 : memref<1x128x128xf32, #tpu.memory_space<vmem>> -> memref<128x128xf32, #tpu.memory_space<vmem>>
      %dma_start3A_331 = arith.constant 0 : i32
      %dma_start3A_332 = tpu.memref_slice %arg14[%add3A_314, %dma_start3A_331] : memref<40x128xi32, #tpu.memory_space<vmem>> -> memref<1x128xi32, #tpu.memory_space<vmem>>
      %dma_start3A_333 = tpu.memref_squeeze %dma_start3A_332 : memref<1x128xi32, #tpu.memory_space<vmem>> -> memref<128xi32, #tpu.memory_space<vmem>>
      %dma_start3A_334 = arith.constant 0 : i32
      %dma_start3A_335 = arith.constant 0 : i32
      %dma_start3A_336 = tpu.memref_slice %arg12[%dma_start3A_334, %dma_start3A_335] : memref<10240x128xf32, #tpu.memory_space<vmem_shared>> -> memref<10240x128xf32, #tpu.memory_space<vmem_shared>>
      tpu.enqueue_indirect_dma source(%dma_start3A_330 : memref<128x128xf32, #tpu.memory_space<vmem>>) target(%dma_start3A_336 : memref<10240x128xf32, #tpu.memory_space<vmem_shared>>) offsets(%dma_start3A_333 : memref<128xi32, #tpu.memory_space<vmem>>) semaphore(%arg18 : memref<!tpu.dma_semaphore, #tpu.memory_space<semaphore_mem>>) {add = true}
      %mul3A_337 = arith.constant 2 : i32
      %mul3A_338 = arith.muli %scan3A_310, %mul3A_337 : i32
      %add3A_339 = arith.constant 1 : i32
      %add3A_340 = arith.addi %mul3A_338, %add3A_339 : i32
      %dma_wait3A_341 = arith.constant 1 : i32
      %dma_wait3A_342 = arith.constant 0 : i32
      %dma_wait3A_343 = arith.constant 0 : i32
      %dma_wait3A_344 = tpu.memref_slice %arg15[%dma_wait3A_341, %dma_wait3A_342, %dma_wait3A_343] : memref<2x128x128xf32, #tpu.memory_space<vmem>> -> memref<1x128x128xf32, #tpu.memory_space<vmem>>
      %dma_wait3A_345 = tpu.memref_squeeze %dma_wait3A_344 : memref<1x128x128xf32, #tpu.memory_space<vmem>> -> memref<128x128xf32, #tpu.memory_space<vmem>>
      %dma_wait3A_346 = arith.constant 0 : i32
      %dma_wait3A_347 = tpu.memref_slice %arg13[%add3A_340, %dma_wait3A_346] : memref<40x128xi32, #tpu.memory_space<vmem>> -> memref<1x128xi32, #tpu.memory_space<vmem>>
      %dma_wait3A_348 = tpu.memref_squeeze %dma_wait3A_347 : memref<1x128xi32, #tpu.memory_space<vmem>> -> memref<128xi32, #tpu.memory_space<vmem>>
      %dma_wait3A_349 = arith.constant 0 : i32
      %dma_wait3A_350 = arith.constant 0 : i32
      %dma_wait3A_351 = tpu.memref_slice %arg3[%dma_wait3A_349, %dma_wait3A_350] : memref<10000x128xf32, #tpu.memory_space<hbm>> -> memref<10000x128xf32, #tpu.memory_space<hbm>>
      tpu.wait_indirect_dma semaphore(%arg17 : memref<!tpu.dma_semaphore, #tpu.memory_space<semaphore_mem>>) src(%dma_wait3A_351 : memref<10000x128xf32, #tpu.memory_space<hbm>>) dst(%dma_wait3A_345 : memref<128x128xf32, #tpu.memory_space<vmem>>)
      %dma_start3A_352 = arith.constant 1 : i32
      %dma_start3A_353 = arith.constant 0 : i32
      %dma_start3A_354 = arith.constant 0 : i32
      %dma_start3A_355 = tpu.memref_slice %arg15[%dma_start3A_352, %dma_start3A_353, %dma_start3A_354] : memref<2x128x128xf32, #tpu.memory_space<vmem>> -> memref<1x128x128xf32, #tpu.memory_space<vmem>>
      %dma_start3A_356 = tpu.memref_squeeze %dma_start3A_355 : memref<1x128x128xf32, #tpu.memory_space<vmem>> -> memref<128x128xf32, #tpu.memory_space<vmem>>
      %dma_start3A_357 = arith.constant 0 : i32
      %dma_start3A_358 = tpu.memref_slice %arg14[%add3A_340, %dma_start3A_357] : memref<40x128xi32, #tpu.memory_space<vmem>> -> memref<1x128xi32, #tpu.memory_space<vmem>>
      %dma_start3A_359 = tpu.memref_squeeze %dma_start3A_358 : memref<1x128xi32, #tpu.memory_space<vmem>> -> memref<128xi32, #tpu.memory_space<vmem>>
      %dma_start3A_360 = arith.constant 0 : i32
      %dma_start3A_361 = arith.constant 0 : i32
      %dma_start3A_362 = tpu.memref_slice %arg12[%dma_start3A_360, %dma_start3A_361] : memref<10240x128xf32, #tpu.memory_space<vmem_shared>> -> memref<10240x128xf32, #tpu.memory_space<vmem_shared>>
      tpu.enqueue_indirect_dma source(%dma_start3A_356 : memref<128x128xf32, #tpu.memory_space<vmem>>) target(%dma_start3A_362 : memref<10240x128xf32, #tpu.memory_space<vmem_shared>>) offsets(%dma_start3A_359 : memref<128xi32, #tpu.memory_space<vmem>>) semaphore(%arg19 : memref<!tpu.dma_semaphore, #tpu.memory_space<semaphore_mem>>) {add = true}
      %mul3A_363 = arith.constant 2 : i32
      %mul3A_364 = arith.muli %scan3A_310, %mul3A_363 : i32
      %add3A_365 = arith.constant 0 : i32
      %add3A_366 = arith.addi %mul3A_364, %add3A_365 : i32
      %add3A_367 = arith.constant 2 : i32
      %add3A_368 = arith.addi %add3A_366, %add3A_367 : i32
      %lt3A = arith.constant 40 : i32
      %lt3A_369 = arith.cmpi slt, %add3A_368, %lt3A : i32
      %convert_element_type3A = arith.extui %lt3A_369 : i1 to i32
      %cond3A = arith.constant 0 : i32
      %cond3A_370 = arith.cmpi ne, %convert_element_type3A, %cond3A : i32
      scf.if %cond3A_370 {
        %dma_wait3A_382 = arith.constant 0 : i32
        %dma_wait3A_383 = arith.constant 0 : i32
        %dma_wait3A_384 = arith.constant 0 : i32
        %dma_wait3A_385 = tpu.memref_slice %arg15[%dma_wait3A_382, %dma_wait3A_383, %dma_wait3A_384] : memref<2x128x128xf32, #tpu.memory_space<vmem>> -> memref<1x128x128xf32, #tpu.memory_space<vmem>>
        %dma_wait3A_386 = tpu.memref_squeeze %dma_wait3A_385 : memref<1x128x128xf32, #tpu.memory_space<vmem>> -> memref<128x128xf32, #tpu.memory_space<vmem>>
        %dma_wait3A_387 = arith.constant 0 : i32
        %dma_wait3A_388 = tpu.memref_slice %arg14[%add3A_366, %dma_wait3A_387] : memref<40x128xi32, #tpu.memory_space<vmem>> -> memref<1x128xi32, #tpu.memory_space<vmem>>
        %dma_wait3A_389 = tpu.memref_squeeze %dma_wait3A_388 : memref<1x128xi32, #tpu.memory_space<vmem>> -> memref<128xi32, #tpu.memory_space<vmem>>
        %dma_wait3A_390 = arith.constant 0 : i32
        %dma_wait3A_391 = arith.constant 0 : i32
        %dma_wait3A_392 = tpu.memref_slice %arg12[%dma_wait3A_390, %dma_wait3A_391] : memref<10240x128xf32, #tpu.memory_space<vmem_shared>> -> memref<10240x128xf32, #tpu.memory_space<vmem_shared>>
        tpu.wait_indirect_dma semaphore(%arg18 : memref<!tpu.dma_semaphore, #tpu.memory_space<semaphore_mem>>) src(%dma_wait3A_386 : memref<128x128xf32, #tpu.memory_space<vmem>>) dst(%dma_wait3A_392 : memref<10240x128xf32, #tpu.memory_space<vmem_shared>>)
        %dma_start3A_393 = arith.constant 0 : i32
        %dma_start3A_394 = arith.constant 0 : i32
        %dma_start3A_395 = arith.constant 0 : i32
        %dma_start3A_396 = tpu.memref_slice %arg15[%dma_start3A_393, %dma_start3A_394, %dma_start3A_395] : memref<2x128x128xf32, #tpu.memory_space<vmem>> -> memref<1x128x128xf32, #tpu.memory_space<vmem>>
        %dma_start3A_397 = tpu.memref_squeeze %dma_start3A_396 : memref<1x128x128xf32, #tpu.memory_space<vmem>> -> memref<128x128xf32, #tpu.memory_space<vmem>>
        %dma_start3A_398 = arith.constant 0 : i32
        %dma_start3A_399 = tpu.memref_slice %arg13[%add3A_368, %dma_start3A_398] : memref<40x128xi32, #tpu.memory_space<vmem>> -> memref<1x128xi32, #tpu.memory_space<vmem>>
        %dma_start3A_400 = tpu.memref_squeeze %dma_start3A_399 : memref<1x128xi32, #tpu.memory_space<vmem>> -> memref<128xi32, #tpu.memory_space<vmem>>
        %dma_start3A_401 = arith.constant 0 : i32
        %dma_start3A_402 = arith.constant 0 : i32
        %dma_start3A_403 = tpu.memref_slice %arg3[%dma_start3A_401, %dma_start3A_402] : memref<10000x128xf32, #tpu.memory_space<hbm>> -> memref<10000x128xf32, #tpu.memory_space<hbm>>
        tpu.enqueue_indirect_dma source(%dma_start3A_403 : memref<10000x128xf32, #tpu.memory_space<hbm>>) target(%dma_start3A_397 : memref<128x128xf32, #tpu.memory_space<vmem>>) offsets(%dma_start3A_400 : memref<128xi32, #tpu.memory_space<vmem>>) semaphore(%arg16 : memref<!tpu.dma_semaphore, #tpu.memory_space<semaphore_mem>>)
      } else {
      }
      %mul3A_371 = arith.constant 2 : i32
      %mul3A_372 = arith.muli %scan3A_310, %mul3A_371 : i32
      %add3A_373 = arith.constant 1 : i32
      %add3A_374 = arith.addi %mul3A_372, %add3A_373 : i32
      %add3A_375 = arith.constant 2 : i32
      %add3A_376 = arith.addi %add3A_374, %add3A_375 : i32
      %lt3A_377 = arith.constant 40 : i32
      %lt3A_378 = arith.cmpi slt, %add3A_376, %lt3A_377 : i32
      %convert_element_type3A_379 = arith.extui %lt3A_378 : i1 to i32
      %cond3A_380 = arith.constant 0 : i32
      %cond3A_381 = arith.cmpi ne, %convert_element_type3A_379, %cond3A_380 : i32
      scf.if %cond3A_381 {
        %dma_wait3A_382 = arith.constant 1 : i32
        %dma_wait3A_383 = arith.constant 0 : i32
        %dma_wait3A_384 = arith.constant 0 : i32
        %dma_wait3A_385 = tpu.memref_slice %arg15[%dma_wait3A_382, %dma_wait3A_383, %dma_wait3A_384] : memref<2x128x128xf32, #tpu.memory_space<vmem>> -> memref<1x128x128xf32, #tpu.memory_space<vmem>>
        %dma_wait3A_386 = tpu.memref_squeeze %dma_wait3A_385 : memref<1x128x128xf32, #tpu.memory_space<vmem>> -> memref<128x128xf32, #tpu.memory_space<vmem>>
        %dma_wait3A_387 = arith.constant 0 : i32
        %dma_wait3A_388 = tpu.memref_slice %arg14[%add3A_374, %dma_wait3A_387] : memref<40x128xi32, #tpu.memory_space<vmem>> -> memref<1x128xi32, #tpu.memory_space<vmem>>
        %dma_wait3A_389 = tpu.memref_squeeze %dma_wait3A_388 : memref<1x128xi32, #tpu.memory_space<vmem>> -> memref<128xi32, #tpu.memory_space<vmem>>
        %dma_wait3A_390 = arith.constant 0 : i32
        %dma_wait3A_391 = arith.constant 0 : i32
        %dma_wait3A_392 = tpu.memref_slice %arg12[%dma_wait3A_390, %dma_wait3A_391] : memref<10240x128xf32, #tpu.memory_space<vmem_shared>> -> memref<10240x128xf32, #tpu.memory_space<vmem_shared>>
        tpu.wait_indirect_dma semaphore(%arg19 : memref<!tpu.dma_semaphore, #tpu.memory_space<semaphore_mem>>) src(%dma_wait3A_386 : memref<128x128xf32, #tpu.memory_space<vmem>>) dst(%dma_wait3A_392 : memref<10240x128xf32, #tpu.memory_space<vmem_shared>>)
        %dma_start3A_393 = arith.constant 1 : i32
        %dma_start3A_394 = arith.constant 0 : i32
        %dma_start3A_395 = arith.constant 0 : i32
        %dma_start3A_396 = tpu.memref_slice %arg15[%dma_start3A_393, %dma_start3A_394, %dma_start3A_395] : memref<2x128x128xf32, #tpu.memory_space<vmem>> -> memref<1x128x128xf32, #tpu.memory_space<vmem>>
        %dma_start3A_397 = tpu.memref_squeeze %dma_start3A_396 : memref<1x128x128xf32, #tpu.memory_space<vmem>> -> memref<128x128xf32, #tpu.memory_space<vmem>>
        %dma_start3A_398 = arith.constant 0 : i32
        %dma_start3A_399 = tpu.memref_slice %arg13[%add3A_376, %dma_start3A_398] : memref<40x128xi32, #tpu.memory_space<vmem>> -> memref<1x128xi32, #tpu.memory_space<vmem>>
        %dma_start3A_400 = tpu.memref_squeeze %dma_start3A_399 : memref<1x128xi32, #tpu.memory_space<vmem>> -> memref<128xi32, #tpu.memory_space<vmem>>
        %dma_start3A_401 = arith.constant 0 : i32
        %dma_start3A_402 = arith.constant 0 : i32
        %dma_start3A_403 = tpu.memref_slice %arg3[%dma_start3A_401, %dma_start3A_402] : memref<10000x128xf32, #tpu.memory_space<hbm>> -> memref<10000x128xf32, #tpu.memory_space<hbm>>
        tpu.enqueue_indirect_dma source(%dma_start3A_403 : memref<10000x128xf32, #tpu.memory_space<hbm>>) target(%dma_start3A_397 : memref<128x128xf32, #tpu.memory_space<vmem>>) offsets(%dma_start3A_400 : memref<128xi32, #tpu.memory_space<vmem>>) semaphore(%arg17 : memref<!tpu.dma_semaphore, #tpu.memory_space<semaphore_mem>>)
      } else {
      }
    }
    %scan3A_130 = arith.constant 20 : i32
    %dma_wait3A_131 = arith.constant 0 : i32
    %dma_wait3A_132 = arith.constant 38 : i32
    %dma_wait3A_133 = arith.constant 0 : i32
    %dma_wait3A_134 = arith.constant 0 : i32
    %dma_wait3A_135 = tpu.memref_slice %arg15[%dma_wait3A_131, %dma_wait3A_133, %dma_wait3A_134] : memref<2x128x128xf32, #tpu.memory_space<vmem>> -> memref<1x128x128xf32, #tpu.memory_space<vmem>>
    %dma_wait3A_136 = tpu.memref_squeeze %dma_wait3A_135 : memref<1x128x128xf32, #tpu.memory_space<vmem>> -> memref<128x128xf32, #tpu.memory_space<vmem>>
    %dma_wait3A_137 = arith.constant 0 : i32
    %dma_wait3A_138 = tpu.memref_slice %arg14[%dma_wait3A_132, %dma_wait3A_137] : memref<40x128xi32, #tpu.memory_space<vmem>> -> memref<1x128xi32, #tpu.memory_space<vmem>>
    %dma_wait3A_139 = tpu.memref_squeeze %dma_wait3A_138 : memref<1x128xi32, #tpu.memory_space<vmem>> -> memref<128xi32, #tpu.memory_space<vmem>>
    %dma_wait3A_140 = arith.constant 0 : i32
    %dma_wait3A_141 = arith.constant 0 : i32
    %dma_wait3A_142 = tpu.memref_slice %arg12[%dma_wait3A_140, %dma_wait3A_141] : memref<10240x128xf32, #tpu.memory_space<vmem_shared>> -> memref<10240x128xf32, #tpu.memory_space<vmem_shared>>
    tpu.wait_indirect_dma semaphore(%arg18 : memref<!tpu.dma_semaphore, #tpu.memory_space<semaphore_mem>>) src(%dma_wait3A_136 : memref<128x128xf32, #tpu.memory_space<vmem>>) dst(%dma_wait3A_142 : memref<10240x128xf32, #tpu.memory_space<vmem_shared>>)
    %dma_wait3A_143 = arith.constant 1 : i32
    %dma_wait3A_144 = arith.constant 39 : i32
    %dma_wait3A_145 = arith.constant 0 : i32
    %dma_wait3A_146 = arith.constant 0 : i32
    %dma_wait3A_147 = tpu.memref_slice %arg15[%dma_wait3A_143, %dma_wait3A_145, %dma_wait3A_146] : memref<2x128x128xf32, #tpu.memory_space<vmem>> -> memref<1x128x128xf32, #tpu.memory_space<vmem>>
    %dma_wait3A_148 = tpu.memref_squeeze %dma_wait3A_147 : memref<1x128x128xf32, #tpu.memory_space<vmem>> -> memref<128x128xf32, #tpu.memory_space<vmem>>
    %dma_wait3A_149 = arith.constant 0 : i32
    %dma_wait3A_150 = tpu.memref_slice %arg14[%dma_wait3A_144, %dma_wait3A_149] : memref<40x128xi32, #tpu.memory_space<vmem>> -> memref<1x128xi32, #tpu.memory_space<vmem>>
    %dma_wait3A_151 = tpu.memref_squeeze %dma_wait3A_150 : memref<1x128xi32, #tpu.memory_space<vmem>> -> memref<128xi32, #tpu.memory_space<vmem>>
    %dma_wait3A_152 = arith.constant 0 : i32
    %dma_wait3A_153 = arith.constant 0 : i32
    %dma_wait3A_154 = tpu.memref_slice %arg12[%dma_wait3A_152, %dma_wait3A_153] : memref<10240x128xf32, #tpu.memory_space<vmem_shared>> -> memref<10240x128xf32, #tpu.memory_space<vmem_shared>>
    tpu.wait_indirect_dma semaphore(%arg19 : memref<!tpu.dma_semaphore, #tpu.memory_space<semaphore_mem>>) src(%dma_wait3A_148 : memref<128x128xf32, #tpu.memory_space<vmem>>) dst(%dma_wait3A_154 : memref<10240x128xf32, #tpu.memory_space<vmem_shared>>)
    %barrier3A_155 = arith.constant 0 : index
    tpu.barrier barrier_id(%barrier3A_155)
    "tpu.region"() ({
      %run_scoped3A_310 = tpu.sem_alloc : memref<!tpu.dma_semaphore, #tpu.memory_space<semaphore_mem>>
      %dma_start3A_311 = arith.constant 0 : i32
      %dma_start3A_312 = tpu.memref_slice %arg9[%arg0, %mul3A_6, %dma_start3A_311] : memref<2x10240x128xf32, #tpu.memory_space<hbm>> -> memref<1x640x128xf32, #tpu.memory_space<hbm>>
      %dma_start3A_313 = tpu.memref_squeeze %dma_start3A_312 : memref<1x640x128xf32, #tpu.memory_space<hbm>> -> memref<640x128xf32, #tpu.memory_space<hbm>>
      %dma_start3A_314 = arith.constant 0 : i32
      %dma_start3A_315 = tpu.memref_slice %arg12[%mul3A_6, %dma_start3A_314] : memref<10240x128xf32, #tpu.memory_space<vmem_shared>> -> memref<640x128xf32, #tpu.memory_space<vmem_shared>>
      tpu.enqueue_dma source(%dma_start3A_315 : memref<640x128xf32, #tpu.memory_space<vmem_shared>>) target(%dma_start3A_313 : memref<640x128xf32, #tpu.memory_space<hbm>>) target_semaphore(%run_scoped3A_310 : memref<!tpu.dma_semaphore, #tpu.memory_space<semaphore_mem>>)
      %dma_wait3A_316 = arith.constant 0 : i32
      %dma_wait3A_317 = tpu.memref_slice %arg9[%arg0, %mul3A_6, %dma_wait3A_316] : memref<2x10240x128xf32, #tpu.memory_space<hbm>> -> memref<1x640x128xf32, #tpu.memory_space<hbm>>
      %dma_wait3A_318 = tpu.memref_squeeze %dma_wait3A_317 : memref<1x640x128xf32, #tpu.memory_space<hbm>> -> memref<640x128xf32, #tpu.memory_space<hbm>>
      %dma_wait3A_319 = arith.constant 0 : i32
      %dma_wait3A_320 = tpu.memref_slice %arg12[%mul3A_6, %dma_wait3A_319] : memref<10240x128xf32, #tpu.memory_space<vmem_shared>> -> memref<640x128xf32, #tpu.memory_space<vmem_shared>>
      tpu.wait_dma2 semaphore(%run_scoped3A_310 : memref<!tpu.dma_semaphore, #tpu.memory_space<semaphore_mem>>) src(%dma_wait3A_320 : memref<640x128xf32, #tpu.memory_space<vmem_shared>>) dst(%dma_wait3A_318 : memref<640x128xf32, #tpu.memory_space<hbm>>)
      tpu.yield
    }) : () -> ()
    %scan3A_156 = arith.constant 0 : i32
    %scan3A_157 = arith.constant 0 : i32
    %scan3A_158 = arith.constant 128 : i32
    %scan3A_159 = arith.addi %scan3A_157, %scan3A_158 : i32
    %scan3A_160 = arith.constant 1 : i32
    scf.for %scan3A_310 = %scan3A_157 to %scan3A_159 step %scan3A_160  : i32 {
      %broadcast_in_dim3A = arith.constant 0.000000e+00 : f32
      %broadcast_in_dim3A_311 = vector.broadcast %broadcast_in_dim3A : f32 to vector<16xf32>
      %swap3A = arith.constant 0 : i32
      %swap3A_312 = arith.index_cast %swap3A : i32 to index
      %swap3A_313 = arith.index_cast %scan3A_310 : i32 to index
      %swap3A_314 = arith.constant 0 : index
      %swap3A_315 = tpu.vector_load %arg15[%swap3A_312, %swap3A_313, %swap3A_314] {strides = array<i32>} : memref<2x128x128xf32, #tpu.memory_space<vmem>>, vector<1x1x16xf32>,
      %swap3A_316 = vector.shape_cast %swap3A_315 : vector<1x1x16xf32> to vector<16xf32>
      %swap3A_317 = vector.shape_cast %broadcast_in_dim3A_311 : vector<16xf32> to vector<1x1x16xf32>
      tpu.vector_store %arg15[%swap3A_312, %swap3A_313, %swap3A_314], %swap3A_317 {strides = array<i32>} : memref<2x128x128xf32, #tpu.memory_space<vmem>>, vector<1x1x16xf32>,
      %broadcast_in_dim3A_318 = arith.constant 0.000000e+00 : f32
      %broadcast_in_dim3A_319 = vector.broadcast %broadcast_in_dim3A_318 : f32 to vector<16xf32>
      %swap3A_320 = arith.constant 0 : i32
      %swap3A_321 = arith.index_cast %swap3A_320 : i32 to index
      %swap3A_322 = arith.index_cast %scan3A_310 : i32 to index
      %swap3A_323 = arith.constant 16 : index
      %swap3A_324 = tpu.vector_load %arg15[%swap3A_321, %swap3A_322, %swap3A_323] {strides = array<i32>} : memref<2x128x128xf32, #tpu.memory_space<vmem>>, vector<1x1x16xf32>,
      %swap3A_325 = vector.shape_cast %swap3A_324 : vector<1x1x16xf32> to vector<16xf32>
      %swap3A_326 = vector.shape_cast %broadcast_in_dim3A_319 : vector<16xf32> to vector<1x1x16xf32>
      tpu.vector_store %arg15[%swap3A_321, %swap3A_322, %swap3A_323], %swap3A_326 {strides = array<i32>} : memref<2x128x128xf32, #tpu.memory_space<vmem>>, vector<1x1x16xf32>,
      %broadcast_in_dim3A_327 = arith.constant 0.000000e+00 : f32
      %broadcast_in_dim3A_328 = vector.broadcast %broadcast_in_dim3A_327 : f32 to vector<16xf32>
      %swap3A_329 = arith.constant 0 : i32
      %swap3A_330 = arith.index_cast %swap3A_329 : i32 to index
      %swap3A_331 = arith.index_cast %scan3A_310 : i32 to index
      %swap3A_332 = arith.constant 32 : index
      %swap3A_333 = tpu.vector_load %arg15[%swap3A_330, %swap3A_331, %swap3A_332] {strides = array<i32>} : memref<2x128x128xf32, #tpu.memory_space<vmem>>, vector<1x1x16xf32>,
      %swap3A_334 = vector.shape_cast %swap3A_333 : vector<1x1x16xf32> to vector<16xf32>
      %swap3A_335 = vector.shape_cast %broadcast_in_dim3A_328 : vector<16xf32> to vector<1x1x16xf32>
      tpu.vector_store %arg15[%swap3A_330, %swap3A_331, %swap3A_332], %swap3A_335 {strides = array<i32>} : memref<2x128x128xf32, #tpu.memory_space<vmem>>, vector<1x1x16xf32>,
      %broadcast_in_dim3A_336 = arith.constant 0.000000e+00 : f32
      %broadcast_in_dim3A_337 = vector.broadcast %broadcast_in_dim3A_336 : f32 to vector<16xf32>
      %swap3A_338 = arith.constant 0 : i32
      %swap3A_339 = arith.index_cast %swap3A_338 : i32 to index
      %swap3A_340 = arith.index_cast %scan3A_310 : i32 to index
      %swap3A_341 = arith.constant 48 : index
      %swap3A_342 = tpu.vector_load %arg15[%swap3A_339, %swap3A_340, %swap3A_341] {strides = array<i32>} : memref<2x128x128xf32, #tpu.memory_space<vmem>>, vector<1x1x16xf32>,
      %swap3A_343 = vector.shape_cast %swap3A_342 : vector<1x1x16xf32> to vector<16xf32>
      %swap3A_344 = vector.shape_cast %broadcast_in_dim3A_337 : vector<16xf32> to vector<1x1x16xf32>
      tpu.vector_store %arg15[%swap3A_339, %swap3A_340, %swap3A_341], %swap3A_344 {strides = array<i32>} : memref<2x128x128xf32, #tpu.memory_space<vmem>>, vector<1x1x16xf32>,
      %broadcast_in_dim3A_345 = arith.constant 0.000000e+00 : f32
      %broadcast_in_dim3A_346 = vector.broadcast %broadcast_in_dim3A_345 : f32 to vector<16xf32>
      %swap3A_347 = arith.constant 0 : i32
      %swap3A_348 = arith.index_cast %swap3A_347 : i32 to index
      %swap3A_349 = arith.index_cast %scan3A_310 : i32 to index
      %swap3A_350 = arith.constant 64 : index
      %swap3A_351 = tpu.vector_load %arg15[%swap3A_348, %swap3A_349, %swap3A_350] {strides = array<i32>} : memref<2x128x128xf32, #tpu.memory_space<vmem>>, vector<1x1x16xf32>,
      %swap3A_352 = vector.shape_cast %swap3A_351 : vector<1x1x16xf32> to vector<16xf32>
      %swap3A_353 = vector.shape_cast %broadcast_in_dim3A_346 : vector<16xf32> to vector<1x1x16xf32>
      tpu.vector_store %arg15[%swap3A_348, %swap3A_349, %swap3A_350], %swap3A_353 {strides = array<i32>} : memref<2x128x128xf32, #tpu.memory_space<vmem>>, vector<1x1x16xf32>,
      %broadcast_in_dim3A_354 = arith.constant 0.000000e+00 : f32
      %broadcast_in_dim3A_355 = vector.broadcast %broadcast_in_dim3A_354 : f32 to vector<16xf32>
      %swap3A_356 = arith.constant 0 : i32
      %swap3A_357 = arith.index_cast %swap3A_356 : i32 to index
      %swap3A_358 = arith.index_cast %scan3A_310 : i32 to index
      %swap3A_359 = arith.constant 80 : index
      %swap3A_360 = tpu.vector_load %arg15[%swap3A_357, %swap3A_358, %swap3A_359] {strides = array<i32>} : memref<2x128x128xf32, #tpu.memory_space<vmem>>, vector<1x1x16xf32>,
      %swap3A_361 = vector.shape_cast %swap3A_360 : vector<1x1x16xf32> to vector<16xf32>
      %swap3A_362 = vector.shape_cast %broadcast_in_dim3A_355 : vector<16xf32> to vector<1x1x16xf32>
      tpu.vector_store %arg15[%swap3A_357, %swap3A_358, %swap3A_359], %swap3A_362 {strides = array<i32>} : memref<2x128x128xf32, #tpu.memory_space<vmem>>, vector<1x1x16xf32>,
      %broadcast_in_dim3A_363 = arith.constant 0.000000e+00 : f32
      %broadcast_in_dim3A_364 = vector.broadcast %broadcast_in_dim3A_363 : f32 to vector<16xf32>
      %swap3A_365 = arith.constant 0 : i32
      %swap3A_366 = arith.index_cast %swap3A_365 : i32 to index
      %swap3A_367 = arith.index_cast %scan3A_310 : i32 to index
      %swap3A_368 = arith.constant 96 : index
      %swap3A_369 = tpu.vector_load %arg15[%swap3A_366, %swap3A_367, %swap3A_368] {strides = array<i32>} : memref<2x128x128xf32, #tpu.memory_space<vmem>>, vector<1x1x16xf32>,
      %swap3A_370 = vector.shape_cast %swap3A_369 : vector<1x1x16xf32> to vector<16xf32>
      %swap3A_371 = vector.shape_cast %broadcast_in_dim3A_364 : vector<16xf32> to vector<1x1x16xf32>
      tpu.vector_store %arg15[%swap3A_366, %swap3A_367, %swap3A_368], %swap3A_371 {strides = array<i32>} : memref<2x128x128xf32, #tpu.memory_space<vmem>>, vector<1x1x16xf32>,
      %broadcast_in_dim3A_372 = arith.constant 0.000000e+00 : f32
      %broadcast_in_dim3A_373 = vector.broadcast %broadcast_in_dim3A_372 : f32 to vector<16xf32>
      %swap3A_374 = arith.constant 0 : i32
      %swap3A_375 = arith.index_cast %swap3A_374 : i32 to index
      %swap3A_376 = arith.index_cast %scan3A_310 : i32 to index
      %swap3A_377 = arith.constant 112 : index
      %swap3A_378 = tpu.vector_load %arg15[%swap3A_375, %swap3A_376, %swap3A_377] {strides = array<i32>} : memref<2x128x128xf32, #tpu.memory_space<vmem>>, vector<1x1x16xf32>,
      %swap3A_379 = vector.shape_cast %swap3A_378 : vector<1x1x16xf32> to vector<16xf32>
      %swap3A_380 = vector.shape_cast %broadcast_in_dim3A_373 : vector<16xf32> to vector<1x1x16xf32>
      tpu.vector_store %arg15[%swap3A_375, %swap3A_376, %swap3A_377], %swap3A_380 {strides = array<i32>} : memref<2x128x128xf32, #tpu.memory_space<vmem>>, vector<1x1x16xf32>,
    }
    %scan3A_161 = arith.constant 128 : i32
    %add3A_162 = arith.constant 0 : i32
    %add3A_163 = arith.addi %mul3A_6, %add3A_162 : i32
    %run_scoped3A_164 = arith.constant 0 : i32
    "tpu.region"() ({
      %run_scoped3A_310 = tpu.sem_alloc : memref<!tpu.dma_semaphore, #tpu.memory_space<semaphore_mem>>
      %dma_start3A_311 = arith.constant 0 : i32
      %dma_start3A_312 = arith.constant 0 : i32
      %dma_start3A_313 = tpu.memref_slice %arg15[%run_scoped3A_164, %dma_start3A_311, %dma_start3A_312] : memref<2x128x128xf32, #tpu.memory_space<vmem>> -> memref<1x128x128xf32, #tpu.memory_space<vmem>>
      %dma_start3A_314 = tpu.memref_squeeze %dma_start3A_313 : memref<1x128x128xf32, #tpu.memory_space<vmem>> -> memref<128x128xf32, #tpu.memory_space<vmem>>
      %dma_start3A_315 = arith.constant 0 : i32
      %dma_start3A_316 = tpu.memref_slice %arg12[%add3A_163, %dma_start3A_315] : memref<10240x128xf32, #tpu.memory_space<vmem_shared>> -> memref<128x128xf32, #tpu.memory_space<vmem_shared>>
      %dma_start3A_317 = arith.constant 0 : i32
      %dma_start3A_318 = tpu.memref_slice %arg12[%add3A_163, %dma_start3A_317] : memref<10240x128xf32, #tpu.memory_space<vmem_shared>> -> memref<128x128xf32, #tpu.memory_space<vmem_shared>>
      %dma_start3A_319 = arith.constant 0 : i32
      %dma_start3A_320 = arith.constant 0 : i32
      %dma_start3A_321 = tpu.memref_slice %arg15[%run_scoped3A_164, %dma_start3A_319, %dma_start3A_320] : memref<2x128x128xf32, #tpu.memory_space<vmem>> -> memref<1x128x128xf32, #tpu.memory_space<vmem>>
      %dma_start3A_322 = tpu.memref_squeeze %dma_start3A_321 : memref<1x128x128xf32, #tpu.memory_space<vmem>> -> memref<128x128xf32, #tpu.memory_space<vmem>>
      tpu.enqueue_dma source(%dma_start3A_322 : memref<128x128xf32, #tpu.memory_space<vmem>>) target(%dma_start3A_318 : memref<128x128xf32, #tpu.memory_space<vmem_shared>>) target_semaphore(%run_scoped3A_310 : memref<!tpu.dma_semaphore, #tpu.memory_space<semaphore_mem>>)
      %dma_wait3A_323 = arith.constant 0 : i32
      %dma_wait3A_324 = arith.constant 0 : i32
      %dma_wait3A_325 = tpu.memref_slice %arg15[%run_scoped3A_164, %dma_wait3A_323, %dma_wait3A_324] : memref<2x128x128xf32, #tpu.memory_space<vmem>> -> memref<1x128x128xf32, #tpu.memory_space<vmem>>
      %dma_wait3A_326 = tpu.memref_squeeze %dma_wait3A_325 : memref<1x128x128xf32, #tpu.memory_space<vmem>> -> memref<128x128xf32, #tpu.memory_space<vmem>>
      %dma_wait3A_327 = arith.constant 0 : i32
      %dma_wait3A_328 = tpu.memref_slice %arg12[%add3A_163, %dma_wait3A_327] : memref<10240x128xf32, #tpu.memory_space<vmem_shared>> -> memref<128x128xf32, #tpu.memory_space<vmem_shared>>
      %dma_wait3A_329 = arith.constant 0 : i32
      %dma_wait3A_330 = tpu.memref_slice %arg12[%add3A_163, %dma_wait3A_329] : memref<10240x128xf32, #tpu.memory_space<vmem_shared>> -> memref<128x128xf32, #tpu.memory_space<vmem_shared>>
      %dma_wait3A_331 = arith.constant 0 : i32
      %dma_wait3A_332 = arith.constant 0 : i32
      %dma_wait3A_333 = tpu.memref_slice %arg15[%run_scoped3A_164, %dma_wait3A_331, %dma_wait3A_332] : memref<2x128x128xf32, #tpu.memory_space<vmem>> -> memref<1x128x128xf32, #tpu.memory_space<vmem>>
      %dma_wait3A_334 = tpu.memref_squeeze %dma_wait3A_333 : memref<1x128x128xf32, #tpu.memory_space<vmem>> -> memref<128x128xf32, #tpu.memory_space<vmem>>
      tpu.wait_dma2 semaphore(%run_scoped3A_310 : memref<!tpu.dma_semaphore, #tpu.memory_space<semaphore_mem>>) src(%dma_wait3A_334 : memref<128x128xf32, #tpu.memory_space<vmem>>) dst(%dma_wait3A_330 : memref<128x128xf32, #tpu.memory_space<vmem_shared>>)
      tpu.yield
    }) : () -> ()
    %add3A_165 = arith.constant 128 : i32
    %add3A_166 = arith.addi %mul3A_6, %add3A_165 : i32
    %run_scoped3A_167 = arith.constant 0 : i32
    "tpu.region"() ({
      %run_scoped3A_310 = tpu.sem_alloc : memref<!tpu.dma_semaphore, #tpu.memory_space<semaphore_mem>>
      %dma_start3A_311 = arith.constant 0 : i32
      %dma_start3A_312 = arith.constant 0 : i32
      %dma_start3A_313 = tpu.memref_slice %arg15[%run_scoped3A_167, %dma_start3A_311, %dma_start3A_312] : memref<2x128x128xf32, #tpu.memory_space<vmem>> -> memref<1x128x128xf32, #tpu.memory_space<vmem>>
      %dma_start3A_314 = tpu.memref_squeeze %dma_start3A_313 : memref<1x128x128xf32, #tpu.memory_space<vmem>> -> memref<128x128xf32, #tpu.memory_space<vmem>>
      %dma_start3A_315 = arith.constant 0 : i32
      %dma_start3A_316 = tpu.memref_slice %arg12[%add3A_166, %dma_start3A_315] : memref<10240x128xf32, #tpu.memory_space<vmem_shared>> -> memref<128x128xf32, #tpu.memory_space<vmem_shared>>
      %dma_start3A_317 = arith.constant 0 : i32
      %dma_start3A_318 = tpu.memref_slice %arg12[%add3A_166, %dma_start3A_317] : memref<10240x128xf32, #tpu.memory_space<vmem_shared>> -> memref<128x128xf32, #tpu.memory_space<vmem_shared>>
      %dma_start3A_319 = arith.constant 0 : i32
      %dma_start3A_320 = arith.constant 0 : i32
      %dma_start3A_321 = tpu.memref_slice %arg15[%run_scoped3A_167, %dma_start3A_319, %dma_start3A_320] : memref<2x128x128xf32, #tpu.memory_space<vmem>> -> memref<1x128x128xf32, #tpu.memory_space<vmem>>
      %dma_start3A_322 = tpu.memref_squeeze %dma_start3A_321 : memref<1x128x128xf32, #tpu.memory_space<vmem>> -> memref<128x128xf32, #tpu.memory_space<vmem>>
      tpu.enqueue_dma source(%dma_start3A_322 : memref<128x128xf32, #tpu.memory_space<vmem>>) target(%dma_start3A_318 : memref<128x128xf32, #tpu.memory_space<vmem_shared>>) target_semaphore(%run_scoped3A_310 : memref<!tpu.dma_semaphore, #tpu.memory_space<semaphore_mem>>)
      %dma_wait3A_323 = arith.constant 0 : i32
      %dma_wait3A_324 = arith.constant 0 : i32
      %dma_wait3A_325 = tpu.memref_slice %arg15[%run_scoped3A_167, %dma_wait3A_323, %dma_wait3A_324] : memref<2x128x128xf32, #tpu.memory_space<vmem>> -> memref<1x128x128xf32, #tpu.memory_space<vmem>>
      %dma_wait3A_326 = tpu.memref_squeeze %dma_wait3A_325 : memref<1x128x128xf32, #tpu.memory_space<vmem>> -> memref<128x128xf32, #tpu.memory_space<vmem>>
      %dma_wait3A_327 = arith.constant 0 : i32
      %dma_wait3A_328 = tpu.memref_slice %arg12[%add3A_166, %dma_wait3A_327] : memref<10240x128xf32, #tpu.memory_space<vmem_shared>> -> memref<128x128xf32, #tpu.memory_space<vmem_shared>>
      %dma_wait3A_329 = arith.constant 0 : i32
      %dma_wait3A_330 = tpu.memref_slice %arg12[%add3A_166, %dma_wait3A_329] : memref<10240x128xf32, #tpu.memory_space<vmem_shared>> -> memref<128x128xf32, #tpu.memory_space<vmem_shared>>
      %dma_wait3A_331 = arith.constant 0 : i32
      %dma_wait3A_332 = arith.constant 0 : i32
      %dma_wait3A_333 = tpu.memref_slice %arg15[%run_scoped3A_167, %dma_wait3A_331, %dma_wait3A_332] : memref<2x128x128xf32, #tpu.memory_space<vmem>> -> memref<1x128x128xf32, #tpu.memory_space<vmem>>
      %dma_wait3A_334 = tpu.memref_squeeze %dma_wait3A_333 : memref<1x128x128xf32, #tpu.memory_space<vmem>> -> memref<128x128xf32, #tpu.memory_space<vmem>>
      tpu.wait_dma2 semaphore(%run_scoped3A_310 : memref<!tpu.dma_semaphore, #tpu.memory_space<semaphore_mem>>) src(%dma_wait3A_334 : memref<128x128xf32, #tpu.memory_space<vmem>>) dst(%dma_wait3A_330 : memref<128x128xf32, #tpu.memory_space<vmem_shared>>)
      tpu.yield
    }) : () -> ()
    %add3A_168 = arith.constant 256 : i32
    %add3A_169 = arith.addi %mul3A_6, %add3A_168 : i32
    %run_scoped3A_170 = arith.constant 0 : i32
    "tpu.region"() ({
      %run_scoped3A_310 = tpu.sem_alloc : memref<!tpu.dma_semaphore, #tpu.memory_space<semaphore_mem>>
      %dma_start3A_311 = arith.constant 0 : i32
      %dma_start3A_312 = arith.constant 0 : i32
      %dma_start3A_313 = tpu.memref_slice %arg15[%run_scoped3A_170, %dma_start3A_311, %dma_start3A_312] : memref<2x128x128xf32, #tpu.memory_space<vmem>> -> memref<1x128x128xf32, #tpu.memory_space<vmem>>
      %dma_start3A_314 = tpu.memref_squeeze %dma_start3A_313 : memref<1x128x128xf32, #tpu.memory_space<vmem>> -> memref<128x128xf32, #tpu.memory_space<vmem>>
      %dma_start3A_315 = arith.constant 0 : i32
      %dma_start3A_316 = tpu.memref_slice %arg12[%add3A_169, %dma_start3A_315] : memref<10240x128xf32, #tpu.memory_space<vmem_shared>> -> memref<128x128xf32, #tpu.memory_space<vmem_shared>>
      %dma_start3A_317 = arith.constant 0 : i32
      %dma_start3A_318 = tpu.memref_slice %arg12[%add3A_169, %dma_start3A_317] : memref<10240x128xf32, #tpu.memory_space<vmem_shared>> -> memref<128x128xf32, #tpu.memory_space<vmem_shared>>
      %dma_start3A_319 = arith.constant 0 : i32
      %dma_start3A_320 = arith.constant 0 : i32
      %dma_start3A_321 = tpu.memref_slice %arg15[%run_scoped3A_170, %dma_start3A_319, %dma_start3A_320] : memref<2x128x128xf32, #tpu.memory_space<vmem>> -> memref<1x128x128xf32, #tpu.memory_space<vmem>>
      %dma_start3A_322 = tpu.memref_squeeze %dma_start3A_321 : memref<1x128x128xf32, #tpu.memory_space<vmem>> -> memref<128x128xf32, #tpu.memory_space<vmem>>
      tpu.enqueue_dma source(%dma_start3A_322 : memref<128x128xf32, #tpu.memory_space<vmem>>) target(%dma_start3A_318 : memref<128x128xf32, #tpu.memory_space<vmem_shared>>) target_semaphore(%run_scoped3A_310 : memref<!tpu.dma_semaphore, #tpu.memory_space<semaphore_mem>>)
      %dma_wait3A_323 = arith.constant 0 : i32
      %dma_wait3A_324 = arith.constant 0 : i32
      %dma_wait3A_325 = tpu.memref_slice %arg15[%run_scoped3A_170, %dma_wait3A_323, %dma_wait3A_324] : memref<2x128x128xf32, #tpu.memory_space<vmem>> -> memref<1x128x128xf32, #tpu.memory_space<vmem>>
      %dma_wait3A_326 = tpu.memref_squeeze %dma_wait3A_325 : memref<1x128x128xf32, #tpu.memory_space<vmem>> -> memref<128x128xf32, #tpu.memory_space<vmem>>
      %dma_wait3A_327 = arith.constant 0 : i32
      %dma_wait3A_328 = tpu.memref_slice %arg12[%add3A_169, %dma_wait3A_327] : memref<10240x128xf32, #tpu.memory_space<vmem_shared>> -> memref<128x128xf32, #tpu.memory_space<vmem_shared>>
      %dma_wait3A_329 = arith.constant 0 : i32
      %dma_wait3A_330 = tpu.memref_slice %arg12[%add3A_169, %dma_wait3A_329] : memref<10240x128xf32, #tpu.memory_space<vmem_shared>> -> memref<128x128xf32, #tpu.memory_space<vmem_shared>>
      %dma_wait3A_331 = arith.constant 0 : i32
      %dma_wait3A_332 = arith.constant 0 : i32
      %dma_wait3A_333 = tpu.memref_slice %arg15[%run_scoped3A_170, %dma_wait3A_331, %dma_wait3A_332] : memref<2x128x128xf32, #tpu.memory_space<vmem>> -> memref<1x128x128xf32, #tpu.memory_space<vmem>>
      %dma_wait3A_334 = tpu.memref_squeeze %dma_wait3A_333 : memref<1x128x128xf32, #tpu.memory_space<vmem>> -> memref<128x128xf32, #tpu.memory_space<vmem>>
      tpu.wait_dma2 semaphore(%run_scoped3A_310 : memref<!tpu.dma_semaphore, #tpu.memory_space<semaphore_mem>>) src(%dma_wait3A_334 : memref<128x128xf32, #tpu.memory_space<vmem>>) dst(%dma_wait3A_330 : memref<128x128xf32, #tpu.memory_space<vmem_shared>>)
      tpu.yield
    }) : () -> ()
    %add3A_171 = arith.constant 384 : i32
    %add3A_172 = arith.addi %mul3A_6, %add3A_171 : i32
    %run_scoped3A_173 = arith.constant 0 : i32
    "tpu.region"() ({
      %run_scoped3A_310 = tpu.sem_alloc : memref<!tpu.dma_semaphore, #tpu.memory_space<semaphore_mem>>
      %dma_start3A_311 = arith.constant 0 : i32
      %dma_start3A_312 = arith.constant 0 : i32
      %dma_start3A_313 = tpu.memref_slice %arg15[%run_scoped3A_173, %dma_start3A_311, %dma_start3A_312] : memref<2x128x128xf32, #tpu.memory_space<vmem>> -> memref<1x128x128xf32, #tpu.memory_space<vmem>>
      %dma_start3A_314 = tpu.memref_squeeze %dma_start3A_313 : memref<1x128x128xf32, #tpu.memory_space<vmem>> -> memref<128x128xf32, #tpu.memory_space<vmem>>
      %dma_start3A_315 = arith.constant 0 : i32
      %dma_start3A_316 = tpu.memref_slice %arg12[%add3A_172, %dma_start3A_315] : memref<10240x128xf32, #tpu.memory_space<vmem_shared>> -> memref<128x128xf32, #tpu.memory_space<vmem_shared>>
      %dma_start3A_317 = arith.constant 0 : i32
      %dma_start3A_318 = tpu.memref_slice %arg12[%add3A_172, %dma_start3A_317] : memref<10240x128xf32, #tpu.memory_space<vmem_shared>> -> memref<128x128xf32, #tpu.memory_space<vmem_shared>>
      %dma_start3A_319 = arith.constant 0 : i32
      %dma_start3A_320 = arith.constant 0 : i32
      %dma_start3A_321 = tpu.memref_slice %arg15[%run_scoped3A_173, %dma_start3A_319, %dma_start3A_320] : memref<2x128x128xf32, #tpu.memory_space<vmem>> -> memref<1x128x128xf32, #tpu.memory_space<vmem>>
      %dma_start3A_322 = tpu.memref_squeeze %dma_start3A_321 : memref<1x128x128xf32, #tpu.memory_space<vmem>> -> memref<128x128xf32, #tpu.memory_space<vmem>>
      tpu.enqueue_dma source(%dma_start3A_322 : memref<128x128xf32, #tpu.memory_space<vmem>>) target(%dma_start3A_318 : memref<128x128xf32, #tpu.memory_space<vmem_shared>>) target_semaphore(%run_scoped3A_310 : memref<!tpu.dma_semaphore, #tpu.memory_space<semaphore_mem>>)
      %dma_wait3A_323 = arith.constant 0 : i32
      %dma_wait3A_324 = arith.constant 0 : i32
      %dma_wait3A_325 = tpu.memref_slice %arg15[%run_scoped3A_173, %dma_wait3A_323, %dma_wait3A_324] : memref<2x128x128xf32, #tpu.memory_space<vmem>> -> memref<1x128x128xf32, #tpu.memory_space<vmem>>
      %dma_wait3A_326 = tpu.memref_squeeze %dma_wait3A_325 : memref<1x128x128xf32, #tpu.memory_space<vmem>> -> memref<128x128xf32, #tpu.memory_space<vmem>>
      %dma_wait3A_327 = arith.constant 0 : i32
      %dma_wait3A_328 = tpu.memref_slice %arg12[%add3A_172, %dma_wait3A_327] : memref<10240x128xf32, #tpu.memory_space<vmem_shared>> -> memref<128x128xf32, #tpu.memory_space<vmem_shared>>
      %dma_wait3A_329 = arith.constant 0 : i32
      %dma_wait3A_330 = tpu.memref_slice %arg12[%add3A_172, %dma_wait3A_329] : memref<10240x128xf32, #tpu.memory_space<vmem_shared>> -> memref<128x128xf32, #tpu.memory_space<vmem_shared>>
      %dma_wait3A_331 = arith.constant 0 : i32
      %dma_wait3A_332 = arith.constant 0 : i32
      %dma_wait3A_333 = tpu.memref_slice %arg15[%run_scoped3A_173, %dma_wait3A_331, %dma_wait3A_332] : memref<2x128x128xf32, #tpu.memory_space<vmem>> -> memref<1x128x128xf32, #tpu.memory_space<vmem>>
      %dma_wait3A_334 = tpu.memref_squeeze %dma_wait3A_333 : memref<1x128x128xf32, #tpu.memory_space<vmem>> -> memref<128x128xf32, #tpu.memory_space<vmem>>
      tpu.wait_dma2 semaphore(%run_scoped3A_310 : memref<!tpu.dma_semaphore, #tpu.memory_space<semaphore_mem>>) src(%dma_wait3A_334 : memref<128x128xf32, #tpu.memory_space<vmem>>) dst(%dma_wait3A_330 : memref<128x128xf32, #tpu.memory_space<vmem_shared>>)
      tpu.yield
    }) : () -> ()
    %add3A_174 = arith.constant 512 : i32
    %add3A_175 = arith.addi %mul3A_6, %add3A_174 : i32
    %run_scoped3A_176 = arith.constant 0 : i32
    "tpu.region"() ({
      %run_scoped3A_310 = tpu.sem_alloc : memref<!tpu.dma_semaphore, #tpu.memory_space<semaphore_mem>>
      %dma_start3A_311 = arith.constant 0 : i32
      %dma_start3A_312 = arith.constant 0 : i32
      %dma_start3A_313 = tpu.memref_slice %arg15[%run_scoped3A_176, %dma_start3A_311, %dma_start3A_312] : memref<2x128x128xf32, #tpu.memory_space<vmem>> -> memref<1x128x128xf32, #tpu.memory_space<vmem>>
      %dma_start3A_314 = tpu.memref_squeeze %dma_start3A_313 : memref<1x128x128xf32, #tpu.memory_space<vmem>> -> memref<128x128xf32, #tpu.memory_space<vmem>>
      %dma_start3A_315 = arith.constant 0 : i32
      %dma_start3A_316 = tpu.memref_slice %arg12[%add3A_175, %dma_start3A_315] : memref<10240x128xf32, #tpu.memory_space<vmem_shared>> -> memref<128x128xf32, #tpu.memory_space<vmem_shared>>
      %dma_start3A_317 = arith.constant 0 : i32
      %dma_start3A_318 = tpu.memref_slice %arg12[%add3A_175, %dma_start3A_317] : memref<10240x128xf32, #tpu.memory_space<vmem_shared>> -> memref<128x128xf32, #tpu.memory_space<vmem_shared>>
      %dma_start3A_319 = arith.constant 0 : i32
      %dma_start3A_320 = arith.constant 0 : i32
      %dma_start3A_321 = tpu.memref_slice %arg15[%run_scoped3A_176, %dma_start3A_319, %dma_start3A_320] : memref<2x128x128xf32, #tpu.memory_space<vmem>> -> memref<1x128x128xf32, #tpu.memory_space<vmem>>
      %dma_start3A_322 = tpu.memref_squeeze %dma_start3A_321 : memref<1x128x128xf32, #tpu.memory_space<vmem>> -> memref<128x128xf32, #tpu.memory_space<vmem>>
      tpu.enqueue_dma source(%dma_start3A_322 : memref<128x128xf32, #tpu.memory_space<vmem>>) target(%dma_start3A_318 : memref<128x128xf32, #tpu.memory_space<vmem_shared>>) target_semaphore(%run_scoped3A_310 : memref<!tpu.dma_semaphore, #tpu.memory_space<semaphore_mem>>)
      %dma_wait3A_323 = arith.constant 0 : i32
      %dma_wait3A_324 = arith.constant 0 : i32
      %dma_wait3A_325 = tpu.memref_slice %arg15[%run_scoped3A_176, %dma_wait3A_323, %dma_wait3A_324] : memref<2x128x128xf32, #tpu.memory_space<vmem>> -> memref<1x128x128xf32, #tpu.memory_space<vmem>>
      %dma_wait3A_326 = tpu.memref_squeeze %dma_wait3A_325 : memref<1x128x128xf32, #tpu.memory_space<vmem>> -> memref<128x128xf32, #tpu.memory_space<vmem>>
      %dma_wait3A_327 = arith.constant 0 : i32
      %dma_wait3A_328 = tpu.memref_slice %arg12[%add3A_175, %dma_wait3A_327] : memref<10240x128xf32, #tpu.memory_space<vmem_shared>> -> memref<128x128xf32, #tpu.memory_space<vmem_shared>>
      %dma_wait3A_329 = arith.constant 0 : i32
      %dma_wait3A_330 = tpu.memref_slice %arg12[%add3A_175, %dma_wait3A_329] : memref<10240x128xf32, #tpu.memory_space<vmem_shared>> -> memref<128x128xf32, #tpu.memory_space<vmem_shared>>
      %dma_wait3A_331 = arith.constant 0 : i32
      %dma_wait3A_332 = arith.constant 0 : i32
      %dma_wait3A_333 = tpu.memref_slice %arg15[%run_scoped3A_176, %dma_wait3A_331, %dma_wait3A_332] : memref<2x128x128xf32, #tpu.memory_space<vmem>> -> memref<1x128x128xf32, #tpu.memory_space<vmem>>
      %dma_wait3A_334 = tpu.memref_squeeze %dma_wait3A_333 : memref<1x128x128xf32, #tpu.memory_space<vmem>> -> memref<128x128xf32, #tpu.memory_space<vmem>>
      tpu.wait_dma2 semaphore(%run_scoped3A_310 : memref<!tpu.dma_semaphore, #tpu.memory_space<semaphore_mem>>) src(%dma_wait3A_334 : memref<128x128xf32, #tpu.memory_space<vmem>>) dst(%dma_wait3A_330 : memref<128x128xf32, #tpu.memory_space<vmem_shared>>)
      tpu.yield
    }) : () -> ()
    %barrier3A_177 = arith.constant 0 : index
    tpu.barrier barrier_id(%barrier3A_177)
    %dma_start3A_178 = arith.constant 0 : i32
    %dma_start3A_179 = arith.constant 0 : i32
    %dma_start3A_180 = arith.constant 0 : i32
    %dma_start3A_181 = arith.constant 0 : i32
    %dma_start3A_182 = tpu.memref_slice %arg15[%dma_start3A_179, %dma_start3A_180, %dma_start3A_181] : memref<2x128x128xf32, #tpu.memory_space<vmem>> -> memref<1x128x128xf32, #tpu.memory_space<vmem>>
    %dma_start3A_183 = tpu.memref_squeeze %dma_start3A_182 : memref<1x128x128xf32, #tpu.memory_space<vmem>> -> memref<128x128xf32, #tpu.memory_space<vmem>>
    %dma_start3A_184 = arith.constant 0 : i32
    %dma_start3A_185 = tpu.memref_slice %arg13[%dma_start3A_178, %dma_start3A_184] : memref<40x128xi32, #tpu.memory_space<vmem>> -> memref<1x128xi32, #tpu.memory_space<vmem>>
    %dma_start3A_186 = tpu.memref_squeeze %dma_start3A_185 : memref<1x128xi32, #tpu.memory_space<vmem>> -> memref<128xi32, #tpu.memory_space<vmem>>
    %dma_start3A_187 = arith.constant 0 : i32
    %dma_start3A_188 = arith.constant 0 : i32
    %dma_start3A_189 = tpu.memref_slice %arg4[%dma_start3A_187, %dma_start3A_188] : memref<10000x128xf32, #tpu.memory_space<hbm>> -> memref<10000x128xf32, #tpu.memory_space<hbm>>
    tpu.enqueue_indirect_dma source(%dma_start3A_189 : memref<10000x128xf32, #tpu.memory_space<hbm>>) target(%dma_start3A_183 : memref<128x128xf32, #tpu.memory_space<vmem>>) offsets(%dma_start3A_186 : memref<128xi32, #tpu.memory_space<vmem>>) semaphore(%arg16 : memref<!tpu.dma_semaphore, #tpu.memory_space<semaphore_mem>>)
    %dma_start3A_190 = arith.constant 1 : i32
    %dma_start3A_191 = arith.constant 1 : i32
    %dma_start3A_192 = arith.constant 0 : i32
    %dma_start3A_193 = arith.constant 0 : i32
    %dma_start3A_194 = tpu.memref_slice %arg15[%dma_start3A_191, %dma_start3A_192, %dma_start3A_193] : memref<2x128x128xf32, #tpu.memory_space<vmem>> -> memref<1x128x128xf32, #tpu.memory_space<vmem>>
    %dma_start3A_195 = tpu.memref_squeeze %dma_start3A_194 : memref<1x128x128xf32, #tpu.memory_space<vmem>> -> memref<128x128xf32, #tpu.memory_space<vmem>>
    %dma_start3A_196 = arith.constant 0 : i32
    %dma_start3A_197 = tpu.memref_slice %arg13[%dma_start3A_190, %dma_start3A_196] : memref<40x128xi32, #tpu.memory_space<vmem>> -> memref<1x128xi32, #tpu.memory_space<vmem>>
    %dma_start3A_198 = tpu.memref_squeeze %dma_start3A_197 : memref<1x128xi32, #tpu.memory_space<vmem>> -> memref<128xi32, #tpu.memory_space<vmem>>
    %dma_start3A_199 = arith.constant 0 : i32
    %dma_start3A_200 = arith.constant 0 : i32
    %dma_start3A_201 = tpu.memref_slice %arg4[%dma_start3A_199, %dma_start3A_200] : memref<10000x128xf32, #tpu.memory_space<hbm>> -> memref<10000x128xf32, #tpu.memory_space<hbm>>
    tpu.enqueue_indirect_dma source(%dma_start3A_201 : memref<10000x128xf32, #tpu.memory_space<hbm>>) target(%dma_start3A_195 : memref<128x128xf32, #tpu.memory_space<vmem>>) offsets(%dma_start3A_198 : memref<128xi32, #tpu.memory_space<vmem>>) semaphore(%arg17 : memref<!tpu.dma_semaphore, #tpu.memory_space<semaphore_mem>>)
    %scan3A_202 = arith.constant 0 : i32
    %scan3A_203 = arith.constant 0 : i32
    %scan3A_204 = arith.constant 20 : i32
    %scan3A_205 = arith.addi %scan3A_203, %scan3A_204 : i32
    %scan3A_206 = arith.constant 1 : i32
    scf.for %scan3A_310 = %scan3A_203 to %scan3A_205 step %scan3A_206  : i32 {
      %mul3A_311 = arith.constant 2 : i32
      %mul3A_312 = arith.muli %scan3A_310, %mul3A_311 : i32
      %add3A_313 = arith.constant 0 : i32
      %add3A_314 = arith.addi %mul3A_312, %add3A_313 : i32
      %dma_wait3A_315 = arith.constant 0 : i32
      %dma_wait3A_316 = arith.constant 0 : i32
      %dma_wait3A_317 = arith.constant 0 : i32
      %dma_wait3A_318 = tpu.memref_slice %arg15[%dma_wait3A_315, %dma_wait3A_316, %dma_wait3A_317] : memref<2x128x128xf32, #tpu.memory_space<vmem>> -> memref<1x128x128xf32, #tpu.memory_space<vmem>>
      %dma_wait3A_319 = tpu.memref_squeeze %dma_wait3A_318 : memref<1x128x128xf32, #tpu.memory_space<vmem>> -> memref<128x128xf32, #tpu.memory_space<vmem>>
      %dma_wait3A_320 = arith.constant 0 : i32
      %dma_wait3A_321 = tpu.memref_slice %arg13[%add3A_314, %dma_wait3A_320] : memref<40x128xi32, #tpu.memory_space<vmem>> -> memref<1x128xi32, #tpu.memory_space<vmem>>
      %dma_wait3A_322 = tpu.memref_squeeze %dma_wait3A_321 : memref<1x128xi32, #tpu.memory_space<vmem>> -> memref<128xi32, #tpu.memory_space<vmem>>
      %dma_wait3A_323 = arith.constant 0 : i32
      %dma_wait3A_324 = arith.constant 0 : i32
      %dma_wait3A_325 = tpu.memref_slice %arg4[%dma_wait3A_323, %dma_wait3A_324] : memref<10000x128xf32, #tpu.memory_space<hbm>> -> memref<10000x128xf32, #tpu.memory_space<hbm>>
      tpu.wait_indirect_dma semaphore(%arg16 : memref<!tpu.dma_semaphore, #tpu.memory_space<semaphore_mem>>) src(%dma_wait3A_325 : memref<10000x128xf32, #tpu.memory_space<hbm>>) dst(%dma_wait3A_319 : memref<128x128xf32, #tpu.memory_space<vmem>>)
      %dma_start3A_326 = arith.constant 0 : i32
      %dma_start3A_327 = arith.constant 0 : i32
      %dma_start3A_328 = arith.constant 0 : i32
      %dma_start3A_329 = tpu.memref_slice %arg15[%dma_start3A_326, %dma_start3A_327, %dma_start3A_328] : memref<2x128x128xf32, #tpu.memory_space<vmem>> -> memref<1x128x128xf32, #tpu.memory_space<vmem>>
      %dma_start3A_330 = tpu.memref_squeeze %dma_start3A_329 : memref<1x128x128xf32, #tpu.memory_space<vmem>> -> memref<128x128xf32, #tpu.memory_space<vmem>>
      %dma_start3A_331 = arith.constant 0 : i32
      %dma_start3A_332 = tpu.memref_slice %arg14[%add3A_314, %dma_start3A_331] : memref<40x128xi32, #tpu.memory_space<vmem>> -> memref<1x128xi32, #tpu.memory_space<vmem>>
      %dma_start3A_333 = tpu.memref_squeeze %dma_start3A_332 : memref<1x128xi32, #tpu.memory_space<vmem>> -> memref<128xi32, #tpu.memory_space<vmem>>
      %dma_start3A_334 = arith.constant 0 : i32
      %dma_start3A_335 = arith.constant 0 : i32
      %dma_start3A_336 = tpu.memref_slice %arg12[%dma_start3A_334, %dma_start3A_335] : memref<10240x128xf32, #tpu.memory_space<vmem_shared>> -> memref<10240x128xf32, #tpu.memory_space<vmem_shared>>
      tpu.enqueue_indirect_dma source(%dma_start3A_330 : memref<128x128xf32, #tpu.memory_space<vmem>>) target(%dma_start3A_336 : memref<10240x128xf32, #tpu.memory_space<vmem_shared>>) offsets(%dma_start3A_333 : memref<128xi32, #tpu.memory_space<vmem>>) semaphore(%arg18 : memref<!tpu.dma_semaphore, #tpu.memory_space<semaphore_mem>>) {add = true}
      %mul3A_337 = arith.constant 2 : i32
      %mul3A_338 = arith.muli %scan3A_310, %mul3A_337 : i32
      %add3A_339 = arith.constant 1 : i32
      %add3A_340 = arith.addi %mul3A_338, %add3A_339 : i32
      %dma_wait3A_341 = arith.constant 1 : i32
      %dma_wait3A_342 = arith.constant 0 : i32
      %dma_wait3A_343 = arith.constant 0 : i32
      %dma_wait3A_344 = tpu.memref_slice %arg15[%dma_wait3A_341, %dma_wait3A_342, %dma_wait3A_343] : memref<2x128x128xf32, #tpu.memory_space<vmem>> -> memref<1x128x128xf32, #tpu.memory_space<vmem>>
      %dma_wait3A_345 = tpu.memref_squeeze %dma_wait3A_344 : memref<1x128x128xf32, #tpu.memory_space<vmem>> -> memref<128x128xf32, #tpu.memory_space<vmem>>
      %dma_wait3A_346 = arith.constant 0 : i32
      %dma_wait3A_347 = tpu.memref_slice %arg13[%add3A_340, %dma_wait3A_346] : memref<40x128xi32, #tpu.memory_space<vmem>> -> memref<1x128xi32, #tpu.memory_space<vmem>>
      %dma_wait3A_348 = tpu.memref_squeeze %dma_wait3A_347 : memref<1x128xi32, #tpu.memory_space<vmem>> -> memref<128xi32, #tpu.memory_space<vmem>>
      %dma_wait3A_349 = arith.constant 0 : i32
      %dma_wait3A_350 = arith.constant 0 : i32
      %dma_wait3A_351 = tpu.memref_slice %arg4[%dma_wait3A_349, %dma_wait3A_350] : memref<10000x128xf32, #tpu.memory_space<hbm>> -> memref<10000x128xf32, #tpu.memory_space<hbm>>
      tpu.wait_indirect_dma semaphore(%arg17 : memref<!tpu.dma_semaphore, #tpu.memory_space<semaphore_mem>>) src(%dma_wait3A_351 : memref<10000x128xf32, #tpu.memory_space<hbm>>) dst(%dma_wait3A_345 : memref<128x128xf32, #tpu.memory_space<vmem>>)
      %dma_start3A_352 = arith.constant 1 : i32
      %dma_start3A_353 = arith.constant 0 : i32
      %dma_start3A_354 = arith.constant 0 : i32
      %dma_start3A_355 = tpu.memref_slice %arg15[%dma_start3A_352, %dma_start3A_353, %dma_start3A_354] : memref<2x128x128xf32, #tpu.memory_space<vmem>> -> memref<1x128x128xf32, #tpu.memory_space<vmem>>
      %dma_start3A_356 = tpu.memref_squeeze %dma_start3A_355 : memref<1x128x128xf32, #tpu.memory_space<vmem>> -> memref<128x128xf32, #tpu.memory_space<vmem>>
      %dma_start3A_357 = arith.constant 0 : i32
      %dma_start3A_358 = tpu.memref_slice %arg14[%add3A_340, %dma_start3A_357] : memref<40x128xi32, #tpu.memory_space<vmem>> -> memref<1x128xi32, #tpu.memory_space<vmem>>
      %dma_start3A_359 = tpu.memref_squeeze %dma_start3A_358 : memref<1x128xi32, #tpu.memory_space<vmem>> -> memref<128xi32, #tpu.memory_space<vmem>>
      %dma_start3A_360 = arith.constant 0 : i32
      %dma_start3A_361 = arith.constant 0 : i32
      %dma_start3A_362 = tpu.memref_slice %arg12[%dma_start3A_360, %dma_start3A_361] : memref<10240x128xf32, #tpu.memory_space<vmem_shared>> -> memref<10240x128xf32, #tpu.memory_space<vmem_shared>>
      tpu.enqueue_indirect_dma source(%dma_start3A_356 : memref<128x128xf32, #tpu.memory_space<vmem>>) target(%dma_start3A_362 : memref<10240x128xf32, #tpu.memory_space<vmem_shared>>) offsets(%dma_start3A_359 : memref<128xi32, #tpu.memory_space<vmem>>) semaphore(%arg19 : memref<!tpu.dma_semaphore, #tpu.memory_space<semaphore_mem>>) {add = true}
      %mul3A_363 = arith.constant 2 : i32
      %mul3A_364 = arith.muli %scan3A_310, %mul3A_363 : i32
      %add3A_365 = arith.constant 0 : i32
      %add3A_366 = arith.addi %mul3A_364, %add3A_365 : i32
      %add3A_367 = arith.constant 2 : i32
      %add3A_368 = arith.addi %add3A_366, %add3A_367 : i32
      %lt3A = arith.constant 40 : i32
      %lt3A_369 = arith.cmpi slt, %add3A_368, %lt3A : i32
      %convert_element_type3A = arith.extui %lt3A_369 : i1 to i32
      %cond3A = arith.constant 0 : i32
      %cond3A_370 = arith.cmpi ne, %convert_element_type3A, %cond3A : i32
      scf.if %cond3A_370 {
        %dma_wait3A_382 = arith.constant 0 : i32
        %dma_wait3A_383 = arith.constant 0 : i32
        %dma_wait3A_384 = arith.constant 0 : i32
        %dma_wait3A_385 = tpu.memref_slice %arg15[%dma_wait3A_382, %dma_wait3A_383, %dma_wait3A_384] : memref<2x128x128xf32, #tpu.memory_space<vmem>> -> memref<1x128x128xf32, #tpu.memory_space<vmem>>
        %dma_wait3A_386 = tpu.memref_squeeze %dma_wait3A_385 : memref<1x128x128xf32, #tpu.memory_space<vmem>> -> memref<128x128xf32, #tpu.memory_space<vmem>>
        %dma_wait3A_387 = arith.constant 0 : i32
        %dma_wait3A_388 = tpu.memref_slice %arg14[%add3A_366, %dma_wait3A_387] : memref<40x128xi32, #tpu.memory_space<vmem>> -> memref<1x128xi32, #tpu.memory_space<vmem>>
        %dma_wait3A_389 = tpu.memref_squeeze %dma_wait3A_388 : memref<1x128xi32, #tpu.memory_space<vmem>> -> memref<128xi32, #tpu.memory_space<vmem>>
        %dma_wait3A_390 = arith.constant 0 : i32
        %dma_wait3A_391 = arith.constant 0 : i32
        %dma_wait3A_392 = tpu.memref_slice %arg12[%dma_wait3A_390, %dma_wait3A_391] : memref<10240x128xf32, #tpu.memory_space<vmem_shared>> -> memref<10240x128xf32, #tpu.memory_space<vmem_shared>>
        tpu.wait_indirect_dma semaphore(%arg18 : memref<!tpu.dma_semaphore, #tpu.memory_space<semaphore_mem>>) src(%dma_wait3A_386 : memref<128x128xf32, #tpu.memory_space<vmem>>) dst(%dma_wait3A_392 : memref<10240x128xf32, #tpu.memory_space<vmem_shared>>)
        %dma_start3A_393 = arith.constant 0 : i32
        %dma_start3A_394 = arith.constant 0 : i32
        %dma_start3A_395 = arith.constant 0 : i32
        %dma_start3A_396 = tpu.memref_slice %arg15[%dma_start3A_393, %dma_start3A_394, %dma_start3A_395] : memref<2x128x128xf32, #tpu.memory_space<vmem>> -> memref<1x128x128xf32, #tpu.memory_space<vmem>>
        %dma_start3A_397 = tpu.memref_squeeze %dma_start3A_396 : memref<1x128x128xf32, #tpu.memory_space<vmem>> -> memref<128x128xf32, #tpu.memory_space<vmem>>
        %dma_start3A_398 = arith.constant 0 : i32
        %dma_start3A_399 = tpu.memref_slice %arg13[%add3A_368, %dma_start3A_398] : memref<40x128xi32, #tpu.memory_space<vmem>> -> memref<1x128xi32, #tpu.memory_space<vmem>>
        %dma_start3A_400 = tpu.memref_squeeze %dma_start3A_399 : memref<1x128xi32, #tpu.memory_space<vmem>> -> memref<128xi32, #tpu.memory_space<vmem>>
        %dma_start3A_401 = arith.constant 0 : i32
        %dma_start3A_402 = arith.constant 0 : i32
        %dma_start3A_403 = tpu.memref_slice %arg4[%dma_start3A_401, %dma_start3A_402] : memref<10000x128xf32, #tpu.memory_space<hbm>> -> memref<10000x128xf32, #tpu.memory_space<hbm>>
        tpu.enqueue_indirect_dma source(%dma_start3A_403 : memref<10000x128xf32, #tpu.memory_space<hbm>>) target(%dma_start3A_397 : memref<128x128xf32, #tpu.memory_space<vmem>>) offsets(%dma_start3A_400 : memref<128xi32, #tpu.memory_space<vmem>>) semaphore(%arg16 : memref<!tpu.dma_semaphore, #tpu.memory_space<semaphore_mem>>)
      } else {
      }
      %mul3A_371 = arith.constant 2 : i32
      %mul3A_372 = arith.muli %scan3A_310, %mul3A_371 : i32
      %add3A_373 = arith.constant 1 : i32
      %add3A_374 = arith.addi %mul3A_372, %add3A_373 : i32
      %add3A_375 = arith.constant 2 : i32
      %add3A_376 = arith.addi %add3A_374, %add3A_375 : i32
      %lt3A_377 = arith.constant 40 : i32
      %lt3A_378 = arith.cmpi slt, %add3A_376, %lt3A_377 : i32
      %convert_element_type3A_379 = arith.extui %lt3A_378 : i1 to i32
      %cond3A_380 = arith.constant 0 : i32
      %cond3A_381 = arith.cmpi ne, %convert_element_type3A_379, %cond3A_380 : i32
      scf.if %cond3A_381 {
        %dma_wait3A_382 = arith.constant 1 : i32
        %dma_wait3A_383 = arith.constant 0 : i32
        %dma_wait3A_384 = arith.constant 0 : i32
        %dma_wait3A_385 = tpu.memref_slice %arg15[%dma_wait3A_382, %dma_wait3A_383, %dma_wait3A_384] : memref<2x128x128xf32, #tpu.memory_space<vmem>> -> memref<1x128x128xf32, #tpu.memory_space<vmem>>
        %dma_wait3A_386 = tpu.memref_squeeze %dma_wait3A_385 : memref<1x128x128xf32, #tpu.memory_space<vmem>> -> memref<128x128xf32, #tpu.memory_space<vmem>>
        %dma_wait3A_387 = arith.constant 0 : i32
        %dma_wait3A_388 = tpu.memref_slice %arg14[%add3A_374, %dma_wait3A_387] : memref<40x128xi32, #tpu.memory_space<vmem>> -> memref<1x128xi32, #tpu.memory_space<vmem>>
        %dma_wait3A_389 = tpu.memref_squeeze %dma_wait3A_388 : memref<1x128xi32, #tpu.memory_space<vmem>> -> memref<128xi32, #tpu.memory_space<vmem>>
        %dma_wait3A_390 = arith.constant 0 : i32
        %dma_wait3A_391 = arith.constant 0 : i32
        %dma_wait3A_392 = tpu.memref_slice %arg12[%dma_wait3A_390, %dma_wait3A_391] : memref<10240x128xf32, #tpu.memory_space<vmem_shared>> -> memref<10240x128xf32, #tpu.memory_space<vmem_shared>>
        tpu.wait_indirect_dma semaphore(%arg19 : memref<!tpu.dma_semaphore, #tpu.memory_space<semaphore_mem>>) src(%dma_wait3A_386 : memref<128x128xf32, #tpu.memory_space<vmem>>) dst(%dma_wait3A_392 : memref<10240x128xf32, #tpu.memory_space<vmem_shared>>)
        %dma_start3A_393 = arith.constant 1 : i32
        %dma_start3A_394 = arith.constant 0 : i32
        %dma_start3A_395 = arith.constant 0 : i32
        %dma_start3A_396 = tpu.memref_slice %arg15[%dma_start3A_393, %dma_start3A_394, %dma_start3A_395] : memref<2x128x128xf32, #tpu.memory_space<vmem>> -> memref<1x128x128xf32, #tpu.memory_space<vmem>>
        %dma_start3A_397 = tpu.memref_squeeze %dma_start3A_396 : memref<1x128x128xf32, #tpu.memory_space<vmem>> -> memref<128x128xf32, #tpu.memory_space<vmem>>
        %dma_start3A_398 = arith.constant 0 : i32
        %dma_start3A_399 = tpu.memref_slice %arg13[%add3A_376, %dma_start3A_398] : memref<40x128xi32, #tpu.memory_space<vmem>> -> memref<1x128xi32, #tpu.memory_space<vmem>>
        %dma_start3A_400 = tpu.memref_squeeze %dma_start3A_399 : memref<1x128xi32, #tpu.memory_space<vmem>> -> memref<128xi32, #tpu.memory_space<vmem>>
        %dma_start3A_401 = arith.constant 0 : i32
        %dma_start3A_402 = arith.constant 0 : i32
        %dma_start3A_403 = tpu.memref_slice %arg4[%dma_start3A_401, %dma_start3A_402] : memref<10000x128xf32, #tpu.memory_space<hbm>> -> memref<10000x128xf32, #tpu.memory_space<hbm>>
        tpu.enqueue_indirect_dma source(%dma_start3A_403 : memref<10000x128xf32, #tpu.memory_space<hbm>>) target(%dma_start3A_397 : memref<128x128xf32, #tpu.memory_space<vmem>>) offsets(%dma_start3A_400 : memref<128xi32, #tpu.memory_space<vmem>>) semaphore(%arg17 : memref<!tpu.dma_semaphore, #tpu.memory_space<semaphore_mem>>)
      } else {
      }
    }
    %scan3A_207 = arith.constant 20 : i32
    %dma_wait3A_208 = arith.constant 0 : i32
    %dma_wait3A_209 = arith.constant 38 : i32
    %dma_wait3A_210 = arith.constant 0 : i32
    %dma_wait3A_211 = arith.constant 0 : i32
    %dma_wait3A_212 = tpu.memref_slice %arg15[%dma_wait3A_208, %dma_wait3A_210, %dma_wait3A_211] : memref<2x128x128xf32, #tpu.memory_space<vmem>> -> memref<1x128x128xf32, #tpu.memory_space<vmem>>
    %dma_wait3A_213 = tpu.memref_squeeze %dma_wait3A_212 : memref<1x128x128xf32, #tpu.memory_space<vmem>> -> memref<128x128xf32, #tpu.memory_space<vmem>>
    %dma_wait3A_214 = arith.constant 0 : i32
    %dma_wait3A_215 = tpu.memref_slice %arg14[%dma_wait3A_209, %dma_wait3A_214] : memref<40x128xi32, #tpu.memory_space<vmem>> -> memref<1x128xi32, #tpu.memory_space<vmem>>
    %dma_wait3A_216 = tpu.memref_squeeze %dma_wait3A_215 : memref<1x128xi32, #tpu.memory_space<vmem>> -> memref<128xi32, #tpu.memory_space<vmem>>
    %dma_wait3A_217 = arith.constant 0 : i32
    %dma_wait3A_218 = arith.constant 0 : i32
    %dma_wait3A_219 = tpu.memref_slice %arg12[%dma_wait3A_217, %dma_wait3A_218] : memref<10240x128xf32, #tpu.memory_space<vmem_shared>> -> memref<10240x128xf32, #tpu.memory_space<vmem_shared>>
    tpu.wait_indirect_dma semaphore(%arg18 : memref<!tpu.dma_semaphore, #tpu.memory_space<semaphore_mem>>) src(%dma_wait3A_213 : memref<128x128xf32, #tpu.memory_space<vmem>>) dst(%dma_wait3A_219 : memref<10240x128xf32, #tpu.memory_space<vmem_shared>>)
    %dma_wait3A_220 = arith.constant 1 : i32
    %dma_wait3A_221 = arith.constant 39 : i32
    %dma_wait3A_222 = arith.constant 0 : i32
    %dma_wait3A_223 = arith.constant 0 : i32
    %dma_wait3A_224 = tpu.memref_slice %arg15[%dma_wait3A_220, %dma_wait3A_222, %dma_wait3A_223] : memref<2x128x128xf32, #tpu.memory_space<vmem>> -> memref<1x128x128xf32, #tpu.memory_space<vmem>>
    %dma_wait3A_225 = tpu.memref_squeeze %dma_wait3A_224 : memref<1x128x128xf32, #tpu.memory_space<vmem>> -> memref<128x128xf32, #tpu.memory_space<vmem>>
    %dma_wait3A_226 = arith.constant 0 : i32
    %dma_wait3A_227 = tpu.memref_slice %arg14[%dma_wait3A_221, %dma_wait3A_226] : memref<40x128xi32, #tpu.memory_space<vmem>> -> memref<1x128xi32, #tpu.memory_space<vmem>>
    %dma_wait3A_228 = tpu.memref_squeeze %dma_wait3A_227 : memref<1x128xi32, #tpu.memory_space<vmem>> -> memref<128xi32, #tpu.memory_space<vmem>>
    %dma_wait3A_229 = arith.constant 0 : i32
    %dma_wait3A_230 = arith.constant 0 : i32
    %dma_wait3A_231 = tpu.memref_slice %arg12[%dma_wait3A_229, %dma_wait3A_230] : memref<10240x128xf32, #tpu.memory_space<vmem_shared>> -> memref<10240x128xf32, #tpu.memory_space<vmem_shared>>
    tpu.wait_indirect_dma semaphore(%arg19 : memref<!tpu.dma_semaphore, #tpu.memory_space<semaphore_mem>>) src(%dma_wait3A_225 : memref<128x128xf32, #tpu.memory_space<vmem>>) dst(%dma_wait3A_231 : memref<10240x128xf32, #tpu.memory_space<vmem_shared>>)
    %barrier3A_232 = arith.constant 0 : index
    tpu.barrier barrier_id(%barrier3A_232)
    "tpu.region"() ({
      %run_scoped3A_310 = tpu.sem_alloc : memref<!tpu.dma_semaphore, #tpu.memory_space<semaphore_mem>>
      %dma_start3A_311 = arith.constant 0 : i32
      %dma_start3A_312 = tpu.memref_slice %arg10[%arg0, %mul3A_6, %dma_start3A_311] : memref<2x10240x128xf32, #tpu.memory_space<hbm>> -> memref<1x640x128xf32, #tpu.memory_space<hbm>>
      %dma_start3A_313 = tpu.memref_squeeze %dma_start3A_312 : memref<1x640x128xf32, #tpu.memory_space<hbm>> -> memref<640x128xf32, #tpu.memory_space<hbm>>
      %dma_start3A_314 = arith.constant 0 : i32
      %dma_start3A_315 = tpu.memref_slice %arg12[%mul3A_6, %dma_start3A_314] : memref<10240x128xf32, #tpu.memory_space<vmem_shared>> -> memref<640x128xf32, #tpu.memory_space<vmem_shared>>
      tpu.enqueue_dma source(%dma_start3A_315 : memref<640x128xf32, #tpu.memory_space<vmem_shared>>) target(%dma_start3A_313 : memref<640x128xf32, #tpu.memory_space<hbm>>) target_semaphore(%run_scoped3A_310 : memref<!tpu.dma_semaphore, #tpu.memory_space<semaphore_mem>>)
      %dma_wait3A_316 = arith.constant 0 : i32
      %dma_wait3A_317 = tpu.memref_slice %arg10[%arg0, %mul3A_6, %dma_wait3A_316] : memref<2x10240x128xf32, #tpu.memory_space<hbm>> -> memref<1x640x128xf32, #tpu.memory_space<hbm>>
      %dma_wait3A_318 = tpu.memref_squeeze %dma_wait3A_317 : memref<1x640x128xf32, #tpu.memory_space<hbm>> -> memref<640x128xf32, #tpu.memory_space<hbm>>
      %dma_wait3A_319 = arith.constant 0 : i32
      %dma_wait3A_320 = tpu.memref_slice %arg12[%mul3A_6, %dma_wait3A_319] : memref<10240x128xf32, #tpu.memory_space<vmem_shared>> -> memref<640x128xf32, #tpu.memory_space<vmem_shared>>
      tpu.wait_dma2 semaphore(%run_scoped3A_310 : memref<!tpu.dma_semaphore, #tpu.memory_space<semaphore_mem>>) src(%dma_wait3A_320 : memref<640x128xf32, #tpu.memory_space<vmem_shared>>) dst(%dma_wait3A_318 : memref<640x128xf32, #tpu.memory_space<hbm>>)
      tpu.yield
    }) : () -> ()
    %scan3A_233 = arith.constant 0 : i32
    %scan3A_234 = arith.constant 0 : i32
    %scan3A_235 = arith.constant 128 : i32
    %scan3A_236 = arith.addi %scan3A_234, %scan3A_235 : i32
    %scan3A_237 = arith.constant 1 : i32
    scf.for %scan3A_310 = %scan3A_234 to %scan3A_236 step %scan3A_237  : i32 {
      %broadcast_in_dim3A = arith.constant 0.000000e+00 : f32
      %broadcast_in_dim3A_311 = vector.broadcast %broadcast_in_dim3A : f32 to vector<16xf32>
      %swap3A = arith.constant 0 : i32
      %swap3A_312 = arith.index_cast %swap3A : i32 to index
      %swap3A_313 = arith.index_cast %scan3A_310 : i32 to index
      %swap3A_314 = arith.constant 0 : index
      %swap3A_315 = tpu.vector_load %arg15[%swap3A_312, %swap3A_313, %swap3A_314] {strides = array<i32>} : memref<2x128x128xf32, #tpu.memory_space<vmem>>, vector<1x1x16xf32>,
      %swap3A_316 = vector.shape_cast %swap3A_315 : vector<1x1x16xf32> to vector<16xf32>
      %swap3A_317 = vector.shape_cast %broadcast_in_dim3A_311 : vector<16xf32> to vector<1x1x16xf32>
      tpu.vector_store %arg15[%swap3A_312, %swap3A_313, %swap3A_314], %swap3A_317 {strides = array<i32>} : memref<2x128x128xf32, #tpu.memory_space<vmem>>, vector<1x1x16xf32>,
      %broadcast_in_dim3A_318 = arith.constant 0.000000e+00 : f32
      %broadcast_in_dim3A_319 = vector.broadcast %broadcast_in_dim3A_318 : f32 to vector<16xf32>
      %swap3A_320 = arith.constant 0 : i32
      %swap3A_321 = arith.index_cast %swap3A_320 : i32 to index
      %swap3A_322 = arith.index_cast %scan3A_310 : i32 to index
      %swap3A_323 = arith.constant 16 : index
      %swap3A_324 = tpu.vector_load %arg15[%swap3A_321, %swap3A_322, %swap3A_323] {strides = array<i32>} : memref<2x128x128xf32, #tpu.memory_space<vmem>>, vector<1x1x16xf32>,
      %swap3A_325 = vector.shape_cast %swap3A_324 : vector<1x1x16xf32> to vector<16xf32>
      %swap3A_326 = vector.shape_cast %broadcast_in_dim3A_319 : vector<16xf32> to vector<1x1x16xf32>
      tpu.vector_store %arg15[%swap3A_321, %swap3A_322, %swap3A_323], %swap3A_326 {strides = array<i32>} : memref<2x128x128xf32, #tpu.memory_space<vmem>>, vector<1x1x16xf32>,
      %broadcast_in_dim3A_327 = arith.constant 0.000000e+00 : f32
      %broadcast_in_dim3A_328 = vector.broadcast %broadcast_in_dim3A_327 : f32 to vector<16xf32>
      %swap3A_329 = arith.constant 0 : i32
      %swap3A_330 = arith.index_cast %swap3A_329 : i32 to index
      %swap3A_331 = arith.index_cast %scan3A_310 : i32 to index
      %swap3A_332 = arith.constant 32 : index
      %swap3A_333 = tpu.vector_load %arg15[%swap3A_330, %swap3A_331, %swap3A_332] {strides = array<i32>} : memref<2x128x128xf32, #tpu.memory_space<vmem>>, vector<1x1x16xf32>,
      %swap3A_334 = vector.shape_cast %swap3A_333 : vector<1x1x16xf32> to vector<16xf32>
      %swap3A_335 = vector.shape_cast %broadcast_in_dim3A_328 : vector<16xf32> to vector<1x1x16xf32>
      tpu.vector_store %arg15[%swap3A_330, %swap3A_331, %swap3A_332], %swap3A_335 {strides = array<i32>} : memref<2x128x128xf32, #tpu.memory_space<vmem>>, vector<1x1x16xf32>,
      %broadcast_in_dim3A_336 = arith.constant 0.000000e+00 : f32
      %broadcast_in_dim3A_337 = vector.broadcast %broadcast_in_dim3A_336 : f32 to vector<16xf32>
      %swap3A_338 = arith.constant 0 : i32
      %swap3A_339 = arith.index_cast %swap3A_338 : i32 to index
      %swap3A_340 = arith.index_cast %scan3A_310 : i32 to index
      %swap3A_341 = arith.constant 48 : index
      %swap3A_342 = tpu.vector_load %arg15[%swap3A_339, %swap3A_340, %swap3A_341] {strides = array<i32>} : memref<2x128x128xf32, #tpu.memory_space<vmem>>, vector<1x1x16xf32>,
      %swap3A_343 = vector.shape_cast %swap3A_342 : vector<1x1x16xf32> to vector<16xf32>
      %swap3A_344 = vector.shape_cast %broadcast_in_dim3A_337 : vector<16xf32> to vector<1x1x16xf32>
      tpu.vector_store %arg15[%swap3A_339, %swap3A_340, %swap3A_341], %swap3A_344 {strides = array<i32>} : memref<2x128x128xf32, #tpu.memory_space<vmem>>, vector<1x1x16xf32>,
      %broadcast_in_dim3A_345 = arith.constant 0.000000e+00 : f32
      %broadcast_in_dim3A_346 = vector.broadcast %broadcast_in_dim3A_345 : f32 to vector<16xf32>
      %swap3A_347 = arith.constant 0 : i32
      %swap3A_348 = arith.index_cast %swap3A_347 : i32 to index
      %swap3A_349 = arith.index_cast %scan3A_310 : i32 to index
      %swap3A_350 = arith.constant 64 : index
      %swap3A_351 = tpu.vector_load %arg15[%swap3A_348, %swap3A_349, %swap3A_350] {strides = array<i32>} : memref<2x128x128xf32, #tpu.memory_space<vmem>>, vector<1x1x16xf32>,
      %swap3A_352 = vector.shape_cast %swap3A_351 : vector<1x1x16xf32> to vector<16xf32>
      %swap3A_353 = vector.shape_cast %broadcast_in_dim3A_346 : vector<16xf32> to vector<1x1x16xf32>
      tpu.vector_store %arg15[%swap3A_348, %swap3A_349, %swap3A_350], %swap3A_353 {strides = array<i32>} : memref<2x128x128xf32, #tpu.memory_space<vmem>>, vector<1x1x16xf32>,
      %broadcast_in_dim3A_354 = arith.constant 0.000000e+00 : f32
      %broadcast_in_dim3A_355 = vector.broadcast %broadcast_in_dim3A_354 : f32 to vector<16xf32>
      %swap3A_356 = arith.constant 0 : i32
      %swap3A_357 = arith.index_cast %swap3A_356 : i32 to index
      %swap3A_358 = arith.index_cast %scan3A_310 : i32 to index
      %swap3A_359 = arith.constant 80 : index
      %swap3A_360 = tpu.vector_load %arg15[%swap3A_357, %swap3A_358, %swap3A_359] {strides = array<i32>} : memref<2x128x128xf32, #tpu.memory_space<vmem>>, vector<1x1x16xf32>,
      %swap3A_361 = vector.shape_cast %swap3A_360 : vector<1x1x16xf32> to vector<16xf32>
      %swap3A_362 = vector.shape_cast %broadcast_in_dim3A_355 : vector<16xf32> to vector<1x1x16xf32>
      tpu.vector_store %arg15[%swap3A_357, %swap3A_358, %swap3A_359], %swap3A_362 {strides = array<i32>} : memref<2x128x128xf32, #tpu.memory_space<vmem>>, vector<1x1x16xf32>,
      %broadcast_in_dim3A_363 = arith.constant 0.000000e+00 : f32
      %broadcast_in_dim3A_364 = vector.broadcast %broadcast_in_dim3A_363 : f32 to vector<16xf32>
      %swap3A_365 = arith.constant 0 : i32
      %swap3A_366 = arith.index_cast %swap3A_365 : i32 to index
      %swap3A_367 = arith.index_cast %scan3A_310 : i32 to index
      %swap3A_368 = arith.constant 96 : index
      %swap3A_369 = tpu.vector_load %arg15[%swap3A_366, %swap3A_367, %swap3A_368] {strides = array<i32>} : memref<2x128x128xf32, #tpu.memory_space<vmem>>, vector<1x1x16xf32>,
      %swap3A_370 = vector.shape_cast %swap3A_369 : vector<1x1x16xf32> to vector<16xf32>
      %swap3A_371 = vector.shape_cast %broadcast_in_dim3A_364 : vector<16xf32> to vector<1x1x16xf32>
      tpu.vector_store %arg15[%swap3A_366, %swap3A_367, %swap3A_368], %swap3A_371 {strides = array<i32>} : memref<2x128x128xf32, #tpu.memory_space<vmem>>, vector<1x1x16xf32>,
      %broadcast_in_dim3A_372 = arith.constant 0.000000e+00 : f32
      %broadcast_in_dim3A_373 = vector.broadcast %broadcast_in_dim3A_372 : f32 to vector<16xf32>
      %swap3A_374 = arith.constant 0 : i32
      %swap3A_375 = arith.index_cast %swap3A_374 : i32 to index
      %swap3A_376 = arith.index_cast %scan3A_310 : i32 to index
      %swap3A_377 = arith.constant 112 : index
      %swap3A_378 = tpu.vector_load %arg15[%swap3A_375, %swap3A_376, %swap3A_377] {strides = array<i32>} : memref<2x128x128xf32, #tpu.memory_space<vmem>>, vector<1x1x16xf32>,
      %swap3A_379 = vector.shape_cast %swap3A_378 : vector<1x1x16xf32> to vector<16xf32>
      %swap3A_380 = vector.shape_cast %broadcast_in_dim3A_373 : vector<16xf32> to vector<1x1x16xf32>
      tpu.vector_store %arg15[%swap3A_375, %swap3A_376, %swap3A_377], %swap3A_380 {strides = array<i32>} : memref<2x128x128xf32, #tpu.memory_space<vmem>>, vector<1x1x16xf32>,
    }
    %scan3A_238 = arith.constant 128 : i32
    %add3A_239 = arith.constant 0 : i32
    %add3A_240 = arith.addi %mul3A_6, %add3A_239 : i32
    %run_scoped3A_241 = arith.constant 0 : i32
    "tpu.region"() ({
      %run_scoped3A_310 = tpu.sem_alloc : memref<!tpu.dma_semaphore, #tpu.memory_space<semaphore_mem>>
      %dma_start3A_311 = arith.constant 0 : i32
      %dma_start3A_312 = arith.constant 0 : i32
      %dma_start3A_313 = tpu.memref_slice %arg15[%run_scoped3A_241, %dma_start3A_311, %dma_start3A_312] : memref<2x128x128xf32, #tpu.memory_space<vmem>> -> memref<1x128x128xf32, #tpu.memory_space<vmem>>
      %dma_start3A_314 = tpu.memref_squeeze %dma_start3A_313 : memref<1x128x128xf32, #tpu.memory_space<vmem>> -> memref<128x128xf32, #tpu.memory_space<vmem>>
      %dma_start3A_315 = arith.constant 0 : i32
      %dma_start3A_316 = tpu.memref_slice %arg12[%add3A_240, %dma_start3A_315] : memref<10240x128xf32, #tpu.memory_space<vmem_shared>> -> memref<128x128xf32, #tpu.memory_space<vmem_shared>>
      %dma_start3A_317 = arith.constant 0 : i32
      %dma_start3A_318 = tpu.memref_slice %arg12[%add3A_240, %dma_start3A_317] : memref<10240x128xf32, #tpu.memory_space<vmem_shared>> -> memref<128x128xf32, #tpu.memory_space<vmem_shared>>
      %dma_start3A_319 = arith.constant 0 : i32
      %dma_start3A_320 = arith.constant 0 : i32
      %dma_start3A_321 = tpu.memref_slice %arg15[%run_scoped3A_241, %dma_start3A_319, %dma_start3A_320] : memref<2x128x128xf32, #tpu.memory_space<vmem>> -> memref<1x128x128xf32, #tpu.memory_space<vmem>>
      %dma_start3A_322 = tpu.memref_squeeze %dma_start3A_321 : memref<1x128x128xf32, #tpu.memory_space<vmem>> -> memref<128x128xf32, #tpu.memory_space<vmem>>
      tpu.enqueue_dma source(%dma_start3A_322 : memref<128x128xf32, #tpu.memory_space<vmem>>) target(%dma_start3A_318 : memref<128x128xf32, #tpu.memory_space<vmem_shared>>) target_semaphore(%run_scoped3A_310 : memref<!tpu.dma_semaphore, #tpu.memory_space<semaphore_mem>>)
      %dma_wait3A_323 = arith.constant 0 : i32
      %dma_wait3A_324 = arith.constant 0 : i32
      %dma_wait3A_325 = tpu.memref_slice %arg15[%run_scoped3A_241, %dma_wait3A_323, %dma_wait3A_324] : memref<2x128x128xf32, #tpu.memory_space<vmem>> -> memref<1x128x128xf32, #tpu.memory_space<vmem>>
      %dma_wait3A_326 = tpu.memref_squeeze %dma_wait3A_325 : memref<1x128x128xf32, #tpu.memory_space<vmem>> -> memref<128x128xf32, #tpu.memory_space<vmem>>
      %dma_wait3A_327 = arith.constant 0 : i32
      %dma_wait3A_328 = tpu.memref_slice %arg12[%add3A_240, %dma_wait3A_327] : memref<10240x128xf32, #tpu.memory_space<vmem_shared>> -> memref<128x128xf32, #tpu.memory_space<vmem_shared>>
      %dma_wait3A_329 = arith.constant 0 : i32
      %dma_wait3A_330 = tpu.memref_slice %arg12[%add3A_240, %dma_wait3A_329] : memref<10240x128xf32, #tpu.memory_space<vmem_shared>> -> memref<128x128xf32, #tpu.memory_space<vmem_shared>>
      %dma_wait3A_331 = arith.constant 0 : i32
      %dma_wait3A_332 = arith.constant 0 : i32
      %dma_wait3A_333 = tpu.memref_slice %arg15[%run_scoped3A_241, %dma_wait3A_331, %dma_wait3A_332] : memref<2x128x128xf32, #tpu.memory_space<vmem>> -> memref<1x128x128xf32, #tpu.memory_space<vmem>>
      %dma_wait3A_334 = tpu.memref_squeeze %dma_wait3A_333 : memref<1x128x128xf32, #tpu.memory_space<vmem>> -> memref<128x128xf32, #tpu.memory_space<vmem>>
      tpu.wait_dma2 semaphore(%run_scoped3A_310 : memref<!tpu.dma_semaphore, #tpu.memory_space<semaphore_mem>>) src(%dma_wait3A_334 : memref<128x128xf32, #tpu.memory_space<vmem>>) dst(%dma_wait3A_330 : memref<128x128xf32, #tpu.memory_space<vmem_shared>>)
      tpu.yield
    }) : () -> ()
    %add3A_242 = arith.constant 128 : i32
    %add3A_243 = arith.addi %mul3A_6, %add3A_242 : i32
    %run_scoped3A_244 = arith.constant 0 : i32
    "tpu.region"() ({
      %run_scoped3A_310 = tpu.sem_alloc : memref<!tpu.dma_semaphore, #tpu.memory_space<semaphore_mem>>
      %dma_start3A_311 = arith.constant 0 : i32
      %dma_start3A_312 = arith.constant 0 : i32
      %dma_start3A_313 = tpu.memref_slice %arg15[%run_scoped3A_244, %dma_start3A_311, %dma_start3A_312] : memref<2x128x128xf32, #tpu.memory_space<vmem>> -> memref<1x128x128xf32, #tpu.memory_space<vmem>>
      %dma_start3A_314 = tpu.memref_squeeze %dma_start3A_313 : memref<1x128x128xf32, #tpu.memory_space<vmem>> -> memref<128x128xf32, #tpu.memory_space<vmem>>
      %dma_start3A_315 = arith.constant 0 : i32
      %dma_start3A_316 = tpu.memref_slice %arg12[%add3A_243, %dma_start3A_315] : memref<10240x128xf32, #tpu.memory_space<vmem_shared>> -> memref<128x128xf32, #tpu.memory_space<vmem_shared>>
      %dma_start3A_317 = arith.constant 0 : i32
      %dma_start3A_318 = tpu.memref_slice %arg12[%add3A_243, %dma_start3A_317] : memref<10240x128xf32, #tpu.memory_space<vmem_shared>> -> memref<128x128xf32, #tpu.memory_space<vmem_shared>>
      %dma_start3A_319 = arith.constant 0 : i32
      %dma_start3A_320 = arith.constant 0 : i32
      %dma_start3A_321 = tpu.memref_slice %arg15[%run_scoped3A_244, %dma_start3A_319, %dma_start3A_320] : memref<2x128x128xf32, #tpu.memory_space<vmem>> -> memref<1x128x128xf32, #tpu.memory_space<vmem>>
      %dma_start3A_322 = tpu.memref_squeeze %dma_start3A_321 : memref<1x128x128xf32, #tpu.memory_space<vmem>> -> memref<128x128xf32, #tpu.memory_space<vmem>>
      tpu.enqueue_dma source(%dma_start3A_322 : memref<128x128xf32, #tpu.memory_space<vmem>>) target(%dma_start3A_318 : memref<128x128xf32, #tpu.memory_space<vmem_shared>>) target_semaphore(%run_scoped3A_310 : memref<!tpu.dma_semaphore, #tpu.memory_space<semaphore_mem>>)
      %dma_wait3A_323 = arith.constant 0 : i32
      %dma_wait3A_324 = arith.constant 0 : i32
      %dma_wait3A_325 = tpu.memref_slice %arg15[%run_scoped3A_244, %dma_wait3A_323, %dma_wait3A_324] : memref<2x128x128xf32, #tpu.memory_space<vmem>> -> memref<1x128x128xf32, #tpu.memory_space<vmem>>
      %dma_wait3A_326 = tpu.memref_squeeze %dma_wait3A_325 : memref<1x128x128xf32, #tpu.memory_space<vmem>> -> memref<128x128xf32, #tpu.memory_space<vmem>>
      %dma_wait3A_327 = arith.constant 0 : i32
      %dma_wait3A_328 = tpu.memref_slice %arg12[%add3A_243, %dma_wait3A_327] : memref<10240x128xf32, #tpu.memory_space<vmem_shared>> -> memref<128x128xf32, #tpu.memory_space<vmem_shared>>
      %dma_wait3A_329 = arith.constant 0 : i32
      %dma_wait3A_330 = tpu.memref_slice %arg12[%add3A_243, %dma_wait3A_329] : memref<10240x128xf32, #tpu.memory_space<vmem_shared>> -> memref<128x128xf32, #tpu.memory_space<vmem_shared>>
      %dma_wait3A_331 = arith.constant 0 : i32
      %dma_wait3A_332 = arith.constant 0 : i32
      %dma_wait3A_333 = tpu.memref_slice %arg15[%run_scoped3A_244, %dma_wait3A_331, %dma_wait3A_332] : memref<2x128x128xf32, #tpu.memory_space<vmem>> -> memref<1x128x128xf32, #tpu.memory_space<vmem>>
      %dma_wait3A_334 = tpu.memref_squeeze %dma_wait3A_333 : memref<1x128x128xf32, #tpu.memory_space<vmem>> -> memref<128x128xf32, #tpu.memory_space<vmem>>
      tpu.wait_dma2 semaphore(%run_scoped3A_310 : memref<!tpu.dma_semaphore, #tpu.memory_space<semaphore_mem>>) src(%dma_wait3A_334 : memref<128x128xf32, #tpu.memory_space<vmem>>) dst(%dma_wait3A_330 : memref<128x128xf32, #tpu.memory_space<vmem_shared>>)
      tpu.yield
    }) : () -> ()
    %add3A_245 = arith.constant 256 : i32
    %add3A_246 = arith.addi %mul3A_6, %add3A_245 : i32
    %run_scoped3A_247 = arith.constant 0 : i32
    "tpu.region"() ({
      %run_scoped3A_310 = tpu.sem_alloc : memref<!tpu.dma_semaphore, #tpu.memory_space<semaphore_mem>>
      %dma_start3A_311 = arith.constant 0 : i32
      %dma_start3A_312 = arith.constant 0 : i32
      %dma_start3A_313 = tpu.memref_slice %arg15[%run_scoped3A_247, %dma_start3A_311, %dma_start3A_312] : memref<2x128x128xf32, #tpu.memory_space<vmem>> -> memref<1x128x128xf32, #tpu.memory_space<vmem>>
      %dma_start3A_314 = tpu.memref_squeeze %dma_start3A_313 : memref<1x128x128xf32, #tpu.memory_space<vmem>> -> memref<128x128xf32, #tpu.memory_space<vmem>>
      %dma_start3A_315 = arith.constant 0 : i32
      %dma_start3A_316 = tpu.memref_slice %arg12[%add3A_246, %dma_start3A_315] : memref<10240x128xf32, #tpu.memory_space<vmem_shared>> -> memref<128x128xf32, #tpu.memory_space<vmem_shared>>
      %dma_start3A_317 = arith.constant 0 : i32
      %dma_start3A_318 = tpu.memref_slice %arg12[%add3A_246, %dma_start3A_317] : memref<10240x128xf32, #tpu.memory_space<vmem_shared>> -> memref<128x128xf32, #tpu.memory_space<vmem_shared>>
      %dma_start3A_319 = arith.constant 0 : i32
      %dma_start3A_320 = arith.constant 0 : i32
      %dma_start3A_321 = tpu.memref_slice %arg15[%run_scoped3A_247, %dma_start3A_319, %dma_start3A_320] : memref<2x128x128xf32, #tpu.memory_space<vmem>> -> memref<1x128x128xf32, #tpu.memory_space<vmem>>
      %dma_start3A_322 = tpu.memref_squeeze %dma_start3A_321 : memref<1x128x128xf32, #tpu.memory_space<vmem>> -> memref<128x128xf32, #tpu.memory_space<vmem>>
      tpu.enqueue_dma source(%dma_start3A_322 : memref<128x128xf32, #tpu.memory_space<vmem>>) target(%dma_start3A_318 : memref<128x128xf32, #tpu.memory_space<vmem_shared>>) target_semaphore(%run_scoped3A_310 : memref<!tpu.dma_semaphore, #tpu.memory_space<semaphore_mem>>)
      %dma_wait3A_323 = arith.constant 0 : i32
      %dma_wait3A_324 = arith.constant 0 : i32
      %dma_wait3A_325 = tpu.memref_slice %arg15[%run_scoped3A_247, %dma_wait3A_323, %dma_wait3A_324] : memref<2x128x128xf32, #tpu.memory_space<vmem>> -> memref<1x128x128xf32, #tpu.memory_space<vmem>>
      %dma_wait3A_326 = tpu.memref_squeeze %dma_wait3A_325 : memref<1x128x128xf32, #tpu.memory_space<vmem>> -> memref<128x128xf32, #tpu.memory_space<vmem>>
      %dma_wait3A_327 = arith.constant 0 : i32
      %dma_wait3A_328 = tpu.memref_slice %arg12[%add3A_246, %dma_wait3A_327] : memref<10240x128xf32, #tpu.memory_space<vmem_shared>> -> memref<128x128xf32, #tpu.memory_space<vmem_shared>>
      %dma_wait3A_329 = arith.constant 0 : i32
      %dma_wait3A_330 = tpu.memref_slice %arg12[%add3A_246, %dma_wait3A_329] : memref<10240x128xf32, #tpu.memory_space<vmem_shared>> -> memref<128x128xf32, #tpu.memory_space<vmem_shared>>
      %dma_wait3A_331 = arith.constant 0 : i32
      %dma_wait3A_332 = arith.constant 0 : i32
      %dma_wait3A_333 = tpu.memref_slice %arg15[%run_scoped3A_247, %dma_wait3A_331, %dma_wait3A_332] : memref<2x128x128xf32, #tpu.memory_space<vmem>> -> memref<1x128x128xf32, #tpu.memory_space<vmem>>
      %dma_wait3A_334 = tpu.memref_squeeze %dma_wait3A_333 : memref<1x128x128xf32, #tpu.memory_space<vmem>> -> memref<128x128xf32, #tpu.memory_space<vmem>>
      tpu.wait_dma2 semaphore(%run_scoped3A_310 : memref<!tpu.dma_semaphore, #tpu.memory_space<semaphore_mem>>) src(%dma_wait3A_334 : memref<128x128xf32, #tpu.memory_space<vmem>>) dst(%dma_wait3A_330 : memref<128x128xf32, #tpu.memory_space<vmem_shared>>)
      tpu.yield
    }) : () -> ()
    %add3A_248 = arith.constant 384 : i32
    %add3A_249 = arith.addi %mul3A_6, %add3A_248 : i32
    %run_scoped3A_250 = arith.constant 0 : i32
    "tpu.region"() ({
      %run_scoped3A_310 = tpu.sem_alloc : memref<!tpu.dma_semaphore, #tpu.memory_space<semaphore_mem>>
      %dma_start3A_311 = arith.constant 0 : i32
      %dma_start3A_312 = arith.constant 0 : i32
      %dma_start3A_313 = tpu.memref_slice %arg15[%run_scoped3A_250, %dma_start3A_311, %dma_start3A_312] : memref<2x128x128xf32, #tpu.memory_space<vmem>> -> memref<1x128x128xf32, #tpu.memory_space<vmem>>
      %dma_start3A_314 = tpu.memref_squeeze %dma_start3A_313 : memref<1x128x128xf32, #tpu.memory_space<vmem>> -> memref<128x128xf32, #tpu.memory_space<vmem>>
      %dma_start3A_315 = arith.constant 0 : i32
      %dma_start3A_316 = tpu.memref_slice %arg12[%add3A_249, %dma_start3A_315] : memref<10240x128xf32, #tpu.memory_space<vmem_shared>> -> memref<128x128xf32, #tpu.memory_space<vmem_shared>>
      %dma_start3A_317 = arith.constant 0 : i32
      %dma_start3A_318 = tpu.memref_slice %arg12[%add3A_249, %dma_start3A_317] : memref<10240x128xf32, #tpu.memory_space<vmem_shared>> -> memref<128x128xf32, #tpu.memory_space<vmem_shared>>
      %dma_start3A_319 = arith.constant 0 : i32
      %dma_start3A_320 = arith.constant 0 : i32
      %dma_start3A_321 = tpu.memref_slice %arg15[%run_scoped3A_250, %dma_start3A_319, %dma_start3A_320] : memref<2x128x128xf32, #tpu.memory_space<vmem>> -> memref<1x128x128xf32, #tpu.memory_space<vmem>>
      %dma_start3A_322 = tpu.memref_squeeze %dma_start3A_321 : memref<1x128x128xf32, #tpu.memory_space<vmem>> -> memref<128x128xf32, #tpu.memory_space<vmem>>
      tpu.enqueue_dma source(%dma_start3A_322 : memref<128x128xf32, #tpu.memory_space<vmem>>) target(%dma_start3A_318 : memref<128x128xf32, #tpu.memory_space<vmem_shared>>) target_semaphore(%run_scoped3A_310 : memref<!tpu.dma_semaphore, #tpu.memory_space<semaphore_mem>>)
      %dma_wait3A_323 = arith.constant 0 : i32
      %dma_wait3A_324 = arith.constant 0 : i32
      %dma_wait3A_325 = tpu.memref_slice %arg15[%run_scoped3A_250, %dma_wait3A_323, %dma_wait3A_324] : memref<2x128x128xf32, #tpu.memory_space<vmem>> -> memref<1x128x128xf32, #tpu.memory_space<vmem>>
      %dma_wait3A_326 = tpu.memref_squeeze %dma_wait3A_325 : memref<1x128x128xf32, #tpu.memory_space<vmem>> -> memref<128x128xf32, #tpu.memory_space<vmem>>
      %dma_wait3A_327 = arith.constant 0 : i32
      %dma_wait3A_328 = tpu.memref_slice %arg12[%add3A_249, %dma_wait3A_327] : memref<10240x128xf32, #tpu.memory_space<vmem_shared>> -> memref<128x128xf32, #tpu.memory_space<vmem_shared>>
      %dma_wait3A_329 = arith.constant 0 : i32
      %dma_wait3A_330 = tpu.memref_slice %arg12[%add3A_249, %dma_wait3A_329] : memref<10240x128xf32, #tpu.memory_space<vmem_shared>> -> memref<128x128xf32, #tpu.memory_space<vmem_shared>>
      %dma_wait3A_331 = arith.constant 0 : i32
      %dma_wait3A_332 = arith.constant 0 : i32
      %dma_wait3A_333 = tpu.memref_slice %arg15[%run_scoped3A_250, %dma_wait3A_331, %dma_wait3A_332] : memref<2x128x128xf32, #tpu.memory_space<vmem>> -> memref<1x128x128xf32, #tpu.memory_space<vmem>>
      %dma_wait3A_334 = tpu.memref_squeeze %dma_wait3A_333 : memref<1x128x128xf32, #tpu.memory_space<vmem>> -> memref<128x128xf32, #tpu.memory_space<vmem>>
      tpu.wait_dma2 semaphore(%run_scoped3A_310 : memref<!tpu.dma_semaphore, #tpu.memory_space<semaphore_mem>>) src(%dma_wait3A_334 : memref<128x128xf32, #tpu.memory_space<vmem>>) dst(%dma_wait3A_330 : memref<128x128xf32, #tpu.memory_space<vmem_shared>>)
      tpu.yield
    }) : () -> ()
    %add3A_251 = arith.constant 512 : i32
    %add3A_252 = arith.addi %mul3A_6, %add3A_251 : i32
    %run_scoped3A_253 = arith.constant 0 : i32
    "tpu.region"() ({
      %run_scoped3A_310 = tpu.sem_alloc : memref<!tpu.dma_semaphore, #tpu.memory_space<semaphore_mem>>
      %dma_start3A_311 = arith.constant 0 : i32
      %dma_start3A_312 = arith.constant 0 : i32
      %dma_start3A_313 = tpu.memref_slice %arg15[%run_scoped3A_253, %dma_start3A_311, %dma_start3A_312] : memref<2x128x128xf32, #tpu.memory_space<vmem>> -> memref<1x128x128xf32, #tpu.memory_space<vmem>>
      %dma_start3A_314 = tpu.memref_squeeze %dma_start3A_313 : memref<1x128x128xf32, #tpu.memory_space<vmem>> -> memref<128x128xf32, #tpu.memory_space<vmem>>
      %dma_start3A_315 = arith.constant 0 : i32
      %dma_start3A_316 = tpu.memref_slice %arg12[%add3A_252, %dma_start3A_315] : memref<10240x128xf32, #tpu.memory_space<vmem_shared>> -> memref<128x128xf32, #tpu.memory_space<vmem_shared>>
      %dma_start3A_317 = arith.constant 0 : i32
      %dma_start3A_318 = tpu.memref_slice %arg12[%add3A_252, %dma_start3A_317] : memref<10240x128xf32, #tpu.memory_space<vmem_shared>> -> memref<128x128xf32, #tpu.memory_space<vmem_shared>>
      %dma_start3A_319 = arith.constant 0 : i32
      %dma_start3A_320 = arith.constant 0 : i32
      %dma_start3A_321 = tpu.memref_slice %arg15[%run_scoped3A_253, %dma_start3A_319, %dma_start3A_320] : memref<2x128x128xf32, #tpu.memory_space<vmem>> -> memref<1x128x128xf32, #tpu.memory_space<vmem>>
      %dma_start3A_322 = tpu.memref_squeeze %dma_start3A_321 : memref<1x128x128xf32, #tpu.memory_space<vmem>> -> memref<128x128xf32, #tpu.memory_space<vmem>>
      tpu.enqueue_dma source(%dma_start3A_322 : memref<128x128xf32, #tpu.memory_space<vmem>>) target(%dma_start3A_318 : memref<128x128xf32, #tpu.memory_space<vmem_shared>>) target_semaphore(%run_scoped3A_310 : memref<!tpu.dma_semaphore, #tpu.memory_space<semaphore_mem>>)
      %dma_wait3A_323 = arith.constant 0 : i32
      %dma_wait3A_324 = arith.constant 0 : i32
      %dma_wait3A_325 = tpu.memref_slice %arg15[%run_scoped3A_253, %dma_wait3A_323, %dma_wait3A_324] : memref<2x128x128xf32, #tpu.memory_space<vmem>> -> memref<1x128x128xf32, #tpu.memory_space<vmem>>
      %dma_wait3A_326 = tpu.memref_squeeze %dma_wait3A_325 : memref<1x128x128xf32, #tpu.memory_space<vmem>> -> memref<128x128xf32, #tpu.memory_space<vmem>>
      %dma_wait3A_327 = arith.constant 0 : i32
      %dma_wait3A_328 = tpu.memref_slice %arg12[%add3A_252, %dma_wait3A_327] : memref<10240x128xf32, #tpu.memory_space<vmem_shared>> -> memref<128x128xf32, #tpu.memory_space<vmem_shared>>
      %dma_wait3A_329 = arith.constant 0 : i32
      %dma_wait3A_330 = tpu.memref_slice %arg12[%add3A_252, %dma_wait3A_329] : memref<10240x128xf32, #tpu.memory_space<vmem_shared>> -> memref<128x128xf32, #tpu.memory_space<vmem_shared>>
      %dma_wait3A_331 = arith.constant 0 : i32
      %dma_wait3A_332 = arith.constant 0 : i32
      %dma_wait3A_333 = tpu.memref_slice %arg15[%run_scoped3A_253, %dma_wait3A_331, %dma_wait3A_332] : memref<2x128x128xf32, #tpu.memory_space<vmem>> -> memref<1x128x128xf32, #tpu.memory_space<vmem>>
      %dma_wait3A_334 = tpu.memref_squeeze %dma_wait3A_333 : memref<1x128x128xf32, #tpu.memory_space<vmem>> -> memref<128x128xf32, #tpu.memory_space<vmem>>
      tpu.wait_dma2 semaphore(%run_scoped3A_310 : memref<!tpu.dma_semaphore, #tpu.memory_space<semaphore_mem>>) src(%dma_wait3A_334 : memref<128x128xf32, #tpu.memory_space<vmem>>) dst(%dma_wait3A_330 : memref<128x128xf32, #tpu.memory_space<vmem_shared>>)
      tpu.yield
    }) : () -> ()
    %barrier3A_254 = arith.constant 0 : index
    tpu.barrier barrier_id(%barrier3A_254)
    %dma_start3A_255 = arith.constant 0 : i32
    %dma_start3A_256 = arith.constant 0 : i32
    %dma_start3A_257 = arith.constant 0 : i32
    %dma_start3A_258 = arith.constant 0 : i32
    %dma_start3A_259 = tpu.memref_slice %arg15[%dma_start3A_256, %dma_start3A_257, %dma_start3A_258] : memref<2x128x128xf32, #tpu.memory_space<vmem>> -> memref<1x128x128xf32, #tpu.memory_space<vmem>>
    %dma_start3A_260 = tpu.memref_squeeze %dma_start3A_259 : memref<1x128x128xf32, #tpu.memory_space<vmem>> -> memref<128x128xf32, #tpu.memory_space<vmem>>
    %dma_start3A_261 = arith.constant 0 : i32
    %dma_start3A_262 = tpu.memref_slice %arg13[%dma_start3A_255, %dma_start3A_261] : memref<40x128xi32, #tpu.memory_space<vmem>> -> memref<1x128xi32, #tpu.memory_space<vmem>>
    %dma_start3A_263 = tpu.memref_squeeze %dma_start3A_262 : memref<1x128xi32, #tpu.memory_space<vmem>> -> memref<128xi32, #tpu.memory_space<vmem>>
    %dma_start3A_264 = arith.constant 0 : i32
    %dma_start3A_265 = arith.constant 0 : i32
    %dma_start3A_266 = tpu.memref_slice %arg5[%dma_start3A_264, %dma_start3A_265] : memref<10000x128xf32, #tpu.memory_space<hbm>> -> memref<10000x128xf32, #tpu.memory_space<hbm>>
    tpu.enqueue_indirect_dma source(%dma_start3A_266 : memref<10000x128xf32, #tpu.memory_space<hbm>>) target(%dma_start3A_260 : memref<128x128xf32, #tpu.memory_space<vmem>>) offsets(%dma_start3A_263 : memref<128xi32, #tpu.memory_space<vmem>>) semaphore(%arg16 : memref<!tpu.dma_semaphore, #tpu.memory_space<semaphore_mem>>)
    %dma_start3A_267 = arith.constant 1 : i32
    %dma_start3A_268 = arith.constant 1 : i32
    %dma_start3A_269 = arith.constant 0 : i32
    %dma_start3A_270 = arith.constant 0 : i32
    %dma_start3A_271 = tpu.memref_slice %arg15[%dma_start3A_268, %dma_start3A_269, %dma_start3A_270] : memref<2x128x128xf32, #tpu.memory_space<vmem>> -> memref<1x128x128xf32, #tpu.memory_space<vmem>>
    %dma_start3A_272 = tpu.memref_squeeze %dma_start3A_271 : memref<1x128x128xf32, #tpu.memory_space<vmem>> -> memref<128x128xf32, #tpu.memory_space<vmem>>
    %dma_start3A_273 = arith.constant 0 : i32
    %dma_start3A_274 = tpu.memref_slice %arg13[%dma_start3A_267, %dma_start3A_273] : memref<40x128xi32, #tpu.memory_space<vmem>> -> memref<1x128xi32, #tpu.memory_space<vmem>>
    %dma_start3A_275 = tpu.memref_squeeze %dma_start3A_274 : memref<1x128xi32, #tpu.memory_space<vmem>> -> memref<128xi32, #tpu.memory_space<vmem>>
    %dma_start3A_276 = arith.constant 0 : i32
    %dma_start3A_277 = arith.constant 0 : i32
    %dma_start3A_278 = tpu.memref_slice %arg5[%dma_start3A_276, %dma_start3A_277] : memref<10000x128xf32, #tpu.memory_space<hbm>> -> memref<10000x128xf32, #tpu.memory_space<hbm>>
    tpu.enqueue_indirect_dma source(%dma_start3A_278 : memref<10000x128xf32, #tpu.memory_space<hbm>>) target(%dma_start3A_272 : memref<128x128xf32, #tpu.memory_space<vmem>>) offsets(%dma_start3A_275 : memref<128xi32, #tpu.memory_space<vmem>>) semaphore(%arg17 : memref<!tpu.dma_semaphore, #tpu.memory_space<semaphore_mem>>)
    %scan3A_279 = arith.constant 0 : i32
    %scan3A_280 = arith.constant 0 : i32
    %scan3A_281 = arith.constant 20 : i32
    %scan3A_282 = arith.addi %scan3A_280, %scan3A_281 : i32
    %scan3A_283 = arith.constant 1 : i32
    scf.for %scan3A_310 = %scan3A_280 to %scan3A_282 step %scan3A_283  : i32 {
      %mul3A_311 = arith.constant 2 : i32
      %mul3A_312 = arith.muli %scan3A_310, %mul3A_311 : i32
      %add3A_313 = arith.constant 0 : i32
      %add3A_314 = arith.addi %mul3A_312, %add3A_313 : i32
      %dma_wait3A_315 = arith.constant 0 : i32
      %dma_wait3A_316 = arith.constant 0 : i32
      %dma_wait3A_317 = arith.constant 0 : i32
      %dma_wait3A_318 = tpu.memref_slice %arg15[%dma_wait3A_315, %dma_wait3A_316, %dma_wait3A_317] : memref<2x128x128xf32, #tpu.memory_space<vmem>> -> memref<1x128x128xf32, #tpu.memory_space<vmem>>
      %dma_wait3A_319 = tpu.memref_squeeze %dma_wait3A_318 : memref<1x128x128xf32, #tpu.memory_space<vmem>> -> memref<128x128xf32, #tpu.memory_space<vmem>>
      %dma_wait3A_320 = arith.constant 0 : i32
      %dma_wait3A_321 = tpu.memref_slice %arg13[%add3A_314, %dma_wait3A_320] : memref<40x128xi32, #tpu.memory_space<vmem>> -> memref<1x128xi32, #tpu.memory_space<vmem>>
      %dma_wait3A_322 = tpu.memref_squeeze %dma_wait3A_321 : memref<1x128xi32, #tpu.memory_space<vmem>> -> memref<128xi32, #tpu.memory_space<vmem>>
      %dma_wait3A_323 = arith.constant 0 : i32
      %dma_wait3A_324 = arith.constant 0 : i32
      %dma_wait3A_325 = tpu.memref_slice %arg5[%dma_wait3A_323, %dma_wait3A_324] : memref<10000x128xf32, #tpu.memory_space<hbm>> -> memref<10000x128xf32, #tpu.memory_space<hbm>>
      tpu.wait_indirect_dma semaphore(%arg16 : memref<!tpu.dma_semaphore, #tpu.memory_space<semaphore_mem>>) src(%dma_wait3A_325 : memref<10000x128xf32, #tpu.memory_space<hbm>>) dst(%dma_wait3A_319 : memref<128x128xf32, #tpu.memory_space<vmem>>)
      %dma_start3A_326 = arith.constant 0 : i32
      %dma_start3A_327 = arith.constant 0 : i32
      %dma_start3A_328 = arith.constant 0 : i32
      %dma_start3A_329 = tpu.memref_slice %arg15[%dma_start3A_326, %dma_start3A_327, %dma_start3A_328] : memref<2x128x128xf32, #tpu.memory_space<vmem>> -> memref<1x128x128xf32, #tpu.memory_space<vmem>>
      %dma_start3A_330 = tpu.memref_squeeze %dma_start3A_329 : memref<1x128x128xf32, #tpu.memory_space<vmem>> -> memref<128x128xf32, #tpu.memory_space<vmem>>
      %dma_start3A_331 = arith.constant 0 : i32
      %dma_start3A_332 = tpu.memref_slice %arg14[%add3A_314, %dma_start3A_331] : memref<40x128xi32, #tpu.memory_space<vmem>> -> memref<1x128xi32, #tpu.memory_space<vmem>>
      %dma_start3A_333 = tpu.memref_squeeze %dma_start3A_332 : memref<1x128xi32, #tpu.memory_space<vmem>> -> memref<128xi32, #tpu.memory_space<vmem>>
      %dma_start3A_334 = arith.constant 0 : i32
      %dma_start3A_335 = arith.constant 0 : i32
      %dma_start3A_336 = tpu.memref_slice %arg12[%dma_start3A_334, %dma_start3A_335] : memref<10240x128xf32, #tpu.memory_space<vmem_shared>> -> memref<10240x128xf32, #tpu.memory_space<vmem_shared>>
      tpu.enqueue_indirect_dma source(%dma_start3A_330 : memref<128x128xf32, #tpu.memory_space<vmem>>) target(%dma_start3A_336 : memref<10240x128xf32, #tpu.memory_space<vmem_shared>>) offsets(%dma_start3A_333 : memref<128xi32, #tpu.memory_space<vmem>>) semaphore(%arg18 : memref<!tpu.dma_semaphore, #tpu.memory_space<semaphore_mem>>) {add = true}
      %mul3A_337 = arith.constant 2 : i32
      %mul3A_338 = arith.muli %scan3A_310, %mul3A_337 : i32
      %add3A_339 = arith.constant 1 : i32
      %add3A_340 = arith.addi %mul3A_338, %add3A_339 : i32
      %dma_wait3A_341 = arith.constant 1 : i32
      %dma_wait3A_342 = arith.constant 0 : i32
      %dma_wait3A_343 = arith.constant 0 : i32
      %dma_wait3A_344 = tpu.memref_slice %arg15[%dma_wait3A_341, %dma_wait3A_342, %dma_wait3A_343] : memref<2x128x128xf32, #tpu.memory_space<vmem>> -> memref<1x128x128xf32, #tpu.memory_space<vmem>>
      %dma_wait3A_345 = tpu.memref_squeeze %dma_wait3A_344 : memref<1x128x128xf32, #tpu.memory_space<vmem>> -> memref<128x128xf32, #tpu.memory_space<vmem>>
      %dma_wait3A_346 = arith.constant 0 : i32
      %dma_wait3A_347 = tpu.memref_slice %arg13[%add3A_340, %dma_wait3A_346] : memref<40x128xi32, #tpu.memory_space<vmem>> -> memref<1x128xi32, #tpu.memory_space<vmem>>
      %dma_wait3A_348 = tpu.memref_squeeze %dma_wait3A_347 : memref<1x128xi32, #tpu.memory_space<vmem>> -> memref<128xi32, #tpu.memory_space<vmem>>
      %dma_wait3A_349 = arith.constant 0 : i32
      %dma_wait3A_350 = arith.constant 0 : i32
      %dma_wait3A_351 = tpu.memref_slice %arg5[%dma_wait3A_349, %dma_wait3A_350] : memref<10000x128xf32, #tpu.memory_space<hbm>> -> memref<10000x128xf32, #tpu.memory_space<hbm>>
      tpu.wait_indirect_dma semaphore(%arg17 : memref<!tpu.dma_semaphore, #tpu.memory_space<semaphore_mem>>) src(%dma_wait3A_351 : memref<10000x128xf32, #tpu.memory_space<hbm>>) dst(%dma_wait3A_345 : memref<128x128xf32, #tpu.memory_space<vmem>>)
      %dma_start3A_352 = arith.constant 1 : i32
      %dma_start3A_353 = arith.constant 0 : i32
      %dma_start3A_354 = arith.constant 0 : i32
      %dma_start3A_355 = tpu.memref_slice %arg15[%dma_start3A_352, %dma_start3A_353, %dma_start3A_354] : memref<2x128x128xf32, #tpu.memory_space<vmem>> -> memref<1x128x128xf32, #tpu.memory_space<vmem>>
      %dma_start3A_356 = tpu.memref_squeeze %dma_start3A_355 : memref<1x128x128xf32, #tpu.memory_space<vmem>> -> memref<128x128xf32, #tpu.memory_space<vmem>>
      %dma_start3A_357 = arith.constant 0 : i32
      %dma_start3A_358 = tpu.memref_slice %arg14[%add3A_340, %dma_start3A_357] : memref<40x128xi32, #tpu.memory_space<vmem>> -> memref<1x128xi32, #tpu.memory_space<vmem>>
      %dma_start3A_359 = tpu.memref_squeeze %dma_start3A_358 : memref<1x128xi32, #tpu.memory_space<vmem>> -> memref<128xi32, #tpu.memory_space<vmem>>
      %dma_start3A_360 = arith.constant 0 : i32
      %dma_start3A_361 = arith.constant 0 : i32
      %dma_start3A_362 = tpu.memref_slice %arg12[%dma_start3A_360, %dma_start3A_361] : memref<10240x128xf32, #tpu.memory_space<vmem_shared>> -> memref<10240x128xf32, #tpu.memory_space<vmem_shared>>
      tpu.enqueue_indirect_dma source(%dma_start3A_356 : memref<128x128xf32, #tpu.memory_space<vmem>>) target(%dma_start3A_362 : memref<10240x128xf32, #tpu.memory_space<vmem_shared>>) offsets(%dma_start3A_359 : memref<128xi32, #tpu.memory_space<vmem>>) semaphore(%arg19 : memref<!tpu.dma_semaphore, #tpu.memory_space<semaphore_mem>>) {add = true}
      %mul3A_363 = arith.constant 2 : i32
      %mul3A_364 = arith.muli %scan3A_310, %mul3A_363 : i32
      %add3A_365 = arith.constant 0 : i32
      %add3A_366 = arith.addi %mul3A_364, %add3A_365 : i32
      %add3A_367 = arith.constant 2 : i32
      %add3A_368 = arith.addi %add3A_366, %add3A_367 : i32
      %lt3A = arith.constant 40 : i32
      %lt3A_369 = arith.cmpi slt, %add3A_368, %lt3A : i32
      %convert_element_type3A = arith.extui %lt3A_369 : i1 to i32
      %cond3A = arith.constant 0 : i32
      %cond3A_370 = arith.cmpi ne, %convert_element_type3A, %cond3A : i32
      scf.if %cond3A_370 {
        %dma_wait3A_382 = arith.constant 0 : i32
        %dma_wait3A_383 = arith.constant 0 : i32
        %dma_wait3A_384 = arith.constant 0 : i32
        %dma_wait3A_385 = tpu.memref_slice %arg15[%dma_wait3A_382, %dma_wait3A_383, %dma_wait3A_384] : memref<2x128x128xf32, #tpu.memory_space<vmem>> -> memref<1x128x128xf32, #tpu.memory_space<vmem>>
        %dma_wait3A_386 = tpu.memref_squeeze %dma_wait3A_385 : memref<1x128x128xf32, #tpu.memory_space<vmem>> -> memref<128x128xf32, #tpu.memory_space<vmem>>
        %dma_wait3A_387 = arith.constant 0 : i32
        %dma_wait3A_388 = tpu.memref_slice %arg14[%add3A_366, %dma_wait3A_387] : memref<40x128xi32, #tpu.memory_space<vmem>> -> memref<1x128xi32, #tpu.memory_space<vmem>>
        %dma_wait3A_389 = tpu.memref_squeeze %dma_wait3A_388 : memref<1x128xi32, #tpu.memory_space<vmem>> -> memref<128xi32, #tpu.memory_space<vmem>>
        %dma_wait3A_390 = arith.constant 0 : i32
        %dma_wait3A_391 = arith.constant 0 : i32
        %dma_wait3A_392 = tpu.memref_slice %arg12[%dma_wait3A_390, %dma_wait3A_391] : memref<10240x128xf32, #tpu.memory_space<vmem_shared>> -> memref<10240x128xf32, #tpu.memory_space<vmem_shared>>
        tpu.wait_indirect_dma semaphore(%arg18 : memref<!tpu.dma_semaphore, #tpu.memory_space<semaphore_mem>>) src(%dma_wait3A_386 : memref<128x128xf32, #tpu.memory_space<vmem>>) dst(%dma_wait3A_392 : memref<10240x128xf32, #tpu.memory_space<vmem_shared>>)
        %dma_start3A_393 = arith.constant 0 : i32
        %dma_start3A_394 = arith.constant 0 : i32
        %dma_start3A_395 = arith.constant 0 : i32
        %dma_start3A_396 = tpu.memref_slice %arg15[%dma_start3A_393, %dma_start3A_394, %dma_start3A_395] : memref<2x128x128xf32, #tpu.memory_space<vmem>> -> memref<1x128x128xf32, #tpu.memory_space<vmem>>
        %dma_start3A_397 = tpu.memref_squeeze %dma_start3A_396 : memref<1x128x128xf32, #tpu.memory_space<vmem>> -> memref<128x128xf32, #tpu.memory_space<vmem>>
        %dma_start3A_398 = arith.constant 0 : i32
        %dma_start3A_399 = tpu.memref_slice %arg13[%add3A_368, %dma_start3A_398] : memref<40x128xi32, #tpu.memory_space<vmem>> -> memref<1x128xi32, #tpu.memory_space<vmem>>
        %dma_start3A_400 = tpu.memref_squeeze %dma_start3A_399 : memref<1x128xi32, #tpu.memory_space<vmem>> -> memref<128xi32, #tpu.memory_space<vmem>>
        %dma_start3A_401 = arith.constant 0 : i32
        %dma_start3A_402 = arith.constant 0 : i32
        %dma_start3A_403 = tpu.memref_slice %arg5[%dma_start3A_401, %dma_start3A_402] : memref<10000x128xf32, #tpu.memory_space<hbm>> -> memref<10000x128xf32, #tpu.memory_space<hbm>>
        tpu.enqueue_indirect_dma source(%dma_start3A_403 : memref<10000x128xf32, #tpu.memory_space<hbm>>) target(%dma_start3A_397 : memref<128x128xf32, #tpu.memory_space<vmem>>) offsets(%dma_start3A_400 : memref<128xi32, #tpu.memory_space<vmem>>) semaphore(%arg16 : memref<!tpu.dma_semaphore, #tpu.memory_space<semaphore_mem>>)
      } else {
      }
      %mul3A_371 = arith.constant 2 : i32
      %mul3A_372 = arith.muli %scan3A_310, %mul3A_371 : i32
      %add3A_373 = arith.constant 1 : i32
      %add3A_374 = arith.addi %mul3A_372, %add3A_373 : i32
      %add3A_375 = arith.constant 2 : i32
      %add3A_376 = arith.addi %add3A_374, %add3A_375 : i32
      %lt3A_377 = arith.constant 40 : i32
      %lt3A_378 = arith.cmpi slt, %add3A_376, %lt3A_377 : i32
      %convert_element_type3A_379 = arith.extui %lt3A_378 : i1 to i32
      %cond3A_380 = arith.constant 0 : i32
      %cond3A_381 = arith.cmpi ne, %convert_element_type3A_379, %cond3A_380 : i32
      scf.if %cond3A_381 {
        %dma_wait3A_382 = arith.constant 1 : i32
        %dma_wait3A_383 = arith.constant 0 : i32
        %dma_wait3A_384 = arith.constant 0 : i32
        %dma_wait3A_385 = tpu.memref_slice %arg15[%dma_wait3A_382, %dma_wait3A_383, %dma_wait3A_384] : memref<2x128x128xf32, #tpu.memory_space<vmem>> -> memref<1x128x128xf32, #tpu.memory_space<vmem>>
        %dma_wait3A_386 = tpu.memref_squeeze %dma_wait3A_385 : memref<1x128x128xf32, #tpu.memory_space<vmem>> -> memref<128x128xf32, #tpu.memory_space<vmem>>
        %dma_wait3A_387 = arith.constant 0 : i32
        %dma_wait3A_388 = tpu.memref_slice %arg14[%add3A_374, %dma_wait3A_387] : memref<40x128xi32, #tpu.memory_space<vmem>> -> memref<1x128xi32, #tpu.memory_space<vmem>>
        %dma_wait3A_389 = tpu.memref_squeeze %dma_wait3A_388 : memref<1x128xi32, #tpu.memory_space<vmem>> -> memref<128xi32, #tpu.memory_space<vmem>>
        %dma_wait3A_390 = arith.constant 0 : i32
        %dma_wait3A_391 = arith.constant 0 : i32
        %dma_wait3A_392 = tpu.memref_slice %arg12[%dma_wait3A_390, %dma_wait3A_391] : memref<10240x128xf32, #tpu.memory_space<vmem_shared>> -> memref<10240x128xf32, #tpu.memory_space<vmem_shared>>
        tpu.wait_indirect_dma semaphore(%arg19 : memref<!tpu.dma_semaphore, #tpu.memory_space<semaphore_mem>>) src(%dma_wait3A_386 : memref<128x128xf32, #tpu.memory_space<vmem>>) dst(%dma_wait3A_392 : memref<10240x128xf32, #tpu.memory_space<vmem_shared>>)
        %dma_start3A_393 = arith.constant 1 : i32
        %dma_start3A_394 = arith.constant 0 : i32
        %dma_start3A_395 = arith.constant 0 : i32
        %dma_start3A_396 = tpu.memref_slice %arg15[%dma_start3A_393, %dma_start3A_394, %dma_start3A_395] : memref<2x128x128xf32, #tpu.memory_space<vmem>> -> memref<1x128x128xf32, #tpu.memory_space<vmem>>
        %dma_start3A_397 = tpu.memref_squeeze %dma_start3A_396 : memref<1x128x128xf32, #tpu.memory_space<vmem>> -> memref<128x128xf32, #tpu.memory_space<vmem>>
        %dma_start3A_398 = arith.constant 0 : i32
        %dma_start3A_399 = tpu.memref_slice %arg13[%add3A_376, %dma_start3A_398] : memref<40x128xi32, #tpu.memory_space<vmem>> -> memref<1x128xi32, #tpu.memory_space<vmem>>
        %dma_start3A_400 = tpu.memref_squeeze %dma_start3A_399 : memref<1x128xi32, #tpu.memory_space<vmem>> -> memref<128xi32, #tpu.memory_space<vmem>>
        %dma_start3A_401 = arith.constant 0 : i32
        %dma_start3A_402 = arith.constant 0 : i32
        %dma_start3A_403 = tpu.memref_slice %arg5[%dma_start3A_401, %dma_start3A_402] : memref<10000x128xf32, #tpu.memory_space<hbm>> -> memref<10000x128xf32, #tpu.memory_space<hbm>>
        tpu.enqueue_indirect_dma source(%dma_start3A_403 : memref<10000x128xf32, #tpu.memory_space<hbm>>) target(%dma_start3A_397 : memref<128x128xf32, #tpu.memory_space<vmem>>) offsets(%dma_start3A_400 : memref<128xi32, #tpu.memory_space<vmem>>) semaphore(%arg17 : memref<!tpu.dma_semaphore, #tpu.memory_space<semaphore_mem>>)
      } else {
      }
    }
    %scan3A_284 = arith.constant 20 : i32
    %dma_wait3A_285 = arith.constant 0 : i32
    %dma_wait3A_286 = arith.constant 38 : i32
    %dma_wait3A_287 = arith.constant 0 : i32
    %dma_wait3A_288 = arith.constant 0 : i32
    %dma_wait3A_289 = tpu.memref_slice %arg15[%dma_wait3A_285, %dma_wait3A_287, %dma_wait3A_288] : memref<2x128x128xf32, #tpu.memory_space<vmem>> -> memref<1x128x128xf32, #tpu.memory_space<vmem>>
    %dma_wait3A_290 = tpu.memref_squeeze %dma_wait3A_289 : memref<1x128x128xf32, #tpu.memory_space<vmem>> -> memref<128x128xf32, #tpu.memory_space<vmem>>
    %dma_wait3A_291 = arith.constant 0 : i32
    %dma_wait3A_292 = tpu.memref_slice %arg14[%dma_wait3A_286, %dma_wait3A_291] : memref<40x128xi32, #tpu.memory_space<vmem>> -> memref<1x128xi32, #tpu.memory_space<vmem>>
    %dma_wait3A_293 = tpu.memref_squeeze %dma_wait3A_292 : memref<1x128xi32, #tpu.memory_space<vmem>> -> memref<128xi32, #tpu.memory_space<vmem>>
    %dma_wait3A_294 = arith.constant 0 : i32
    %dma_wait3A_295 = arith.constant 0 : i32
    %dma_wait3A_296 = tpu.memref_slice %arg12[%dma_wait3A_294, %dma_wait3A_295] : memref<10240x128xf32, #tpu.memory_space<vmem_shared>> -> memref<10240x128xf32, #tpu.memory_space<vmem_shared>>
    tpu.wait_indirect_dma semaphore(%arg18 : memref<!tpu.dma_semaphore, #tpu.memory_space<semaphore_mem>>) src(%dma_wait3A_290 : memref<128x128xf32, #tpu.memory_space<vmem>>) dst(%dma_wait3A_296 : memref<10240x128xf32, #tpu.memory_space<vmem_shared>>)
    %dma_wait3A_297 = arith.constant 1 : i32
    %dma_wait3A_298 = arith.constant 39 : i32
    %dma_wait3A_299 = arith.constant 0 : i32
    %dma_wait3A_300 = arith.constant 0 : i32
    %dma_wait3A_301 = tpu.memref_slice %arg15[%dma_wait3A_297, %dma_wait3A_299, %dma_wait3A_300] : memref<2x128x128xf32, #tpu.memory_space<vmem>> -> memref<1x128x128xf32, #tpu.memory_space<vmem>>
    %dma_wait3A_302 = tpu.memref_squeeze %dma_wait3A_301 : memref<1x128x128xf32, #tpu.memory_space<vmem>> -> memref<128x128xf32, #tpu.memory_space<vmem>>
    %dma_wait3A_303 = arith.constant 0 : i32
    %dma_wait3A_304 = tpu.memref_slice %arg14[%dma_wait3A_298, %dma_wait3A_303] : memref<40x128xi32, #tpu.memory_space<vmem>> -> memref<1x128xi32, #tpu.memory_space<vmem>>
    %dma_wait3A_305 = tpu.memref_squeeze %dma_wait3A_304 : memref<1x128xi32, #tpu.memory_space<vmem>> -> memref<128xi32, #tpu.memory_space<vmem>>
    %dma_wait3A_306 = arith.constant 0 : i32
    %dma_wait3A_307 = arith.constant 0 : i32
    %dma_wait3A_308 = tpu.memref_slice %arg12[%dma_wait3A_306, %dma_wait3A_307] : memref<10240x128xf32, #tpu.memory_space<vmem_shared>> -> memref<10240x128xf32, #tpu.memory_space<vmem_shared>>
    tpu.wait_indirect_dma semaphore(%arg19 : memref<!tpu.dma_semaphore, #tpu.memory_space<semaphore_mem>>) src(%dma_wait3A_302 : memref<128x128xf32, #tpu.memory_space<vmem>>) dst(%dma_wait3A_308 : memref<10240x128xf32, #tpu.memory_space<vmem_shared>>)
    %barrier3A_309 = arith.constant 0 : index
    tpu.barrier barrier_id(%barrier3A_309)
    "tpu.region"() ({
      %run_scoped3A_310 = tpu.sem_alloc : memref<!tpu.dma_semaphore, #tpu.memory_space<semaphore_mem>>
      %dma_start3A_311 = arith.constant 0 : i32
      %dma_start3A_312 = tpu.memref_slice %arg11[%arg0, %mul3A_6, %dma_start3A_311] : memref<2x10240x128xf32, #tpu.memory_space<hbm>> -> memref<1x640x128xf32, #tpu.memory_space<hbm>>
      %dma_start3A_313 = tpu.memref_squeeze %dma_start3A_312 : memref<1x640x128xf32, #tpu.memory_space<hbm>> -> memref<640x128xf32, #tpu.memory_space<hbm>>
      %dma_start3A_314 = arith.constant 0 : i32
      %dma_start3A_315 = tpu.memref_slice %arg12[%mul3A_6, %dma_start3A_314] : memref<10240x128xf32, #tpu.memory_space<vmem_shared>> -> memref<640x128xf32, #tpu.memory_space<vmem_shared>>
      tpu.enqueue_dma source(%dma_start3A_315 : memref<640x128xf32, #tpu.memory_space<vmem_shared>>) target(%dma_start3A_313 : memref<640x128xf32, #tpu.memory_space<hbm>>) target_semaphore(%run_scoped3A_310 : memref<!tpu.dma_semaphore, #tpu.memory_space<semaphore_mem>>)
      %dma_wait3A_316 = arith.constant 0 : i32
      %dma_wait3A_317 = tpu.memref_slice %arg11[%arg0, %mul3A_6, %dma_wait3A_316] : memref<2x10240x128xf32, #tpu.memory_space<hbm>> -> memref<1x640x128xf32, #tpu.memory_space<hbm>>
      %dma_wait3A_318 = tpu.memref_squeeze %dma_wait3A_317 : memref<1x640x128xf32, #tpu.memory_space<hbm>> -> memref<640x128xf32, #tpu.memory_space<hbm>>
      %dma_wait3A_319 = arith.constant 0 : i32
      %dma_wait3A_320 = tpu.memref_slice %arg12[%mul3A_6, %dma_wait3A_319] : memref<10240x128xf32, #tpu.memory_space<vmem_shared>> -> memref<640x128xf32, #tpu.memory_space<vmem_shared>>
      tpu.wait_dma2 semaphore(%run_scoped3A_310 : memref<!tpu.dma_semaphore, #tpu.memory_space<semaphore_mem>>) src(%dma_wait3A_320 : memref<640x128xf32, #tpu.memory_space<vmem_shared>>) dst(%dma_wait3A_318 : memref<640x128xf32, #tpu.memory_space<hbm>>)
      tpu.yield
    }) : () -> ()
    return
  }
}

#map = affine_map<(d0, d1) -> (0, 0)>
#map1 = affine_map<(d0, d1) -> (0, 0, 0)>
module attributes {stable_mosaic.version = 14 : i64} {
  func.func @agg(%arg0: i32, %arg1: i32, %arg2: memref<10000x128xf32, #tpu.memory_space<hbm>>, %arg3: memref<10000x128xf32, #tpu.memory_space<hbm>>, %arg4: memref<1280x128xi32, #tpu.memory_space<hbm>>, %arg5: memref<1280x128xi32, #tpu.memory_space<hbm>>, %arg6: memref<2x10240x128xf32, #tpu.memory_space<hbm>>, %arg7: memref<2x10240x128xf32, #tpu.memory_space<hbm>>, %arg8: memref<10240x128xf32, #tpu.memory_space<vmem_shared>>, %arg9: memref<40x128xi32, #tpu.memory_space<vmem>>, %arg10: memref<40x128xi32, #tpu.memory_space<vmem>>, %arg11: memref<2x128x128xf32, #tpu.memory_space<vmem>>, %arg12: memref<!tpu.dma_semaphore, #tpu.memory_space<semaphore_mem>>, %arg13: memref<!tpu.dma_semaphore, #tpu.memory_space<semaphore_mem>>, %arg14: memref<!tpu.dma_semaphore, #tpu.memory_space<semaphore_mem>>, %arg15: memref<!tpu.dma_semaphore, #tpu.memory_space<semaphore_mem>>) attributes {dimension_semantics = [#tpu.dimension_semantics<core_parallel>, #tpu.dimension_semantics<subcore_parallel>], iteration_bounds = array<i64: 2, 16>, scalar_prefetch = 0 : i64, scratch_operands = 8 : i64, tpu.core_type = #tpu.core_type<sc_vector_subcore>, window_params = [{transform_indices = #map}, {transform_indices = #map}, {transform_indices = #map}, {transform_indices = #map}, {transform_indices = #map1}, {transform_indices = #map1}]} {
    %mul3A = arith.constant 2 : i32
    %mul3A_0 = arith.muli %arg1, %mul3A : i32
    %add3A = arith.addi %mul3A_0, %arg0 : i32
    %mul3A_1 = arith.constant 40 : i32
    %mul3A_2 = arith.muli %add3A, %mul3A_1 : i32
    "tpu.region"() ({
      %run_scoped3A_156 = tpu.sem_alloc : memref<!tpu.dma_semaphore, #tpu.memory_space<semaphore_mem>>
      %dma_start3A_157 = arith.constant 0 : i32
      %dma_start3A_158 = tpu.memref_slice %arg4[%mul3A_2, %dma_start3A_157] : memref<1280x128xi32, #tpu.memory_space<hbm>> -> memref<40x128xi32, #tpu.memory_space<hbm>>
      %dma_start3A_159 = arith.constant 0 : i32
      %dma_start3A_160 = tpu.memref_slice %arg4[%mul3A_2, %dma_start3A_159] : memref<1280x128xi32, #tpu.memory_space<hbm>> -> memref<40x128xi32, #tpu.memory_space<hbm>>
      tpu.enqueue_dma source(%dma_start3A_160 : memref<40x128xi32, #tpu.memory_space<hbm>>) target(%arg9 : memref<40x128xi32, #tpu.memory_space<vmem>>) target_semaphore(%run_scoped3A_156 : memref<!tpu.dma_semaphore, #tpu.memory_space<semaphore_mem>>)
      %dma_wait3A_161 = arith.constant 0 : i32
      %dma_wait3A_162 = tpu.memref_slice %arg4[%mul3A_2, %dma_wait3A_161] : memref<1280x128xi32, #tpu.memory_space<hbm>> -> memref<40x128xi32, #tpu.memory_space<hbm>>
      %dma_wait3A_163 = arith.constant 0 : i32
      %dma_wait3A_164 = tpu.memref_slice %arg4[%mul3A_2, %dma_wait3A_163] : memref<1280x128xi32, #tpu.memory_space<hbm>> -> memref<40x128xi32, #tpu.memory_space<hbm>>
      tpu.wait_dma2 semaphore(%run_scoped3A_156 : memref<!tpu.dma_semaphore, #tpu.memory_space<semaphore_mem>>) src(%dma_wait3A_164 : memref<40x128xi32, #tpu.memory_space<hbm>>) dst(%arg9 : memref<40x128xi32, #tpu.memory_space<vmem>>)
      tpu.yield
    }) : () -> ()
    %mul3A_3 = arith.constant 40 : i32
    %mul3A_4 = arith.muli %add3A, %mul3A_3 : i32
    "tpu.region"() ({
      %run_scoped3A_156 = tpu.sem_alloc : memref<!tpu.dma_semaphore, #tpu.memory_space<semaphore_mem>>
      %dma_start3A_157 = arith.constant 0 : i32
      %dma_start3A_158 = tpu.memref_slice %arg5[%mul3A_4, %dma_start3A_157] : memref<1280x128xi32, #tpu.memory_space<hbm>> -> memref<40x128xi32, #tpu.memory_space<hbm>>
      %dma_start3A_159 = arith.constant 0 : i32
      %dma_start3A_160 = tpu.memref_slice %arg5[%mul3A_4, %dma_start3A_159] : memref<1280x128xi32, #tpu.memory_space<hbm>> -> memref<40x128xi32, #tpu.memory_space<hbm>>
      tpu.enqueue_dma source(%dma_start3A_160 : memref<40x128xi32, #tpu.memory_space<hbm>>) target(%arg10 : memref<40x128xi32, #tpu.memory_space<vmem>>) target_semaphore(%run_scoped3A_156 : memref<!tpu.dma_semaphore, #tpu.memory_space<semaphore_mem>>)
      %dma_wait3A_161 = arith.constant 0 : i32
      %dma_wait3A_162 = tpu.memref_slice %arg5[%mul3A_4, %dma_wait3A_161] : memref<1280x128xi32, #tpu.memory_space<hbm>> -> memref<40x128xi32, #tpu.memory_space<hbm>>
      %dma_wait3A_163 = arith.constant 0 : i32
      %dma_wait3A_164 = tpu.memref_slice %arg5[%mul3A_4, %dma_wait3A_163] : memref<1280x128xi32, #tpu.memory_space<hbm>> -> memref<40x128xi32, #tpu.memory_space<hbm>>
      tpu.wait_dma2 semaphore(%run_scoped3A_156 : memref<!tpu.dma_semaphore, #tpu.memory_space<semaphore_mem>>) src(%dma_wait3A_164 : memref<40x128xi32, #tpu.memory_space<hbm>>) dst(%arg10 : memref<40x128xi32, #tpu.memory_space<vmem>>)
      tpu.yield
    }) : () -> ()
    %mul3A_5 = arith.constant 640 : i32
    %mul3A_6 = arith.muli %arg1, %mul3A_5 : i32
    %scan3A = arith.constant 0 : i32
    %scan3A_7 = arith.constant 0 : i32
    %scan3A_8 = arith.constant 128 : i32
    %scan3A_9 = arith.addi %scan3A_7, %scan3A_8 : i32
    %scan3A_10 = arith.constant 1 : i32
    scf.for %scan3A_156 = %scan3A_7 to %scan3A_9 step %scan3A_10  : i32 {
      %broadcast_in_dim3A = arith.constant 0.000000e+00 : f32
      %broadcast_in_dim3A_157 = vector.broadcast %broadcast_in_dim3A : f32 to vector<16xf32>
      %swap3A = arith.constant 0 : i32
      %swap3A_158 = arith.index_cast %swap3A : i32 to index
      %swap3A_159 = arith.index_cast %scan3A_156 : i32 to index
      %swap3A_160 = arith.constant 0 : index
      %swap3A_161 = tpu.vector_load %arg11[%swap3A_158, %swap3A_159, %swap3A_160] {strides = array<i32>} : memref<2x128x128xf32, #tpu.memory_space<vmem>>, vector<1x1x16xf32>,
      %swap3A_162 = vector.shape_cast %swap3A_161 : vector<1x1x16xf32> to vector<16xf32>
      %swap3A_163 = vector.shape_cast %broadcast_in_dim3A_157 : vector<16xf32> to vector<1x1x16xf32>
      tpu.vector_store %arg11[%swap3A_158, %swap3A_159, %swap3A_160], %swap3A_163 {strides = array<i32>} : memref<2x128x128xf32, #tpu.memory_space<vmem>>, vector<1x1x16xf32>,
      %broadcast_in_dim3A_164 = arith.constant 0.000000e+00 : f32
      %broadcast_in_dim3A_165 = vector.broadcast %broadcast_in_dim3A_164 : f32 to vector<16xf32>
      %swap3A_166 = arith.constant 0 : i32
      %swap3A_167 = arith.index_cast %swap3A_166 : i32 to index
      %swap3A_168 = arith.index_cast %scan3A_156 : i32 to index
      %swap3A_169 = arith.constant 16 : index
      %swap3A_170 = tpu.vector_load %arg11[%swap3A_167, %swap3A_168, %swap3A_169] {strides = array<i32>} : memref<2x128x128xf32, #tpu.memory_space<vmem>>, vector<1x1x16xf32>,
      %swap3A_171 = vector.shape_cast %swap3A_170 : vector<1x1x16xf32> to vector<16xf32>
      %swap3A_172 = vector.shape_cast %broadcast_in_dim3A_165 : vector<16xf32> to vector<1x1x16xf32>
      tpu.vector_store %arg11[%swap3A_167, %swap3A_168, %swap3A_169], %swap3A_172 {strides = array<i32>} : memref<2x128x128xf32, #tpu.memory_space<vmem>>, vector<1x1x16xf32>,
      %broadcast_in_dim3A_173 = arith.constant 0.000000e+00 : f32
      %broadcast_in_dim3A_174 = vector.broadcast %broadcast_in_dim3A_173 : f32 to vector<16xf32>
      %swap3A_175 = arith.constant 0 : i32
      %swap3A_176 = arith.index_cast %swap3A_175 : i32 to index
      %swap3A_177 = arith.index_cast %scan3A_156 : i32 to index
      %swap3A_178 = arith.constant 32 : index
      %swap3A_179 = tpu.vector_load %arg11[%swap3A_176, %swap3A_177, %swap3A_178] {strides = array<i32>} : memref<2x128x128xf32, #tpu.memory_space<vmem>>, vector<1x1x16xf32>,
      %swap3A_180 = vector.shape_cast %swap3A_179 : vector<1x1x16xf32> to vector<16xf32>
      %swap3A_181 = vector.shape_cast %broadcast_in_dim3A_174 : vector<16xf32> to vector<1x1x16xf32>
      tpu.vector_store %arg11[%swap3A_176, %swap3A_177, %swap3A_178], %swap3A_181 {strides = array<i32>} : memref<2x128x128xf32, #tpu.memory_space<vmem>>, vector<1x1x16xf32>,
      %broadcast_in_dim3A_182 = arith.constant 0.000000e+00 : f32
      %broadcast_in_dim3A_183 = vector.broadcast %broadcast_in_dim3A_182 : f32 to vector<16xf32>
      %swap3A_184 = arith.constant 0 : i32
      %swap3A_185 = arith.index_cast %swap3A_184 : i32 to index
      %swap3A_186 = arith.index_cast %scan3A_156 : i32 to index
      %swap3A_187 = arith.constant 48 : index
      %swap3A_188 = tpu.vector_load %arg11[%swap3A_185, %swap3A_186, %swap3A_187] {strides = array<i32>} : memref<2x128x128xf32, #tpu.memory_space<vmem>>, vector<1x1x16xf32>,
      %swap3A_189 = vector.shape_cast %swap3A_188 : vector<1x1x16xf32> to vector<16xf32>
      %swap3A_190 = vector.shape_cast %broadcast_in_dim3A_183 : vector<16xf32> to vector<1x1x16xf32>
      tpu.vector_store %arg11[%swap3A_185, %swap3A_186, %swap3A_187], %swap3A_190 {strides = array<i32>} : memref<2x128x128xf32, #tpu.memory_space<vmem>>, vector<1x1x16xf32>,
      %broadcast_in_dim3A_191 = arith.constant 0.000000e+00 : f32
      %broadcast_in_dim3A_192 = vector.broadcast %broadcast_in_dim3A_191 : f32 to vector<16xf32>
      %swap3A_193 = arith.constant 0 : i32
      %swap3A_194 = arith.index_cast %swap3A_193 : i32 to index
      %swap3A_195 = arith.index_cast %scan3A_156 : i32 to index
      %swap3A_196 = arith.constant 64 : index
      %swap3A_197 = tpu.vector_load %arg11[%swap3A_194, %swap3A_195, %swap3A_196] {strides = array<i32>} : memref<2x128x128xf32, #tpu.memory_space<vmem>>, vector<1x1x16xf32>,
      %swap3A_198 = vector.shape_cast %swap3A_197 : vector<1x1x16xf32> to vector<16xf32>
      %swap3A_199 = vector.shape_cast %broadcast_in_dim3A_192 : vector<16xf32> to vector<1x1x16xf32>
      tpu.vector_store %arg11[%swap3A_194, %swap3A_195, %swap3A_196], %swap3A_199 {strides = array<i32>} : memref<2x128x128xf32, #tpu.memory_space<vmem>>, vector<1x1x16xf32>,
      %broadcast_in_dim3A_200 = arith.constant 0.000000e+00 : f32
      %broadcast_in_dim3A_201 = vector.broadcast %broadcast_in_dim3A_200 : f32 to vector<16xf32>
      %swap3A_202 = arith.constant 0 : i32
      %swap3A_203 = arith.index_cast %swap3A_202 : i32 to index
      %swap3A_204 = arith.index_cast %scan3A_156 : i32 to index
      %swap3A_205 = arith.constant 80 : index
      %swap3A_206 = tpu.vector_load %arg11[%swap3A_203, %swap3A_204, %swap3A_205] {strides = array<i32>} : memref<2x128x128xf32, #tpu.memory_space<vmem>>, vector<1x1x16xf32>,
      %swap3A_207 = vector.shape_cast %swap3A_206 : vector<1x1x16xf32> to vector<16xf32>
      %swap3A_208 = vector.shape_cast %broadcast_in_dim3A_201 : vector<16xf32> to vector<1x1x16xf32>
      tpu.vector_store %arg11[%swap3A_203, %swap3A_204, %swap3A_205], %swap3A_208 {strides = array<i32>} : memref<2x128x128xf32, #tpu.memory_space<vmem>>, vector<1x1x16xf32>,
      %broadcast_in_dim3A_209 = arith.constant 0.000000e+00 : f32
      %broadcast_in_dim3A_210 = vector.broadcast %broadcast_in_dim3A_209 : f32 to vector<16xf32>
      %swap3A_211 = arith.constant 0 : i32
      %swap3A_212 = arith.index_cast %swap3A_211 : i32 to index
      %swap3A_213 = arith.index_cast %scan3A_156 : i32 to index
      %swap3A_214 = arith.constant 96 : index
      %swap3A_215 = tpu.vector_load %arg11[%swap3A_212, %swap3A_213, %swap3A_214] {strides = array<i32>} : memref<2x128x128xf32, #tpu.memory_space<vmem>>, vector<1x1x16xf32>,
      %swap3A_216 = vector.shape_cast %swap3A_215 : vector<1x1x16xf32> to vector<16xf32>
      %swap3A_217 = vector.shape_cast %broadcast_in_dim3A_210 : vector<16xf32> to vector<1x1x16xf32>
      tpu.vector_store %arg11[%swap3A_212, %swap3A_213, %swap3A_214], %swap3A_217 {strides = array<i32>} : memref<2x128x128xf32, #tpu.memory_space<vmem>>, vector<1x1x16xf32>,
      %broadcast_in_dim3A_218 = arith.constant 0.000000e+00 : f32
      %broadcast_in_dim3A_219 = vector.broadcast %broadcast_in_dim3A_218 : f32 to vector<16xf32>
      %swap3A_220 = arith.constant 0 : i32
      %swap3A_221 = arith.index_cast %swap3A_220 : i32 to index
      %swap3A_222 = arith.index_cast %scan3A_156 : i32 to index
      %swap3A_223 = arith.constant 112 : index
      %swap3A_224 = tpu.vector_load %arg11[%swap3A_221, %swap3A_222, %swap3A_223] {strides = array<i32>} : memref<2x128x128xf32, #tpu.memory_space<vmem>>, vector<1x1x16xf32>,
      %swap3A_225 = vector.shape_cast %swap3A_224 : vector<1x1x16xf32> to vector<16xf32>
      %swap3A_226 = vector.shape_cast %broadcast_in_dim3A_219 : vector<16xf32> to vector<1x1x16xf32>
      tpu.vector_store %arg11[%swap3A_221, %swap3A_222, %swap3A_223], %swap3A_226 {strides = array<i32>} : memref<2x128x128xf32, #tpu.memory_space<vmem>>, vector<1x1x16xf32>,
    }
    %scan3A_11 = arith.constant 128 : i32
    %add3A_12 = arith.constant 0 : i32
    %add3A_13 = arith.addi %mul3A_6, %add3A_12 : i32
    %run_scoped3A = arith.constant 0 : i32
    "tpu.region"() ({
      %run_scoped3A_156 = tpu.sem_alloc : memref<!tpu.dma_semaphore, #tpu.memory_space<semaphore_mem>>
      %dma_start3A_157 = arith.constant 0 : i32
      %dma_start3A_158 = arith.constant 0 : i32
      %dma_start3A_159 = tpu.memref_slice %arg11[%run_scoped3A, %dma_start3A_157, %dma_start3A_158] : memref<2x128x128xf32, #tpu.memory_space<vmem>> -> memref<1x128x128xf32, #tpu.memory_space<vmem>>
      %dma_start3A_160 = tpu.memref_squeeze %dma_start3A_159 : memref<1x128x128xf32, #tpu.memory_space<vmem>> -> memref<128x128xf32, #tpu.memory_space<vmem>>
      %dma_start3A_161 = arith.constant 0 : i32
      %dma_start3A_162 = tpu.memref_slice %arg8[%add3A_13, %dma_start3A_161] : memref<10240x128xf32, #tpu.memory_space<vmem_shared>> -> memref<128x128xf32, #tpu.memory_space<vmem_shared>>
      %dma_start3A_163 = arith.constant 0 : i32
      %dma_start3A_164 = tpu.memref_slice %arg8[%add3A_13, %dma_start3A_163] : memref<10240x128xf32, #tpu.memory_space<vmem_shared>> -> memref<128x128xf32, #tpu.memory_space<vmem_shared>>
      %dma_start3A_165 = arith.constant 0 : i32
      %dma_start3A_166 = arith.constant 0 : i32
      %dma_start3A_167 = tpu.memref_slice %arg11[%run_scoped3A, %dma_start3A_165, %dma_start3A_166] : memref<2x128x128xf32, #tpu.memory_space<vmem>> -> memref<1x128x128xf32, #tpu.memory_space<vmem>>
      %dma_start3A_168 = tpu.memref_squeeze %dma_start3A_167 : memref<1x128x128xf32, #tpu.memory_space<vmem>> -> memref<128x128xf32, #tpu.memory_space<vmem>>
      tpu.enqueue_dma source(%dma_start3A_168 : memref<128x128xf32, #tpu.memory_space<vmem>>) target(%dma_start3A_164 : memref<128x128xf32, #tpu.memory_space<vmem_shared>>) target_semaphore(%run_scoped3A_156 : memref<!tpu.dma_semaphore, #tpu.memory_space<semaphore_mem>>)
      %dma_wait3A_169 = arith.constant 0 : i32
      %dma_wait3A_170 = arith.constant 0 : i32
      %dma_wait3A_171 = tpu.memref_slice %arg11[%run_scoped3A, %dma_wait3A_169, %dma_wait3A_170] : memref<2x128x128xf32, #tpu.memory_space<vmem>> -> memref<1x128x128xf32, #tpu.memory_space<vmem>>
      %dma_wait3A_172 = tpu.memref_squeeze %dma_wait3A_171 : memref<1x128x128xf32, #tpu.memory_space<vmem>> -> memref<128x128xf32, #tpu.memory_space<vmem>>
      %dma_wait3A_173 = arith.constant 0 : i32
      %dma_wait3A_174 = tpu.memref_slice %arg8[%add3A_13, %dma_wait3A_173] : memref<10240x128xf32, #tpu.memory_space<vmem_shared>> -> memref<128x128xf32, #tpu.memory_space<vmem_shared>>
      %dma_wait3A_175 = arith.constant 0 : i32
      %dma_wait3A_176 = tpu.memref_slice %arg8[%add3A_13, %dma_wait3A_175] : memref<10240x128xf32, #tpu.memory_space<vmem_shared>> -> memref<128x128xf32, #tpu.memory_space<vmem_shared>>
      %dma_wait3A_177 = arith.constant 0 : i32
      %dma_wait3A_178 = arith.constant 0 : i32
      %dma_wait3A_179 = tpu.memref_slice %arg11[%run_scoped3A, %dma_wait3A_177, %dma_wait3A_178] : memref<2x128x128xf32, #tpu.memory_space<vmem>> -> memref<1x128x128xf32, #tpu.memory_space<vmem>>
      %dma_wait3A_180 = tpu.memref_squeeze %dma_wait3A_179 : memref<1x128x128xf32, #tpu.memory_space<vmem>> -> memref<128x128xf32, #tpu.memory_space<vmem>>
      tpu.wait_dma2 semaphore(%run_scoped3A_156 : memref<!tpu.dma_semaphore, #tpu.memory_space<semaphore_mem>>) src(%dma_wait3A_180 : memref<128x128xf32, #tpu.memory_space<vmem>>) dst(%dma_wait3A_176 : memref<128x128xf32, #tpu.memory_space<vmem_shared>>)
      tpu.yield
    }) : () -> ()
    %add3A_14 = arith.constant 128 : i32
    %add3A_15 = arith.addi %mul3A_6, %add3A_14 : i32
    %run_scoped3A_16 = arith.constant 0 : i32
    "tpu.region"() ({
      %run_scoped3A_156 = tpu.sem_alloc : memref<!tpu.dma_semaphore, #tpu.memory_space<semaphore_mem>>
      %dma_start3A_157 = arith.constant 0 : i32
      %dma_start3A_158 = arith.constant 0 : i32
      %dma_start3A_159 = tpu.memref_slice %arg11[%run_scoped3A_16, %dma_start3A_157, %dma_start3A_158] : memref<2x128x128xf32, #tpu.memory_space<vmem>> -> memref<1x128x128xf32, #tpu.memory_space<vmem>>
      %dma_start3A_160 = tpu.memref_squeeze %dma_start3A_159 : memref<1x128x128xf32, #tpu.memory_space<vmem>> -> memref<128x128xf32, #tpu.memory_space<vmem>>
      %dma_start3A_161 = arith.constant 0 : i32
      %dma_start3A_162 = tpu.memref_slice %arg8[%add3A_15, %dma_start3A_161] : memref<10240x128xf32, #tpu.memory_space<vmem_shared>> -> memref<128x128xf32, #tpu.memory_space<vmem_shared>>
      %dma_start3A_163 = arith.constant 0 : i32
      %dma_start3A_164 = tpu.memref_slice %arg8[%add3A_15, %dma_start3A_163] : memref<10240x128xf32, #tpu.memory_space<vmem_shared>> -> memref<128x128xf32, #tpu.memory_space<vmem_shared>>
      %dma_start3A_165 = arith.constant 0 : i32
      %dma_start3A_166 = arith.constant 0 : i32
      %dma_start3A_167 = tpu.memref_slice %arg11[%run_scoped3A_16, %dma_start3A_165, %dma_start3A_166] : memref<2x128x128xf32, #tpu.memory_space<vmem>> -> memref<1x128x128xf32, #tpu.memory_space<vmem>>
      %dma_start3A_168 = tpu.memref_squeeze %dma_start3A_167 : memref<1x128x128xf32, #tpu.memory_space<vmem>> -> memref<128x128xf32, #tpu.memory_space<vmem>>
      tpu.enqueue_dma source(%dma_start3A_168 : memref<128x128xf32, #tpu.memory_space<vmem>>) target(%dma_start3A_164 : memref<128x128xf32, #tpu.memory_space<vmem_shared>>) target_semaphore(%run_scoped3A_156 : memref<!tpu.dma_semaphore, #tpu.memory_space<semaphore_mem>>)
      %dma_wait3A_169 = arith.constant 0 : i32
      %dma_wait3A_170 = arith.constant 0 : i32
      %dma_wait3A_171 = tpu.memref_slice %arg11[%run_scoped3A_16, %dma_wait3A_169, %dma_wait3A_170] : memref<2x128x128xf32, #tpu.memory_space<vmem>> -> memref<1x128x128xf32, #tpu.memory_space<vmem>>
      %dma_wait3A_172 = tpu.memref_squeeze %dma_wait3A_171 : memref<1x128x128xf32, #tpu.memory_space<vmem>> -> memref<128x128xf32, #tpu.memory_space<vmem>>
      %dma_wait3A_173 = arith.constant 0 : i32
      %dma_wait3A_174 = tpu.memref_slice %arg8[%add3A_15, %dma_wait3A_173] : memref<10240x128xf32, #tpu.memory_space<vmem_shared>> -> memref<128x128xf32, #tpu.memory_space<vmem_shared>>
      %dma_wait3A_175 = arith.constant 0 : i32
      %dma_wait3A_176 = tpu.memref_slice %arg8[%add3A_15, %dma_wait3A_175] : memref<10240x128xf32, #tpu.memory_space<vmem_shared>> -> memref<128x128xf32, #tpu.memory_space<vmem_shared>>
      %dma_wait3A_177 = arith.constant 0 : i32
      %dma_wait3A_178 = arith.constant 0 : i32
      %dma_wait3A_179 = tpu.memref_slice %arg11[%run_scoped3A_16, %dma_wait3A_177, %dma_wait3A_178] : memref<2x128x128xf32, #tpu.memory_space<vmem>> -> memref<1x128x128xf32, #tpu.memory_space<vmem>>
      %dma_wait3A_180 = tpu.memref_squeeze %dma_wait3A_179 : memref<1x128x128xf32, #tpu.memory_space<vmem>> -> memref<128x128xf32, #tpu.memory_space<vmem>>
      tpu.wait_dma2 semaphore(%run_scoped3A_156 : memref<!tpu.dma_semaphore, #tpu.memory_space<semaphore_mem>>) src(%dma_wait3A_180 : memref<128x128xf32, #tpu.memory_space<vmem>>) dst(%dma_wait3A_176 : memref<128x128xf32, #tpu.memory_space<vmem_shared>>)
      tpu.yield
    }) : () -> ()
    %add3A_17 = arith.constant 256 : i32
    %add3A_18 = arith.addi %mul3A_6, %add3A_17 : i32
    %run_scoped3A_19 = arith.constant 0 : i32
    "tpu.region"() ({
      %run_scoped3A_156 = tpu.sem_alloc : memref<!tpu.dma_semaphore, #tpu.memory_space<semaphore_mem>>
      %dma_start3A_157 = arith.constant 0 : i32
      %dma_start3A_158 = arith.constant 0 : i32
      %dma_start3A_159 = tpu.memref_slice %arg11[%run_scoped3A_19, %dma_start3A_157, %dma_start3A_158] : memref<2x128x128xf32, #tpu.memory_space<vmem>> -> memref<1x128x128xf32, #tpu.memory_space<vmem>>
      %dma_start3A_160 = tpu.memref_squeeze %dma_start3A_159 : memref<1x128x128xf32, #tpu.memory_space<vmem>> -> memref<128x128xf32, #tpu.memory_space<vmem>>
      %dma_start3A_161 = arith.constant 0 : i32
      %dma_start3A_162 = tpu.memref_slice %arg8[%add3A_18, %dma_start3A_161] : memref<10240x128xf32, #tpu.memory_space<vmem_shared>> -> memref<128x128xf32, #tpu.memory_space<vmem_shared>>
      %dma_start3A_163 = arith.constant 0 : i32
      %dma_start3A_164 = tpu.memref_slice %arg8[%add3A_18, %dma_start3A_163] : memref<10240x128xf32, #tpu.memory_space<vmem_shared>> -> memref<128x128xf32, #tpu.memory_space<vmem_shared>>
      %dma_start3A_165 = arith.constant 0 : i32
      %dma_start3A_166 = arith.constant 0 : i32
      %dma_start3A_167 = tpu.memref_slice %arg11[%run_scoped3A_19, %dma_start3A_165, %dma_start3A_166] : memref<2x128x128xf32, #tpu.memory_space<vmem>> -> memref<1x128x128xf32, #tpu.memory_space<vmem>>
      %dma_start3A_168 = tpu.memref_squeeze %dma_start3A_167 : memref<1x128x128xf32, #tpu.memory_space<vmem>> -> memref<128x128xf32, #tpu.memory_space<vmem>>
      tpu.enqueue_dma source(%dma_start3A_168 : memref<128x128xf32, #tpu.memory_space<vmem>>) target(%dma_start3A_164 : memref<128x128xf32, #tpu.memory_space<vmem_shared>>) target_semaphore(%run_scoped3A_156 : memref<!tpu.dma_semaphore, #tpu.memory_space<semaphore_mem>>)
      %dma_wait3A_169 = arith.constant 0 : i32
      %dma_wait3A_170 = arith.constant 0 : i32
      %dma_wait3A_171 = tpu.memref_slice %arg11[%run_scoped3A_19, %dma_wait3A_169, %dma_wait3A_170] : memref<2x128x128xf32, #tpu.memory_space<vmem>> -> memref<1x128x128xf32, #tpu.memory_space<vmem>>
      %dma_wait3A_172 = tpu.memref_squeeze %dma_wait3A_171 : memref<1x128x128xf32, #tpu.memory_space<vmem>> -> memref<128x128xf32, #tpu.memory_space<vmem>>
      %dma_wait3A_173 = arith.constant 0 : i32
      %dma_wait3A_174 = tpu.memref_slice %arg8[%add3A_18, %dma_wait3A_173] : memref<10240x128xf32, #tpu.memory_space<vmem_shared>> -> memref<128x128xf32, #tpu.memory_space<vmem_shared>>
      %dma_wait3A_175 = arith.constant 0 : i32
      %dma_wait3A_176 = tpu.memref_slice %arg8[%add3A_18, %dma_wait3A_175] : memref<10240x128xf32, #tpu.memory_space<vmem_shared>> -> memref<128x128xf32, #tpu.memory_space<vmem_shared>>
      %dma_wait3A_177 = arith.constant 0 : i32
      %dma_wait3A_178 = arith.constant 0 : i32
      %dma_wait3A_179 = tpu.memref_slice %arg11[%run_scoped3A_19, %dma_wait3A_177, %dma_wait3A_178] : memref<2x128x128xf32, #tpu.memory_space<vmem>> -> memref<1x128x128xf32, #tpu.memory_space<vmem>>
      %dma_wait3A_180 = tpu.memref_squeeze %dma_wait3A_179 : memref<1x128x128xf32, #tpu.memory_space<vmem>> -> memref<128x128xf32, #tpu.memory_space<vmem>>
      tpu.wait_dma2 semaphore(%run_scoped3A_156 : memref<!tpu.dma_semaphore, #tpu.memory_space<semaphore_mem>>) src(%dma_wait3A_180 : memref<128x128xf32, #tpu.memory_space<vmem>>) dst(%dma_wait3A_176 : memref<128x128xf32, #tpu.memory_space<vmem_shared>>)
      tpu.yield
    }) : () -> ()
    %add3A_20 = arith.constant 384 : i32
    %add3A_21 = arith.addi %mul3A_6, %add3A_20 : i32
    %run_scoped3A_22 = arith.constant 0 : i32
    "tpu.region"() ({
      %run_scoped3A_156 = tpu.sem_alloc : memref<!tpu.dma_semaphore, #tpu.memory_space<semaphore_mem>>
      %dma_start3A_157 = arith.constant 0 : i32
      %dma_start3A_158 = arith.constant 0 : i32
      %dma_start3A_159 = tpu.memref_slice %arg11[%run_scoped3A_22, %dma_start3A_157, %dma_start3A_158] : memref<2x128x128xf32, #tpu.memory_space<vmem>> -> memref<1x128x128xf32, #tpu.memory_space<vmem>>
      %dma_start3A_160 = tpu.memref_squeeze %dma_start3A_159 : memref<1x128x128xf32, #tpu.memory_space<vmem>> -> memref<128x128xf32, #tpu.memory_space<vmem>>
      %dma_start3A_161 = arith.constant 0 : i32
      %dma_start3A_162 = tpu.memref_slice %arg8[%add3A_21, %dma_start3A_161] : memref<10240x128xf32, #tpu.memory_space<vmem_shared>> -> memref<128x128xf32, #tpu.memory_space<vmem_shared>>
      %dma_start3A_163 = arith.constant 0 : i32
      %dma_start3A_164 = tpu.memref_slice %arg8[%add3A_21, %dma_start3A_163] : memref<10240x128xf32, #tpu.memory_space<vmem_shared>> -> memref<128x128xf32, #tpu.memory_space<vmem_shared>>
      %dma_start3A_165 = arith.constant 0 : i32
      %dma_start3A_166 = arith.constant 0 : i32
      %dma_start3A_167 = tpu.memref_slice %arg11[%run_scoped3A_22, %dma_start3A_165, %dma_start3A_166] : memref<2x128x128xf32, #tpu.memory_space<vmem>> -> memref<1x128x128xf32, #tpu.memory_space<vmem>>
      %dma_start3A_168 = tpu.memref_squeeze %dma_start3A_167 : memref<1x128x128xf32, #tpu.memory_space<vmem>> -> memref<128x128xf32, #tpu.memory_space<vmem>>
      tpu.enqueue_dma source(%dma_start3A_168 : memref<128x128xf32, #tpu.memory_space<vmem>>) target(%dma_start3A_164 : memref<128x128xf32, #tpu.memory_space<vmem_shared>>) target_semaphore(%run_scoped3A_156 : memref<!tpu.dma_semaphore, #tpu.memory_space<semaphore_mem>>)
      %dma_wait3A_169 = arith.constant 0 : i32
      %dma_wait3A_170 = arith.constant 0 : i32
      %dma_wait3A_171 = tpu.memref_slice %arg11[%run_scoped3A_22, %dma_wait3A_169, %dma_wait3A_170] : memref<2x128x128xf32, #tpu.memory_space<vmem>> -> memref<1x128x128xf32, #tpu.memory_space<vmem>>
      %dma_wait3A_172 = tpu.memref_squeeze %dma_wait3A_171 : memref<1x128x128xf32, #tpu.memory_space<vmem>> -> memref<128x128xf32, #tpu.memory_space<vmem>>
      %dma_wait3A_173 = arith.constant 0 : i32
      %dma_wait3A_174 = tpu.memref_slice %arg8[%add3A_21, %dma_wait3A_173] : memref<10240x128xf32, #tpu.memory_space<vmem_shared>> -> memref<128x128xf32, #tpu.memory_space<vmem_shared>>
      %dma_wait3A_175 = arith.constant 0 : i32
      %dma_wait3A_176 = tpu.memref_slice %arg8[%add3A_21, %dma_wait3A_175] : memref<10240x128xf32, #tpu.memory_space<vmem_shared>> -> memref<128x128xf32, #tpu.memory_space<vmem_shared>>
      %dma_wait3A_177 = arith.constant 0 : i32
      %dma_wait3A_178 = arith.constant 0 : i32
      %dma_wait3A_179 = tpu.memref_slice %arg11[%run_scoped3A_22, %dma_wait3A_177, %dma_wait3A_178] : memref<2x128x128xf32, #tpu.memory_space<vmem>> -> memref<1x128x128xf32, #tpu.memory_space<vmem>>
      %dma_wait3A_180 = tpu.memref_squeeze %dma_wait3A_179 : memref<1x128x128xf32, #tpu.memory_space<vmem>> -> memref<128x128xf32, #tpu.memory_space<vmem>>
      tpu.wait_dma2 semaphore(%run_scoped3A_156 : memref<!tpu.dma_semaphore, #tpu.memory_space<semaphore_mem>>) src(%dma_wait3A_180 : memref<128x128xf32, #tpu.memory_space<vmem>>) dst(%dma_wait3A_176 : memref<128x128xf32, #tpu.memory_space<vmem_shared>>)
      tpu.yield
    }) : () -> ()
    %add3A_23 = arith.constant 512 : i32
    %add3A_24 = arith.addi %mul3A_6, %add3A_23 : i32
    %run_scoped3A_25 = arith.constant 0 : i32
    "tpu.region"() ({
      %run_scoped3A_156 = tpu.sem_alloc : memref<!tpu.dma_semaphore, #tpu.memory_space<semaphore_mem>>
      %dma_start3A_157 = arith.constant 0 : i32
      %dma_start3A_158 = arith.constant 0 : i32
      %dma_start3A_159 = tpu.memref_slice %arg11[%run_scoped3A_25, %dma_start3A_157, %dma_start3A_158] : memref<2x128x128xf32, #tpu.memory_space<vmem>> -> memref<1x128x128xf32, #tpu.memory_space<vmem>>
      %dma_start3A_160 = tpu.memref_squeeze %dma_start3A_159 : memref<1x128x128xf32, #tpu.memory_space<vmem>> -> memref<128x128xf32, #tpu.memory_space<vmem>>
      %dma_start3A_161 = arith.constant 0 : i32
      %dma_start3A_162 = tpu.memref_slice %arg8[%add3A_24, %dma_start3A_161] : memref<10240x128xf32, #tpu.memory_space<vmem_shared>> -> memref<128x128xf32, #tpu.memory_space<vmem_shared>>
      %dma_start3A_163 = arith.constant 0 : i32
      %dma_start3A_164 = tpu.memref_slice %arg8[%add3A_24, %dma_start3A_163] : memref<10240x128xf32, #tpu.memory_space<vmem_shared>> -> memref<128x128xf32, #tpu.memory_space<vmem_shared>>
      %dma_start3A_165 = arith.constant 0 : i32
      %dma_start3A_166 = arith.constant 0 : i32
      %dma_start3A_167 = tpu.memref_slice %arg11[%run_scoped3A_25, %dma_start3A_165, %dma_start3A_166] : memref<2x128x128xf32, #tpu.memory_space<vmem>> -> memref<1x128x128xf32, #tpu.memory_space<vmem>>
      %dma_start3A_168 = tpu.memref_squeeze %dma_start3A_167 : memref<1x128x128xf32, #tpu.memory_space<vmem>> -> memref<128x128xf32, #tpu.memory_space<vmem>>
      tpu.enqueue_dma source(%dma_start3A_168 : memref<128x128xf32, #tpu.memory_space<vmem>>) target(%dma_start3A_164 : memref<128x128xf32, #tpu.memory_space<vmem_shared>>) target_semaphore(%run_scoped3A_156 : memref<!tpu.dma_semaphore, #tpu.memory_space<semaphore_mem>>)
      %dma_wait3A_169 = arith.constant 0 : i32
      %dma_wait3A_170 = arith.constant 0 : i32
      %dma_wait3A_171 = tpu.memref_slice %arg11[%run_scoped3A_25, %dma_wait3A_169, %dma_wait3A_170] : memref<2x128x128xf32, #tpu.memory_space<vmem>> -> memref<1x128x128xf32, #tpu.memory_space<vmem>>
      %dma_wait3A_172 = tpu.memref_squeeze %dma_wait3A_171 : memref<1x128x128xf32, #tpu.memory_space<vmem>> -> memref<128x128xf32, #tpu.memory_space<vmem>>
      %dma_wait3A_173 = arith.constant 0 : i32
      %dma_wait3A_174 = tpu.memref_slice %arg8[%add3A_24, %dma_wait3A_173] : memref<10240x128xf32, #tpu.memory_space<vmem_shared>> -> memref<128x128xf32, #tpu.memory_space<vmem_shared>>
      %dma_wait3A_175 = arith.constant 0 : i32
      %dma_wait3A_176 = tpu.memref_slice %arg8[%add3A_24, %dma_wait3A_175] : memref<10240x128xf32, #tpu.memory_space<vmem_shared>> -> memref<128x128xf32, #tpu.memory_space<vmem_shared>>
      %dma_wait3A_177 = arith.constant 0 : i32
      %dma_wait3A_178 = arith.constant 0 : i32
      %dma_wait3A_179 = tpu.memref_slice %arg11[%run_scoped3A_25, %dma_wait3A_177, %dma_wait3A_178] : memref<2x128x128xf32, #tpu.memory_space<vmem>> -> memref<1x128x128xf32, #tpu.memory_space<vmem>>
      %dma_wait3A_180 = tpu.memref_squeeze %dma_wait3A_179 : memref<1x128x128xf32, #tpu.memory_space<vmem>> -> memref<128x128xf32, #tpu.memory_space<vmem>>
      tpu.wait_dma2 semaphore(%run_scoped3A_156 : memref<!tpu.dma_semaphore, #tpu.memory_space<semaphore_mem>>) src(%dma_wait3A_180 : memref<128x128xf32, #tpu.memory_space<vmem>>) dst(%dma_wait3A_176 : memref<128x128xf32, #tpu.memory_space<vmem_shared>>)
      tpu.yield
    }) : () -> ()
    %barrier3A = arith.constant 0 : index
    tpu.barrier barrier_id(%barrier3A)
    %dma_start3A = arith.constant 0 : i32
    %dma_start3A_26 = arith.constant 0 : i32
    %dma_start3A_27 = arith.constant 0 : i32
    %dma_start3A_28 = arith.constant 0 : i32
    %dma_start3A_29 = tpu.memref_slice %arg11[%dma_start3A_26, %dma_start3A_27, %dma_start3A_28] : memref<2x128x128xf32, #tpu.memory_space<vmem>> -> memref<1x128x128xf32, #tpu.memory_space<vmem>>
    %dma_start3A_30 = tpu.memref_squeeze %dma_start3A_29 : memref<1x128x128xf32, #tpu.memory_space<vmem>> -> memref<128x128xf32, #tpu.memory_space<vmem>>
    %dma_start3A_31 = arith.constant 0 : i32
    %dma_start3A_32 = tpu.memref_slice %arg9[%dma_start3A, %dma_start3A_31] : memref<40x128xi32, #tpu.memory_space<vmem>> -> memref<1x128xi32, #tpu.memory_space<vmem>>
    %dma_start3A_33 = tpu.memref_squeeze %dma_start3A_32 : memref<1x128xi32, #tpu.memory_space<vmem>> -> memref<128xi32, #tpu.memory_space<vmem>>
    %dma_start3A_34 = arith.constant 0 : i32
    %dma_start3A_35 = arith.constant 0 : i32
    %dma_start3A_36 = tpu.memref_slice %arg2[%dma_start3A_34, %dma_start3A_35] : memref<10000x128xf32, #tpu.memory_space<hbm>> -> memref<10000x128xf32, #tpu.memory_space<hbm>>
    tpu.enqueue_indirect_dma source(%dma_start3A_36 : memref<10000x128xf32, #tpu.memory_space<hbm>>) target(%dma_start3A_30 : memref<128x128xf32, #tpu.memory_space<vmem>>) offsets(%dma_start3A_33 : memref<128xi32, #tpu.memory_space<vmem>>) semaphore(%arg12 : memref<!tpu.dma_semaphore, #tpu.memory_space<semaphore_mem>>)
    %dma_start3A_37 = arith.constant 1 : i32
    %dma_start3A_38 = arith.constant 1 : i32
    %dma_start3A_39 = arith.constant 0 : i32
    %dma_start3A_40 = arith.constant 0 : i32
    %dma_start3A_41 = tpu.memref_slice %arg11[%dma_start3A_38, %dma_start3A_39, %dma_start3A_40] : memref<2x128x128xf32, #tpu.memory_space<vmem>> -> memref<1x128x128xf32, #tpu.memory_space<vmem>>
    %dma_start3A_42 = tpu.memref_squeeze %dma_start3A_41 : memref<1x128x128xf32, #tpu.memory_space<vmem>> -> memref<128x128xf32, #tpu.memory_space<vmem>>
    %dma_start3A_43 = arith.constant 0 : i32
    %dma_start3A_44 = tpu.memref_slice %arg9[%dma_start3A_37, %dma_start3A_43] : memref<40x128xi32, #tpu.memory_space<vmem>> -> memref<1x128xi32, #tpu.memory_space<vmem>>
    %dma_start3A_45 = tpu.memref_squeeze %dma_start3A_44 : memref<1x128xi32, #tpu.memory_space<vmem>> -> memref<128xi32, #tpu.memory_space<vmem>>
    %dma_start3A_46 = arith.constant 0 : i32
    %dma_start3A_47 = arith.constant 0 : i32
    %dma_start3A_48 = tpu.memref_slice %arg2[%dma_start3A_46, %dma_start3A_47] : memref<10000x128xf32, #tpu.memory_space<hbm>> -> memref<10000x128xf32, #tpu.memory_space<hbm>>
    tpu.enqueue_indirect_dma source(%dma_start3A_48 : memref<10000x128xf32, #tpu.memory_space<hbm>>) target(%dma_start3A_42 : memref<128x128xf32, #tpu.memory_space<vmem>>) offsets(%dma_start3A_45 : memref<128xi32, #tpu.memory_space<vmem>>) semaphore(%arg13 : memref<!tpu.dma_semaphore, #tpu.memory_space<semaphore_mem>>)
    %scan3A_49 = arith.constant 0 : i32
    %scan3A_50 = arith.constant 0 : i32
    %scan3A_51 = arith.constant 20 : i32
    %scan3A_52 = arith.addi %scan3A_50, %scan3A_51 : i32
    %scan3A_53 = arith.constant 1 : i32
    scf.for %scan3A_156 = %scan3A_50 to %scan3A_52 step %scan3A_53  : i32 {
      %mul3A_157 = arith.constant 2 : i32
      %mul3A_158 = arith.muli %scan3A_156, %mul3A_157 : i32
      %add3A_159 = arith.constant 0 : i32
      %add3A_160 = arith.addi %mul3A_158, %add3A_159 : i32
      %dma_wait3A_161 = arith.constant 0 : i32
      %dma_wait3A_162 = arith.constant 0 : i32
      %dma_wait3A_163 = arith.constant 0 : i32
      %dma_wait3A_164 = tpu.memref_slice %arg11[%dma_wait3A_161, %dma_wait3A_162, %dma_wait3A_163] : memref<2x128x128xf32, #tpu.memory_space<vmem>> -> memref<1x128x128xf32, #tpu.memory_space<vmem>>
      %dma_wait3A_165 = tpu.memref_squeeze %dma_wait3A_164 : memref<1x128x128xf32, #tpu.memory_space<vmem>> -> memref<128x128xf32, #tpu.memory_space<vmem>>
      %dma_wait3A_166 = arith.constant 0 : i32
      %dma_wait3A_167 = tpu.memref_slice %arg9[%add3A_160, %dma_wait3A_166] : memref<40x128xi32, #tpu.memory_space<vmem>> -> memref<1x128xi32, #tpu.memory_space<vmem>>
      %dma_wait3A_168 = tpu.memref_squeeze %dma_wait3A_167 : memref<1x128xi32, #tpu.memory_space<vmem>> -> memref<128xi32, #tpu.memory_space<vmem>>
      %dma_wait3A_169 = arith.constant 0 : i32
      %dma_wait3A_170 = arith.constant 0 : i32
      %dma_wait3A_171 = tpu.memref_slice %arg2[%dma_wait3A_169, %dma_wait3A_170] : memref<10000x128xf32, #tpu.memory_space<hbm>> -> memref<10000x128xf32, #tpu.memory_space<hbm>>
      tpu.wait_indirect_dma semaphore(%arg12 : memref<!tpu.dma_semaphore, #tpu.memory_space<semaphore_mem>>) src(%dma_wait3A_171 : memref<10000x128xf32, #tpu.memory_space<hbm>>) dst(%dma_wait3A_165 : memref<128x128xf32, #tpu.memory_space<vmem>>)
      %dma_start3A_172 = arith.constant 0 : i32
      %dma_start3A_173 = arith.constant 0 : i32
      %dma_start3A_174 = arith.constant 0 : i32
      %dma_start3A_175 = tpu.memref_slice %arg11[%dma_start3A_172, %dma_start3A_173, %dma_start3A_174] : memref<2x128x128xf32, #tpu.memory_space<vmem>> -> memref<1x128x128xf32, #tpu.memory_space<vmem>>
      %dma_start3A_176 = tpu.memref_squeeze %dma_start3A_175 : memref<1x128x128xf32, #tpu.memory_space<vmem>> -> memref<128x128xf32, #tpu.memory_space<vmem>>
      %dma_start3A_177 = arith.constant 0 : i32
      %dma_start3A_178 = tpu.memref_slice %arg10[%add3A_160, %dma_start3A_177] : memref<40x128xi32, #tpu.memory_space<vmem>> -> memref<1x128xi32, #tpu.memory_space<vmem>>
      %dma_start3A_179 = tpu.memref_squeeze %dma_start3A_178 : memref<1x128xi32, #tpu.memory_space<vmem>> -> memref<128xi32, #tpu.memory_space<vmem>>
      %dma_start3A_180 = arith.constant 0 : i32
      %dma_start3A_181 = arith.constant 0 : i32
      %dma_start3A_182 = tpu.memref_slice %arg8[%dma_start3A_180, %dma_start3A_181] : memref<10240x128xf32, #tpu.memory_space<vmem_shared>> -> memref<10240x128xf32, #tpu.memory_space<vmem_shared>>
      tpu.enqueue_indirect_dma source(%dma_start3A_176 : memref<128x128xf32, #tpu.memory_space<vmem>>) target(%dma_start3A_182 : memref<10240x128xf32, #tpu.memory_space<vmem_shared>>) offsets(%dma_start3A_179 : memref<128xi32, #tpu.memory_space<vmem>>) semaphore(%arg14 : memref<!tpu.dma_semaphore, #tpu.memory_space<semaphore_mem>>) {add = true}
      %mul3A_183 = arith.constant 2 : i32
      %mul3A_184 = arith.muli %scan3A_156, %mul3A_183 : i32
      %add3A_185 = arith.constant 1 : i32
      %add3A_186 = arith.addi %mul3A_184, %add3A_185 : i32
      %dma_wait3A_187 = arith.constant 1 : i32
      %dma_wait3A_188 = arith.constant 0 : i32
      %dma_wait3A_189 = arith.constant 0 : i32
      %dma_wait3A_190 = tpu.memref_slice %arg11[%dma_wait3A_187, %dma_wait3A_188, %dma_wait3A_189] : memref<2x128x128xf32, #tpu.memory_space<vmem>> -> memref<1x128x128xf32, #tpu.memory_space<vmem>>
      %dma_wait3A_191 = tpu.memref_squeeze %dma_wait3A_190 : memref<1x128x128xf32, #tpu.memory_space<vmem>> -> memref<128x128xf32, #tpu.memory_space<vmem>>
      %dma_wait3A_192 = arith.constant 0 : i32
      %dma_wait3A_193 = tpu.memref_slice %arg9[%add3A_186, %dma_wait3A_192] : memref<40x128xi32, #tpu.memory_space<vmem>> -> memref<1x128xi32, #tpu.memory_space<vmem>>
      %dma_wait3A_194 = tpu.memref_squeeze %dma_wait3A_193 : memref<1x128xi32, #tpu.memory_space<vmem>> -> memref<128xi32, #tpu.memory_space<vmem>>
      %dma_wait3A_195 = arith.constant 0 : i32
      %dma_wait3A_196 = arith.constant 0 : i32
      %dma_wait3A_197 = tpu.memref_slice %arg2[%dma_wait3A_195, %dma_wait3A_196] : memref<10000x128xf32, #tpu.memory_space<hbm>> -> memref<10000x128xf32, #tpu.memory_space<hbm>>
      tpu.wait_indirect_dma semaphore(%arg13 : memref<!tpu.dma_semaphore, #tpu.memory_space<semaphore_mem>>) src(%dma_wait3A_197 : memref<10000x128xf32, #tpu.memory_space<hbm>>) dst(%dma_wait3A_191 : memref<128x128xf32, #tpu.memory_space<vmem>>)
      %dma_start3A_198 = arith.constant 1 : i32
      %dma_start3A_199 = arith.constant 0 : i32
      %dma_start3A_200 = arith.constant 0 : i32
      %dma_start3A_201 = tpu.memref_slice %arg11[%dma_start3A_198, %dma_start3A_199, %dma_start3A_200] : memref<2x128x128xf32, #tpu.memory_space<vmem>> -> memref<1x128x128xf32, #tpu.memory_space<vmem>>
      %dma_start3A_202 = tpu.memref_squeeze %dma_start3A_201 : memref<1x128x128xf32, #tpu.memory_space<vmem>> -> memref<128x128xf32, #tpu.memory_space<vmem>>
      %dma_start3A_203 = arith.constant 0 : i32
      %dma_start3A_204 = tpu.memref_slice %arg10[%add3A_186, %dma_start3A_203] : memref<40x128xi32, #tpu.memory_space<vmem>> -> memref<1x128xi32, #tpu.memory_space<vmem>>
      %dma_start3A_205 = tpu.memref_squeeze %dma_start3A_204 : memref<1x128xi32, #tpu.memory_space<vmem>> -> memref<128xi32, #tpu.memory_space<vmem>>
      %dma_start3A_206 = arith.constant 0 : i32
      %dma_start3A_207 = arith.constant 0 : i32
      %dma_start3A_208 = tpu.memref_slice %arg8[%dma_start3A_206, %dma_start3A_207] : memref<10240x128xf32, #tpu.memory_space<vmem_shared>> -> memref<10240x128xf32, #tpu.memory_space<vmem_shared>>
      tpu.enqueue_indirect_dma source(%dma_start3A_202 : memref<128x128xf32, #tpu.memory_space<vmem>>) target(%dma_start3A_208 : memref<10240x128xf32, #tpu.memory_space<vmem_shared>>) offsets(%dma_start3A_205 : memref<128xi32, #tpu.memory_space<vmem>>) semaphore(%arg15 : memref<!tpu.dma_semaphore, #tpu.memory_space<semaphore_mem>>) {add = true}
      %mul3A_209 = arith.constant 2 : i32
      %mul3A_210 = arith.muli %scan3A_156, %mul3A_209 : i32
      %add3A_211 = arith.constant 0 : i32
      %add3A_212 = arith.addi %mul3A_210, %add3A_211 : i32
      %add3A_213 = arith.constant 2 : i32
      %add3A_214 = arith.addi %add3A_212, %add3A_213 : i32
      %lt3A = arith.constant 40 : i32
      %lt3A_215 = arith.cmpi slt, %add3A_214, %lt3A : i32
      %convert_element_type3A = arith.extui %lt3A_215 : i1 to i32
      %cond3A = arith.constant 0 : i32
      %cond3A_216 = arith.cmpi ne, %convert_element_type3A, %cond3A : i32
      scf.if %cond3A_216 {
        %dma_wait3A_228 = arith.constant 0 : i32
        %dma_wait3A_229 = arith.constant 0 : i32
        %dma_wait3A_230 = arith.constant 0 : i32
        %dma_wait3A_231 = tpu.memref_slice %arg11[%dma_wait3A_228, %dma_wait3A_229, %dma_wait3A_230] : memref<2x128x128xf32, #tpu.memory_space<vmem>> -> memref<1x128x128xf32, #tpu.memory_space<vmem>>
        %dma_wait3A_232 = tpu.memref_squeeze %dma_wait3A_231 : memref<1x128x128xf32, #tpu.memory_space<vmem>> -> memref<128x128xf32, #tpu.memory_space<vmem>>
        %dma_wait3A_233 = arith.constant 0 : i32
        %dma_wait3A_234 = tpu.memref_slice %arg10[%add3A_212, %dma_wait3A_233] : memref<40x128xi32, #tpu.memory_space<vmem>> -> memref<1x128xi32, #tpu.memory_space<vmem>>
        %dma_wait3A_235 = tpu.memref_squeeze %dma_wait3A_234 : memref<1x128xi32, #tpu.memory_space<vmem>> -> memref<128xi32, #tpu.memory_space<vmem>>
        %dma_wait3A_236 = arith.constant 0 : i32
        %dma_wait3A_237 = arith.constant 0 : i32
        %dma_wait3A_238 = tpu.memref_slice %arg8[%dma_wait3A_236, %dma_wait3A_237] : memref<10240x128xf32, #tpu.memory_space<vmem_shared>> -> memref<10240x128xf32, #tpu.memory_space<vmem_shared>>
        tpu.wait_indirect_dma semaphore(%arg14 : memref<!tpu.dma_semaphore, #tpu.memory_space<semaphore_mem>>) src(%dma_wait3A_232 : memref<128x128xf32, #tpu.memory_space<vmem>>) dst(%dma_wait3A_238 : memref<10240x128xf32, #tpu.memory_space<vmem_shared>>)
        %dma_start3A_239 = arith.constant 0 : i32
        %dma_start3A_240 = arith.constant 0 : i32
        %dma_start3A_241 = arith.constant 0 : i32
        %dma_start3A_242 = tpu.memref_slice %arg11[%dma_start3A_239, %dma_start3A_240, %dma_start3A_241] : memref<2x128x128xf32, #tpu.memory_space<vmem>> -> memref<1x128x128xf32, #tpu.memory_space<vmem>>
        %dma_start3A_243 = tpu.memref_squeeze %dma_start3A_242 : memref<1x128x128xf32, #tpu.memory_space<vmem>> -> memref<128x128xf32, #tpu.memory_space<vmem>>
        %dma_start3A_244 = arith.constant 0 : i32
        %dma_start3A_245 = tpu.memref_slice %arg9[%add3A_214, %dma_start3A_244] : memref<40x128xi32, #tpu.memory_space<vmem>> -> memref<1x128xi32, #tpu.memory_space<vmem>>
        %dma_start3A_246 = tpu.memref_squeeze %dma_start3A_245 : memref<1x128xi32, #tpu.memory_space<vmem>> -> memref<128xi32, #tpu.memory_space<vmem>>
        %dma_start3A_247 = arith.constant 0 : i32
        %dma_start3A_248 = arith.constant 0 : i32
        %dma_start3A_249 = tpu.memref_slice %arg2[%dma_start3A_247, %dma_start3A_248] : memref<10000x128xf32, #tpu.memory_space<hbm>> -> memref<10000x128xf32, #tpu.memory_space<hbm>>
        tpu.enqueue_indirect_dma source(%dma_start3A_249 : memref<10000x128xf32, #tpu.memory_space<hbm>>) target(%dma_start3A_243 : memref<128x128xf32, #tpu.memory_space<vmem>>) offsets(%dma_start3A_246 : memref<128xi32, #tpu.memory_space<vmem>>) semaphore(%arg12 : memref<!tpu.dma_semaphore, #tpu.memory_space<semaphore_mem>>)
      } else {
      }
      %mul3A_217 = arith.constant 2 : i32
      %mul3A_218 = arith.muli %scan3A_156, %mul3A_217 : i32
      %add3A_219 = arith.constant 1 : i32
      %add3A_220 = arith.addi %mul3A_218, %add3A_219 : i32
      %add3A_221 = arith.constant 2 : i32
      %add3A_222 = arith.addi %add3A_220, %add3A_221 : i32
      %lt3A_223 = arith.constant 40 : i32
      %lt3A_224 = arith.cmpi slt, %add3A_222, %lt3A_223 : i32
      %convert_element_type3A_225 = arith.extui %lt3A_224 : i1 to i32
      %cond3A_226 = arith.constant 0 : i32
      %cond3A_227 = arith.cmpi ne, %convert_element_type3A_225, %cond3A_226 : i32
      scf.if %cond3A_227 {
        %dma_wait3A_228 = arith.constant 1 : i32
        %dma_wait3A_229 = arith.constant 0 : i32
        %dma_wait3A_230 = arith.constant 0 : i32
        %dma_wait3A_231 = tpu.memref_slice %arg11[%dma_wait3A_228, %dma_wait3A_229, %dma_wait3A_230] : memref<2x128x128xf32, #tpu.memory_space<vmem>> -> memref<1x128x128xf32, #tpu.memory_space<vmem>>
        %dma_wait3A_232 = tpu.memref_squeeze %dma_wait3A_231 : memref<1x128x128xf32, #tpu.memory_space<vmem>> -> memref<128x128xf32, #tpu.memory_space<vmem>>
        %dma_wait3A_233 = arith.constant 0 : i32
        %dma_wait3A_234 = tpu.memref_slice %arg10[%add3A_220, %dma_wait3A_233] : memref<40x128xi32, #tpu.memory_space<vmem>> -> memref<1x128xi32, #tpu.memory_space<vmem>>
        %dma_wait3A_235 = tpu.memref_squeeze %dma_wait3A_234 : memref<1x128xi32, #tpu.memory_space<vmem>> -> memref<128xi32, #tpu.memory_space<vmem>>
        %dma_wait3A_236 = arith.constant 0 : i32
        %dma_wait3A_237 = arith.constant 0 : i32
        %dma_wait3A_238 = tpu.memref_slice %arg8[%dma_wait3A_236, %dma_wait3A_237] : memref<10240x128xf32, #tpu.memory_space<vmem_shared>> -> memref<10240x128xf32, #tpu.memory_space<vmem_shared>>
        tpu.wait_indirect_dma semaphore(%arg15 : memref<!tpu.dma_semaphore, #tpu.memory_space<semaphore_mem>>) src(%dma_wait3A_232 : memref<128x128xf32, #tpu.memory_space<vmem>>) dst(%dma_wait3A_238 : memref<10240x128xf32, #tpu.memory_space<vmem_shared>>)
        %dma_start3A_239 = arith.constant 1 : i32
        %dma_start3A_240 = arith.constant 0 : i32
        %dma_start3A_241 = arith.constant 0 : i32
        %dma_start3A_242 = tpu.memref_slice %arg11[%dma_start3A_239, %dma_start3A_240, %dma_start3A_241] : memref<2x128x128xf32, #tpu.memory_space<vmem>> -> memref<1x128x128xf32, #tpu.memory_space<vmem>>
        %dma_start3A_243 = tpu.memref_squeeze %dma_start3A_242 : memref<1x128x128xf32, #tpu.memory_space<vmem>> -> memref<128x128xf32, #tpu.memory_space<vmem>>
        %dma_start3A_244 = arith.constant 0 : i32
        %dma_start3A_245 = tpu.memref_slice %arg9[%add3A_222, %dma_start3A_244] : memref<40x128xi32, #tpu.memory_space<vmem>> -> memref<1x128xi32, #tpu.memory_space<vmem>>
        %dma_start3A_246 = tpu.memref_squeeze %dma_start3A_245 : memref<1x128xi32, #tpu.memory_space<vmem>> -> memref<128xi32, #tpu.memory_space<vmem>>
        %dma_start3A_247 = arith.constant 0 : i32
        %dma_start3A_248 = arith.constant 0 : i32
        %dma_start3A_249 = tpu.memref_slice %arg2[%dma_start3A_247, %dma_start3A_248] : memref<10000x128xf32, #tpu.memory_space<hbm>> -> memref<10000x128xf32, #tpu.memory_space<hbm>>
        tpu.enqueue_indirect_dma source(%dma_start3A_249 : memref<10000x128xf32, #tpu.memory_space<hbm>>) target(%dma_start3A_243 : memref<128x128xf32, #tpu.memory_space<vmem>>) offsets(%dma_start3A_246 : memref<128xi32, #tpu.memory_space<vmem>>) semaphore(%arg13 : memref<!tpu.dma_semaphore, #tpu.memory_space<semaphore_mem>>)
      } else {
      }
    }
    %scan3A_54 = arith.constant 20 : i32
    %dma_wait3A = arith.constant 0 : i32
    %dma_wait3A_55 = arith.constant 38 : i32
    %dma_wait3A_56 = arith.constant 0 : i32
    %dma_wait3A_57 = arith.constant 0 : i32
    %dma_wait3A_58 = tpu.memref_slice %arg11[%dma_wait3A, %dma_wait3A_56, %dma_wait3A_57] : memref<2x128x128xf32, #tpu.memory_space<vmem>> -> memref<1x128x128xf32, #tpu.memory_space<vmem>>
    %dma_wait3A_59 = tpu.memref_squeeze %dma_wait3A_58 : memref<1x128x128xf32, #tpu.memory_space<vmem>> -> memref<128x128xf32, #tpu.memory_space<vmem>>
    %dma_wait3A_60 = arith.constant 0 : i32
    %dma_wait3A_61 = tpu.memref_slice %arg10[%dma_wait3A_55, %dma_wait3A_60] : memref<40x128xi32, #tpu.memory_space<vmem>> -> memref<1x128xi32, #tpu.memory_space<vmem>>
    %dma_wait3A_62 = tpu.memref_squeeze %dma_wait3A_61 : memref<1x128xi32, #tpu.memory_space<vmem>> -> memref<128xi32, #tpu.memory_space<vmem>>
    %dma_wait3A_63 = arith.constant 0 : i32
    %dma_wait3A_64 = arith.constant 0 : i32
    %dma_wait3A_65 = tpu.memref_slice %arg8[%dma_wait3A_63, %dma_wait3A_64] : memref<10240x128xf32, #tpu.memory_space<vmem_shared>> -> memref<10240x128xf32, #tpu.memory_space<vmem_shared>>
    tpu.wait_indirect_dma semaphore(%arg14 : memref<!tpu.dma_semaphore, #tpu.memory_space<semaphore_mem>>) src(%dma_wait3A_59 : memref<128x128xf32, #tpu.memory_space<vmem>>) dst(%dma_wait3A_65 : memref<10240x128xf32, #tpu.memory_space<vmem_shared>>)
    %dma_wait3A_66 = arith.constant 1 : i32
    %dma_wait3A_67 = arith.constant 39 : i32
    %dma_wait3A_68 = arith.constant 0 : i32
    %dma_wait3A_69 = arith.constant 0 : i32
    %dma_wait3A_70 = tpu.memref_slice %arg11[%dma_wait3A_66, %dma_wait3A_68, %dma_wait3A_69] : memref<2x128x128xf32, #tpu.memory_space<vmem>> -> memref<1x128x128xf32, #tpu.memory_space<vmem>>
    %dma_wait3A_71 = tpu.memref_squeeze %dma_wait3A_70 : memref<1x128x128xf32, #tpu.memory_space<vmem>> -> memref<128x128xf32, #tpu.memory_space<vmem>>
    %dma_wait3A_72 = arith.constant 0 : i32
    %dma_wait3A_73 = tpu.memref_slice %arg10[%dma_wait3A_67, %dma_wait3A_72] : memref<40x128xi32, #tpu.memory_space<vmem>> -> memref<1x128xi32, #tpu.memory_space<vmem>>
    %dma_wait3A_74 = tpu.memref_squeeze %dma_wait3A_73 : memref<1x128xi32, #tpu.memory_space<vmem>> -> memref<128xi32, #tpu.memory_space<vmem>>
    %dma_wait3A_75 = arith.constant 0 : i32
    %dma_wait3A_76 = arith.constant 0 : i32
    %dma_wait3A_77 = tpu.memref_slice %arg8[%dma_wait3A_75, %dma_wait3A_76] : memref<10240x128xf32, #tpu.memory_space<vmem_shared>> -> memref<10240x128xf32, #tpu.memory_space<vmem_shared>>
    tpu.wait_indirect_dma semaphore(%arg15 : memref<!tpu.dma_semaphore, #tpu.memory_space<semaphore_mem>>) src(%dma_wait3A_71 : memref<128x128xf32, #tpu.memory_space<vmem>>) dst(%dma_wait3A_77 : memref<10240x128xf32, #tpu.memory_space<vmem_shared>>)
    %barrier3A_78 = arith.constant 0 : index
    tpu.barrier barrier_id(%barrier3A_78)
    "tpu.region"() ({
      %run_scoped3A_156 = tpu.sem_alloc : memref<!tpu.dma_semaphore, #tpu.memory_space<semaphore_mem>>
      %dma_start3A_157 = arith.constant 0 : i32
      %dma_start3A_158 = tpu.memref_slice %arg6[%arg0, %mul3A_6, %dma_start3A_157] : memref<2x10240x128xf32, #tpu.memory_space<hbm>> -> memref<1x640x128xf32, #tpu.memory_space<hbm>>
      %dma_start3A_159 = tpu.memref_squeeze %dma_start3A_158 : memref<1x640x128xf32, #tpu.memory_space<hbm>> -> memref<640x128xf32, #tpu.memory_space<hbm>>
      %dma_start3A_160 = arith.constant 0 : i32
      %dma_start3A_161 = tpu.memref_slice %arg8[%mul3A_6, %dma_start3A_160] : memref<10240x128xf32, #tpu.memory_space<vmem_shared>> -> memref<640x128xf32, #tpu.memory_space<vmem_shared>>
      tpu.enqueue_dma source(%dma_start3A_161 : memref<640x128xf32, #tpu.memory_space<vmem_shared>>) target(%dma_start3A_159 : memref<640x128xf32, #tpu.memory_space<hbm>>) target_semaphore(%run_scoped3A_156 : memref<!tpu.dma_semaphore, #tpu.memory_space<semaphore_mem>>)
      %dma_wait3A_162 = arith.constant 0 : i32
      %dma_wait3A_163 = tpu.memref_slice %arg6[%arg0, %mul3A_6, %dma_wait3A_162] : memref<2x10240x128xf32, #tpu.memory_space<hbm>> -> memref<1x640x128xf32, #tpu.memory_space<hbm>>
      %dma_wait3A_164 = tpu.memref_squeeze %dma_wait3A_163 : memref<1x640x128xf32, #tpu.memory_space<hbm>> -> memref<640x128xf32, #tpu.memory_space<hbm>>
      %dma_wait3A_165 = arith.constant 0 : i32
      %dma_wait3A_166 = tpu.memref_slice %arg8[%mul3A_6, %dma_wait3A_165] : memref<10240x128xf32, #tpu.memory_space<vmem_shared>> -> memref<640x128xf32, #tpu.memory_space<vmem_shared>>
      tpu.wait_dma2 semaphore(%run_scoped3A_156 : memref<!tpu.dma_semaphore, #tpu.memory_space<semaphore_mem>>) src(%dma_wait3A_166 : memref<640x128xf32, #tpu.memory_space<vmem_shared>>) dst(%dma_wait3A_164 : memref<640x128xf32, #tpu.memory_space<hbm>>)
      tpu.yield
    }) : () -> ()
    %scan3A_79 = arith.constant 0 : i32
    %scan3A_80 = arith.constant 0 : i32
    %scan3A_81 = arith.constant 128 : i32
    %scan3A_82 = arith.addi %scan3A_80, %scan3A_81 : i32
    %scan3A_83 = arith.constant 1 : i32
    scf.for %scan3A_156 = %scan3A_80 to %scan3A_82 step %scan3A_83  : i32 {
      %broadcast_in_dim3A = arith.constant 0.000000e+00 : f32
      %broadcast_in_dim3A_157 = vector.broadcast %broadcast_in_dim3A : f32 to vector<16xf32>
      %swap3A = arith.constant 0 : i32
      %swap3A_158 = arith.index_cast %swap3A : i32 to index
      %swap3A_159 = arith.index_cast %scan3A_156 : i32 to index
      %swap3A_160 = arith.constant 0 : index
      %swap3A_161 = tpu.vector_load %arg11[%swap3A_158, %swap3A_159, %swap3A_160] {strides = array<i32>} : memref<2x128x128xf32, #tpu.memory_space<vmem>>, vector<1x1x16xf32>,
      %swap3A_162 = vector.shape_cast %swap3A_161 : vector<1x1x16xf32> to vector<16xf32>
      %swap3A_163 = vector.shape_cast %broadcast_in_dim3A_157 : vector<16xf32> to vector<1x1x16xf32>
      tpu.vector_store %arg11[%swap3A_158, %swap3A_159, %swap3A_160], %swap3A_163 {strides = array<i32>} : memref<2x128x128xf32, #tpu.memory_space<vmem>>, vector<1x1x16xf32>,
      %broadcast_in_dim3A_164 = arith.constant 0.000000e+00 : f32
      %broadcast_in_dim3A_165 = vector.broadcast %broadcast_in_dim3A_164 : f32 to vector<16xf32>
      %swap3A_166 = arith.constant 0 : i32
      %swap3A_167 = arith.index_cast %swap3A_166 : i32 to index
      %swap3A_168 = arith.index_cast %scan3A_156 : i32 to index
      %swap3A_169 = arith.constant 16 : index
      %swap3A_170 = tpu.vector_load %arg11[%swap3A_167, %swap3A_168, %swap3A_169] {strides = array<i32>} : memref<2x128x128xf32, #tpu.memory_space<vmem>>, vector<1x1x16xf32>,
      %swap3A_171 = vector.shape_cast %swap3A_170 : vector<1x1x16xf32> to vector<16xf32>
      %swap3A_172 = vector.shape_cast %broadcast_in_dim3A_165 : vector<16xf32> to vector<1x1x16xf32>
      tpu.vector_store %arg11[%swap3A_167, %swap3A_168, %swap3A_169], %swap3A_172 {strides = array<i32>} : memref<2x128x128xf32, #tpu.memory_space<vmem>>, vector<1x1x16xf32>,
      %broadcast_in_dim3A_173 = arith.constant 0.000000e+00 : f32
      %broadcast_in_dim3A_174 = vector.broadcast %broadcast_in_dim3A_173 : f32 to vector<16xf32>
      %swap3A_175 = arith.constant 0 : i32
      %swap3A_176 = arith.index_cast %swap3A_175 : i32 to index
      %swap3A_177 = arith.index_cast %scan3A_156 : i32 to index
      %swap3A_178 = arith.constant 32 : index
      %swap3A_179 = tpu.vector_load %arg11[%swap3A_176, %swap3A_177, %swap3A_178] {strides = array<i32>} : memref<2x128x128xf32, #tpu.memory_space<vmem>>, vector<1x1x16xf32>,
      %swap3A_180 = vector.shape_cast %swap3A_179 : vector<1x1x16xf32> to vector<16xf32>
      %swap3A_181 = vector.shape_cast %broadcast_in_dim3A_174 : vector<16xf32> to vector<1x1x16xf32>
      tpu.vector_store %arg11[%swap3A_176, %swap3A_177, %swap3A_178], %swap3A_181 {strides = array<i32>} : memref<2x128x128xf32, #tpu.memory_space<vmem>>, vector<1x1x16xf32>,
      %broadcast_in_dim3A_182 = arith.constant 0.000000e+00 : f32
      %broadcast_in_dim3A_183 = vector.broadcast %broadcast_in_dim3A_182 : f32 to vector<16xf32>
      %swap3A_184 = arith.constant 0 : i32
      %swap3A_185 = arith.index_cast %swap3A_184 : i32 to index
      %swap3A_186 = arith.index_cast %scan3A_156 : i32 to index
      %swap3A_187 = arith.constant 48 : index
      %swap3A_188 = tpu.vector_load %arg11[%swap3A_185, %swap3A_186, %swap3A_187] {strides = array<i32>} : memref<2x128x128xf32, #tpu.memory_space<vmem>>, vector<1x1x16xf32>,
      %swap3A_189 = vector.shape_cast %swap3A_188 : vector<1x1x16xf32> to vector<16xf32>
      %swap3A_190 = vector.shape_cast %broadcast_in_dim3A_183 : vector<16xf32> to vector<1x1x16xf32>
      tpu.vector_store %arg11[%swap3A_185, %swap3A_186, %swap3A_187], %swap3A_190 {strides = array<i32>} : memref<2x128x128xf32, #tpu.memory_space<vmem>>, vector<1x1x16xf32>,
      %broadcast_in_dim3A_191 = arith.constant 0.000000e+00 : f32
      %broadcast_in_dim3A_192 = vector.broadcast %broadcast_in_dim3A_191 : f32 to vector<16xf32>
      %swap3A_193 = arith.constant 0 : i32
      %swap3A_194 = arith.index_cast %swap3A_193 : i32 to index
      %swap3A_195 = arith.index_cast %scan3A_156 : i32 to index
      %swap3A_196 = arith.constant 64 : index
      %swap3A_197 = tpu.vector_load %arg11[%swap3A_194, %swap3A_195, %swap3A_196] {strides = array<i32>} : memref<2x128x128xf32, #tpu.memory_space<vmem>>, vector<1x1x16xf32>,
      %swap3A_198 = vector.shape_cast %swap3A_197 : vector<1x1x16xf32> to vector<16xf32>
      %swap3A_199 = vector.shape_cast %broadcast_in_dim3A_192 : vector<16xf32> to vector<1x1x16xf32>
      tpu.vector_store %arg11[%swap3A_194, %swap3A_195, %swap3A_196], %swap3A_199 {strides = array<i32>} : memref<2x128x128xf32, #tpu.memory_space<vmem>>, vector<1x1x16xf32>,
      %broadcast_in_dim3A_200 = arith.constant 0.000000e+00 : f32
      %broadcast_in_dim3A_201 = vector.broadcast %broadcast_in_dim3A_200 : f32 to vector<16xf32>
      %swap3A_202 = arith.constant 0 : i32
      %swap3A_203 = arith.index_cast %swap3A_202 : i32 to index
      %swap3A_204 = arith.index_cast %scan3A_156 : i32 to index
      %swap3A_205 = arith.constant 80 : index
      %swap3A_206 = tpu.vector_load %arg11[%swap3A_203, %swap3A_204, %swap3A_205] {strides = array<i32>} : memref<2x128x128xf32, #tpu.memory_space<vmem>>, vector<1x1x16xf32>,
      %swap3A_207 = vector.shape_cast %swap3A_206 : vector<1x1x16xf32> to vector<16xf32>
      %swap3A_208 = vector.shape_cast %broadcast_in_dim3A_201 : vector<16xf32> to vector<1x1x16xf32>
      tpu.vector_store %arg11[%swap3A_203, %swap3A_204, %swap3A_205], %swap3A_208 {strides = array<i32>} : memref<2x128x128xf32, #tpu.memory_space<vmem>>, vector<1x1x16xf32>,
      %broadcast_in_dim3A_209 = arith.constant 0.000000e+00 : f32
      %broadcast_in_dim3A_210 = vector.broadcast %broadcast_in_dim3A_209 : f32 to vector<16xf32>
      %swap3A_211 = arith.constant 0 : i32
      %swap3A_212 = arith.index_cast %swap3A_211 : i32 to index
      %swap3A_213 = arith.index_cast %scan3A_156 : i32 to index
      %swap3A_214 = arith.constant 96 : index
      %swap3A_215 = tpu.vector_load %arg11[%swap3A_212, %swap3A_213, %swap3A_214] {strides = array<i32>} : memref<2x128x128xf32, #tpu.memory_space<vmem>>, vector<1x1x16xf32>,
      %swap3A_216 = vector.shape_cast %swap3A_215 : vector<1x1x16xf32> to vector<16xf32>
      %swap3A_217 = vector.shape_cast %broadcast_in_dim3A_210 : vector<16xf32> to vector<1x1x16xf32>
      tpu.vector_store %arg11[%swap3A_212, %swap3A_213, %swap3A_214], %swap3A_217 {strides = array<i32>} : memref<2x128x128xf32, #tpu.memory_space<vmem>>, vector<1x1x16xf32>,
      %broadcast_in_dim3A_218 = arith.constant 0.000000e+00 : f32
      %broadcast_in_dim3A_219 = vector.broadcast %broadcast_in_dim3A_218 : f32 to vector<16xf32>
      %swap3A_220 = arith.constant 0 : i32
      %swap3A_221 = arith.index_cast %swap3A_220 : i32 to index
      %swap3A_222 = arith.index_cast %scan3A_156 : i32 to index
      %swap3A_223 = arith.constant 112 : index
      %swap3A_224 = tpu.vector_load %arg11[%swap3A_221, %swap3A_222, %swap3A_223] {strides = array<i32>} : memref<2x128x128xf32, #tpu.memory_space<vmem>>, vector<1x1x16xf32>,
      %swap3A_225 = vector.shape_cast %swap3A_224 : vector<1x1x16xf32> to vector<16xf32>
      %swap3A_226 = vector.shape_cast %broadcast_in_dim3A_219 : vector<16xf32> to vector<1x1x16xf32>
      tpu.vector_store %arg11[%swap3A_221, %swap3A_222, %swap3A_223], %swap3A_226 {strides = array<i32>} : memref<2x128x128xf32, #tpu.memory_space<vmem>>, vector<1x1x16xf32>,
    }
    %scan3A_84 = arith.constant 128 : i32
    %add3A_85 = arith.constant 0 : i32
    %add3A_86 = arith.addi %mul3A_6, %add3A_85 : i32
    %run_scoped3A_87 = arith.constant 0 : i32
    "tpu.region"() ({
      %run_scoped3A_156 = tpu.sem_alloc : memref<!tpu.dma_semaphore, #tpu.memory_space<semaphore_mem>>
      %dma_start3A_157 = arith.constant 0 : i32
      %dma_start3A_158 = arith.constant 0 : i32
      %dma_start3A_159 = tpu.memref_slice %arg11[%run_scoped3A_87, %dma_start3A_157, %dma_start3A_158] : memref<2x128x128xf32, #tpu.memory_space<vmem>> -> memref<1x128x128xf32, #tpu.memory_space<vmem>>
      %dma_start3A_160 = tpu.memref_squeeze %dma_start3A_159 : memref<1x128x128xf32, #tpu.memory_space<vmem>> -> memref<128x128xf32, #tpu.memory_space<vmem>>
      %dma_start3A_161 = arith.constant 0 : i32
      %dma_start3A_162 = tpu.memref_slice %arg8[%add3A_86, %dma_start3A_161] : memref<10240x128xf32, #tpu.memory_space<vmem_shared>> -> memref<128x128xf32, #tpu.memory_space<vmem_shared>>
      %dma_start3A_163 = arith.constant 0 : i32
      %dma_start3A_164 = tpu.memref_slice %arg8[%add3A_86, %dma_start3A_163] : memref<10240x128xf32, #tpu.memory_space<vmem_shared>> -> memref<128x128xf32, #tpu.memory_space<vmem_shared>>
      %dma_start3A_165 = arith.constant 0 : i32
      %dma_start3A_166 = arith.constant 0 : i32
      %dma_start3A_167 = tpu.memref_slice %arg11[%run_scoped3A_87, %dma_start3A_165, %dma_start3A_166] : memref<2x128x128xf32, #tpu.memory_space<vmem>> -> memref<1x128x128xf32, #tpu.memory_space<vmem>>
      %dma_start3A_168 = tpu.memref_squeeze %dma_start3A_167 : memref<1x128x128xf32, #tpu.memory_space<vmem>> -> memref<128x128xf32, #tpu.memory_space<vmem>>
      tpu.enqueue_dma source(%dma_start3A_168 : memref<128x128xf32, #tpu.memory_space<vmem>>) target(%dma_start3A_164 : memref<128x128xf32, #tpu.memory_space<vmem_shared>>) target_semaphore(%run_scoped3A_156 : memref<!tpu.dma_semaphore, #tpu.memory_space<semaphore_mem>>)
      %dma_wait3A_169 = arith.constant 0 : i32
      %dma_wait3A_170 = arith.constant 0 : i32
      %dma_wait3A_171 = tpu.memref_slice %arg11[%run_scoped3A_87, %dma_wait3A_169, %dma_wait3A_170] : memref<2x128x128xf32, #tpu.memory_space<vmem>> -> memref<1x128x128xf32, #tpu.memory_space<vmem>>
      %dma_wait3A_172 = tpu.memref_squeeze %dma_wait3A_171 : memref<1x128x128xf32, #tpu.memory_space<vmem>> -> memref<128x128xf32, #tpu.memory_space<vmem>>
      %dma_wait3A_173 = arith.constant 0 : i32
      %dma_wait3A_174 = tpu.memref_slice %arg8[%add3A_86, %dma_wait3A_173] : memref<10240x128xf32, #tpu.memory_space<vmem_shared>> -> memref<128x128xf32, #tpu.memory_space<vmem_shared>>
      %dma_wait3A_175 = arith.constant 0 : i32
      %dma_wait3A_176 = tpu.memref_slice %arg8[%add3A_86, %dma_wait3A_175] : memref<10240x128xf32, #tpu.memory_space<vmem_shared>> -> memref<128x128xf32, #tpu.memory_space<vmem_shared>>
      %dma_wait3A_177 = arith.constant 0 : i32
      %dma_wait3A_178 = arith.constant 0 : i32
      %dma_wait3A_179 = tpu.memref_slice %arg11[%run_scoped3A_87, %dma_wait3A_177, %dma_wait3A_178] : memref<2x128x128xf32, #tpu.memory_space<vmem>> -> memref<1x128x128xf32, #tpu.memory_space<vmem>>
      %dma_wait3A_180 = tpu.memref_squeeze %dma_wait3A_179 : memref<1x128x128xf32, #tpu.memory_space<vmem>> -> memref<128x128xf32, #tpu.memory_space<vmem>>
      tpu.wait_dma2 semaphore(%run_scoped3A_156 : memref<!tpu.dma_semaphore, #tpu.memory_space<semaphore_mem>>) src(%dma_wait3A_180 : memref<128x128xf32, #tpu.memory_space<vmem>>) dst(%dma_wait3A_176 : memref<128x128xf32, #tpu.memory_space<vmem_shared>>)
      tpu.yield
    }) : () -> ()
    %add3A_88 = arith.constant 128 : i32
    %add3A_89 = arith.addi %mul3A_6, %add3A_88 : i32
    %run_scoped3A_90 = arith.constant 0 : i32
    "tpu.region"() ({
      %run_scoped3A_156 = tpu.sem_alloc : memref<!tpu.dma_semaphore, #tpu.memory_space<semaphore_mem>>
      %dma_start3A_157 = arith.constant 0 : i32
      %dma_start3A_158 = arith.constant 0 : i32
      %dma_start3A_159 = tpu.memref_slice %arg11[%run_scoped3A_90, %dma_start3A_157, %dma_start3A_158] : memref<2x128x128xf32, #tpu.memory_space<vmem>> -> memref<1x128x128xf32, #tpu.memory_space<vmem>>
      %dma_start3A_160 = tpu.memref_squeeze %dma_start3A_159 : memref<1x128x128xf32, #tpu.memory_space<vmem>> -> memref<128x128xf32, #tpu.memory_space<vmem>>
      %dma_start3A_161 = arith.constant 0 : i32
      %dma_start3A_162 = tpu.memref_slice %arg8[%add3A_89, %dma_start3A_161] : memref<10240x128xf32, #tpu.memory_space<vmem_shared>> -> memref<128x128xf32, #tpu.memory_space<vmem_shared>>
      %dma_start3A_163 = arith.constant 0 : i32
      %dma_start3A_164 = tpu.memref_slice %arg8[%add3A_89, %dma_start3A_163] : memref<10240x128xf32, #tpu.memory_space<vmem_shared>> -> memref<128x128xf32, #tpu.memory_space<vmem_shared>>
      %dma_start3A_165 = arith.constant 0 : i32
      %dma_start3A_166 = arith.constant 0 : i32
      %dma_start3A_167 = tpu.memref_slice %arg11[%run_scoped3A_90, %dma_start3A_165, %dma_start3A_166] : memref<2x128x128xf32, #tpu.memory_space<vmem>> -> memref<1x128x128xf32, #tpu.memory_space<vmem>>
      %dma_start3A_168 = tpu.memref_squeeze %dma_start3A_167 : memref<1x128x128xf32, #tpu.memory_space<vmem>> -> memref<128x128xf32, #tpu.memory_space<vmem>>
      tpu.enqueue_dma source(%dma_start3A_168 : memref<128x128xf32, #tpu.memory_space<vmem>>) target(%dma_start3A_164 : memref<128x128xf32, #tpu.memory_space<vmem_shared>>) target_semaphore(%run_scoped3A_156 : memref<!tpu.dma_semaphore, #tpu.memory_space<semaphore_mem>>)
      %dma_wait3A_169 = arith.constant 0 : i32
      %dma_wait3A_170 = arith.constant 0 : i32
      %dma_wait3A_171 = tpu.memref_slice %arg11[%run_scoped3A_90, %dma_wait3A_169, %dma_wait3A_170] : memref<2x128x128xf32, #tpu.memory_space<vmem>> -> memref<1x128x128xf32, #tpu.memory_space<vmem>>
      %dma_wait3A_172 = tpu.memref_squeeze %dma_wait3A_171 : memref<1x128x128xf32, #tpu.memory_space<vmem>> -> memref<128x128xf32, #tpu.memory_space<vmem>>
      %dma_wait3A_173 = arith.constant 0 : i32
      %dma_wait3A_174 = tpu.memref_slice %arg8[%add3A_89, %dma_wait3A_173] : memref<10240x128xf32, #tpu.memory_space<vmem_shared>> -> memref<128x128xf32, #tpu.memory_space<vmem_shared>>
      %dma_wait3A_175 = arith.constant 0 : i32
      %dma_wait3A_176 = tpu.memref_slice %arg8[%add3A_89, %dma_wait3A_175] : memref<10240x128xf32, #tpu.memory_space<vmem_shared>> -> memref<128x128xf32, #tpu.memory_space<vmem_shared>>
      %dma_wait3A_177 = arith.constant 0 : i32
      %dma_wait3A_178 = arith.constant 0 : i32
      %dma_wait3A_179 = tpu.memref_slice %arg11[%run_scoped3A_90, %dma_wait3A_177, %dma_wait3A_178] : memref<2x128x128xf32, #tpu.memory_space<vmem>> -> memref<1x128x128xf32, #tpu.memory_space<vmem>>
      %dma_wait3A_180 = tpu.memref_squeeze %dma_wait3A_179 : memref<1x128x128xf32, #tpu.memory_space<vmem>> -> memref<128x128xf32, #tpu.memory_space<vmem>>
      tpu.wait_dma2 semaphore(%run_scoped3A_156 : memref<!tpu.dma_semaphore, #tpu.memory_space<semaphore_mem>>) src(%dma_wait3A_180 : memref<128x128xf32, #tpu.memory_space<vmem>>) dst(%dma_wait3A_176 : memref<128x128xf32, #tpu.memory_space<vmem_shared>>)
      tpu.yield
    }) : () -> ()
    %add3A_91 = arith.constant 256 : i32
    %add3A_92 = arith.addi %mul3A_6, %add3A_91 : i32
    %run_scoped3A_93 = arith.constant 0 : i32
    "tpu.region"() ({
      %run_scoped3A_156 = tpu.sem_alloc : memref<!tpu.dma_semaphore, #tpu.memory_space<semaphore_mem>>
      %dma_start3A_157 = arith.constant 0 : i32
      %dma_start3A_158 = arith.constant 0 : i32
      %dma_start3A_159 = tpu.memref_slice %arg11[%run_scoped3A_93, %dma_start3A_157, %dma_start3A_158] : memref<2x128x128xf32, #tpu.memory_space<vmem>> -> memref<1x128x128xf32, #tpu.memory_space<vmem>>
      %dma_start3A_160 = tpu.memref_squeeze %dma_start3A_159 : memref<1x128x128xf32, #tpu.memory_space<vmem>> -> memref<128x128xf32, #tpu.memory_space<vmem>>
      %dma_start3A_161 = arith.constant 0 : i32
      %dma_start3A_162 = tpu.memref_slice %arg8[%add3A_92, %dma_start3A_161] : memref<10240x128xf32, #tpu.memory_space<vmem_shared>> -> memref<128x128xf32, #tpu.memory_space<vmem_shared>>
      %dma_start3A_163 = arith.constant 0 : i32
      %dma_start3A_164 = tpu.memref_slice %arg8[%add3A_92, %dma_start3A_163] : memref<10240x128xf32, #tpu.memory_space<vmem_shared>> -> memref<128x128xf32, #tpu.memory_space<vmem_shared>>
      %dma_start3A_165 = arith.constant 0 : i32
      %dma_start3A_166 = arith.constant 0 : i32
      %dma_start3A_167 = tpu.memref_slice %arg11[%run_scoped3A_93, %dma_start3A_165, %dma_start3A_166] : memref<2x128x128xf32, #tpu.memory_space<vmem>> -> memref<1x128x128xf32, #tpu.memory_space<vmem>>
      %dma_start3A_168 = tpu.memref_squeeze %dma_start3A_167 : memref<1x128x128xf32, #tpu.memory_space<vmem>> -> memref<128x128xf32, #tpu.memory_space<vmem>>
      tpu.enqueue_dma source(%dma_start3A_168 : memref<128x128xf32, #tpu.memory_space<vmem>>) target(%dma_start3A_164 : memref<128x128xf32, #tpu.memory_space<vmem_shared>>) target_semaphore(%run_scoped3A_156 : memref<!tpu.dma_semaphore, #tpu.memory_space<semaphore_mem>>)
      %dma_wait3A_169 = arith.constant 0 : i32
      %dma_wait3A_170 = arith.constant 0 : i32
      %dma_wait3A_171 = tpu.memref_slice %arg11[%run_scoped3A_93, %dma_wait3A_169, %dma_wait3A_170] : memref<2x128x128xf32, #tpu.memory_space<vmem>> -> memref<1x128x128xf32, #tpu.memory_space<vmem>>
      %dma_wait3A_172 = tpu.memref_squeeze %dma_wait3A_171 : memref<1x128x128xf32, #tpu.memory_space<vmem>> -> memref<128x128xf32, #tpu.memory_space<vmem>>
      %dma_wait3A_173 = arith.constant 0 : i32
      %dma_wait3A_174 = tpu.memref_slice %arg8[%add3A_92, %dma_wait3A_173] : memref<10240x128xf32, #tpu.memory_space<vmem_shared>> -> memref<128x128xf32, #tpu.memory_space<vmem_shared>>
      %dma_wait3A_175 = arith.constant 0 : i32
      %dma_wait3A_176 = tpu.memref_slice %arg8[%add3A_92, %dma_wait3A_175] : memref<10240x128xf32, #tpu.memory_space<vmem_shared>> -> memref<128x128xf32, #tpu.memory_space<vmem_shared>>
      %dma_wait3A_177 = arith.constant 0 : i32
      %dma_wait3A_178 = arith.constant 0 : i32
      %dma_wait3A_179 = tpu.memref_slice %arg11[%run_scoped3A_93, %dma_wait3A_177, %dma_wait3A_178] : memref<2x128x128xf32, #tpu.memory_space<vmem>> -> memref<1x128x128xf32, #tpu.memory_space<vmem>>
      %dma_wait3A_180 = tpu.memref_squeeze %dma_wait3A_179 : memref<1x128x128xf32, #tpu.memory_space<vmem>> -> memref<128x128xf32, #tpu.memory_space<vmem>>
      tpu.wait_dma2 semaphore(%run_scoped3A_156 : memref<!tpu.dma_semaphore, #tpu.memory_space<semaphore_mem>>) src(%dma_wait3A_180 : memref<128x128xf32, #tpu.memory_space<vmem>>) dst(%dma_wait3A_176 : memref<128x128xf32, #tpu.memory_space<vmem_shared>>)
      tpu.yield
    }) : () -> ()
    %add3A_94 = arith.constant 384 : i32
    %add3A_95 = arith.addi %mul3A_6, %add3A_94 : i32
    %run_scoped3A_96 = arith.constant 0 : i32
    "tpu.region"() ({
      %run_scoped3A_156 = tpu.sem_alloc : memref<!tpu.dma_semaphore, #tpu.memory_space<semaphore_mem>>
      %dma_start3A_157 = arith.constant 0 : i32
      %dma_start3A_158 = arith.constant 0 : i32
      %dma_start3A_159 = tpu.memref_slice %arg11[%run_scoped3A_96, %dma_start3A_157, %dma_start3A_158] : memref<2x128x128xf32, #tpu.memory_space<vmem>> -> memref<1x128x128xf32, #tpu.memory_space<vmem>>
      %dma_start3A_160 = tpu.memref_squeeze %dma_start3A_159 : memref<1x128x128xf32, #tpu.memory_space<vmem>> -> memref<128x128xf32, #tpu.memory_space<vmem>>
      %dma_start3A_161 = arith.constant 0 : i32
      %dma_start3A_162 = tpu.memref_slice %arg8[%add3A_95, %dma_start3A_161] : memref<10240x128xf32, #tpu.memory_space<vmem_shared>> -> memref<128x128xf32, #tpu.memory_space<vmem_shared>>
      %dma_start3A_163 = arith.constant 0 : i32
      %dma_start3A_164 = tpu.memref_slice %arg8[%add3A_95, %dma_start3A_163] : memref<10240x128xf32, #tpu.memory_space<vmem_shared>> -> memref<128x128xf32, #tpu.memory_space<vmem_shared>>
      %dma_start3A_165 = arith.constant 0 : i32
      %dma_start3A_166 = arith.constant 0 : i32
      %dma_start3A_167 = tpu.memref_slice %arg11[%run_scoped3A_96, %dma_start3A_165, %dma_start3A_166] : memref<2x128x128xf32, #tpu.memory_space<vmem>> -> memref<1x128x128xf32, #tpu.memory_space<vmem>>
      %dma_start3A_168 = tpu.memref_squeeze %dma_start3A_167 : memref<1x128x128xf32, #tpu.memory_space<vmem>> -> memref<128x128xf32, #tpu.memory_space<vmem>>
      tpu.enqueue_dma source(%dma_start3A_168 : memref<128x128xf32, #tpu.memory_space<vmem>>) target(%dma_start3A_164 : memref<128x128xf32, #tpu.memory_space<vmem_shared>>) target_semaphore(%run_scoped3A_156 : memref<!tpu.dma_semaphore, #tpu.memory_space<semaphore_mem>>)
      %dma_wait3A_169 = arith.constant 0 : i32
      %dma_wait3A_170 = arith.constant 0 : i32
      %dma_wait3A_171 = tpu.memref_slice %arg11[%run_scoped3A_96, %dma_wait3A_169, %dma_wait3A_170] : memref<2x128x128xf32, #tpu.memory_space<vmem>> -> memref<1x128x128xf32, #tpu.memory_space<vmem>>
      %dma_wait3A_172 = tpu.memref_squeeze %dma_wait3A_171 : memref<1x128x128xf32, #tpu.memory_space<vmem>> -> memref<128x128xf32, #tpu.memory_space<vmem>>
      %dma_wait3A_173 = arith.constant 0 : i32
      %dma_wait3A_174 = tpu.memref_slice %arg8[%add3A_95, %dma_wait3A_173] : memref<10240x128xf32, #tpu.memory_space<vmem_shared>> -> memref<128x128xf32, #tpu.memory_space<vmem_shared>>
      %dma_wait3A_175 = arith.constant 0 : i32
      %dma_wait3A_176 = tpu.memref_slice %arg8[%add3A_95, %dma_wait3A_175] : memref<10240x128xf32, #tpu.memory_space<vmem_shared>> -> memref<128x128xf32, #tpu.memory_space<vmem_shared>>
      %dma_wait3A_177 = arith.constant 0 : i32
      %dma_wait3A_178 = arith.constant 0 : i32
      %dma_wait3A_179 = tpu.memref_slice %arg11[%run_scoped3A_96, %dma_wait3A_177, %dma_wait3A_178] : memref<2x128x128xf32, #tpu.memory_space<vmem>> -> memref<1x128x128xf32, #tpu.memory_space<vmem>>
      %dma_wait3A_180 = tpu.memref_squeeze %dma_wait3A_179 : memref<1x128x128xf32, #tpu.memory_space<vmem>> -> memref<128x128xf32, #tpu.memory_space<vmem>>
      tpu.wait_dma2 semaphore(%run_scoped3A_156 : memref<!tpu.dma_semaphore, #tpu.memory_space<semaphore_mem>>) src(%dma_wait3A_180 : memref<128x128xf32, #tpu.memory_space<vmem>>) dst(%dma_wait3A_176 : memref<128x128xf32, #tpu.memory_space<vmem_shared>>)
      tpu.yield
    }) : () -> ()
    %add3A_97 = arith.constant 512 : i32
    %add3A_98 = arith.addi %mul3A_6, %add3A_97 : i32
    %run_scoped3A_99 = arith.constant 0 : i32
    "tpu.region"() ({
      %run_scoped3A_156 = tpu.sem_alloc : memref<!tpu.dma_semaphore, #tpu.memory_space<semaphore_mem>>
      %dma_start3A_157 = arith.constant 0 : i32
      %dma_start3A_158 = arith.constant 0 : i32
      %dma_start3A_159 = tpu.memref_slice %arg11[%run_scoped3A_99, %dma_start3A_157, %dma_start3A_158] : memref<2x128x128xf32, #tpu.memory_space<vmem>> -> memref<1x128x128xf32, #tpu.memory_space<vmem>>
      %dma_start3A_160 = tpu.memref_squeeze %dma_start3A_159 : memref<1x128x128xf32, #tpu.memory_space<vmem>> -> memref<128x128xf32, #tpu.memory_space<vmem>>
      %dma_start3A_161 = arith.constant 0 : i32
      %dma_start3A_162 = tpu.memref_slice %arg8[%add3A_98, %dma_start3A_161] : memref<10240x128xf32, #tpu.memory_space<vmem_shared>> -> memref<128x128xf32, #tpu.memory_space<vmem_shared>>
      %dma_start3A_163 = arith.constant 0 : i32
      %dma_start3A_164 = tpu.memref_slice %arg8[%add3A_98, %dma_start3A_163] : memref<10240x128xf32, #tpu.memory_space<vmem_shared>> -> memref<128x128xf32, #tpu.memory_space<vmem_shared>>
      %dma_start3A_165 = arith.constant 0 : i32
      %dma_start3A_166 = arith.constant 0 : i32
      %dma_start3A_167 = tpu.memref_slice %arg11[%run_scoped3A_99, %dma_start3A_165, %dma_start3A_166] : memref<2x128x128xf32, #tpu.memory_space<vmem>> -> memref<1x128x128xf32, #tpu.memory_space<vmem>>
      %dma_start3A_168 = tpu.memref_squeeze %dma_start3A_167 : memref<1x128x128xf32, #tpu.memory_space<vmem>> -> memref<128x128xf32, #tpu.memory_space<vmem>>
      tpu.enqueue_dma source(%dma_start3A_168 : memref<128x128xf32, #tpu.memory_space<vmem>>) target(%dma_start3A_164 : memref<128x128xf32, #tpu.memory_space<vmem_shared>>) target_semaphore(%run_scoped3A_156 : memref<!tpu.dma_semaphore, #tpu.memory_space<semaphore_mem>>)
      %dma_wait3A_169 = arith.constant 0 : i32
      %dma_wait3A_170 = arith.constant 0 : i32
      %dma_wait3A_171 = tpu.memref_slice %arg11[%run_scoped3A_99, %dma_wait3A_169, %dma_wait3A_170] : memref<2x128x128xf32, #tpu.memory_space<vmem>> -> memref<1x128x128xf32, #tpu.memory_space<vmem>>
      %dma_wait3A_172 = tpu.memref_squeeze %dma_wait3A_171 : memref<1x128x128xf32, #tpu.memory_space<vmem>> -> memref<128x128xf32, #tpu.memory_space<vmem>>
      %dma_wait3A_173 = arith.constant 0 : i32
      %dma_wait3A_174 = tpu.memref_slice %arg8[%add3A_98, %dma_wait3A_173] : memref<10240x128xf32, #tpu.memory_space<vmem_shared>> -> memref<128x128xf32, #tpu.memory_space<vmem_shared>>
      %dma_wait3A_175 = arith.constant 0 : i32
      %dma_wait3A_176 = tpu.memref_slice %arg8[%add3A_98, %dma_wait3A_175] : memref<10240x128xf32, #tpu.memory_space<vmem_shared>> -> memref<128x128xf32, #tpu.memory_space<vmem_shared>>
      %dma_wait3A_177 = arith.constant 0 : i32
      %dma_wait3A_178 = arith.constant 0 : i32
      %dma_wait3A_179 = tpu.memref_slice %arg11[%run_scoped3A_99, %dma_wait3A_177, %dma_wait3A_178] : memref<2x128x128xf32, #tpu.memory_space<vmem>> -> memref<1x128x128xf32, #tpu.memory_space<vmem>>
      %dma_wait3A_180 = tpu.memref_squeeze %dma_wait3A_179 : memref<1x128x128xf32, #tpu.memory_space<vmem>> -> memref<128x128xf32, #tpu.memory_space<vmem>>
      tpu.wait_dma2 semaphore(%run_scoped3A_156 : memref<!tpu.dma_semaphore, #tpu.memory_space<semaphore_mem>>) src(%dma_wait3A_180 : memref<128x128xf32, #tpu.memory_space<vmem>>) dst(%dma_wait3A_176 : memref<128x128xf32, #tpu.memory_space<vmem_shared>>)
      tpu.yield
    }) : () -> ()
    %barrier3A_100 = arith.constant 0 : index
    tpu.barrier barrier_id(%barrier3A_100)
    %dma_start3A_101 = arith.constant 0 : i32
    %dma_start3A_102 = arith.constant 0 : i32
    %dma_start3A_103 = arith.constant 0 : i32
    %dma_start3A_104 = arith.constant 0 : i32
    %dma_start3A_105 = tpu.memref_slice %arg11[%dma_start3A_102, %dma_start3A_103, %dma_start3A_104] : memref<2x128x128xf32, #tpu.memory_space<vmem>> -> memref<1x128x128xf32, #tpu.memory_space<vmem>>
    %dma_start3A_106 = tpu.memref_squeeze %dma_start3A_105 : memref<1x128x128xf32, #tpu.memory_space<vmem>> -> memref<128x128xf32, #tpu.memory_space<vmem>>
    %dma_start3A_107 = arith.constant 0 : i32
    %dma_start3A_108 = tpu.memref_slice %arg9[%dma_start3A_101, %dma_start3A_107] : memref<40x128xi32, #tpu.memory_space<vmem>> -> memref<1x128xi32, #tpu.memory_space<vmem>>
    %dma_start3A_109 = tpu.memref_squeeze %dma_start3A_108 : memref<1x128xi32, #tpu.memory_space<vmem>> -> memref<128xi32, #tpu.memory_space<vmem>>
    %dma_start3A_110 = arith.constant 0 : i32
    %dma_start3A_111 = arith.constant 0 : i32
    %dma_start3A_112 = tpu.memref_slice %arg3[%dma_start3A_110, %dma_start3A_111] : memref<10000x128xf32, #tpu.memory_space<hbm>> -> memref<10000x128xf32, #tpu.memory_space<hbm>>
    tpu.enqueue_indirect_dma source(%dma_start3A_112 : memref<10000x128xf32, #tpu.memory_space<hbm>>) target(%dma_start3A_106 : memref<128x128xf32, #tpu.memory_space<vmem>>) offsets(%dma_start3A_109 : memref<128xi32, #tpu.memory_space<vmem>>) semaphore(%arg12 : memref<!tpu.dma_semaphore, #tpu.memory_space<semaphore_mem>>)
    %dma_start3A_113 = arith.constant 1 : i32
    %dma_start3A_114 = arith.constant 1 : i32
    %dma_start3A_115 = arith.constant 0 : i32
    %dma_start3A_116 = arith.constant 0 : i32
    %dma_start3A_117 = tpu.memref_slice %arg11[%dma_start3A_114, %dma_start3A_115, %dma_start3A_116] : memref<2x128x128xf32, #tpu.memory_space<vmem>> -> memref<1x128x128xf32, #tpu.memory_space<vmem>>
    %dma_start3A_118 = tpu.memref_squeeze %dma_start3A_117 : memref<1x128x128xf32, #tpu.memory_space<vmem>> -> memref<128x128xf32, #tpu.memory_space<vmem>>
    %dma_start3A_119 = arith.constant 0 : i32
    %dma_start3A_120 = tpu.memref_slice %arg9[%dma_start3A_113, %dma_start3A_119] : memref<40x128xi32, #tpu.memory_space<vmem>> -> memref<1x128xi32, #tpu.memory_space<vmem>>
    %dma_start3A_121 = tpu.memref_squeeze %dma_start3A_120 : memref<1x128xi32, #tpu.memory_space<vmem>> -> memref<128xi32, #tpu.memory_space<vmem>>
    %dma_start3A_122 = arith.constant 0 : i32
    %dma_start3A_123 = arith.constant 0 : i32
    %dma_start3A_124 = tpu.memref_slice %arg3[%dma_start3A_122, %dma_start3A_123] : memref<10000x128xf32, #tpu.memory_space<hbm>> -> memref<10000x128xf32, #tpu.memory_space<hbm>>
    tpu.enqueue_indirect_dma source(%dma_start3A_124 : memref<10000x128xf32, #tpu.memory_space<hbm>>) target(%dma_start3A_118 : memref<128x128xf32, #tpu.memory_space<vmem>>) offsets(%dma_start3A_121 : memref<128xi32, #tpu.memory_space<vmem>>) semaphore(%arg13 : memref<!tpu.dma_semaphore, #tpu.memory_space<semaphore_mem>>)
    %scan3A_125 = arith.constant 0 : i32
    %scan3A_126 = arith.constant 0 : i32
    %scan3A_127 = arith.constant 20 : i32
    %scan3A_128 = arith.addi %scan3A_126, %scan3A_127 : i32
    %scan3A_129 = arith.constant 1 : i32
    scf.for %scan3A_156 = %scan3A_126 to %scan3A_128 step %scan3A_129  : i32 {
      %mul3A_157 = arith.constant 2 : i32
      %mul3A_158 = arith.muli %scan3A_156, %mul3A_157 : i32
      %add3A_159 = arith.constant 0 : i32
      %add3A_160 = arith.addi %mul3A_158, %add3A_159 : i32
      %dma_wait3A_161 = arith.constant 0 : i32
      %dma_wait3A_162 = arith.constant 0 : i32
      %dma_wait3A_163 = arith.constant 0 : i32
      %dma_wait3A_164 = tpu.memref_slice %arg11[%dma_wait3A_161, %dma_wait3A_162, %dma_wait3A_163] : memref<2x128x128xf32, #tpu.memory_space<vmem>> -> memref<1x128x128xf32, #tpu.memory_space<vmem>>
      %dma_wait3A_165 = tpu.memref_squeeze %dma_wait3A_164 : memref<1x128x128xf32, #tpu.memory_space<vmem>> -> memref<128x128xf32, #tpu.memory_space<vmem>>
      %dma_wait3A_166 = arith.constant 0 : i32
      %dma_wait3A_167 = tpu.memref_slice %arg9[%add3A_160, %dma_wait3A_166] : memref<40x128xi32, #tpu.memory_space<vmem>> -> memref<1x128xi32, #tpu.memory_space<vmem>>
      %dma_wait3A_168 = tpu.memref_squeeze %dma_wait3A_167 : memref<1x128xi32, #tpu.memory_space<vmem>> -> memref<128xi32, #tpu.memory_space<vmem>>
      %dma_wait3A_169 = arith.constant 0 : i32
      %dma_wait3A_170 = arith.constant 0 : i32
      %dma_wait3A_171 = tpu.memref_slice %arg3[%dma_wait3A_169, %dma_wait3A_170] : memref<10000x128xf32, #tpu.memory_space<hbm>> -> memref<10000x128xf32, #tpu.memory_space<hbm>>
      tpu.wait_indirect_dma semaphore(%arg12 : memref<!tpu.dma_semaphore, #tpu.memory_space<semaphore_mem>>) src(%dma_wait3A_171 : memref<10000x128xf32, #tpu.memory_space<hbm>>) dst(%dma_wait3A_165 : memref<128x128xf32, #tpu.memory_space<vmem>>)
      %dma_start3A_172 = arith.constant 0 : i32
      %dma_start3A_173 = arith.constant 0 : i32
      %dma_start3A_174 = arith.constant 0 : i32
      %dma_start3A_175 = tpu.memref_slice %arg11[%dma_start3A_172, %dma_start3A_173, %dma_start3A_174] : memref<2x128x128xf32, #tpu.memory_space<vmem>> -> memref<1x128x128xf32, #tpu.memory_space<vmem>>
      %dma_start3A_176 = tpu.memref_squeeze %dma_start3A_175 : memref<1x128x128xf32, #tpu.memory_space<vmem>> -> memref<128x128xf32, #tpu.memory_space<vmem>>
      %dma_start3A_177 = arith.constant 0 : i32
      %dma_start3A_178 = tpu.memref_slice %arg10[%add3A_160, %dma_start3A_177] : memref<40x128xi32, #tpu.memory_space<vmem>> -> memref<1x128xi32, #tpu.memory_space<vmem>>
      %dma_start3A_179 = tpu.memref_squeeze %dma_start3A_178 : memref<1x128xi32, #tpu.memory_space<vmem>> -> memref<128xi32, #tpu.memory_space<vmem>>
      %dma_start3A_180 = arith.constant 0 : i32
      %dma_start3A_181 = arith.constant 0 : i32
      %dma_start3A_182 = tpu.memref_slice %arg8[%dma_start3A_180, %dma_start3A_181] : memref<10240x128xf32, #tpu.memory_space<vmem_shared>> -> memref<10240x128xf32, #tpu.memory_space<vmem_shared>>
      tpu.enqueue_indirect_dma source(%dma_start3A_176 : memref<128x128xf32, #tpu.memory_space<vmem>>) target(%dma_start3A_182 : memref<10240x128xf32, #tpu.memory_space<vmem_shared>>) offsets(%dma_start3A_179 : memref<128xi32, #tpu.memory_space<vmem>>) semaphore(%arg14 : memref<!tpu.dma_semaphore, #tpu.memory_space<semaphore_mem>>) {add = true}
      %mul3A_183 = arith.constant 2 : i32
      %mul3A_184 = arith.muli %scan3A_156, %mul3A_183 : i32
      %add3A_185 = arith.constant 1 : i32
      %add3A_186 = arith.addi %mul3A_184, %add3A_185 : i32
      %dma_wait3A_187 = arith.constant 1 : i32
      %dma_wait3A_188 = arith.constant 0 : i32
      %dma_wait3A_189 = arith.constant 0 : i32
      %dma_wait3A_190 = tpu.memref_slice %arg11[%dma_wait3A_187, %dma_wait3A_188, %dma_wait3A_189] : memref<2x128x128xf32, #tpu.memory_space<vmem>> -> memref<1x128x128xf32, #tpu.memory_space<vmem>>
      %dma_wait3A_191 = tpu.memref_squeeze %dma_wait3A_190 : memref<1x128x128xf32, #tpu.memory_space<vmem>> -> memref<128x128xf32, #tpu.memory_space<vmem>>
      %dma_wait3A_192 = arith.constant 0 : i32
      %dma_wait3A_193 = tpu.memref_slice %arg9[%add3A_186, %dma_wait3A_192] : memref<40x128xi32, #tpu.memory_space<vmem>> -> memref<1x128xi32, #tpu.memory_space<vmem>>
      %dma_wait3A_194 = tpu.memref_squeeze %dma_wait3A_193 : memref<1x128xi32, #tpu.memory_space<vmem>> -> memref<128xi32, #tpu.memory_space<vmem>>
      %dma_wait3A_195 = arith.constant 0 : i32
      %dma_wait3A_196 = arith.constant 0 : i32
      %dma_wait3A_197 = tpu.memref_slice %arg3[%dma_wait3A_195, %dma_wait3A_196] : memref<10000x128xf32, #tpu.memory_space<hbm>> -> memref<10000x128xf32, #tpu.memory_space<hbm>>
      tpu.wait_indirect_dma semaphore(%arg13 : memref<!tpu.dma_semaphore, #tpu.memory_space<semaphore_mem>>) src(%dma_wait3A_197 : memref<10000x128xf32, #tpu.memory_space<hbm>>) dst(%dma_wait3A_191 : memref<128x128xf32, #tpu.memory_space<vmem>>)
      %dma_start3A_198 = arith.constant 1 : i32
      %dma_start3A_199 = arith.constant 0 : i32
      %dma_start3A_200 = arith.constant 0 : i32
      %dma_start3A_201 = tpu.memref_slice %arg11[%dma_start3A_198, %dma_start3A_199, %dma_start3A_200] : memref<2x128x128xf32, #tpu.memory_space<vmem>> -> memref<1x128x128xf32, #tpu.memory_space<vmem>>
      %dma_start3A_202 = tpu.memref_squeeze %dma_start3A_201 : memref<1x128x128xf32, #tpu.memory_space<vmem>> -> memref<128x128xf32, #tpu.memory_space<vmem>>
      %dma_start3A_203 = arith.constant 0 : i32
      %dma_start3A_204 = tpu.memref_slice %arg10[%add3A_186, %dma_start3A_203] : memref<40x128xi32, #tpu.memory_space<vmem>> -> memref<1x128xi32, #tpu.memory_space<vmem>>
      %dma_start3A_205 = tpu.memref_squeeze %dma_start3A_204 : memref<1x128xi32, #tpu.memory_space<vmem>> -> memref<128xi32, #tpu.memory_space<vmem>>
      %dma_start3A_206 = arith.constant 0 : i32
      %dma_start3A_207 = arith.constant 0 : i32
      %dma_start3A_208 = tpu.memref_slice %arg8[%dma_start3A_206, %dma_start3A_207] : memref<10240x128xf32, #tpu.memory_space<vmem_shared>> -> memref<10240x128xf32, #tpu.memory_space<vmem_shared>>
      tpu.enqueue_indirect_dma source(%dma_start3A_202 : memref<128x128xf32, #tpu.memory_space<vmem>>) target(%dma_start3A_208 : memref<10240x128xf32, #tpu.memory_space<vmem_shared>>) offsets(%dma_start3A_205 : memref<128xi32, #tpu.memory_space<vmem>>) semaphore(%arg15 : memref<!tpu.dma_semaphore, #tpu.memory_space<semaphore_mem>>) {add = true}
      %mul3A_209 = arith.constant 2 : i32
      %mul3A_210 = arith.muli %scan3A_156, %mul3A_209 : i32
      %add3A_211 = arith.constant 0 : i32
      %add3A_212 = arith.addi %mul3A_210, %add3A_211 : i32
      %add3A_213 = arith.constant 2 : i32
      %add3A_214 = arith.addi %add3A_212, %add3A_213 : i32
      %lt3A = arith.constant 40 : i32
      %lt3A_215 = arith.cmpi slt, %add3A_214, %lt3A : i32
      %convert_element_type3A = arith.extui %lt3A_215 : i1 to i32
      %cond3A = arith.constant 0 : i32
      %cond3A_216 = arith.cmpi ne, %convert_element_type3A, %cond3A : i32
      scf.if %cond3A_216 {
        %dma_wait3A_228 = arith.constant 0 : i32
        %dma_wait3A_229 = arith.constant 0 : i32
        %dma_wait3A_230 = arith.constant 0 : i32
        %dma_wait3A_231 = tpu.memref_slice %arg11[%dma_wait3A_228, %dma_wait3A_229, %dma_wait3A_230] : memref<2x128x128xf32, #tpu.memory_space<vmem>> -> memref<1x128x128xf32, #tpu.memory_space<vmem>>
        %dma_wait3A_232 = tpu.memref_squeeze %dma_wait3A_231 : memref<1x128x128xf32, #tpu.memory_space<vmem>> -> memref<128x128xf32, #tpu.memory_space<vmem>>
        %dma_wait3A_233 = arith.constant 0 : i32
        %dma_wait3A_234 = tpu.memref_slice %arg10[%add3A_212, %dma_wait3A_233] : memref<40x128xi32, #tpu.memory_space<vmem>> -> memref<1x128xi32, #tpu.memory_space<vmem>>
        %dma_wait3A_235 = tpu.memref_squeeze %dma_wait3A_234 : memref<1x128xi32, #tpu.memory_space<vmem>> -> memref<128xi32, #tpu.memory_space<vmem>>
        %dma_wait3A_236 = arith.constant 0 : i32
        %dma_wait3A_237 = arith.constant 0 : i32
        %dma_wait3A_238 = tpu.memref_slice %arg8[%dma_wait3A_236, %dma_wait3A_237] : memref<10240x128xf32, #tpu.memory_space<vmem_shared>> -> memref<10240x128xf32, #tpu.memory_space<vmem_shared>>
        tpu.wait_indirect_dma semaphore(%arg14 : memref<!tpu.dma_semaphore, #tpu.memory_space<semaphore_mem>>) src(%dma_wait3A_232 : memref<128x128xf32, #tpu.memory_space<vmem>>) dst(%dma_wait3A_238 : memref<10240x128xf32, #tpu.memory_space<vmem_shared>>)
        %dma_start3A_239 = arith.constant 0 : i32
        %dma_start3A_240 = arith.constant 0 : i32
        %dma_start3A_241 = arith.constant 0 : i32
        %dma_start3A_242 = tpu.memref_slice %arg11[%dma_start3A_239, %dma_start3A_240, %dma_start3A_241] : memref<2x128x128xf32, #tpu.memory_space<vmem>> -> memref<1x128x128xf32, #tpu.memory_space<vmem>>
        %dma_start3A_243 = tpu.memref_squeeze %dma_start3A_242 : memref<1x128x128xf32, #tpu.memory_space<vmem>> -> memref<128x128xf32, #tpu.memory_space<vmem>>
        %dma_start3A_244 = arith.constant 0 : i32
        %dma_start3A_245 = tpu.memref_slice %arg9[%add3A_214, %dma_start3A_244] : memref<40x128xi32, #tpu.memory_space<vmem>> -> memref<1x128xi32, #tpu.memory_space<vmem>>
        %dma_start3A_246 = tpu.memref_squeeze %dma_start3A_245 : memref<1x128xi32, #tpu.memory_space<vmem>> -> memref<128xi32, #tpu.memory_space<vmem>>
        %dma_start3A_247 = arith.constant 0 : i32
        %dma_start3A_248 = arith.constant 0 : i32
        %dma_start3A_249 = tpu.memref_slice %arg3[%dma_start3A_247, %dma_start3A_248] : memref<10000x128xf32, #tpu.memory_space<hbm>> -> memref<10000x128xf32, #tpu.memory_space<hbm>>
        tpu.enqueue_indirect_dma source(%dma_start3A_249 : memref<10000x128xf32, #tpu.memory_space<hbm>>) target(%dma_start3A_243 : memref<128x128xf32, #tpu.memory_space<vmem>>) offsets(%dma_start3A_246 : memref<128xi32, #tpu.memory_space<vmem>>) semaphore(%arg12 : memref<!tpu.dma_semaphore, #tpu.memory_space<semaphore_mem>>)
      } else {
      }
      %mul3A_217 = arith.constant 2 : i32
      %mul3A_218 = arith.muli %scan3A_156, %mul3A_217 : i32
      %add3A_219 = arith.constant 1 : i32
      %add3A_220 = arith.addi %mul3A_218, %add3A_219 : i32
      %add3A_221 = arith.constant 2 : i32
      %add3A_222 = arith.addi %add3A_220, %add3A_221 : i32
      %lt3A_223 = arith.constant 40 : i32
      %lt3A_224 = arith.cmpi slt, %add3A_222, %lt3A_223 : i32
      %convert_element_type3A_225 = arith.extui %lt3A_224 : i1 to i32
      %cond3A_226 = arith.constant 0 : i32
      %cond3A_227 = arith.cmpi ne, %convert_element_type3A_225, %cond3A_226 : i32
      scf.if %cond3A_227 {
        %dma_wait3A_228 = arith.constant 1 : i32
        %dma_wait3A_229 = arith.constant 0 : i32
        %dma_wait3A_230 = arith.constant 0 : i32
        %dma_wait3A_231 = tpu.memref_slice %arg11[%dma_wait3A_228, %dma_wait3A_229, %dma_wait3A_230] : memref<2x128x128xf32, #tpu.memory_space<vmem>> -> memref<1x128x128xf32, #tpu.memory_space<vmem>>
        %dma_wait3A_232 = tpu.memref_squeeze %dma_wait3A_231 : memref<1x128x128xf32, #tpu.memory_space<vmem>> -> memref<128x128xf32, #tpu.memory_space<vmem>>
        %dma_wait3A_233 = arith.constant 0 : i32
        %dma_wait3A_234 = tpu.memref_slice %arg10[%add3A_220, %dma_wait3A_233] : memref<40x128xi32, #tpu.memory_space<vmem>> -> memref<1x128xi32, #tpu.memory_space<vmem>>
        %dma_wait3A_235 = tpu.memref_squeeze %dma_wait3A_234 : memref<1x128xi32, #tpu.memory_space<vmem>> -> memref<128xi32, #tpu.memory_space<vmem>>
        %dma_wait3A_236 = arith.constant 0 : i32
        %dma_wait3A_237 = arith.constant 0 : i32
        %dma_wait3A_238 = tpu.memref_slice %arg8[%dma_wait3A_236, %dma_wait3A_237] : memref<10240x128xf32, #tpu.memory_space<vmem_shared>> -> memref<10240x128xf32, #tpu.memory_space<vmem_shared>>
        tpu.wait_indirect_dma semaphore(%arg15 : memref<!tpu.dma_semaphore, #tpu.memory_space<semaphore_mem>>) src(%dma_wait3A_232 : memref<128x128xf32, #tpu.memory_space<vmem>>) dst(%dma_wait3A_238 : memref<10240x128xf32, #tpu.memory_space<vmem_shared>>)
        %dma_start3A_239 = arith.constant 1 : i32
        %dma_start3A_240 = arith.constant 0 : i32
        %dma_start3A_241 = arith.constant 0 : i32
        %dma_start3A_242 = tpu.memref_slice %arg11[%dma_start3A_239, %dma_start3A_240, %dma_start3A_241] : memref<2x128x128xf32, #tpu.memory_space<vmem>> -> memref<1x128x128xf32, #tpu.memory_space<vmem>>
        %dma_start3A_243 = tpu.memref_squeeze %dma_start3A_242 : memref<1x128x128xf32, #tpu.memory_space<vmem>> -> memref<128x128xf32, #tpu.memory_space<vmem>>
        %dma_start3A_244 = arith.constant 0 : i32
        %dma_start3A_245 = tpu.memref_slice %arg9[%add3A_222, %dma_start3A_244] : memref<40x128xi32, #tpu.memory_space<vmem>> -> memref<1x128xi32, #tpu.memory_space<vmem>>
        %dma_start3A_246 = tpu.memref_squeeze %dma_start3A_245 : memref<1x128xi32, #tpu.memory_space<vmem>> -> memref<128xi32, #tpu.memory_space<vmem>>
        %dma_start3A_247 = arith.constant 0 : i32
        %dma_start3A_248 = arith.constant 0 : i32
        %dma_start3A_249 = tpu.memref_slice %arg3[%dma_start3A_247, %dma_start3A_248] : memref<10000x128xf32, #tpu.memory_space<hbm>> -> memref<10000x128xf32, #tpu.memory_space<hbm>>
        tpu.enqueue_indirect_dma source(%dma_start3A_249 : memref<10000x128xf32, #tpu.memory_space<hbm>>) target(%dma_start3A_243 : memref<128x128xf32, #tpu.memory_space<vmem>>) offsets(%dma_start3A_246 : memref<128xi32, #tpu.memory_space<vmem>>) semaphore(%arg13 : memref<!tpu.dma_semaphore, #tpu.memory_space<semaphore_mem>>)
      } else {
      }
    }
    %scan3A_130 = arith.constant 20 : i32
    %dma_wait3A_131 = arith.constant 0 : i32
    %dma_wait3A_132 = arith.constant 38 : i32
    %dma_wait3A_133 = arith.constant 0 : i32
    %dma_wait3A_134 = arith.constant 0 : i32
    %dma_wait3A_135 = tpu.memref_slice %arg11[%dma_wait3A_131, %dma_wait3A_133, %dma_wait3A_134] : memref<2x128x128xf32, #tpu.memory_space<vmem>> -> memref<1x128x128xf32, #tpu.memory_space<vmem>>
    %dma_wait3A_136 = tpu.memref_squeeze %dma_wait3A_135 : memref<1x128x128xf32, #tpu.memory_space<vmem>> -> memref<128x128xf32, #tpu.memory_space<vmem>>
    %dma_wait3A_137 = arith.constant 0 : i32
    %dma_wait3A_138 = tpu.memref_slice %arg10[%dma_wait3A_132, %dma_wait3A_137] : memref<40x128xi32, #tpu.memory_space<vmem>> -> memref<1x128xi32, #tpu.memory_space<vmem>>
    %dma_wait3A_139 = tpu.memref_squeeze %dma_wait3A_138 : memref<1x128xi32, #tpu.memory_space<vmem>> -> memref<128xi32, #tpu.memory_space<vmem>>
    %dma_wait3A_140 = arith.constant 0 : i32
    %dma_wait3A_141 = arith.constant 0 : i32
    %dma_wait3A_142 = tpu.memref_slice %arg8[%dma_wait3A_140, %dma_wait3A_141] : memref<10240x128xf32, #tpu.memory_space<vmem_shared>> -> memref<10240x128xf32, #tpu.memory_space<vmem_shared>>
    tpu.wait_indirect_dma semaphore(%arg14 : memref<!tpu.dma_semaphore, #tpu.memory_space<semaphore_mem>>) src(%dma_wait3A_136 : memref<128x128xf32, #tpu.memory_space<vmem>>) dst(%dma_wait3A_142 : memref<10240x128xf32, #tpu.memory_space<vmem_shared>>)
    %dma_wait3A_143 = arith.constant 1 : i32
    %dma_wait3A_144 = arith.constant 39 : i32
    %dma_wait3A_145 = arith.constant 0 : i32
    %dma_wait3A_146 = arith.constant 0 : i32
    %dma_wait3A_147 = tpu.memref_slice %arg11[%dma_wait3A_143, %dma_wait3A_145, %dma_wait3A_146] : memref<2x128x128xf32, #tpu.memory_space<vmem>> -> memref<1x128x128xf32, #tpu.memory_space<vmem>>
    %dma_wait3A_148 = tpu.memref_squeeze %dma_wait3A_147 : memref<1x128x128xf32, #tpu.memory_space<vmem>> -> memref<128x128xf32, #tpu.memory_space<vmem>>
    %dma_wait3A_149 = arith.constant 0 : i32
    %dma_wait3A_150 = tpu.memref_slice %arg10[%dma_wait3A_144, %dma_wait3A_149] : memref<40x128xi32, #tpu.memory_space<vmem>> -> memref<1x128xi32, #tpu.memory_space<vmem>>
    %dma_wait3A_151 = tpu.memref_squeeze %dma_wait3A_150 : memref<1x128xi32, #tpu.memory_space<vmem>> -> memref<128xi32, #tpu.memory_space<vmem>>
    %dma_wait3A_152 = arith.constant 0 : i32
    %dma_wait3A_153 = arith.constant 0 : i32
    %dma_wait3A_154 = tpu.memref_slice %arg8[%dma_wait3A_152, %dma_wait3A_153] : memref<10240x128xf32, #tpu.memory_space<vmem_shared>> -> memref<10240x128xf32, #tpu.memory_space<vmem_shared>>
    tpu.wait_indirect_dma semaphore(%arg15 : memref<!tpu.dma_semaphore, #tpu.memory_space<semaphore_mem>>) src(%dma_wait3A_148 : memref<128x128xf32, #tpu.memory_space<vmem>>) dst(%dma_wait3A_154 : memref<10240x128xf32, #tpu.memory_space<vmem_shared>>)
    %barrier3A_155 = arith.constant 0 : index
    tpu.barrier barrier_id(%barrier3A_155)
    "tpu.region"() ({
      %run_scoped3A_156 = tpu.sem_alloc : memref<!tpu.dma_semaphore, #tpu.memory_space<semaphore_mem>>
      %dma_start3A_157 = arith.constant 0 : i32
      %dma_start3A_158 = tpu.memref_slice %arg7[%arg0, %mul3A_6, %dma_start3A_157] : memref<2x10240x128xf32, #tpu.memory_space<hbm>> -> memref<1x640x128xf32, #tpu.memory_space<hbm>>
      %dma_start3A_159 = tpu.memref_squeeze %dma_start3A_158 : memref<1x640x128xf32, #tpu.memory_space<hbm>> -> memref<640x128xf32, #tpu.memory_space<hbm>>
      %dma_start3A_160 = arith.constant 0 : i32
      %dma_start3A_161 = tpu.memref_slice %arg8[%mul3A_6, %dma_start3A_160] : memref<10240x128xf32, #tpu.memory_space<vmem_shared>> -> memref<640x128xf32, #tpu.memory_space<vmem_shared>>
      tpu.enqueue_dma source(%dma_start3A_161 : memref<640x128xf32, #tpu.memory_space<vmem_shared>>) target(%dma_start3A_159 : memref<640x128xf32, #tpu.memory_space<hbm>>) target_semaphore(%run_scoped3A_156 : memref<!tpu.dma_semaphore, #tpu.memory_space<semaphore_mem>>)
      %dma_wait3A_162 = arith.constant 0 : i32
      %dma_wait3A_163 = tpu.memref_slice %arg7[%arg0, %mul3A_6, %dma_wait3A_162] : memref<2x10240x128xf32, #tpu.memory_space<hbm>> -> memref<1x640x128xf32, #tpu.memory_space<hbm>>
      %dma_wait3A_164 = tpu.memref_squeeze %dma_wait3A_163 : memref<1x640x128xf32, #tpu.memory_space<hbm>> -> memref<640x128xf32, #tpu.memory_space<hbm>>
      %dma_wait3A_165 = arith.constant 0 : i32
      %dma_wait3A_166 = tpu.memref_slice %arg8[%mul3A_6, %dma_wait3A_165] : memref<10240x128xf32, #tpu.memory_space<vmem_shared>> -> memref<640x128xf32, #tpu.memory_space<vmem_shared>>
      tpu.wait_dma2 semaphore(%run_scoped3A_156 : memref<!tpu.dma_semaphore, #tpu.memory_space<semaphore_mem>>) src(%dma_wait3A_166 : memref<640x128xf32, #tpu.memory_space<vmem_shared>>) dst(%dma_wait3A_164 : memref<640x128xf32, #tpu.memory_space<hbm>>)
      tpu.yield
    }) : () -> ()
    return
  }
}

module attributes {stable_mosaic.version = 14 : i64} {
  func.func @_scale_body(%arg0: i32, %arg1: memref<1000x256xf32, #tpu.memory_space<vmem>>, %arg2: memref<1000x1xf32, #tpu.memory_space<vmem>>, %arg3: memref<1000x128xf32, #tpu.memory_space<vmem>>, %arg4: memref<1000x128xf32, #tpu.memory_space<vmem>>) attributes {dimension_semantics = [#tpu.dimension_semantics<arbitrary>], iteration_bounds = array<i64: 10>, scalar_prefetch = 0 : i64, scratch_operands = 0 : i64, tpu.core_type = #tpu.core_type<tc>, window_params = [{transform_indices = @transform_0, window_bounds = array<i64: 1000, 256>}, {transform_indices = @transform_1, window_bounds = array<i64: 1000, 1>}, {transform_indices = @transform_2, window_bounds = array<i64: 1000, 128>}, {transform_indices = @transform_3, window_bounds = array<i64: 1000, 128>}]} {
    %get3A = arith.constant 0 : index
    %get3A_0 = arith.constant 0 : index
    %get3A_1 = vector.load %arg1[%get3A, %get3A_0] : memref<1000x256xf32, #tpu.memory_space<vmem>>, vector<1000x256xf32>
    %get3A_2 = arith.constant 0 : index
    %get3A_3 = arith.constant 0 : index
    %get3A_4 = vector.load %arg2[%get3A_2, %get3A_3] : memref<1000x1xf32, #tpu.memory_space<vmem>>, vector<1000x1xf32>
    %mul3A = vector.broadcast %get3A_4 : vector<1000x1xf32> to vector<1000x256xf32>
    %mul3A_5 = arith.mulf %get3A_1, %mul3A : vector<1000x256xf32>
    %slice3A = vector.extract_strided_slice %mul3A_5 {offsets = [0, 0], sizes = [1000, 128], strides = [1, 1]} : vector<1000x256xf32> to vector<1000x128xf32>
    %swap3A = arith.constant 0 : index
    %swap3A_6 = arith.constant 0 : index
    %swap3A_7 = vector.load %arg3[%swap3A, %swap3A_6] : memref<1000x128xf32, #tpu.memory_space<vmem>>, vector<1000x128xf32>
    tpu.vector_store %arg3[%swap3A, %swap3A_6], %slice3A {strides = array<i32>} : memref<1000x128xf32, #tpu.memory_space<vmem>>, vector<1000x128xf32>,
    %slice3A_8 = vector.extract_strided_slice %mul3A_5 {offsets = [0, 128], sizes = [1000, 128], strides = [1, 1]} : vector<1000x256xf32> to vector<1000x128xf32>
    %swap3A_9 = arith.constant 0 : index
    %swap3A_10 = arith.constant 0 : index
    %swap3A_11 = vector.load %arg4[%swap3A_9, %swap3A_10] : memref<1000x128xf32, #tpu.memory_space<vmem>>, vector<1000x128xf32>
    tpu.vector_store %arg4[%swap3A_9, %swap3A_10], %slice3A_8 {strides = array<i32>} : memref<1000x128xf32, #tpu.memory_space<vmem>>, vector<1000x128xf32>,
    return
  }
  func.func @transform_0(%arg0: i32) -> (i32, i32) {
    %c0_i32 = arith.constant 0 : i32
    %c0_i32_0 = arith.constant 0 : i32
    return %arg0, %c0_i32 : i32, i32
  }
  func.func @transform_1(%arg0: i32) -> (i32, i32) {
    %c0_i32 = arith.constant 0 : i32
    %c0_i32_0 = arith.constant 0 : i32
    return %arg0, %c0_i32 : i32, i32
  }
  func.func @transform_2(%arg0: i32) -> (i32, i32) {
    %c0_i32 = arith.constant 0 : i32
    %c0_i32_0 = arith.constant 0 : i32
    return %arg0, %c0_i32 : i32, i32
  }
  func.func @transform_3(%arg0: i32) -> (i32, i32) {
    %c0_i32 = arith.constant 0 : i32
    %c0_i32_0 = arith.constant 0 : i32
    return %arg0, %c0_i32 : i32, i32
  }
}

module attributes {stable_mosaic.version = 14 : i64} {
  func.func @_norm_body(%arg0: i32, %arg1: memref<2x1000x128xf32, #tpu.memory_space<vmem>>, %arg2: memref<1000x1xf32, #tpu.memory_space<vmem>>) attributes {dimension_semantics = [#tpu.dimension_semantics<arbitrary>], iteration_bounds = array<i64: 10>, scalar_prefetch = 0 : i64, scratch_operands = 0 : i64, tpu.core_type = #tpu.core_type<tc>, window_params = [{transform_indices = @transform_0, window_bounds = array<i64: 2, 1000, 128>}, {transform_indices = @transform_1, window_bounds = array<i64: 1000, 1>}]} {
    %get3A = arith.constant 0 : index
    %get3A_0 = arith.constant 0 : index
    %get3A_1 = arith.constant 0 : index
    %get3A_2 = vector.load %arg1[%get3A, %get3A_0, %get3A_1] : memref<2x1000x128xf32, #tpu.memory_space<vmem>>, vector<1x1000x1xf32>
    %get3A_3 = vector.shape_cast %get3A_2 : vector<1x1000x1xf32> to vector<1000x1xf32>
    %get3A_4 = arith.constant 1 : index
    %get3A_5 = arith.constant 0 : index
    %get3A_6 = arith.constant 0 : index
    %get3A_7 = vector.load %arg1[%get3A_4, %get3A_5, %get3A_6] : memref<2x1000x128xf32, #tpu.memory_space<vmem>>, vector<1x1000x1xf32>
    %get3A_8 = vector.shape_cast %get3A_7 : vector<1x1000x1xf32> to vector<1000x1xf32>
    %add3A = arith.addf %get3A_3, %get3A_8 : vector<1000x1xf32>
    %gt3A = arith.constant 0.000000e+00 : f32
    %gt3A_9 = vector.broadcast %gt3A : f32 to vector<1000x1xf32>
    %gt3A_10 = arith.cmpf ogt, %add3A, %gt3A_9 : vector<1000x1xf32>
    %max3A = arith.constant 1.000000e+00 : f32
    %max3A_11 = vector.broadcast %max3A : f32 to vector<1000x1xf32>
    %max3A_12 = arith.maximumf %add3A, %max3A_11 : vector<1000x1xf32>
    %rsqrt3A = math.rsqrt %max3A_12 : vector<1000x1xf32>
    %jit3A = arith.constant 0.000000e+00 : f32
    %broadcast_in_dim3A = vector.broadcast %jit3A : f32 to vector<1000x1xf32>
    %select_n3A = arith.select %gt3A_10, %rsqrt3A, %broadcast_in_dim3A : vector<1000x1xi1>, vector<1000x1xf32>
    %swap3A = arith.constant 0 : index
    %swap3A_13 = arith.constant 0 : index
    %swap3A_14 = vector.load %arg2[%swap3A, %swap3A_13] : memref<1000x1xf32, #tpu.memory_space<vmem>>, vector<1000x1xf32>
    tpu.vector_store %arg2[%swap3A, %swap3A_13], %select_n3A {strides = array<i32>} : memref<1000x1xf32, #tpu.memory_space<vmem>>, vector<1000x1xf32>,
    return
  }
  func.func @transform_0(%arg0: i32) -> (i32, i32, i32) {
    %c0_i32 = arith.constant 0 : i32
    %c0_i32_0 = arith.constant 0 : i32
    %c0_i32_1 = arith.constant 0 : i32
    return %c0_i32, %arg0, %c0_i32_0 : i32, i32, i32
  }
  func.func @transform_1(%arg0: i32) -> (i32, i32) {
    %c0_i32 = arith.constant 0 : i32
    %c0_i32_0 = arith.constant 0 : i32
    return %arg0, %c0_i32 : i32, i32
  }
}

module attributes {stable_mosaic.version = 14 : i64} {
  func.func @_mm1_body(%arg0: i32, %arg1: memref<2x1000x128xf32, #tpu.memory_space<vmem>>, %arg2: memref<2x1000x128xf32, #tpu.memory_space<vmem>>, %arg3: memref<1000x1xf32, #tpu.memory_space<vmem>>, %arg4: memref<256x512xf32, #tpu.memory_space<vmem>>, %arg5: memref<1x512xf32, #tpu.memory_space<vmem>>, %arg6: memref<1000x512xf32, #tpu.memory_space<vmem>>) attributes {dimension_semantics = [#tpu.dimension_semantics<arbitrary>], iteration_bounds = array<i64: 10>, scalar_prefetch = 0 : i64, scratch_operands = 0 : i64, tpu.core_type = #tpu.core_type<tc>, window_params = [{transform_indices = @transform_0, window_bounds = array<i64: 2, 1000, 128>}, {transform_indices = @transform_1, window_bounds = array<i64: 2, 1000, 128>}, {transform_indices = @transform_2, window_bounds = array<i64: 1000, 1>}, {pipeline_mode = #tpu.pipeline_mode<synchronous>, transform_indices = @transform_3, window_bounds = array<i64: 256, 512>}, {pipeline_mode = #tpu.pipeline_mode<synchronous>, transform_indices = @transform_4, window_bounds = array<i64: 1, 512>}, {transform_indices = @transform_5, window_bounds = array<i64: 1000, 512>}]} {
    %get3A = arith.constant 0 : index
    %get3A_0 = arith.constant 0 : index
    %get3A_1 = arith.constant 0 : index
    %get3A_2 = vector.load %arg1[%get3A, %get3A_0, %get3A_1] : memref<2x1000x128xf32, #tpu.memory_space<vmem>>, vector<1x1000x128xf32>
    %get3A_3 = vector.shape_cast %get3A_2 : vector<1x1000x128xf32> to vector<1000x128xf32>
    %get3A_4 = arith.constant 1 : index
    %get3A_5 = arith.constant 0 : index
    %get3A_6 = arith.constant 0 : index
    %get3A_7 = vector.load %arg1[%get3A_4, %get3A_5, %get3A_6] : memref<2x1000x128xf32, #tpu.memory_space<vmem>>, vector<1x1000x128xf32>
    %get3A_8 = vector.shape_cast %get3A_7 : vector<1x1000x128xf32> to vector<1000x128xf32>
    %add3A = arith.addf %get3A_3, %get3A_8 : vector<1000x128xf32>
    %get3A_9 = arith.constant 0 : index
    %get3A_10 = arith.constant 0 : index
    %get3A_11 = arith.constant 0 : index
    %get3A_12 = vector.load %arg2[%get3A_9, %get3A_10, %get3A_11] : memref<2x1000x128xf32, #tpu.memory_space<vmem>>, vector<1x1000x128xf32>
    %get3A_13 = vector.shape_cast %get3A_12 : vector<1x1000x128xf32> to vector<1000x128xf32>
    %get3A_14 = arith.constant 1 : index
    %get3A_15 = arith.constant 0 : index
    %get3A_16 = arith.constant 0 : index
    %get3A_17 = vector.load %arg2[%get3A_14, %get3A_15, %get3A_16] : memref<2x1000x128xf32, #tpu.memory_space<vmem>>, vector<1x1000x128xf32>
    %get3A_18 = vector.shape_cast %get3A_17 : vector<1x1000x128xf32> to vector<1000x128xf32>
    %add3A_19 = arith.addf %get3A_13, %get3A_18 : vector<1000x128xf32>
    %concatenate3A = tpu.concatenate %add3A, %add3A_19 in 1 : vector<1000x128xf32>, vector<1000x128xf32> -> vector<1000x256xf32>
    %get3A_20 = arith.constant 0 : index
    %get3A_21 = arith.constant 0 : index
    %get3A_22 = vector.load %arg4[%get3A_20, %get3A_21] : memref<256x512xf32, #tpu.memory_space<vmem>>, vector<256x512xf32>
    %dot_general3A = arith.constant dense<0.000000e+00> : vector<1000x512xf32>
    %dot_general3A_23 = tpu.matmul %concatenate3A, %get3A_22, %dot_general3A {dimension_numbers = #tpu.dot_dimension_numbers<[1], [0], [0], [1], [0, 0, 1, 1], [], []>, transpose_lhs_hint = false} : vector<1000x256xf32>, vector<256x512xf32>, vector<1000x512xf32> -> vector<1000x512xf32>
    %get3A_24 = arith.constant 0 : index
    %get3A_25 = arith.constant 0 : index
    %get3A_26 = vector.load %arg3[%get3A_24, %get3A_25] : memref<1000x1xf32, #tpu.memory_space<vmem>>, vector<1000x1xf32>
    %mul3A = vector.broadcast %get3A_26 : vector<1000x1xf32> to vector<1000x512xf32>
    %mul3A_27 = arith.mulf %dot_general3A_23, %mul3A : vector<1000x512xf32>
    %get3A_28 = arith.constant 0 : index
    %get3A_29 = arith.constant 0 : index
    %get3A_30 = vector.load %arg5[%get3A_28, %get3A_29] : memref<1x512xf32, #tpu.memory_space<vmem>>, vector<1x512xf32>
    %add3A_31 = vector.broadcast %get3A_30 : vector<1x512xf32> to vector<1000x512xf32>
    %add3A_32 = arith.addf %mul3A_27, %add3A_31 : vector<1000x512xf32>
    %max3A = arith.constant 0.000000e+00 : f32
    %max3A_33 = vector.broadcast %max3A : f32 to vector<1000x512xf32>
    %max3A_34 = arith.maximumf %add3A_32, %max3A_33 : vector<1000x512xf32>
    %swap3A = arith.constant 0 : index
    %swap3A_35 = arith.constant 0 : index
    %swap3A_36 = vector.load %arg6[%swap3A, %swap3A_35] : memref<1000x512xf32, #tpu.memory_space<vmem>>, vector<1000x512xf32>
    tpu.vector_store %arg6[%swap3A, %swap3A_35], %max3A_34 {strides = array<i32>} : memref<1000x512xf32, #tpu.memory_space<vmem>>, vector<1000x512xf32>,
    return
  }
  func.func @transform_0(%arg0: i32) -> (i32, i32, i32) {
    %c0_i32 = arith.constant 0 : i32
    %c0_i32_0 = arith.constant 0 : i32
    %c0_i32_1 = arith.constant 0 : i32
    return %c0_i32, %arg0, %c0_i32_0 : i32, i32, i32
  }
  func.func @transform_1(%arg0: i32) -> (i32, i32, i32) {
    %c0_i32 = arith.constant 0 : i32
    %c0_i32_0 = arith.constant 0 : i32
    %c0_i32_1 = arith.constant 0 : i32
    return %c0_i32, %arg0, %c0_i32_0 : i32, i32, i32
  }
  func.func @transform_2(%arg0: i32) -> (i32, i32) {
    %c0_i32 = arith.constant 0 : i32
    %c0_i32_0 = arith.constant 0 : i32
    return %arg0, %c0_i32 : i32, i32
  }
  func.func @transform_3(%arg0: i32) -> (i32, i32) {
    %c0_i32 = arith.constant 0 : i32
    %c0_i32_0 = arith.constant 0 : i32
    %c0_i32_1 = arith.constant 0 : i32
    return %c0_i32, %c0_i32_0 : i32, i32
  }
  func.func @transform_4(%arg0: i32) -> (i32, i32) {
    %c0_i32 = arith.constant 0 : i32
    %c0_i32_0 = arith.constant 0 : i32
    %c0_i32_1 = arith.constant 0 : i32
    return %c0_i32, %c0_i32_0 : i32, i32
  }
  func.func @transform_5(%arg0: i32) -> (i32, i32) {
    %c0_i32 = arith.constant 0 : i32
    %c0_i32_0 = arith.constant 0 : i32
    return %arg0, %c0_i32 : i32, i32
  }
}

module attributes {stable_mosaic.version = 14 : i64} {
  func.func @_mm2_body(%arg0: i32, %arg1: memref<1000x512xf32, #tpu.memory_space<vmem>>, %arg2: memref<1000x1xf32, #tpu.memory_space<vmem>>, %arg3: memref<512x512xf32, #tpu.memory_space<vmem>>, %arg4: memref<1000x128xf32, #tpu.memory_space<vmem>>, %arg5: memref<1000x128xf32, #tpu.memory_space<vmem>>, %arg6: memref<1000x128xf32, #tpu.memory_space<vmem>>, %arg7: memref<1000x128xf32, #tpu.memory_space<vmem>>) attributes {dimension_semantics = [#tpu.dimension_semantics<arbitrary>], iteration_bounds = array<i64: 10>, scalar_prefetch = 0 : i64, scratch_operands = 0 : i64, tpu.core_type = #tpu.core_type<tc>, window_params = [{transform_indices = @transform_0, window_bounds = array<i64: 1000, 512>}, {transform_indices = @transform_1, window_bounds = array<i64: 1000, 1>}, {pipeline_mode = #tpu.pipeline_mode<synchronous>, transform_indices = @transform_2, window_bounds = array<i64: 512, 512>}, {transform_indices = @transform_3, window_bounds = array<i64: 1000, 128>}, {transform_indices = @transform_4, window_bounds = array<i64: 1000, 128>}, {transform_indices = @transform_5, window_bounds = array<i64: 1000, 128>}, {transform_indices = @transform_6, window_bounds = array<i64: 1000, 128>}]} {
    %get3A = arith.constant 0 : index
    %get3A_0 = arith.constant 0 : index
    %get3A_1 = vector.load %arg1[%get3A, %get3A_0] : memref<1000x512xf32, #tpu.memory_space<vmem>>, vector<1000x512xf32>
    %get3A_2 = arith.constant 0 : index
    %get3A_3 = arith.constant 0 : index
    %get3A_4 = vector.load %arg2[%get3A_2, %get3A_3] : memref<1000x1xf32, #tpu.memory_space<vmem>>, vector<1000x1xf32>
    %mul3A = vector.broadcast %get3A_4 : vector<1000x1xf32> to vector<1000x512xf32>
    %mul3A_5 = arith.mulf %get3A_1, %mul3A : vector<1000x512xf32>
    %get3A_6 = arith.constant 0 : index
    %get3A_7 = arith.constant 0 : index
    %get3A_8 = vector.load %arg3[%get3A_6, %get3A_7] : memref<512x512xf32, #tpu.memory_space<vmem>>, vector<512x512xf32>
    %dot_general3A = arith.constant dense<0.000000e+00> : vector<1000x512xf32>
    %dot_general3A_9 = tpu.matmul %mul3A_5, %get3A_8, %dot_general3A {dimension_numbers = #tpu.dot_dimension_numbers<[1], [0], [0], [1], [0, 0, 1, 1], [], []>, transpose_lhs_hint = false} : vector<1000x512xf32>, vector<512x512xf32>, vector<1000x512xf32> -> vector<1000x512xf32>
    %slice3A = vector.extract_strided_slice %dot_general3A_9 {offsets = [0, 0], sizes = [1000, 128], strides = [1, 1]} : vector<1000x512xf32> to vector<1000x128xf32>
    %swap3A = arith.constant 0 : index
    %swap3A_10 = arith.constant 0 : index
    %swap3A_11 = vector.load %arg4[%swap3A, %swap3A_10] : memref<1000x128xf32, #tpu.memory_space<vmem>>, vector<1000x128xf32>
    tpu.vector_store %arg4[%swap3A, %swap3A_10], %slice3A {strides = array<i32>} : memref<1000x128xf32, #tpu.memory_space<vmem>>, vector<1000x128xf32>,
    %slice3A_12 = vector.extract_strided_slice %dot_general3A_9 {offsets = [0, 128], sizes = [1000, 128], strides = [1, 1]} : vector<1000x512xf32> to vector<1000x128xf32>
    %swap3A_13 = arith.constant 0 : index
    %swap3A_14 = arith.constant 0 : index
    %swap3A_15 = vector.load %arg5[%swap3A_13, %swap3A_14] : memref<1000x128xf32, #tpu.memory_space<vmem>>, vector<1000x128xf32>
    tpu.vector_store %arg5[%swap3A_13, %swap3A_14], %slice3A_12 {strides = array<i32>} : memref<1000x128xf32, #tpu.memory_space<vmem>>, vector<1000x128xf32>,
    %slice3A_16 = vector.extract_strided_slice %dot_general3A_9 {offsets = [0, 256], sizes = [1000, 128], strides = [1, 1]} : vector<1000x512xf32> to vector<1000x128xf32>
    %swap3A_17 = arith.constant 0 : index
    %swap3A_18 = arith.constant 0 : index
    %swap3A_19 = vector.load %arg6[%swap3A_17, %swap3A_18] : memref<1000x128xf32, #tpu.memory_space<vmem>>, vector<1000x128xf32>
    tpu.vector_store %arg6[%swap3A_17, %swap3A_18], %slice3A_16 {strides = array<i32>} : memref<1000x128xf32, #tpu.memory_space<vmem>>, vector<1000x128xf32>,
    %slice3A_20 = vector.extract_strided_slice %dot_general3A_9 {offsets = [0, 384], sizes = [1000, 128], strides = [1, 1]} : vector<1000x512xf32> to vector<1000x128xf32>
    %swap3A_21 = arith.constant 0 : index
    %swap3A_22 = arith.constant 0 : index
    %swap3A_23 = vector.load %arg7[%swap3A_21, %swap3A_22] : memref<1000x128xf32, #tpu.memory_space<vmem>>, vector<1000x128xf32>
    tpu.vector_store %arg7[%swap3A_21, %swap3A_22], %slice3A_20 {strides = array<i32>} : memref<1000x128xf32, #tpu.memory_space<vmem>>, vector<1000x128xf32>,
    return
  }
  func.func @transform_0(%arg0: i32) -> (i32, i32) {
    %c0_i32 = arith.constant 0 : i32
    %c0_i32_0 = arith.constant 0 : i32
    return %arg0, %c0_i32 : i32, i32
  }
  func.func @transform_1(%arg0: i32) -> (i32, i32) {
    %c0_i32 = arith.constant 0 : i32
    %c0_i32_0 = arith.constant 0 : i32
    return %arg0, %c0_i32 : i32, i32
  }
  func.func @transform_2(%arg0: i32) -> (i32, i32) {
    %c0_i32 = arith.constant 0 : i32
    %c0_i32_0 = arith.constant 0 : i32
    %c0_i32_1 = arith.constant 0 : i32
    return %c0_i32, %c0_i32_0 : i32, i32
  }
  func.func @transform_3(%arg0: i32) -> (i32, i32) {
    %c0_i32 = arith.constant 0 : i32
    %c0_i32_0 = arith.constant 0 : i32
    return %arg0, %c0_i32 : i32, i32
  }
  func.func @transform_4(%arg0: i32) -> (i32, i32) {
    %c0_i32 = arith.constant 0 : i32
    %c0_i32_0 = arith.constant 0 : i32
    return %arg0, %c0_i32 : i32, i32
  }
  func.func @transform_5(%arg0: i32) -> (i32, i32) {
    %c0_i32 = arith.constant 0 : i32
    %c0_i32_0 = arith.constant 0 : i32
    return %arg0, %c0_i32 : i32, i32
  }
  func.func @transform_6(%arg0: i32) -> (i32, i32) {
    %c0_i32 = arith.constant 0 : i32
    %c0_i32_0 = arith.constant 0 : i32
    return %arg0, %c0_i32 : i32, i32
  }
}

module attributes {stable_mosaic.version = 14 : i64} {
  func.func @_mm3_body(%arg0: i32, %arg1: memref<2x1000x128xf32, #tpu.memory_space<vmem>>, %arg2: memref<2x1000x128xf32, #tpu.memory_space<vmem>>, %arg3: memref<2x1000x128xf32, #tpu.memory_space<vmem>>, %arg4: memref<2x1000x128xf32, #tpu.memory_space<vmem>>, %arg5: memref<1000x1xf32, #tpu.memory_space<vmem>>, %arg6: memref<1x512xf32, #tpu.memory_space<vmem>>, %arg7: memref<512x64xf32, #tpu.memory_space<vmem>>, %arg8: memref<1000x128xf32, #tpu.memory_space<vmem>>) attributes {dimension_semantics = [#tpu.dimension_semantics<arbitrary>], iteration_bounds = array<i64: 10>, scalar_prefetch = 0 : i64, scratch_operands = 0 : i64, tpu.core_type = #tpu.core_type<tc>, window_params = [{transform_indices = @transform_0, window_bounds = array<i64: 2, 1000, 128>}, {transform_indices = @transform_1, window_bounds = array<i64: 2, 1000, 128>}, {transform_indices = @transform_2, window_bounds = array<i64: 2, 1000, 128>}, {transform_indices = @transform_3, window_bounds = array<i64: 2, 1000, 128>}, {transform_indices = @transform_4, window_bounds = array<i64: 1000, 1>}, {pipeline_mode = #tpu.pipeline_mode<synchronous>, transform_indices = @transform_5, window_bounds = array<i64: 1, 512>}, {pipeline_mode = #tpu.pipeline_mode<synchronous>, transform_indices = @transform_6, window_bounds = array<i64: 512, 64>}, {transform_indices = @transform_7, window_bounds = array<i64: 1000, 128>}]} {
    %get3A = arith.constant 0 : index
    %get3A_0 = arith.constant 0 : index
    %get3A_1 = arith.constant 0 : index
    %get3A_2 = vector.load %arg1[%get3A, %get3A_0, %get3A_1] : memref<2x1000x128xf32, #tpu.memory_space<vmem>>, vector<1x1000x128xf32>
    %get3A_3 = vector.shape_cast %get3A_2 : vector<1x1000x128xf32> to vector<1000x128xf32>
    %get3A_4 = arith.constant 1 : index
    %get3A_5 = arith.constant 0 : index
    %get3A_6 = arith.constant 0 : index
    %get3A_7 = vector.load %arg1[%get3A_4, %get3A_5, %get3A_6] : memref<2x1000x128xf32, #tpu.memory_space<vmem>>, vector<1x1000x128xf32>
    %get3A_8 = vector.shape_cast %get3A_7 : vector<1x1000x128xf32> to vector<1000x128xf32>
    %add3A = arith.addf %get3A_3, %get3A_8 : vector<1000x128xf32>
    %get3A_9 = arith.constant 0 : index
    %get3A_10 = arith.constant 0 : index
    %get3A_11 = arith.constant 0 : index
    %get3A_12 = vector.load %arg2[%get3A_9, %get3A_10, %get3A_11] : memref<2x1000x128xf32, #tpu.memory_space<vmem>>, vector<1x1000x128xf32>
    %get3A_13 = vector.shape_cast %get3A_12 : vector<1x1000x128xf32> to vector<1000x128xf32>
    %get3A_14 = arith.constant 1 : index
    %get3A_15 = arith.constant 0 : index
    %get3A_16 = arith.constant 0 : index
    %get3A_17 = vector.load %arg2[%get3A_14, %get3A_15, %get3A_16] : memref<2x1000x128xf32, #tpu.memory_space<vmem>>, vector<1x1000x128xf32>
    %get3A_18 = vector.shape_cast %get3A_17 : vector<1x1000x128xf32> to vector<1000x128xf32>
    %add3A_19 = arith.addf %get3A_13, %get3A_18 : vector<1000x128xf32>
    %get3A_20 = arith.constant 0 : index
    %get3A_21 = arith.constant 0 : index
    %get3A_22 = arith.constant 0 : index
    %get3A_23 = vector.load %arg3[%get3A_20, %get3A_21, %get3A_22] : memref<2x1000x128xf32, #tpu.memory_space<vmem>>, vector<1x1000x128xf32>
    %get3A_24 = vector.shape_cast %get3A_23 : vector<1x1000x128xf32> to vector<1000x128xf32>
    %get3A_25 = arith.constant 1 : index
    %get3A_26 = arith.constant 0 : index
    %get3A_27 = arith.constant 0 : index
    %get3A_28 = vector.load %arg3[%get3A_25, %get3A_26, %get3A_27] : memref<2x1000x128xf32, #tpu.memory_space<vmem>>, vector<1x1000x128xf32>
    %get3A_29 = vector.shape_cast %get3A_28 : vector<1x1000x128xf32> to vector<1000x128xf32>
    %add3A_30 = arith.addf %get3A_24, %get3A_29 : vector<1000x128xf32>
    %get3A_31 = arith.constant 0 : index
    %get3A_32 = arith.constant 0 : index
    %get3A_33 = arith.constant 0 : index
    %get3A_34 = vector.load %arg4[%get3A_31, %get3A_32, %get3A_33] : memref<2x1000x128xf32, #tpu.memory_space<vmem>>, vector<1x1000x128xf32>
    %get3A_35 = vector.shape_cast %get3A_34 : vector<1x1000x128xf32> to vector<1000x128xf32>
    %get3A_36 = arith.constant 1 : index
    %get3A_37 = arith.constant 0 : index
    %get3A_38 = arith.constant 0 : index
    %get3A_39 = vector.load %arg4[%get3A_36, %get3A_37, %get3A_38] : memref<2x1000x128xf32, #tpu.memory_space<vmem>>, vector<1x1000x128xf32>
    %get3A_40 = vector.shape_cast %get3A_39 : vector<1x1000x128xf32> to vector<1000x128xf32>
    %add3A_41 = arith.addf %get3A_35, %get3A_40 : vector<1000x128xf32>
    %concatenate3A = tpu.concatenate %add3A, %add3A_19, %add3A_30, %add3A_41 in 1 : vector<1000x128xf32>, vector<1000x128xf32>, vector<1000x128xf32>, vector<1000x128xf32> -> vector<1000x512xf32>
    %get3A_42 = arith.constant 0 : index
    %get3A_43 = arith.constant 0 : index
    %get3A_44 = vector.load %arg5[%get3A_42, %get3A_43] : memref<1000x1xf32, #tpu.memory_space<vmem>>, vector<1000x1xf32>
    %mul3A = vector.broadcast %get3A_44 : vector<1000x1xf32> to vector<1000x512xf32>
    %mul3A_45 = arith.mulf %concatenate3A, %mul3A : vector<1000x512xf32>
    %get3A_46 = arith.constant 0 : index
    %get3A_47 = arith.constant 0 : index
    %get3A_48 = vector.load %arg6[%get3A_46, %get3A_47] : memref<1x512xf32, #tpu.memory_space<vmem>>, vector<1x512xf32>
    %add3A_49 = vector.broadcast %get3A_48 : vector<1x512xf32> to vector<1000x512xf32>
    %add3A_50 = arith.addf %mul3A_45, %add3A_49 : vector<1000x512xf32>
    %max3A = arith.constant 0.000000e+00 : f32
    %max3A_51 = vector.broadcast %max3A : f32 to vector<1000x512xf32>
    %max3A_52 = arith.maximumf %add3A_50, %max3A_51 : vector<1000x512xf32>
    %get3A_53 = arith.constant 0 : index
    %get3A_54 = arith.constant 0 : index
    %get3A_55 = vector.load %arg5[%get3A_53, %get3A_54] : memref<1000x1xf32, #tpu.memory_space<vmem>>, vector<1000x1xf32>
    %mul3A_56 = vector.broadcast %get3A_55 : vector<1000x1xf32> to vector<1000x512xf32>
    %mul3A_57 = arith.mulf %max3A_52, %mul3A_56 : vector<1000x512xf32>
    %get3A_58 = arith.constant 0 : index
    %get3A_59 = arith.constant 0 : index
    %get3A_60 = vector.load %arg7[%get3A_58, %get3A_59] : memref<512x64xf32, #tpu.memory_space<vmem>>, vector<512x64xf32>
    %dot_general3A = arith.constant dense<0.000000e+00> : vector<1000x64xf32>
    %dot_general3A_61 = tpu.matmul %mul3A_57, %get3A_60, %dot_general3A {dimension_numbers = #tpu.dot_dimension_numbers<[1], [0], [0], [1], [0, 0, 1, 1], [], []>, transpose_lhs_hint = false} : vector<1000x512xf32>, vector<512x64xf32>, vector<1000x64xf32> -> vector<1000x64xf32>
    %broadcast_in_dim3A = arith.constant 0.000000e+00 : f32
    %broadcast_in_dim3A_62 = vector.broadcast %broadcast_in_dim3A : f32 to vector<1000x64xf32>
    %concatenate3A_63 = tpu.concatenate %dot_general3A_61, %broadcast_in_dim3A_62 in 1 : vector<1000x64xf32>, vector<1000x64xf32> -> vector<1000x128xf32>
    %swap3A = arith.constant 0 : index
    %swap3A_64 = arith.constant 0 : index
    %swap3A_65 = vector.load %arg8[%swap3A, %swap3A_64] : memref<1000x128xf32, #tpu.memory_space<vmem>>, vector<1000x128xf32>
    tpu.vector_store %arg8[%swap3A, %swap3A_64], %concatenate3A_63 {strides = array<i32>} : memref<1000x128xf32, #tpu.memory_space<vmem>>, vector<1000x128xf32>,
    return
  }
  func.func @transform_0(%arg0: i32) -> (i32, i32, i32) {
    %c0_i32 = arith.constant 0 : i32
    %c0_i32_0 = arith.constant 0 : i32
    %c0_i32_1 = arith.constant 0 : i32
    return %c0_i32, %arg0, %c0_i32_0 : i32, i32, i32
  }
  func.func @transform_1(%arg0: i32) -> (i32, i32, i32) {
    %c0_i32 = arith.constant 0 : i32
    %c0_i32_0 = arith.constant 0 : i32
    %c0_i32_1 = arith.constant 0 : i32
    return %c0_i32, %arg0, %c0_i32_0 : i32, i32, i32
  }
  func.func @transform_2(%arg0: i32) -> (i32, i32, i32) {
    %c0_i32 = arith.constant 0 : i32
    %c0_i32_0 = arith.constant 0 : i32
    %c0_i32_1 = arith.constant 0 : i32
    return %c0_i32, %arg0, %c0_i32_0 : i32, i32, i32
  }
  func.func @transform_3(%arg0: i32) -> (i32, i32, i32) {
    %c0_i32 = arith.constant 0 : i32
    %c0_i32_0 = arith.constant 0 : i32
    %c0_i32_1 = arith.constant 0 : i32
    return %c0_i32, %arg0, %c0_i32_0 : i32, i32, i32
  }
  func.func @transform_4(%arg0: i32) -> (i32, i32) {
    %c0_i32 = arith.constant 0 : i32
    %c0_i32_0 = arith.constant 0 : i32
    return %arg0, %c0_i32 : i32, i32
  }
  func.func @transform_5(%arg0: i32) -> (i32, i32) {
    %c0_i32 = arith.constant 0 : i32
    %c0_i32_0 = arith.constant 0 : i32
    %c0_i32_1 = arith.constant 0 : i32
    return %c0_i32, %c0_i32_0 : i32, i32
  }
  func.func @transform_6(%arg0: i32) -> (i32, i32) {
    %c0_i32 = arith.constant 0 : i32
    %c0_i32_0 = arith.constant 0 : i32
    %c0_i32_1 = arith.constant 0 : i32
    return %c0_i32, %c0_i32_0 : i32, i32
  }
  func.func @transform_7(%arg0: i32) -> (i32, i32) {
    %c0_i32 = arith.constant 0 : i32
    %c0_i32_0 = arith.constant 0 : i32
    return %arg0, %c0_i32 : i32, i32
  }
}

module attributes {stable_mosaic.version = 14 : i64} {
  func.func @_out_body(%arg0: i32, %arg1: memref<2x1000x128xf32, #tpu.memory_space<vmem>>, %arg2: memref<1000x1xf32, #tpu.memory_space<vmem>>, %arg3: memref<1x64xf32, #tpu.memory_space<vmem>>, %arg4: memref<1000x64xf32, #tpu.memory_space<vmem>>) attributes {dimension_semantics = [#tpu.dimension_semantics<arbitrary>], iteration_bounds = array<i64: 10>, scalar_prefetch = 0 : i64, scratch_operands = 0 : i64, tpu.core_type = #tpu.core_type<tc>, window_params = [{transform_indices = @transform_0, window_bounds = array<i64: 2, 1000, 128>}, {transform_indices = @transform_1, window_bounds = array<i64: 1000, 1>}, {pipeline_mode = #tpu.pipeline_mode<synchronous>, transform_indices = @transform_2, window_bounds = array<i64: 1, 64>}, {transform_indices = @transform_3, window_bounds = array<i64: 1000, 64>}]} {
    %get3A = arith.constant 0 : index
    %get3A_0 = arith.constant 0 : index
    %get3A_1 = arith.constant 0 : index
    %get3A_2 = vector.load %arg1[%get3A, %get3A_0, %get3A_1] : memref<2x1000x128xf32, #tpu.memory_space<vmem>>, vector<1x1000x64xf32>
    %get3A_3 = vector.shape_cast %get3A_2 : vector<1x1000x64xf32> to vector<1000x64xf32>
    %get3A_4 = arith.constant 1 : index
    %get3A_5 = arith.constant 0 : index
    %get3A_6 = arith.constant 0 : index
    %get3A_7 = vector.load %arg1[%get3A_4, %get3A_5, %get3A_6] : memref<2x1000x128xf32, #tpu.memory_space<vmem>>, vector<1x1000x64xf32>
    %get3A_8 = vector.shape_cast %get3A_7 : vector<1x1000x64xf32> to vector<1000x64xf32>
    %add3A = arith.addf %get3A_3, %get3A_8 : vector<1000x64xf32>
    %get3A_9 = arith.constant 0 : index
    %get3A_10 = arith.constant 0 : index
    %get3A_11 = vector.load %arg2[%get3A_9, %get3A_10] : memref<1000x1xf32, #tpu.memory_space<vmem>>, vector<1000x1xf32>
    %mul3A = vector.broadcast %get3A_11 : vector<1000x1xf32> to vector<1000x64xf32>
    %mul3A_12 = arith.mulf %add3A, %mul3A : vector<1000x64xf32>
    %get3A_13 = arith.constant 0 : index
    %get3A_14 = arith.constant 0 : index
    %get3A_15 = vector.load %arg3[%get3A_13, %get3A_14] : memref<1x64xf32, #tpu.memory_space<vmem>>, vector<1x64xf32>
    %add3A_16 = vector.broadcast %get3A_15 : vector<1x64xf32> to vector<1000x64xf32>
    %add3A_17 = arith.addf %mul3A_12, %add3A_16 : vector<1000x64xf32>
    %swap3A = arith.constant 0 : index
    %swap3A_18 = arith.constant 0 : index
    %swap3A_19 = vector.load %arg4[%swap3A, %swap3A_18] : memref<1000x64xf32, #tpu.memory_space<vmem>>, vector<1000x64xf32>
    tpu.vector_store %arg4[%swap3A, %swap3A_18], %add3A_17 {strides = array<i32>} : memref<1000x64xf32, #tpu.memory_space<vmem>>, vector<1000x64xf32>,
    return
  }
  func.func @transform_0(%arg0: i32) -> (i32, i32, i32) {
    %c0_i32 = arith.constant 0 : i32
    %c0_i32_0 = arith.constant 0 : i32
    %c0_i32_1 = arith.constant 0 : i32
    return %c0_i32, %arg0, %c0_i32_0 : i32, i32, i32
  }
  func.func @transform_1(%arg0: i32) -> (i32, i32) {
    %c0_i32 = arith.constant 0 : i32
    %c0_i32_0 = arith.constant 0 : i32
    return %arg0, %c0_i32 : i32, i32
  }
  func.func @transform_2(%arg0: i32) -> (i32, i32) {
    %c0_i32 = arith.constant 0 : i32
    %c0_i32_0 = arith.constant 0 : i32
    %c0_i32_1 = arith.constant 0 : i32
    return %c0_i32, %c0_i32_0 : i32, i32
  }
  func.func @transform_3(%arg0: i32) -> (i32, i32) {
    %c0_i32 = arith.constant 0 : i32
    %c0_i32_0 = arith.constant 0 : i32
    return %arg0, %c0_i32 : i32, i32
  }
}

</mosaic_0001>

<sc_bundles>
// kernel: kernel.12.cloned.1.call-start
scs
__scs_entry_jumppad:
0x0: {  	(pc) =	sbr.rel $0x88, $3  }
0x1: {  	(tag) =	ssettag $0x0;
	lr =	simm.s32 $0x1  }
0x2: {  	[smem:$0x3F99] =	sst lr;
	_ =	strace $0xD0000000  }
0x3: {  	_ = 	snop  }
0x4: {  	_ = 	snop  }
0x5: {  	_ = 	snop  }
0x6: {  	_ = 	snop  }
0x7: {  	_ = 	snop  }
__scs_overlays_trampoline_lowered:
0x8: {  	[smem:$0x3FA8] =	sst s0  }
0x9: {  	[smem:$0x3FA9] =	sst s1  }
0xa: {  	[smem:$0x3FAA] =	sst s2  }
0xb: {  	[smem:$0x3FAB] =	sst s3  }
0xc: {  	[smem:$0x3FAC] =	sst s4  }
0xd: {  	[smem:$0x3FAD] =	sst s5  }
0xe: {  	[smem:$0x3FAE] =	sst s6  }
0xf: {  	[smem:$0x3FAF] =	sst s7  }
0x10: {  	[smem:$0x3FB0] =	sst s8  }
0x11: {  	[smem:$0x3FB1] =	sst s9;
	s0 =	simm.s32 @!p0 $0x0  }
0x12: {  	s1 =	sld [smem:$0x3F97];
	s0 =	simm.s32 @p0 $0x1  }
0x13: {  	[smem:$0x3FB2] =	sst s0;
	s0 =	simm.s32 @!p1 $0x0  }
0x14: {  	s2 =	sld [smem:$0x3F96];
	s0 =	simm.s32 @p1 $0x1  }
0x15: {  	[smem:$0x3FB3] =	sst s0;
	s0 =	simm.s32 @!p2 $0x0  }
0x16: {  	s3 =	sld [smem:$0x3FDB];
	s0 =	simm.s32 @p2 $0x1  }
0x17: {  	s4 =	simm.s32 $0x1BF5;
	[smem:$0x3FB5] =	sst s0  }
0x18: {  	s0 =	sld [smem:$0x3F98];
	_ =	swait.ge [sflag:s4], $0x0  }
0x19: {  	s7 =	sld [smem:$0x3F99]  }
0x1a: {  	s8 =	sadd.s32 $0xFFFFE003, lr  }
0x1b: {  	s9 =	sadd.s32 $0xFFFFFEF7, lr;
	s5 =	simm.s32 $0xFFFFFFFF;
	p2 =	slt.u32 s8, $0xFFFFF086  }
0x1c: {  	p1 =	slt.u32 s9, $0xF7A;
	s5 =	simm.s32 @!p2 $0x0  }
0x1d: {  	s5 =	simm.s32 @p1 $0x1;
	p0 =	seq.s32 s7, s2  }
0x1e: {  	s7 =	smul.u32 @!p0 $0xF7A, s2;
	p2 =	seq.s32 @!p0 s5, $0x0  }
0x1f: {  	s9 =	smul.u32 $0xF7A, s1;
	s8 =	simm.s32 @!p0 $0x1BF5;
	p2 =	por !p2, p0  }
0x20: {  	[sflag:s8] =	ssyncset.s32 @!p0 $0xFFFFF086;
	s6 =	sadd.s32 @!p0 s3, s7;
	s7 =	simm.s32 @!p0 $0x108  }
0x21: {  	s3 =	sadd.s32 s3, s9;
	s6 =	sadd.s32 @!p0 $0x88, s6;
	s7 =	simm.s32 @p2 $0x1082  }
0x22: {  	[simem:s7], [sflag:s8] =	dma.local @!p0 [hbm:s6], $0xF7A  }
0x23: {  	s9 =	sor.u32 $0xD0000000, s2;
	s6 =	simm.s32 $0x108;
	_ =	swait.ge @!p0 [sflag:s8], $0x0  }
0x24: {  	s3 =	sadd.s32 $0x88, s3;
	s6 =	simm.s32 @!p1 $0x1082;
	[sflag:s4] =	ssyncset.s32 $0xFFFFF086  }
0x25: {  	[simem:s6], [sflag:s4] =	dma.local [hbm:s3], $0xF7A  }
0x26: {  	[smem:$0x3F99] =	sst s1;
	(tag) =	ssettag s2;
	_ =	strace s9  }
0x27: {  	s1 =	sld [smem:$0x3FA9]  }
0x28: {  	s2 =	sld [smem:$0x3FAA]  }
0x29: {  	s4 =	sld [smem:$0x3FAC]  }
0x2a: {  	p0 =	seq.s32 s5, $0x0;
	s5 =	sld [smem:$0x3FAD]  }
0x2b: {  	s6 =	sld [smem:$0x3FAE]  }
0x2c: {  	s7 =	sld [smem:$0x3FAF]  }
0x2d: {  	s3 =	simm.s32 $0x108;
	s8 =	sld [smem:$0x3FB0]  }
0x2e: {  	s3 =	simm.s32 @!p0 $0x1082;
	s9 =	sld [smem:$0x3FB1]  }
0x2f: {  	lr =	sadd.s32 s0, s3;
	s0 =	sld [smem:$0x3FA8]  }
0x30: {  	s3 =	sld [smem:$0x3FAB]  }
0x31: {  	[smem:$0x3FB4] =	sst s10  }
0x32: {  	s10 =	sld [smem:$0x3FB2];
	_ =	sdelay $0x3  }
0x33: {  	p0 =	seq.s32 s10, $0x1;
	s10 =	sld [smem:$0x3FB4];
	_ =	sdelay $0x3  }
0x34: {  	[smem:$0x3FB4] =	sst s10  }
0x35: {  	s10 =	sld [smem:$0x3FB3];
	_ =	sdelay $0x3  }
0x36: {  	p1 =	seq.s32 s10, $0x1;
	s10 =	sld [smem:$0x3FB4];
	_ =	sdelay $0x3  }
0x37: {  	[smem:$0x3FB4] =	sst s10  }
0x38: {  	s10 =	sld [smem:$0x3FB5]  }
0x39: {  	_ = 	snop;
	(pc) =	sbr.ind lr, $3  }
0x3a: {  	_ = 	snop  }
0x3b: {  	_ = 	snop  }
0x3c: {  	p2 =	seq.s32 s10, $0x1;
	s10 =	sld [smem:$0x3FB4]  }
0x3d: {  	_ =	shalt  }
0x3e: {  	_ =	shalt  }
0x3f: {  	_ =	shalt  }
0x40: {  	_ =	shalt  }
0x41: {  	_ =	shalt  }
0x42: {  	_ =	shalt  }
0x43: {  	_ =	shalt  }
0x44: {  	_ =	shalt  }
0x45: {  	_ =	shalt  }
0x46: {  	_ =	shalt  }
0x47: {  	_ =	shalt  }
0x48: {  	_ =	shalt  }
0x49: {  	_ =	shalt  }
0x4a: {  	_ =	shalt  }
0x4b: {  	_ =	shalt  }
0x4c: {  	_ =	shalt  }
0x4d: {  	_ =	shalt  }
0x4e: {  	_ =	shalt  }
0x4f: {  	_ =	shalt  }
0x50: {  	_ =	shalt  }
0x51: {  	_ =	shalt  }
0x52: {  	_ =	shalt  }
0x53: {  	_ =	shalt  }
0x54: {  	_ =	shalt  }
0x55: {  	_ =	shalt  }
0x56: {  	_ =	shalt  }
0x57: {  	_ =	shalt  }
0x58: {  	_ =	shalt  }
0x59: {  	_ =	shalt  }
0x5a: {  	_ =	shalt  }
0x5b: {  	_ =	shalt  }
0x5c: {  	_ =	shalt  }
0x5d: {  	_ =	shalt  }
0x5e: {  	_ =	shalt  }
0x5f: {  	_ =	shalt  }
0x60: {  	_ =	shalt  }
0x61: {  	_ =	shalt  }
0x62: {  	_ =	shalt  }
0x63: {  	_ =	shalt  }
0x64: {  	_ =	shalt  }
0x65: {  	_ =	shalt  }
0x66: {  	_ =	shalt  }
0x67: {  	_ =	shalt  }
0x68: {  	_ =	shalt  }
0x69: {  	_ =	shalt  }
0x6a: {  	_ =	shalt  }
0x6b: {  	_ =	shalt  }
0x6c: {  	_ =	shalt  }
0x6d: {  	_ =	shalt  }
0x6e: {  	_ =	shalt  }
0x6f: {  	_ =	shalt  }
0x70: {  	_ =	shalt  }
0x71: {  	_ =	shalt  }
0x72: {  	_ =	shalt  }
0x73: {  	_ =	shalt  }
0x74: {  	_ =	shalt  }
0x75: {  	_ =	shalt  }
0x76: {  	_ =	shalt  }
0x77: {  	_ =	shalt  }
0x78: {  	_ =	shalt  }
0x79: {  	_ =	shalt  }
0x7a: {  	_ =	shalt  }
0x7b: {  	_ =	shalt  }
0x7c: {  	_ =	shalt  }
0x7d: {  	_ =	shalt  }
0x7e: {  	_ =	shalt  }
0x7f: {  	_ =	shalt  }
0x80: {  	_ =	shalt  }
0x81: {  	_ =	shalt  }
0x82: {  	_ =	shalt  }
0x83: {  	_ =	shalt  }
0x84: {  	_ =	shalt  }
0x85: {  	_ =	shalt  }
0x86: {  	_ =	shalt  }
0x87: {  	_ =	shalt  }
.Lfunc_end0:
.L_simem_size_0:
called_computation_lowered:
.L_overlay_start_0:
0x88: {  	s2 =	sld [smem:$0x3FD9]  }
0x89: {  	s3 =	sld [smem:$0x3FFE];
	_ =	sdelay $0x1  }
0x8a: {  	s1 =	srdreg.scid  }
0x8b: {  	s0 =	sand.u32 $0x1, s1  }
0x8c: {  	s16 =	sshll.u32 s0, $0xA;
	s2 =	sadd.s32 s3, s2  }
0x8d: {  	s2 =	sadd.s32 s2, s16  }
0x8e: {  	[smem:$0x3FC0] =	sst s2  }
0x8f: {  	_ = 	snop  }
0x90: {  	(tm) =	ssettm $0x1  }
0x91: {  	s17 =	sld [smem:$0x3FFB];
	_ =	sdelay $0x3  }
0x92: {  	_ =	strace s17  }
0x93: {  	s2 =	sld [smem:$0x3FFC];
	_ =	sdelay $0x3  }
0x94: {  	_ =	strace s2  }
0x95: {  	s2 =	sld [smem:$0x3FFD];
	_ =	sdelay $0x3  }
0x96: {  	_ =	strace s2  }
0x97: {  	_ =	strace $0x8FFFFFFF  }
0x98: {  	s18 =	sld [smem:$0x3FDB];
	_ =	sdelay $0x1  }
0x99: {  	s19 =	simm.s32 $_scs_section_size  }
0x9a: {  	s4 =	simm.s32 $_size__tile_overlayer_lowered;
	s5 =	simm.s32 $_tile_overlayer_lowered  }
0x9b: {  	s22 =	simm.s32 $0x1BFF;
	s21 =	sshll.u32 s5, $0x1;
	s2 =	sadd.s32 s19, s18  }
0x9c: {  	s6 =	simm.s32 $0x0;
	s20 =	sshll.u32 s4, $0x1;
	s4 =	sadd.s32 s21, s2  }
0x9d: {  	[timem:s6], [sflag:s22] =	dma.local [hbm:s4], s20  }
0x9e: {  	_ =	swait.ge [sflag:s22], s20  }
0x9f: {  	s3 =	ssub.s32 $0x0, s20;
	[sflag:s22] =	ssyncset.done $0x0  }
0xa0: {  	[sflag:s22] =	ssyncadd.s32 s3;
	_ =	sdelay $0x1  }
0xa1: {  	s23 =	simm.s32 $0x1B8B  }
0xa2: {  	_ =	swait.ge [sflag:s23], $0x1  }
0xa3: {  	[sflag:s23] =	ssyncset.done $0x0  }
0xa4: {  	s25 =	simm.s32 $0x1B8E;
	s24 =	sld [smem:$0x3FFE];
	[sflag:s23] =	ssyncadd.s32 $0xFFFFFFFF  }
0xa5: {  	s26 =	simm.s32 $execute0_lowered;
	[smem:$0x3FD2] =	sst s25  }
0xa6: {  	s4 =	sshll.u32 s26, $0x1;
	_ =	strace $0x80000046;
	[dreg:$0x1] =	wrdreg $0xFFFFFFFF  }
0xa7: {  	s28 =	simm.s32 $_size_execute0_lowered;
	s2 =	sadd.s32 s2, s4;
	[dreg:$0x0] =	wrdreg $0x0  }
0xa8: {  	s4 =	sshll.u32 s28, $0x1;
	[dreg:$0x2] =	wrdreg s2  }
0xa9: {  	[dreg:$0x3] =	wrdreg s4  }
0xaa: {  	[dreg:$0x4] =	wrdreg $0xC0  }
0xab: {  	_ =	task [dreg:s6], $0x5FFFF  }
0xac: {  	[dreg:$0x1] =	wrdreg $0xFFFFFFFF  }
0xad: {  	[dreg:$0x0] =	wrdreg $0x60  }
0xae: {  	[dreg:$0x2] =	wrdreg s24  }
0xaf: {  	[dreg:$0x3] =	wrdreg $0x0  }
0xb0: {  	[dreg:$0x4] =	wrdreg $0x9  }
0xb1: {  	_ =	task.clear_ibuf [dreg:s6], $0x5FFFF;
	_ =	strace $0x90000046  }
0xb2: {  	s29 =	simm.s32 $0x9;
	_ =	strace $0x80000048  }
0xb3: {  	_ =	swait.ge [sflag:s29], $0x1  }
0xb4: {  	[sflag:s29] =	ssyncadd.s32 $0xFFFFFFFF  }
0xb5: {  	_ =	strace $0x90000048  }
0xb6: {  	_ =	sfence  }
0xb7: {  	s30 =	sld [smem:$0x0];
	_ =	sdelay $0x2  }
0xb8: {  	s31 =	sshll.u32 s1, $0xD;
	s1 =	sshrl.u32 s1, $0x2  }
0xb9: {  	s3 =	sand.u32 $0x4000, s31;
	s1 =	sadd.s32 s1, s30  }
0xba: {  	s0 =	sor.u32 s3, s0;
	s1 =	sshll.u32 s1, $0x11  }
0xbb: {  	s0 =	sor.u32 s1, s0  }
0xbc: {  	s0 =	sadd.s32 $0x8F2B, s0  }
0xbd: {  	[sflag:s0] =	ssyncadd.remote.s32 $0x1  }
0xbe: {  	_ =	sfence.sel $0xFFFF  }
0xbf: {  	[dreg:$0x0] =	wrdreg $0xFFFFFFFF;
	(pc) =	sbr.abs _section_cstart, $3  }
0xc0: {  	[dreg:$0x1] =	wrdreg $0xFFFFFFFF  }
0xc1: {  	_ =	task.clear_ibuf [dreg:s6], $0x2FFFF;
	_ =	strace $0x9FFFFFFF  }
0xc2: {  	(tm) =	ssettm $0x7FFFFFFF  }
0xc3: {  	_ =	shalt  }
tec
execute0_lowered:
.L_overlay_start_1:
0x0: {  	(tag) =	ssettag $0x1  }
0x1: {  	s4 =	rddreg [dreg:$0x0];
	s0 =	srdreg.scid  }
0x2: {  	s2 =	rddreg [dreg:$0x1];
	s1 =	stileid.u32  }
0x3: {  	s3 =	simm.s32 $0x0;
	s12 =	simm.s32 $0x14000;
	s13 =	simm.s32 $0x1  }
0x4: {  	s14 =	simm.s32 $0x19400;
	s15 =	simm.s32 $0x80;
	s16 =	simm.s32 $0x15400  }
0x5: {  	s19 =	simm.s32 $0x0;
	s5 =	sand.u32 $0x1, s0;
	s8 =	smul.u32 $0x14000, s1  }
0x6: {  	s0 =	rddreg [dreg:$0x2];
	s6 =	sshll.u32 s1, $0x1;
	s29 =	smul.u32 $0x50000, s1  }
0x7: {  	[smem:$0x7FF] =	sst s3;
	s17 =	sshll.u32 s1, $0x6;
	s7 =	smul.u32 $0x140000, s5  }
0x8: {  	s6 =	sor.u32 s5, s6;
	_ =	strace $0x80000047;
	s5 =	ssub.s32 $0x2, s5  }
0x9: {  	s17 =	sor.u32 $0x1C01, s17;
	s6 =	smul.u32 $0x280, s6;
	s30 =	sshrl.u32 s5, $0x1  }
0xa: {  	s31 =	sshrl.u32 s29, $0x2;
	s7 =	sadd.s32 s8, s7;
	s11 =	ssub.s32 s5, s30  }
0xb: {  	s5 =	sadd.s32 s31, s2;
	s6 =	sadd.s32 s6, s4;
	s7 =	sshrl.u32 s7, $0x3  }
0xc: {  	s8 =	sadd.s32 $0xC000, s5;
	s9 =	sadd.s32 $0x10000, s5;
	s11 =	smax.u32 s11, $0x1  }
0xd: {  	s18 =	sshrl.u32 s5, $0x3;
	s10 =	sadd.s32 s7, s4;
	s4 =	sadd.s32 $0x4200, s6  }
0xe: {  	v0 =	vimm.f32 $1.000000000e+00;
	v1 =	vimm.f32 $0.0e+00;
	s6 =	sadd.s32 $0x4000, s5;
	s7 =	sadd.s32 $0x8000, s5;
	s10 =	sadd.s32 $0x9200, s10  }
.LBB2_1:
0xf: {  	[tilespmem:s12], [sflag:$0x1] =	stream.linear.gather [hbm4b:s4+s3], $0x1400, $0x38;
	[tilespmem:$0x1D400] =	vst v63  }
0x10: {  	_ =	swait.ge [sflag:s13], $0x1400  }
0x11: {  	[sflag:s13] =	ssyncset.done $0x0  }
0x12: {  	s20 =	simm.s32 $0x0;
	s21 =	simm.s32 $0x200;
	[sflag:s13] =	ssyncadd.s32 $0xFFFFEC00  }
.LBB2_2:
0x13: {  	p0 =	sne.s32 s21, $0xFE00;
	[tilespmem:s20+$0x19470] =	vst v1  }
0x14: {  	[tilespmem:s20+$0x15400] =	vst v0  }
0x15: {  	[tilespmem:s20+$0x19400] =	vst v1  }
0x16: {  	[tilespmem:s20+$0x15410] =	vst v0  }
0x17: {  	[tilespmem:s20+$0x19410] =	vst v1  }
0x18: {  	[tilespmem:s20+$0x15420] =	vst v0  }
0x19: {  	[tilespmem:s20+$0x19420] =	vst v1  }
0x1a: {  	[tilespmem:s20+$0x15430] =	vst v0  }
0x1b: {  	[tilespmem:s20+$0x19430] =	vst v1  }
0x1c: {  	[tilespmem:s20+$0x15440] =	vst v0  }
0x1d: {  	[tilespmem:s20+$0x19440] =	vst v1  }
.Ltmp0:
0x1e: {  	[tilespmem:s20+$0x15450] =	vst v0;
	(pc) =	sbr.rel @p0 .LBB2_2-.Ltmp0, $4  }
0x1f: {  	[tilespmem:s20+$0x19450] =	vst v1  }
0x20: {  	[tilespmem:s20+$0x15460] =	vst v0  }
0x21: {  	[tilespmem:s20+$0x19460] =	vst v1  }
0x22: {  	[tilespmem:s20+$0x15470] =	vst v0;
	s20 =	sshra.s32 s21, $0x2;
	s21 =	sadd.s32 $0x200, s21  }
0x23: {  	[tilespmem:s20+$0x19470] =	vst v1  }
0x24: {  	[tilespmem:s20+$0x15400] =	vst v0  }
0x25: {  	[tilespmem:s20+$0x19400] =	vst v1  }
0x26: {  	[tilespmem:s20+$0x15410] =	vst v0  }
0x27: {  	[tilespmem:s20+$0x19410] =	vst v1  }
0x28: {  	[tilespmem:s20+$0x15420] =	vst v0  }
0x29: {  	[tilespmem:s20+$0x19420] =	vst v1  }
0x2a: {  	[tilespmem:s20+$0x15430] =	vst v0  }
0x2b: {  	[tilespmem:s20+$0x19430] =	vst v1  }
0x2c: {  	[tilespmem:s20+$0x15440] =	vst v0  }
0x2d: {  	[tilespmem:s20+$0x19440] =	vst v1  }
0x2e: {  	[tilespmem:s20+$0x15450] =	vst v0  }
0x2f: {  	[tilespmem:s20+$0x19450] =	vst v1  }
0x30: {  	[tilespmem:s20+$0x15460] =	vst v0  }
0x31: {  	[tilespmem:s20+$0x19460] =	vst v1  }
0x32: {  	[tilespmem:s20+$0x15470] =	vst v0  }
0x33: {  	[spmem:s5] =	stream.linear.scatter [tilespmem:s14], [sflag:$0x1], $0x4000, $0x38;
	[tilespmem:$0x1D400] =	vst v63  }
0x34: {  	_ =	swait.ge [sflag:s13], $0x4000  }
0x35: {  	[sflag:s13] =	ssyncset.done $0x0  }
0x36: {  	[sflag:s13] =	ssyncadd.s32 $0xFFFFC000  }
0x37: {  	[spmem:s6] =	stream.linear.scatter [tilespmem:s14], [sflag:$0x1], $0x4000, $0x38;
	[tilespmem:$0x1D400] =	vst v63  }
0x38: {  	_ =	swait.ge [sflag:s13], $0x4000  }
0x39: {  	[sflag:s13] =	ssyncset.done $0x0  }
0x3a: {  	[sflag:s13] =	ssyncadd.s32 $0xFFFFC000  }
0x3b: {  	[spmem:s7] =	stream.linear.scatter [tilespmem:s14], [sflag:$0x1], $0x4000, $0x38;
	[tilespmem:$0x1D400] =	vst v63  }
0x3c: {  	_ =	swait.ge [sflag:s13], $0x4000  }
0x3d: {  	[sflag:s13] =	ssyncset.done $0x0  }
0x3e: {  	[sflag:s13] =	ssyncadd.s32 $0xFFFFC000  }
0x3f: {  	[spmem:s8] =	stream.linear.scatter [tilespmem:s14], [sflag:$0x1], $0x4000, $0x38;
	[tilespmem:$0x1D400] =	vst v63  }
0x40: {  	_ =	swait.ge [sflag:s13], $0x4000  }
0x41: {  	[sflag:s13] =	ssyncset.done $0x0  }
0x42: {  	[sflag:s13] =	ssyncadd.s32 $0xFFFFC000  }
0x43: {  	[spmem:s9] =	stream.linear.scatter [tilespmem:s14], [sflag:$0x1], $0x4000, $0x38;
	[tilespmem:$0x1D400] =	vst v63  }
0x44: {  	_ =	swait.ge [sflag:s13], $0x4000  }
0x45: {  	[sflag:s13] =	ssyncset.done $0x0  }
0x46: {  	[sflag:s13] =	ssyncadd.s32 $0xFFFFC000  }
0x47: {  	s31 =	simm.s32 $0x14000;
	[bflag:$0x0] =	sbarrier.arrive $0xFFFF  }
0x48: {  	[spmem:s2] =	stream.indirect.scatter.add.f32 [tilespmem:s16], [sflag:$0x1], $0x80, s31, s15, $0xb8;
	[tilespmem:$0x1D400] =	vst v63  }
0x49: {  	s20 =	simm.s32 $0x200;
	_ =	swait.ge [sflag:s13], $0x4000  }
.LBB2_4:
0x4a: {  	s21 =	sshra.s32 s20, $0x2;
	[sflag:s13] =	ssyncset.done $0x0;
	p0 =	sne.s32 s20, $0x4E00  }
.Ltmp1:
0x4b: {  	s21 =	sadd.s32 $0x14000, s21;
	[sflag:s13] =	ssyncadd.s32 $0xFFFFC000;
	(pc) =	sbr.rel @p0 .LBB2_4-.Ltmp1, $3  }
0x4c: {  	[spmem:s2] =	stream.indirect.scatter.add.f32 [tilespmem:s16], [sflag:$0x1], $0x80, s21, s15, $0xb8;
	[tilespmem:$0x1D400] =	vst v63  }
0x4d: {  	s20 =	sadd.s32 $0x200, s20;
	_ =	sdelay $0x1  }
0x4e: {  	_ =	swait.ge [sflag:s13], $0x4000  }
0x4f: {  	[sflag:s13] =	ssyncset.done $0x0;
	s19 =	sadd.s32 $0x1, s19  }
0x50: {  	[sflag:s13] =	ssyncadd.s32 $0xFFFFC000;
	p0 =	sne.s32 s19, s11  }
.Ltmp2:
0x51: {  	[bflag:$0x0] =	sbarrier.arrive $0xFFFF;
	(pc) =	sbr.rel @p0 .LBB2_1-.Ltmp2, $4  }
0x52: {  	[hbm:s10], [sflag:s17] =	dma.local [spmem:s18], $0x2800  }
0x53: {  	_ =	swait.ge [sflag:s13], $0x2800  }
0x54: {  	[sflag:s13] =	ssyncset.done $0x0  }
0x55: {  	[sflag:s13] =	ssyncadd.s32 $0xFFFFD800  }
0x56: {  	_ =	sfence.sel $0x180000  }
0x57: {  	[bflag:$0x0] =	sbarrier.arrive $0xFFFF  }
0x58: {  	p0 =	sne.s32 s1, $0x0;
	_ =	strace $0x90000047  }
0x59: {  	s0 =	sadd.s32 @!p0 $0x100000, s0;
	[bflag:$0x2] =	sbarrier.arrive $0xFFFF  }
0x5a: {  	[sflag:s0] =	ssyncadd.tile.s32 @!p0 $0x1;
	_ =	shalt  }
.Lfunc_end2:
_tile_overlayer_lowered:
.L_overlay_start_2:
0x5b: {  	(tag) =	ssettag $0x2  }
0x5c: {  	s0 =	rddreg [dreg:$0x0];
	s2 =	stileid.u32  }
0x5d: {  	s1 =	rddreg [dreg:$0x1];
	p0 =	sne.s32 s2, $0x0  }
0x5e: {  	s3 =	rddreg [dreg:$0x2];
	[bflag:$0x3] =	sbarrier.arrive $0xFFFF;
	s2 =	simm.s32 @!p0 $0x1C01  }
0x5f: {  	[timem:s3], [sflag:s2] =	dma.local @!p0 [hbm:s0], s1  }
0x60: {  	s0 =	simm.s32 @!p0 $0x1  }
0x61: {  	_ =	swait.ge @!p0 [sflag:s0], s1  }
0x62: {  	s1 =	ssub.s32 @!p0 $0x0, s1;
	[sflag:s0] =	ssyncset.done @!p0 $0x0  }
0x63: {  	[sflag:s0] =	ssyncadd.s32 @!p0 s1  }
0x64: {  	[bflag:$0x3] =	sbarrier.arrive $0xFFFF  }
0x65: {  	_ =	shalt  }

// kernel: kernel.15.cloned.1.call-start
scs
__scs_entry_jumppad:
0x0: {  	(pc) =	sbr.rel $0x88, $3  }
0x1: {  	(tag) =	ssettag $0x0;
	lr =	simm.s32 $0x1  }
0x2: {  	[smem:$0x3F99] =	sst lr;
	_ =	strace $0xD0000000  }
0x3: {  	_ = 	snop  }
0x4: {  	_ = 	snop  }
0x5: {  	_ = 	snop  }
0x6: {  	_ = 	snop  }
0x7: {  	_ = 	snop  }
__scs_overlays_trampoline_lowered:
0x8: {  	[smem:$0x3FA8] =	sst s0  }
0x9: {  	[smem:$0x3FA9] =	sst s1  }
0xa: {  	[smem:$0x3FAA] =	sst s2  }
0xb: {  	[smem:$0x3FAB] =	sst s3  }
0xc: {  	[smem:$0x3FAC] =	sst s4  }
0xd: {  	[smem:$0x3FAD] =	sst s5  }
0xe: {  	[smem:$0x3FAE] =	sst s6  }
0xf: {  	[smem:$0x3FAF] =	sst s7  }
0x10: {  	[smem:$0x3FB0] =	sst s8  }
0x11: {  	[smem:$0x3FB1] =	sst s9;
	s0 =	simm.s32 @!p0 $0x0  }
0x12: {  	s1 =	sld [smem:$0x3F97];
	s0 =	simm.s32 @p0 $0x1  }
0x13: {  	[smem:$0x3FB2] =	sst s0;
	s0 =	simm.s32 @!p1 $0x0  }
0x14: {  	s2 =	sld [smem:$0x3F96];
	s0 =	simm.s32 @p1 $0x1  }
0x15: {  	[smem:$0x3FB3] =	sst s0;
	s0 =	simm.s32 @!p2 $0x0  }
0x16: {  	s3 =	sld [smem:$0x3FDB];
	s0 =	simm.s32 @p2 $0x1  }
0x17: {  	s4 =	simm.s32 $0x1BF5;
	[smem:$0x3FB5] =	sst s0  }
0x18: {  	s0 =	sld [smem:$0x3F98];
	_ =	swait.ge [sflag:s4], $0x0  }
0x19: {  	s7 =	sld [smem:$0x3F99]  }
0x1a: {  	s8 =	sadd.s32 $0xFFFFE003, lr  }
0x1b: {  	s9 =	sadd.s32 $0xFFFFFEF7, lr;
	s5 =	simm.s32 $0xFFFFFFFF;
	p2 =	slt.u32 s8, $0xFFFFF086  }
0x1c: {  	p1 =	slt.u32 s9, $0xF7A;
	s5 =	simm.s32 @!p2 $0x0  }
0x1d: {  	s5 =	simm.s32 @p1 $0x1;
	p0 =	seq.s32 s7, s2  }
0x1e: {  	s7 =	smul.u32 @!p0 $0xF7A, s2;
	p2 =	seq.s32 @!p0 s5, $0x0  }
0x1f: {  	s9 =	smul.u32 $0xF7A, s1;
	s8 =	simm.s32 @!p0 $0x1BF5;
	p2 =	por !p2, p0  }
0x20: {  	[sflag:s8] =	ssyncset.s32 @!p0 $0xFFFFF086;
	s6 =	sadd.s32 @!p0 s3, s7;
	s7 =	simm.s32 @!p0 $0x108  }
0x21: {  	s3 =	sadd.s32 s3, s9;
	s6 =	sadd.s32 @!p0 $0x88, s6;
	s7 =	simm.s32 @p2 $0x1082  }
0x22: {  	[simem:s7], [sflag:s8] =	dma.local @!p0 [hbm:s6], $0xF7A  }
0x23: {  	s9 =	sor.u32 $0xD0000000, s2;
	s6 =	simm.s32 $0x108;
	_ =	swait.ge @!p0 [sflag:s8], $0x0  }
0x24: {  	s3 =	sadd.s32 $0x88, s3;
	s6 =	simm.s32 @!p1 $0x1082;
	[sflag:s4] =	ssyncset.s32 $0xFFFFF086  }
0x25: {  	[simem:s6], [sflag:s4] =	dma.local [hbm:s3], $0xF7A  }
0x26: {  	[smem:$0x3F99] =	sst s1;
	(tag) =	ssettag s2;
	_ =	strace s9  }
0x27: {  	s1 =	sld [smem:$0x3FA9]  }
0x28: {  	s2 =	sld [smem:$0x3FAA]  }
0x29: {  	s4 =	sld [smem:$0x3FAC]  }
0x2a: {  	p0 =	seq.s32 s5, $0x0;
	s5 =	sld [smem:$0x3FAD]  }
0x2b: {  	s6 =	sld [smem:$0x3FAE]  }
0x2c: {  	s7 =	sld [smem:$0x3FAF]  }
0x2d: {  	s3 =	simm.s32 $0x108;
	s8 =	sld [smem:$0x3FB0]  }
0x2e: {  	s3 =	simm.s32 @!p0 $0x1082;
	s9 =	sld [smem:$0x3FB1]  }
0x2f: {  	lr =	sadd.s32 s0, s3;
	s0 =	sld [smem:$0x3FA8]  }
0x30: {  	s3 =	sld [smem:$0x3FAB]  }
0x31: {  	[smem:$0x3FB4] =	sst s10  }
0x32: {  	s10 =	sld [smem:$0x3FB2];
	_ =	sdelay $0x3  }
0x33: {  	p0 =	seq.s32 s10, $0x1;
	s10 =	sld [smem:$0x3FB4];
	_ =	sdelay $0x3  }
0x34: {  	[smem:$0x3FB4] =	sst s10  }
0x35: {  	s10 =	sld [smem:$0x3FB3];
	_ =	sdelay $0x3  }
0x36: {  	p1 =	seq.s32 s10, $0x1;
	s10 =	sld [smem:$0x3FB4];
	_ =	sdelay $0x3  }
0x37: {  	[smem:$0x3FB4] =	sst s10  }
0x38: {  	s10 =	sld [smem:$0x3FB5]  }
0x39: {  	_ = 	snop;
	(pc) =	sbr.ind lr, $3  }
0x3a: {  	_ = 	snop  }
0x3b: {  	_ = 	snop  }
0x3c: {  	p2 =	seq.s32 s10, $0x1;
	s10 =	sld [smem:$0x3FB4]  }
0x3d: {  	_ =	shalt  }
0x3e: {  	_ =	shalt  }
0x3f: {  	_ =	shalt  }
0x40: {  	_ =	shalt  }
0x41: {  	_ =	shalt  }
0x42: {  	_ =	shalt  }
0x43: {  	_ =	shalt  }
0x44: {  	_ =	shalt  }
0x45: {  	_ =	shalt  }
0x46: {  	_ =	shalt  }
0x47: {  	_ =	shalt  }
0x48: {  	_ =	shalt  }
0x49: {  	_ =	shalt  }
0x4a: {  	_ =	shalt  }
0x4b: {  	_ =	shalt  }
0x4c: {  	_ =	shalt  }
0x4d: {  	_ =	shalt  }
0x4e: {  	_ =	shalt  }
0x4f: {  	_ =	shalt  }
0x50: {  	_ =	shalt  }
0x51: {  	_ =	shalt  }
0x52: {  	_ =	shalt  }
0x53: {  	_ =	shalt  }
0x54: {  	_ =	shalt  }
0x55: {  	_ =	shalt  }
0x56: {  	_ =	shalt  }
0x57: {  	_ =	shalt  }
0x58: {  	_ =	shalt  }
0x59: {  	_ =	shalt  }
0x5a: {  	_ =	shalt  }
0x5b: {  	_ =	shalt  }
0x5c: {  	_ =	shalt  }
0x5d: {  	_ =	shalt  }
0x5e: {  	_ =	shalt  }
0x5f: {  	_ =	shalt  }
0x60: {  	_ =	shalt  }
0x61: {  	_ =	shalt  }
0x62: {  	_ =	shalt  }
0x63: {  	_ =	shalt  }
0x64: {  	_ =	shalt  }
0x65: {  	_ =	shalt  }
0x66: {  	_ =	shalt  }
0x67: {  	_ =	shalt  }
0x68: {  	_ =	shalt  }
0x69: {  	_ =	shalt  }
0x6a: {  	_ =	shalt  }
0x6b: {  	_ =	shalt  }
0x6c: {  	_ =	shalt  }
0x6d: {  	_ =	shalt  }
0x6e: {  	_ =	shalt  }
0x6f: {  	_ =	shalt  }
0x70: {  	_ =	shalt  }
0x71: {  	_ =	shalt  }
0x72: {  	_ =	shalt  }
0x73: {  	_ =	shalt  }
0x74: {  	_ =	shalt  }
0x75: {  	_ =	shalt  }
0x76: {  	_ =	shalt  }
0x77: {  	_ =	shalt  }
0x78: {  	_ =	shalt  }
0x79: {  	_ =	shalt  }
0x7a: {  	_ =	shalt  }
0x7b: {  	_ =	shalt  }
0x7c: {  	_ =	shalt  }
0x7d: {  	_ =	shalt  }
0x7e: {  	_ =	shalt  }
0x7f: {  	_ =	shalt  }
0x80: {  	_ =	shalt  }
0x81: {  	_ =	shalt  }
0x82: {  	_ =	shalt  }
0x83: {  	_ =	shalt  }
0x84: {  	_ =	shalt  }
0x85: {  	_ =	shalt  }
0x86: {  	_ =	shalt  }
0x87: {  	_ =	shalt  }
.Lfunc_end0:
.L_simem_size_0:
called_computation.1_lowered:
.L_overlay_start_0:
0x88: {  	s2 =	sld [smem:$0x3FD9]  }
0x89: {  	s3 =	sld [smem:$0x3FFE];
	_ =	sdelay $0x1  }
0x8a: {  	s1 =	srdreg.scid  }
0x8b: {  	s0 =	sand.u32 $0x1, s1  }
0x8c: {  	s17 =	sshll.u32 s0, $0xA;
	s2 =	sadd.s32 s3, s2  }
0x8d: {  	s2 =	sadd.s32 s2, s17  }
0x8e: {  	[smem:$0x3FC0] =	sst s2  }
0x8f: {  	_ = 	snop  }
0x90: {  	s2 =	sld [smem:$0x3FD0];
	(tm) =	ssettm $0x1  }
0x91: {  	s18 =	sld [smem:$0x3FFB];
	_ =	sdelay $0x3  }
0x92: {  	_ =	strace s18  }
0x93: {  	s3 =	sld [smem:$0x3FFC];
	_ =	sdelay $0x3  }
0x94: {  	_ =	strace s3  }
0x95: {  	s3 =	sld [smem:$0x3FFD];
	_ =	sdelay $0x3  }
0x96: {  	_ =	strace s3  }
0x97: {  	_ =	strace $0x8FFFFFFF  }
0x98: {  	s19 =	sld [smem:$0x3FDB];
	_ =	sdelay $0x1  }
0x99: {  	s4 =	simm.s32 $_scs_section_size  }
0x9a: {  	s5 =	simm.s32 $_size__tile_overlayer_lowered;
	s6 =	simm.s32 $_tile_overlayer_lowered  }
0x9b: {  	s22 =	simm.s32 $0x1BFF;
	s21 =	sshll.u32 s6, $0x1;
	s3 =	sadd.s32 s4, s19  }
0x9c: {  	s7 =	simm.s32 $0x0;
	s20 =	sshll.u32 s5, $0x1;
	s5 =	sadd.s32 s21, s3  }
0x9d: {  	[timem:s7], [sflag:s22] =	dma.local [hbm:s5], s20  }
0x9e: {  	_ =	swait.ge [sflag:s22], s20  }
0x9f: {  	s4 =	ssub.s32 $0x0, s20;
	[sflag:s22] =	ssyncset.done $0x0  }
0xa0: {  	[sflag:s22] =	ssyncadd.s32 s4;
	_ =	sdelay $0x1  }
0xa1: {  	s23 =	simm.s32 $0x1B8B  }
0xa2: {  	_ =	swait.ge [sflag:s23], $0x1  }
0xa3: {  	[sflag:s23] =	ssyncset.done $0x0  }
0xa4: {  	s25 =	simm.s32 $0x1B8E;
	s24 =	sld [smem:$0x3FFE];
	[sflag:s23] =	ssyncadd.s32 $0xFFFFFFFF  }
0xa5: {  	s26 =	simm.s32 $execute0_lowered;
	[smem:$0x3FD2] =	sst s25  }
0xa6: {  	s5 =	sshll.u32 s26, $0x1;
	_ =	strace $0x80000049;
	[dreg:$0x1] =	wrdreg $0xFFFFFFFF  }
0xa7: {  	s28 =	simm.s32 $_size_execute0_lowered;
	s3 =	sadd.s32 s3, s5;
	[dreg:$0x0] =	wrdreg $0x0  }
0xa8: {  	s5 =	sshll.u32 s28, $0x1;
	[dreg:$0x2] =	wrdreg s3  }
0xa9: {  	[dreg:$0x3] =	wrdreg s5  }
0xaa: {  	[dreg:$0x4] =	wrdreg $0xC0  }
0xab: {  	_ =	task [dreg:s7], $0x5FFFF  }
0xac: {  	[dreg:$0x1] =	wrdreg $0xFFFFFFFF  }
0xad: {  	[dreg:$0x0] =	wrdreg $0x60  }
0xae: {  	[dreg:$0x2] =	wrdreg s24  }
0xaf: {  	[dreg:$0x3] =	wrdreg s2  }
0xb0: {  	[dreg:$0x4] =	wrdreg $0x0  }
0xb1: {  	[dreg:$0x5] =	wrdreg $0x9  }
0xb2: {  	_ =	task.clear_ibuf [dreg:s7], $0x6FFFF;
	_ =	strace $0x90000049  }
0xb3: {  	s29 =	simm.s32 $0x9;
	_ =	strace $0x8000004B  }
0xb4: {  	_ =	swait.ge [sflag:s29], $0x1  }
0xb5: {  	[sflag:s29] =	ssyncadd.s32 $0xFFFFFFFF  }
0xb6: {  	_ =	strace $0x9000004B  }
0xb7: {  	_ =	sfence  }
0xb8: {  	s30 =	sld [smem:$0x0];
	_ =	sdelay $0x2  }
0xb9: {  	s31 =	sshll.u32 s1, $0xD;
	s1 =	sshrl.u32 s1, $0x2  }
0xba: {  	s3 =	sand.u32 $0x4000, s31;
	s1 =	sadd.s32 s1, s30  }
0xbb: {  	s0 =	sor.u32 s3, s0;
	s1 =	sshll.u32 s1, $0x11  }
0xbc: {  	s0 =	sor.u32 s1, s0  }
0xbd: {  	s0 =	sadd.s32 $0x8F2B, s0  }
0xbe: {  	[sflag:s0] =	ssyncadd.remote.s32 $0x1  }
0xbf: {  	_ =	sfence.sel $0xFFFF  }
0xc0: {  	[dreg:$0x0] =	wrdreg $0xFFFFFFFF;
	(pc) =	sbr.abs _section_cstart, $3  }
0xc1: {  	[dreg:$0x1] =	wrdreg $0xFFFFFFFF  }
0xc2: {  	_ =	task.clear_ibuf [dreg:s7], $0x2FFFF;
	_ =	strace $0x9FFFFFFF  }
0xc3: {  	(tm) =	ssettm $0x7FFFFFFF  }
tec
execute0_lowered:
.L_overlay_start_1:
0x0: {  	(tag) =	ssettag $0x1  }
0x1: {  	s0 =	rddreg [dreg:$0x0]  }
0x2: {  	s1 =	rddreg [dreg:$0x1]  }
0x3: {  	s2 =	rddreg [dreg:$0x2]  }
0x4: {  	s4 =	srdreg.scid;
	s5 =	simm.s32 $0x0;
	s3 =	stileid.u32  }
0x5: {  	s16 =	simm.s32 $0x14000;
	s17 =	simm.s32 $0x5;
	s19 =	simm.s32 $0x16800  }
0x6: {  	s20 =	simm.s32 $0x80;
	s21 =	simm.s32 $0x14080;
	s22 =	simm.s32 $0x1A800  }
0x7: {  	s23 =	simm.s32 $0x1;
	s24 =	simm.s32 $0x2;
	s25 =	simm.s32 $0x3  }
0x8: {  	s28 =	simm.s32 $0x16700;
	s29 =	simm.s32 $0x16780;
	s30 =	simm.s32 $0x0  }
0x9: {  	s6 =	sand.u32 $0x1, s4;
	[smem:$0x7FF] =	sst s5;
	s9 =	smul.u32 $0x14000, s3  }
0xa: {  	s26 =	sshll.u32 s3, $0x1;
	s4 =	sadd.s32 $0x30400, s0;
	s31 =	smul.u32 $0x50000, s3  }
0xb: {  	s5 =	sadd.s32 $0x57600, s0;
	s7 =	smul.u32 $0x140000, s6;
	s8 =	sor.u32 s6, s26  }
0xc: {  	_ =	strace $0x8000004A;
	s6 =	ssub.s32 $0x2, s6;
	s8 =	smul.u32 $0x280, s8  }
0xd: {  	s26 =	simm.s32 $0x4;
	s11 =	sshrl.u32 s6, $0x1;
	s7 =	sadd.s32 s9, s7  }
0xe: {  	s15 =	ssub.s32 s6, s11;
	s9 =	sshrl.u32 s31, $0x2;
	s10 =	sadd.s32 s8, s0  }
0xf: {  	s7 =	sshrl.u32 s7, $0x3;
	s6 =	sadd.s32 s1, s8;
	s8 =	sadd.s32 s9, s2  }
0x10: {  	s15 =	smax.u32 s15, $0x1;
	s0 =	sadd.s32 s7, s0;
	s7 =	sadd.s32 $0x4200, s10  }
0x11: {  	s9 =	sadd.s32 $0x4000, s8;
	s10 =	sadd.s32 $0x8000, s8;
	s11 =	sadd.s32 $0xC000, s8  }
0x12: {  	v0 =	vimm.f32 $0.0e+00;
	s12 =	sadd.s32 $0x10000, s8;
	s13 =	sadd.s32 $0x7E800, s0;
	s14 =	sadd.s32 $0xCE800, s0  }
.LBB2_1:
0x13: {  	s0 =	simm.s32 $0x0  }
0x14: {  	[tilespmem:s16], [sflag:$0x5] =	stream.linear.gather [hbm4b:s6+s0], $0x1400, $0x38;
	[tilespmem:$0x1E800] =	vst v63  }
0x15: {  	_ =	swait.ge [sflag:s17], $0x1400  }
0x16: {  	[sflag:s17] =	ssyncset.done $0x0  }
0x17: {  	s1 =	simm.s32 $0x15400;
	[sflag:s17] =	ssyncadd.s32 $0xFFFFEC00  }
0x18: {  	[tilespmem:s1], [sflag:$0x5] =	stream.linear.gather [hbm4b:s7+s0], $0x1400, $0x38;
	[tilespmem:$0x1E800] =	vst v63  }
0x19: {  	_ =	swait.ge [sflag:s17], $0x1400  }
0x1a: {  	[sflag:s17] =	ssyncset.done $0x0  }
0x1b: {  	s18 =	simm.s32 $0x200;
	s0 =	simm.s32 $0x0;
	[sflag:s17] =	ssyncadd.s32 $0xFFFFEC00  }
.LBB2_2:
0x1c: {  	p0 =	sne.s32 s18, $0xFE00;
	[tilespmem:s0+$0x16870] =	vst v0  }
0x1d: {  	[tilespmem:s0+$0x16800] =	vst v0  }
0x1e: {  	[tilespmem:s0+$0x16810] =	vst v0  }
.Ltmp0:
0x1f: {  	[tilespmem:s0+$0x16820] =	vst v0;
	(pc) =	sbr.rel @p0 .LBB2_2-.Ltmp0, $4  }
0x20: {  	[tilespmem:s0+$0x16830] =	vst v0  }
0x21: {  	[tilespmem:s0+$0x16840] =	vst v0  }
0x22: {  	[tilespmem:s0+$0x16850] =	vst v0  }
0x23: {  	[tilespmem:s0+$0x16860] =	vst v0;
	s0 =	sshra.s32 s18, $0x2;
	s18 =	sadd.s32 $0x200, s18  }
0x24: {  	[tilespmem:s0+$0x16870] =	vst v0  }
0x25: {  	[tilespmem:s0+$0x16800] =	vst v0  }
0x26: {  	[tilespmem:s0+$0x16810] =	vst v0  }
0x27: {  	[tilespmem:s0+$0x16820] =	vst v0  }
0x28: {  	[tilespmem:s0+$0x16830] =	vst v0  }
0x29: {  	[tilespmem:s0+$0x16840] =	vst v0  }
0x2a: {  	[tilespmem:s0+$0x16850] =	vst v0  }
0x2b: {  	[tilespmem:s0+$0x16860] =	vst v0  }
0x2c: {  	[spmem:s8] =	stream.linear.scatter [tilespmem:s19], [sflag:$0x5], $0x4000, $0x38;
	[tilespmem:$0x1E800] =	vst v63  }
0x2d: {  	_ =	swait.ge [sflag:s17], $0x4000  }
0x2e: {  	[sflag:s17] =	ssyncset.done $0x0  }
0x2f: {  	[sflag:s17] =	ssyncadd.s32 $0xFFFFC000  }
0x30: {  	[spmem:s9] =	stream.linear.scatter [tilespmem:s19], [sflag:$0x5], $0x4000, $0x38;
	[tilespmem:$0x1E800] =	vst v63  }
0x31: {  	_ =	swait.ge [sflag:s17], $0x4000  }
0x32: {  	[sflag:s17] =	ssyncset.done $0x0  }
0x33: {  	[sflag:s17] =	ssyncadd.s32 $0xFFFFC000  }
0x34: {  	[spmem:s10] =	stream.linear.scatter [tilespmem:s19], [sflag:$0x5], $0x4000, $0x38;
	[tilespmem:$0x1E800] =	vst v63  }
0x35: {  	_ =	swait.ge [sflag:s17], $0x4000  }
0x36: {  	[sflag:s17] =	ssyncset.done $0x0  }
0x37: {  	[sflag:s17] =	ssyncadd.s32 $0xFFFFC000  }
0x38: {  	[spmem:s11] =	stream.linear.scatter [tilespmem:s19], [sflag:$0x5], $0x4000, $0x38;
	[tilespmem:$0x1E800] =	vst v63  }
0x39: {  	_ =	swait.ge [sflag:s17], $0x4000  }
0x3a: {  	[sflag:s17] =	ssyncset.done $0x0  }
0x3b: {  	[sflag:s17] =	ssyncadd.s32 $0xFFFFC000  }
0x3c: {  	[spmem:s12] =	stream.linear.scatter [tilespmem:s19], [sflag:$0x5], $0x4000, $0x38;
	[tilespmem:$0x1E800] =	vst v63  }
0x3d: {  	_ =	swait.ge [sflag:s17], $0x4000  }
0x3e: {  	[sflag:s17] =	ssyncset.done $0x0  }
0x3f: {  	[sflag:s17] =	ssyncadd.s32 $0xFFFFC000  }
0x40: {  	[bflag:$0x0] =	sbarrier.arrive $0xFFFF  }
0x41: {  	[tilespmem:s19], [sflag:$0x1] =	stream.indirect.gather [hbm4b:s4+s20], $0x80, s16, s20, $0xb8;
	[tilespmem:$0x1E800] =	vst v63  }
0x42: {  	_ = 	snop  }
0x43: {  	[tilespmem:s22], [sflag:$0x2] =	stream.indirect.gather [hbm4b:s4+s20], $0x80, s21, s20, $0xb8;
	[tilespmem:$0x1E800] =	vst v63  }
0x44: {  	_ =	swait.ge [sflag:s23], $0x4000  }
0x45: {  	[sflag:s23] =	ssyncset.done $0x0  }
0x46: {  	s3 =	simm.s32 $0x15400;
	[sflag:s23] =	ssyncadd.s32 $0xFFFFC000  }
0x47: {  	[spmem:s2] =	stream.indirect.scatter.add.f32 [tilespmem:s19], [sflag:$0x3], $0x80, s3, s20, $0xb8;
	[tilespmem:$0x1E800] =	vst v63  }
0x48: {  	_ =	swait.ge [sflag:s24], $0x4000  }
0x49: {  	[sflag:s24] =	ssyncset.done $0x0  }
0x4a: {  	s18 =	simm.s32 $0x15480;
	[sflag:s24] =	ssyncadd.s32 $0xFFFFC000  }
0x4b: {  	[spmem:s2] =	stream.indirect.scatter.add.f32 [tilespmem:s22], [sflag:$0x4], $0x80, s18, s20, $0xb8;
	[tilespmem:$0x1E800] =	vst v63  }
0x4c: {  	_ =	swait.ge [sflag:s25], $0x4000  }
0x4d: {  	[sflag:s25] =	ssyncset.done $0x0  }
0x4e: {  	s31 =	simm.s32 $0x14100;
	[sflag:s25] =	ssyncadd.s32 $0xFFFFC000  }
0x4f: {  	[tilespmem:s19], [sflag:$0x1] =	stream.indirect.gather [hbm4b:s4+s20], $0x80, s31, s20, $0xb8;
	[tilespmem:$0x1E800] =	vst v63  }
0x50: {  	_ =	swait.ge [sflag:s26], $0x4000  }
0x51: {  	[sflag:s26] =	ssyncset.done $0x0  }
0x52: {  	s0 =	simm.s32 $0x400;
	s1 =	simm.s32 $0x14180;
	[sflag:s26] =	ssyncadd.s32 $0xFFFFC000  }
.LBB2_4:
0x53: {  	[tilespmem:s22], [sflag:$0x2] =	stream.indirect.gather [hbm4b:s4+s20], $0x80, s1, s20, $0xb8;
	[tilespmem:$0x1E800] =	vst v63  }
0x54: {  	s1 =	smov.u32 s0  }
0x55: {  	p0 =	sne.s32 s0, $0x4800;
	s0 =	sadd.s32 $0x400, s0;
	_ =	swait.ge [sflag:s23], $0x4000  }
0x56: {  	s1 =	sshra.s32 s1, $0x2;
	[sflag:s23] =	ssyncset.done $0x0  }
0x57: {  	s18 =	sadd.s32 $0x15400, s1;
	[sflag:s23] =	ssyncadd.s32 $0xFFFFC000  }
0x58: {  	[spmem:s2] =	stream.indirect.scatter.add.f32 [tilespmem:s19], [sflag:$0x3], $0x80, s18, s20, $0xb8;
	[tilespmem:$0x1E800] =	vst v63  }
0x59: {  	_ =	swait.ge [sflag:s24], $0x4000  }
0x5a: {  	[sflag:s24] =	ssyncset.done $0x0  }
0x5b: {  	s18 =	sadd.s32 $0x15480, s1;
	[sflag:s24] =	ssyncadd.s32 $0xFFFFC000  }
0x5c: {  	[spmem:s2] =	stream.indirect.scatter.add.f32 [tilespmem:s22], [sflag:$0x4], $0x80, s18, s20, $0xb8;
	[tilespmem:$0x1E800] =	vst v63  }
0x5d: {  	_ =	swait.ge [sflag:s25], $0x4000  }
0x5e: {  	[sflag:s25] =	ssyncset.done $0x0  }
.Ltmp1:
0x5f: {  	s18 =	sadd.s32 $0x14100, s1;
	[sflag:s25] =	ssyncadd.s32 $0xFFFFC000;
	(pc) =	sbr.rel @p0 .LBB2_4-.Ltmp1, $4  }
0x60: {  	[tilespmem:s19], [sflag:$0x1] =	stream.indirect.gather [hbm4b:s4+s20], $0x80, s18, s20, $0xb8;
	[tilespmem:$0x1E800] =	vst v63  }
0x61: {  	_ =	swait.ge [sflag:s26], $0x4000  }
0x62: {  	[sflag:s26] =	ssyncset.done $0x0  }
0x63: {  	s1 =	sadd.s32 $0x14180, s1;
	[sflag:s26] =	ssyncadd.s32 $0xFFFFC000  }
0x64: {  	[tilespmem:s22], [sflag:$0x2] =	stream.indirect.gather [hbm4b:s4+s20], $0x80, s1, s20, $0xb8;
	[tilespmem:$0x1E800] =	vst v63  }
0x65: {  	_ =	swait.ge [sflag:s23], $0x4000  }
0x66: {  	[sflag:s23] =	ssyncset.done $0x0  }
0x67: {  	[sflag:s23] =	ssyncadd.s32 $0xFFFFC000  }
0x68: {  	[spmem:s2] =	stream.indirect.scatter.add.f32 [tilespmem:s19], [sflag:$0x3], $0x80, s28, s20, $0xb8;
	[tilespmem:$0x1E800] =	vst v63  }
0x69: {  	_ =	swait.ge [sflag:s24], $0x4000  }
0x6a: {  	[sflag:s24] =	ssyncset.done $0x0  }
0x6b: {  	[sflag:s24] =	ssyncadd.s32 $0xFFFFC000  }
0x6c: {  	[spmem:s2] =	stream.indirect.scatter.add.f32 [tilespmem:s22], [sflag:$0x4], $0x80, s29, s20, $0xb8;
	[tilespmem:$0x1E800] =	vst v63  }
0x6d: {  	_ =	swait.ge [sflag:s25], $0x4000  }
0x6e: {  	[sflag:s25] =	ssyncset.done $0x0  }
0x6f: {  	[sflag:s25] =	ssyncadd.s32 $0xFFFFC000  }
0x70: {  	_ =	swait.ge [sflag:s26], $0x4000  }
0x71: {  	s0 =	stileid.u32;
	[sflag:s26] =	ssyncset.done $0x0  }
0x72: {  	s0 =	sshll.u32 s0, $0x6;
	[sflag:s26] =	ssyncadd.s32 $0xFFFFC000  }
0x73: {  	s31 =	sor.u32 $0x1C05, s0;
	s0 =	sshrl.u32 s8, $0x3;
	[bflag:$0x0] =	sbarrier.arrive $0xFFFF  }
0x74: {  	[hbm:s13], [sflag:s31] =	dma.local [spmem:s0], $0x2800  }
0x75: {  	_ =	swait.ge [sflag:s17], $0x2800  }
0x76: {  	[sflag:s17] =	ssyncset.done $0x0  }
0x77: {  	s18 =	simm.s32 $0x0;
	s1 =	simm.s32 $0x200;
	[sflag:s17] =	ssyncadd.s32 $0xFFFFD800  }
.LBB2_6:
0x78: {  	p0 =	sne.s32 s1, $0xFE00;
	[tilespmem:s18+$0x16870] =	vst v0  }
0x79: {  	[tilespmem:s18+$0x16800] =	vst v0  }
0x7a: {  	[tilespmem:s18+$0x16810] =	vst v0  }
.Ltmp2:
0x7b: {  	[tilespmem:s18+$0x16820] =	vst v0;
	(pc) =	sbr.rel @p0 .LBB2_6-.Ltmp2, $4  }
0x7c: {  	[tilespmem:s18+$0x16830] =	vst v0  }
0x7d: {  	[tilespmem:s18+$0x16840] =	vst v0  }
0x7e: {  	[tilespmem:s18+$0x16850] =	vst v0  }
0x7f: {  	[tilespmem:s18+$0x16860] =	vst v0;
	s18 =	sshra.s32 s1, $0x2;
	s1 =	sadd.s32 $0x200, s1  }
0x80: {  	[tilespmem:s18+$0x16870] =	vst v0  }
0x81: {  	[tilespmem:s18+$0x16800] =	vst v0  }
0x82: {  	[tilespmem:s18+$0x16810] =	vst v0  }
0x83: {  	[tilespmem:s18+$0x16820] =	vst v0  }
0x84: {  	[tilespmem:s18+$0x16830] =	vst v0  }
0x85: {  	[tilespmem:s18+$0x16840] =	vst v0  }
0x86: {  	[tilespmem:s18+$0x16850] =	vst v0  }
0x87: {  	[tilespmem:s18+$0x16860] =	vst v0  }
0x88: {  	[spmem:s8] =	stream.linear.scatter [tilespmem:s19], [sflag:$0x5], $0x4000, $0x38;
	[tilespmem:$0x1E800] =	vst v63  }
0x89: {  	_ =	swait.ge [sflag:s17], $0x4000  }
0x8a: {  	[sflag:s17] =	ssyncset.done $0x0  }
0x8b: {  	[sflag:s17] =	ssyncadd.s32 $0xFFFFC000  }
0x8c: {  	[spmem:s9] =	stream.linear.scatter [tilespmem:s19], [sflag:$0x5], $0x4000, $0x38;
	[tilespmem:$0x1E800] =	vst v63  }
0x8d: {  	_ =	swait.ge [sflag:s17], $0x4000  }
0x8e: {  	[sflag:s17] =	ssyncset.done $0x0  }
0x8f: {  	[sflag:s17] =	ssyncadd.s32 $0xFFFFC000  }
0x90: {  	[spmem:s10] =	stream.linear.scatter [tilespmem:s19], [sflag:$0x5], $0x4000, $0x38;
	[tilespmem:$0x1E800] =	vst v63  }
0x91: {  	_ =	swait.ge [sflag:s17], $0x4000  }
0x92: {  	[sflag:s17] =	ssyncset.done $0x0  }
0x93: {  	[sflag:s17] =	ssyncadd.s32 $0xFFFFC000  }
0x94: {  	[spmem:s11] =	stream.linear.scatter [tilespmem:s19], [sflag:$0x5], $0x4000, $0x38;
	[tilespmem:$0x1E800] =	vst v63  }
0x95: {  	_ =	swait.ge [sflag:s17], $0x4000  }
0x96: {  	[sflag:s17] =	ssyncset.done $0x0  }
0x97: {  	[sflag:s17] =	ssyncadd.s32 $0xFFFFC000  }
0x98: {  	[spmem:s12] =	stream.linear.scatter [tilespmem:s19], [sflag:$0x5], $0x4000, $0x38;
	[tilespmem:$0x1E800] =	vst v63  }
0x99: {  	_ =	swait.ge [sflag:s17], $0x4000  }
0x9a: {  	[sflag:s17] =	ssyncset.done $0x0  }
0x9b: {  	[sflag:s17] =	ssyncadd.s32 $0xFFFFC000  }
0x9c: {  	[bflag:$0x0] =	sbarrier.arrive $0xFFFF  }
0x9d: {  	[tilespmem:s19], [sflag:$0x1] =	stream.indirect.gather [hbm4b:s5+s20], $0x80, s16, s20, $0xb8;
	[tilespmem:$0x1E800] =	vst v63  }
0x9e: {  	_ = 	snop  }
0x9f: {  	[tilespmem:s22], [sflag:$0x2] =	stream.indirect.gather [hbm4b:s5+s20], $0x80, s21, s20, $0xb8;
	[tilespmem:$0x1E800] =	vst v63  }
0xa0: {  	_ =	swait.ge [sflag:s23], $0x4000  }
0xa1: {  	[sflag:s23] =	ssyncset.done $0x0  }
0xa2: {  	s1 =	simm.s32 $0x15400;
	[sflag:s23] =	ssyncadd.s32 $0xFFFFC000  }
0xa3: {  	[spmem:s2] =	stream.indirect.scatter.add.f32 [tilespmem:s19], [sflag:$0x3], $0x80, s1, s20, $0xb8;
	[tilespmem:$0x1E800] =	vst v63  }
0xa4: {  	_ =	swait.ge [sflag:s24], $0x4000  }
0xa5: {  	[sflag:s24] =	ssyncset.done $0x0  }
0xa6: {  	s3 =	simm.s32 $0x15480;
	[sflag:s24] =	ssyncadd.s32 $0xFFFFC000  }
0xa7: {  	[spmem:s2] =	stream.indirect.scatter.add.f32 [tilespmem:s22], [sflag:$0x4], $0x80, s3, s20, $0xb8;
	[tilespmem:$0x1E800] =	vst v63  }
0xa8: {  	_ =	swait.ge [sflag:s25], $0x4000  }
0xa9: {  	[sflag:s25] =	ssyncset.done $0x0  }
0xaa: {  	s18 =	simm.s32 $0x14100;
	[sflag:s25] =	ssyncadd.s32 $0xFFFFC000  }
0xab: {  	[tilespmem:s19], [sflag:$0x1] =	stream.indirect.gather [hbm4b:s5+s20], $0x80, s18, s20, $0xb8;
	[tilespmem:$0x1E800] =	vst v63  }
0xac: {  	_ =	swait.ge [sflag:s26], $0x4000  }
0xad: {  	[sflag:s26] =	ssyncset.done $0x0  }
0xae: {  	s1 =	simm.s32 $0x14180;
	s18 =	simm.s32 $0x400;
	[sflag:s26] =	ssyncadd.s32 $0xFFFFC000  }
.LBB2_8:
0xaf: {  	[tilespmem:s22], [sflag:$0x2] =	stream.indirect.gather [hbm4b:s5+s20], $0x80, s1, s20, $0xb8;
	[tilespmem:$0x1E800] =	vst v63  }
0xb0: {  	s1 =	smov.u32 s18  }
0xb1: {  	p0 =	sne.s32 s18, $0x4800;
	s18 =	sadd.s32 $0x400, s18;
	_ =	swait.ge [sflag:s23], $0x4000  }
0xb2: {  	s1 =	sshra.s32 s1, $0x2;
	[sflag:s23] =	ssyncset.done $0x0  }
0xb3: {  	s3 =	sadd.s32 $0x15400, s1;
	[sflag:s23] =	ssyncadd.s32 $0xFFFFC000  }
0xb4: {  	[spmem:s2] =	stream.indirect.scatter.add.f32 [tilespmem:s19], [sflag:$0x3], $0x80, s3, s20, $0xb8;
	[tilespmem:$0x1E800] =	vst v63  }
0xb5: {  	_ =	swait.ge [sflag:s24], $0x4000  }
0xb6: {  	[sflag:s24] =	ssyncset.done $0x0  }
0xb7: {  	s3 =	sadd.s32 $0x15480, s1;
	[sflag:s24] =	ssyncadd.s32 $0xFFFFC000  }
0xb8: {  	[spmem:s2] =	stream.indirect.scatter.add.f32 [tilespmem:s22], [sflag:$0x4], $0x80, s3, s20, $0xb8;
	[tilespmem:$0x1E800] =	vst v63  }
0xb9: {  	_ =	swait.ge [sflag:s25], $0x4000  }
0xba: {  	[sflag:s25] =	ssyncset.done $0x0  }
.Ltmp3:
0xbb: {  	s3 =	sadd.s32 $0x14100, s1;
	[sflag:s25] =	ssyncadd.s32 $0xFFFFC000;
	(pc) =	sbr.rel @p0 .LBB2_8-.Ltmp3, $4  }
0xbc: {  	[tilespmem:s19], [sflag:$0x1] =	stream.indirect.gather [hbm4b:s5+s20], $0x80, s3, s20, $0xb8;
	[tilespmem:$0x1E800] =	vst v63  }
0xbd: {  	_ =	swait.ge [sflag:s26], $0x4000  }
0xbe: {  	[sflag:s26] =	ssyncset.done $0x0  }
0xbf: {  	s1 =	sadd.s32 $0x14180, s1;
	[sflag:s26] =	ssyncadd.s32 $0xFFFFC000  }
0xc0: {  	[tilespmem:s22], [sflag:$0x2] =	stream.indirect.gather [hbm4b:s5+s20], $0x80, s1, s20, $0xb8;
	[tilespmem:$0x1E800] =	vst v63  }
0xc1: {  	_ =	swait.ge [sflag:s23], $0x4000  }
0xc2: {  	[sflag:s23] =	ssyncset.done $0x0  }
0xc3: {  	[sflag:s23] =	ssyncadd.s32 $0xFFFFC000  }
0xc4: {  	[spmem:s2] =	stream.indirect.scatter.add.f32 [tilespmem:s19], [sflag:$0x3], $0x80, s28, s20, $0xb8;
	[tilespmem:$0x1E800] =	vst v63  }
0xc5: {  	_ =	swait.ge [sflag:s24], $0x4000  }
0xc6: {  	[sflag:s24] =	ssyncset.done $0x0  }
0xc7: {  	[sflag:s24] =	ssyncadd.s32 $0xFFFFC000  }
0xc8: {  	[spmem:s2] =	stream.indirect.scatter.add.f32 [tilespmem:s22], [sflag:$0x4], $0x80, s29, s20, $0xb8;
	[tilespmem:$0x1E800] =	vst v63  }
0xc9: {  	_ =	swait.ge [sflag:s25], $0x4000  }
0xca: {  	[sflag:s25] =	ssyncset.done $0x0  }
0xcb: {  	[sflag:s25] =	ssyncadd.s32 $0xFFFFC000  }
0xcc: {  	_ =	swait.ge [sflag:s26], $0x4000  }
0xcd: {  	s30 =	sadd.s32 $0x1, s30;
	[sflag:s26] =	ssyncset.done $0x0  }
0xce: {  	p0 =	sne.s32 s30, s15;
	[sflag:s26] =	ssyncadd.s32 $0xFFFFC000  }
.Ltmp4:
0xcf: {  	[bflag:$0x0] =	sbarrier.arrive $0xFFFF;
	(pc) =	sbr.rel @p0 .LBB2_1-.Ltmp4, $4  }
0xd0: {  	[hbm:s14], [sflag:s31] =	dma.local [spmem:s0], $0x2800  }
0xd1: {  	_ =	swait.ge [sflag:s17], $0x2800  }
0xd2: {  	[sflag:s17] =	ssyncset.done $0x0  }
0xd3: {  	[sflag:s17] =	ssyncadd.s32 $0xFFFFD800  }
0xd4: {  	_ =	sfence.sel $0x180000  }
0xd5: {  	[bflag:$0x0] =	sbarrier.arrive $0xFFFF  }
0xd6: {  	_ =	strace $0x9000004A  }
0xd7: {  	s0 =	stileid.u32;
	[bflag:$0x2] =	sbarrier.arrive $0xFFFF  }
0xd8: {  	p0 =	sne.s32 s0, $0x0;
	s0 =	rddreg [dreg:$0x3]  }
0xd9: {  	s0 =	sadd.s32 @!p0 $0x100000, s0  }
0xda: {  	[sflag:s0] =	ssyncadd.tile.s32 @!p0 $0x1;
	_ =	shalt  }
.Lfunc_end2:
_tile_overlayer_lowered:
.L_overlay_start_2:
0xdb: {  	(tag) =	ssettag $0x2  }
0xdc: {  	s0 =	rddreg [dreg:$0x0];
	s2 =	stileid.u32  }
0xdd: {  	s1 =	rddreg [dreg:$0x1];
	p0 =	sne.s32 s2, $0x0  }
0xde: {  	s3 =	rddreg [dreg:$0x2];
	[bflag:$0x3] =	sbarrier.arrive $0xFFFF;
	s2 =	simm.s32 @!p0 $0x1C05  }
0xdf: {  	[timem:s3], [sflag:s2] =	dma.local @!p0 [hbm:s0], s1  }
0xe0: {  	s0 =	simm.s32 @!p0 $0x5  }
0xe1: {  	_ =	swait.ge @!p0 [sflag:s0], s1  }
0xe2: {  	s1 =	ssub.s32 @!p0 $0x0, s1;
	[sflag:s0] =	ssyncset.done @!p0 $0x0  }
0xe3: {  	[sflag:s0] =	ssyncadd.s32 @!p0 s1  }
0xe4: {  	[bflag:$0x3] =	sbarrier.arrive $0xFFFF  }
0xe5: {  	_ =	shalt  }

// kernel: kernel.18.cloned.1.call-start
scs
__scs_entry_jumppad:
0x0: {  	(pc) =	sbr.rel $0x88, $3  }
0x1: {  	(tag) =	ssettag $0x0;
	lr =	simm.s32 $0x1  }
0x2: {  	[smem:$0x3F99] =	sst lr;
	_ =	strace $0xD0000000  }
0x3: {  	_ = 	snop  }
0x4: {  	_ = 	snop  }
0x5: {  	_ = 	snop  }
0x6: {  	_ = 	snop  }
0x7: {  	_ = 	snop  }
__scs_overlays_trampoline_lowered:
0x8: {  	[smem:$0x3FA8] =	sst s0  }
0x9: {  	[smem:$0x3FA9] =	sst s1  }
0xa: {  	[smem:$0x3FAA] =	sst s2  }
0xb: {  	[smem:$0x3FAB] =	sst s3  }
0xc: {  	[smem:$0x3FAC] =	sst s4  }
0xd: {  	[smem:$0x3FAD] =	sst s5  }
0xe: {  	[smem:$0x3FAE] =	sst s6  }
0xf: {  	[smem:$0x3FAF] =	sst s7  }
0x10: {  	[smem:$0x3FB0] =	sst s8  }
0x11: {  	[smem:$0x3FB1] =	sst s9;
	s0 =	simm.s32 @!p0 $0x0  }
0x12: {  	s1 =	sld [smem:$0x3F97];
	s0 =	simm.s32 @p0 $0x1  }
0x13: {  	[smem:$0x3FB2] =	sst s0;
	s0 =	simm.s32 @!p1 $0x0  }
0x14: {  	s2 =	sld [smem:$0x3F96];
	s0 =	simm.s32 @p1 $0x1  }
0x15: {  	[smem:$0x3FB3] =	sst s0;
	s0 =	simm.s32 @!p2 $0x0  }
0x16: {  	s3 =	sld [smem:$0x3FDB];
	s0 =	simm.s32 @p2 $0x1  }
0x17: {  	s4 =	simm.s32 $0x1BF5;
	[smem:$0x3FB5] =	sst s0  }
0x18: {  	s0 =	sld [smem:$0x3F98];
	_ =	swait.ge [sflag:s4], $0x0  }
0x19: {  	s7 =	sld [smem:$0x3F99]  }
0x1a: {  	s8 =	sadd.s32 $0xFFFFE003, lr  }
0x1b: {  	s9 =	sadd.s32 $0xFFFFFEF7, lr;
	s5 =	simm.s32 $0xFFFFFFFF;
	p2 =	slt.u32 s8, $0xFFFFF086  }
0x1c: {  	p1 =	slt.u32 s9, $0xF7A;
	s5 =	simm.s32 @!p2 $0x0  }
0x1d: {  	s5 =	simm.s32 @p1 $0x1;
	p0 =	seq.s32 s7, s2  }
0x1e: {  	s7 =	smul.u32 @!p0 $0xF7A, s2;
	p2 =	seq.s32 @!p0 s5, $0x0  }
0x1f: {  	s9 =	smul.u32 $0xF7A, s1;
	s8 =	simm.s32 @!p0 $0x1BF5;
	p2 =	por !p2, p0  }
0x20: {  	[sflag:s8] =	ssyncset.s32 @!p0 $0xFFFFF086;
	s6 =	sadd.s32 @!p0 s3, s7;
	s7 =	simm.s32 @!p0 $0x108  }
0x21: {  	s3 =	sadd.s32 s3, s9;
	s6 =	sadd.s32 @!p0 $0x88, s6;
	s7 =	simm.s32 @p2 $0x1082  }
0x22: {  	[simem:s7], [sflag:s8] =	dma.local @!p0 [hbm:s6], $0xF7A  }
0x23: {  	s9 =	sor.u32 $0xD0000000, s2;
	s6 =	simm.s32 $0x108;
	_ =	swait.ge @!p0 [sflag:s8], $0x0  }
0x24: {  	s3 =	sadd.s32 $0x88, s3;
	s6 =	simm.s32 @!p1 $0x1082;
	[sflag:s4] =	ssyncset.s32 $0xFFFFF086  }
0x25: {  	[simem:s6], [sflag:s4] =	dma.local [hbm:s3], $0xF7A  }
0x26: {  	[smem:$0x3F99] =	sst s1;
	(tag) =	ssettag s2;
	_ =	strace s9  }
0x27: {  	s1 =	sld [smem:$0x3FA9]  }
0x28: {  	s2 =	sld [smem:$0x3FAA]  }
0x29: {  	s4 =	sld [smem:$0x3FAC]  }
0x2a: {  	p0 =	seq.s32 s5, $0x0;
	s5 =	sld [smem:$0x3FAD]  }
0x2b: {  	s6 =	sld [smem:$0x3FAE]  }
0x2c: {  	s7 =	sld [smem:$0x3FAF]  }
0x2d: {  	s3 =	simm.s32 $0x108;
	s8 =	sld [smem:$0x3FB0]  }
0x2e: {  	s3 =	simm.s32 @!p0 $0x1082;
	s9 =	sld [smem:$0x3FB1]  }
0x2f: {  	lr =	sadd.s32 s0, s3;
	s0 =	sld [smem:$0x3FA8]  }
0x30: {  	s3 =	sld [smem:$0x3FAB]  }
0x31: {  	[smem:$0x3FB4] =	sst s10  }
0x32: {  	s10 =	sld [smem:$0x3FB2];
	_ =	sdelay $0x3  }
0x33: {  	p0 =	seq.s32 s10, $0x1;
	s10 =	sld [smem:$0x3FB4];
	_ =	sdelay $0x3  }
0x34: {  	[smem:$0x3FB4] =	sst s10  }
0x35: {  	s10 =	sld [smem:$0x3FB3];
	_ =	sdelay $0x3  }
0x36: {  	p1 =	seq.s32 s10, $0x1;
	s10 =	sld [smem:$0x3FB4];
	_ =	sdelay $0x3  }
0x37: {  	[smem:$0x3FB4] =	sst s10  }
0x38: {  	s10 =	sld [smem:$0x3FB5]  }
0x39: {  	_ = 	snop;
	(pc) =	sbr.ind lr, $3  }
0x3a: {  	_ = 	snop  }
0x3b: {  	_ = 	snop  }
0x3c: {  	p2 =	seq.s32 s10, $0x1;
	s10 =	sld [smem:$0x3FB4]  }
0x3d: {  	_ =	shalt  }
0x3e: {  	_ =	shalt  }
0x3f: {  	_ =	shalt  }
0x40: {  	_ =	shalt  }
0x41: {  	_ =	shalt  }
0x42: {  	_ =	shalt  }
0x43: {  	_ =	shalt  }
0x44: {  	_ =	shalt  }
0x45: {  	_ =	shalt  }
0x46: {  	_ =	shalt  }
0x47: {  	_ =	shalt  }
0x48: {  	_ =	shalt  }
0x49: {  	_ =	shalt  }
0x4a: {  	_ =	shalt  }
0x4b: {  	_ =	shalt  }
0x4c: {  	_ =	shalt  }
0x4d: {  	_ =	shalt  }
0x4e: {  	_ =	shalt  }
0x4f: {  	_ =	shalt  }
0x50: {  	_ =	shalt  }
0x51: {  	_ =	shalt  }
0x52: {  	_ =	shalt  }
0x53: {  	_ =	shalt  }
0x54: {  	_ =	shalt  }
0x55: {  	_ =	shalt  }
0x56: {  	_ =	shalt  }
0x57: {  	_ =	shalt  }
0x58: {  	_ =	shalt  }
0x59: {  	_ =	shalt  }
0x5a: {  	_ =	shalt  }
0x5b: {  	_ =	shalt  }
0x5c: {  	_ =	shalt  }
0x5d: {  	_ =	shalt  }
0x5e: {  	_ =	shalt  }
0x5f: {  	_ =	shalt  }
0x60: {  	_ =	shalt  }
0x61: {  	_ =	shalt  }
0x62: {  	_ =	shalt  }
0x63: {  	_ =	shalt  }
0x64: {  	_ =	shalt  }
0x65: {  	_ =	shalt  }
0x66: {  	_ =	shalt  }
0x67: {  	_ =	shalt  }
0x68: {  	_ =	shalt  }
0x69: {  	_ =	shalt  }
0x6a: {  	_ =	shalt  }
0x6b: {  	_ =	shalt  }
0x6c: {  	_ =	shalt  }
0x6d: {  	_ =	shalt  }
0x6e: {  	_ =	shalt  }
0x6f: {  	_ =	shalt  }
0x70: {  	_ =	shalt  }
0x71: {  	_ =	shalt  }
0x72: {  	_ =	shalt  }
0x73: {  	_ =	shalt  }
0x74: {  	_ =	shalt  }
0x75: {  	_ =	shalt  }
0x76: {  	_ =	shalt  }
0x77: {  	_ =	shalt  }
0x78: {  	_ =	shalt  }
0x79: {  	_ =	shalt  }
0x7a: {  	_ =	shalt  }
0x7b: {  	_ =	shalt  }
0x7c: {  	_ =	shalt  }
0x7d: {  	_ =	shalt  }
0x7e: {  	_ =	shalt  }
0x7f: {  	_ =	shalt  }
0x80: {  	_ =	shalt  }
0x81: {  	_ =	shalt  }
0x82: {  	_ =	shalt  }
0x83: {  	_ =	shalt  }
0x84: {  	_ =	shalt  }
0x85: {  	_ =	shalt  }
0x86: {  	_ =	shalt  }
0x87: {  	_ =	shalt  }
.Lfunc_end0:
.L_simem_size_0:
called_computation.2_lowered:
.L_overlay_start_0:
0x88: {  	s2 =	sld [smem:$0x3FD9]  }
0x89: {  	s3 =	sld [smem:$0x3FFE];
	_ =	sdelay $0x1  }
0x8a: {  	s1 =	srdreg.scid  }
0x8b: {  	s0 =	sand.u32 $0x1, s1  }
0x8c: {  	s17 =	sshll.u32 s0, $0xA;
	s2 =	sadd.s32 s3, s2  }
0x8d: {  	s2 =	sadd.s32 s2, s17  }
0x8e: {  	[smem:$0x3FC0] =	sst s2  }
0x8f: {  	_ = 	snop  }
0x90: {  	s2 =	sld [smem:$0x3FD0];
	(tm) =	ssettm $0x1  }
0x91: {  	s18 =	sld [smem:$0x3FFB];
	_ =	sdelay $0x3  }
0x92: {  	_ =	strace s18  }
0x93: {  	s3 =	sld [smem:$0x3FFC];
	_ =	sdelay $0x3  }
0x94: {  	_ =	strace s3  }
0x95: {  	s3 =	sld [smem:$0x3FFD];
	_ =	sdelay $0x3  }
0x96: {  	_ =	strace s3  }
0x97: {  	_ =	strace $0x8FFFFFFF  }
0x98: {  	s19 =	sld [smem:$0x3FDB];
	_ =	sdelay $0x1  }
0x99: {  	s4 =	simm.s32 $_scs_section_size  }
0x9a: {  	s5 =	simm.s32 $_size__tile_overlayer_lowered;
	s6 =	simm.s32 $_tile_overlayer_lowered  }
0x9b: {  	s22 =	simm.s32 $0x1BFF;
	s21 =	sshll.u32 s6, $0x1;
	s3 =	sadd.s32 s4, s19  }
0x9c: {  	s7 =	simm.s32 $0x0;
	s20 =	sshll.u32 s5, $0x1;
	s5 =	sadd.s32 s21, s3  }
0x9d: {  	[timem:s7], [sflag:s22] =	dma.local [hbm:s5], s20  }
0x9e: {  	_ =	swait.ge [sflag:s22], s20  }
0x9f: {  	s4 =	ssub.s32 $0x0, s20;
	[sflag:s22] =	ssyncset.done $0x0  }
0xa0: {  	[sflag:s22] =	ssyncadd.s32 s4;
	_ =	sdelay $0x1  }
0xa1: {  	s23 =	simm.s32 $0x1B8B  }
0xa2: {  	_ =	swait.ge [sflag:s23], $0x1  }
0xa3: {  	[sflag:s23] =	ssyncset.done $0x0  }
0xa4: {  	s25 =	simm.s32 $0x1B8E;
	s24 =	sld [smem:$0x3FFE];
	[sflag:s23] =	ssyncadd.s32 $0xFFFFFFFF  }
0xa5: {  	s26 =	simm.s32 $execute0_lowered;
	[smem:$0x3FD2] =	sst s25  }
0xa6: {  	s5 =	sshll.u32 s26, $0x1;
	_ =	strace $0x8000004C;
	[dreg:$0x1] =	wrdreg $0xFFFFFFFF  }
0xa7: {  	s28 =	simm.s32 $_size_execute0_lowered;
	s3 =	sadd.s32 s3, s5;
	[dreg:$0x0] =	wrdreg $0x0  }
0xa8: {  	s5 =	sshll.u32 s28, $0x1;
	[dreg:$0x2] =	wrdreg s3  }
0xa9: {  	[dreg:$0x3] =	wrdreg s5  }
0xaa: {  	[dreg:$0x4] =	wrdreg $0xC0  }
0xab: {  	_ =	task [dreg:s7], $0x5FFFF  }
0xac: {  	[dreg:$0x1] =	wrdreg $0xFFFFFFFF  }
0xad: {  	[dreg:$0x0] =	wrdreg $0x60  }
0xae: {  	[dreg:$0x2] =	wrdreg s24  }
0xaf: {  	[dreg:$0x3] =	wrdreg s2  }
0xb0: {  	[dreg:$0x4] =	wrdreg $0x0  }
0xb1: {  	[dreg:$0x5] =	wrdreg $0x9  }
0xb2: {  	_ =	task.clear_ibuf [dreg:s7], $0x6FFFF;
	_ =	strace $0x9000004C  }
0xb3: {  	s29 =	simm.s32 $0x9;
	_ =	strace $0x8000004E  }
0xb4: {  	_ =	swait.ge [sflag:s29], $0x1  }
0xb5: {  	[sflag:s29] =	ssyncadd.s32 $0xFFFFFFFF  }
0xb6: {  	_ =	strace $0x9000004E  }
0xb7: {  	_ =	sfence  }
0xb8: {  	s30 =	sld [smem:$0x0];
	_ =	sdelay $0x2  }
0xb9: {  	s31 =	sshll.u32 s1, $0xD;
	s1 =	sshrl.u32 s1, $0x2  }
0xba: {  	s3 =	sand.u32 $0x4000, s31;
	s1 =	sadd.s32 s1, s30  }
0xbb: {  	s0 =	sor.u32 s3, s0;
	s1 =	sshll.u32 s1, $0x11  }
0xbc: {  	s0 =	sor.u32 s1, s0  }
0xbd: {  	s0 =	sadd.s32 $0x8F2B, s0  }
0xbe: {  	[sflag:s0] =	ssyncadd.remote.s32 $0x1  }
0xbf: {  	_ =	sfence.sel $0xFFFF  }
0xc0: {  	[dreg:$0x0] =	wrdreg $0xFFFFFFFF;
	(pc) =	sbr.abs _section_cstart, $3  }
0xc1: {  	[dreg:$0x1] =	wrdreg $0xFFFFFFFF  }
0xc2: {  	_ =	task.clear_ibuf [dreg:s7], $0x2FFFF;
	_ =	strace $0x9FFFFFFF  }
0xc3: {  	(tm) =	ssettm $0x7FFFFFFF  }
tec
execute0_lowered:
.L_overlay_start_1:
0x0: {  	(tag) =	ssettag $0x1  }
0x1: {  	s0 =	rddreg [dreg:$0x0]  }
0x2: {  	s2 =	rddreg [dreg:$0x1]  }
0x3: {  	s1 =	rddreg [dreg:$0x2];
	s4 =	simm.s32 $0x0;
	s3 =	srdreg.scid  }
0x4: {  	s10 =	stileid.u32;
	s20 =	simm.s32 $0x14000;
	s28 =	simm.s32 $0x1  }
0x5: {  	s29 =	simm.s32 $0x2;
	s30 =	simm.s32 $0x3;
	s31 =	simm.s32 $0x4  }
0x6: {  	[smem:$0x7FF] =	sst s4;
	s3 =	sand.u32 $0x1, s3;
	s9 =	smul.u32 $0x14000, s10  }
0x7: {  	s5 =	sshll.u32 s10, $0x1;
	s4 =	sadd.s32 $0x30400, s0;
	s21 =	smul.u32 $0x50000, s10  }
0x8: {  	s6 =	sadd.s32 $0x7E800, s0;
	_ =	strace $0x8000004D;
	s8 =	smul.u32 $0x140000, s3  }
0x9: {  	s7 =	sor.u32 s3, s5;
	s5 =	sadd.s32 $0x57600, s0;
	s3 =	ssub.s32 $0x2, s3  }
0xa: {  	s14 =	smul.u32 $0x280, s7;
	s7 =	sadd.s32 $0xA5A00, s0;
	s23 =	sshrl.u32 s3, $0x1  }
0xb: {  	s8 =	sadd.s32 s9, s8;
	s9 =	sshrl.u32 s21, $0x2;
	s3 =	ssub.s32 s3, s23  }
0xc: {  	s21 =	simm.s32 $0x5;
	s23 =	simm.s32 $0x16800;
	s22 =	sadd.s32 s14, s0  }
0xd: {  	s8 =	sshrl.u32 s8, $0x3;
	s9 =	sadd.s32 s9, s1;
	s2 =	sadd.s32 s2, s14  }
0xe: {  	s19 =	smax.u32 s3, $0x1;
	s0 =	sadd.s32 s8, s0;
	s24 =	sadd.s32 $0x4200, s22  }
0xf: {  	s10 =	sadd.s32 $0x4000, s9;
	s11 =	sadd.s32 $0x8000, s9;
	s12 =	sadd.s32 $0xC000, s9  }
0x10: {  	s13 =	sadd.s32 $0x10000, s9;
	[dreg:$0x7] =	wrdreg s2;
	s22 =	simm.s32 $0x16780  }
0x11: {  	s2 =	simm.s32 $0x0;
	s25 =	sadd.s32 $0xCCC00, s0;
	s26 =	sadd.s32 $0x11CC00, s0  }
0x12: {  	[dreg:$0x4] =	wrdreg s24;
	s17 =	sadd.s32 $0x16CC00, s0;
	s18 =	sadd.s32 $0x1BCC00, s0  }
0x13: {  	s24 =	simm.s32 $0x80;
	s0 =	simm.s32 $0x16700;
	[dreg:$0x5] =	wrdreg s25  }
0x14: {  	v0 =	vimm.f32 $0.0e+00;
	[dreg:$0x6] =	wrdreg s26;
	s25 =	simm.s32 $0x14080;
	s26 =	simm.s32 $0x1A800  }
.LBB2_1:
0x15: {  	s3 =	simm.s32 $0x0;
	s8 =	rddreg [dreg:$0x7]  }
0x16: {  	[tilespmem:s20], [sflag:$0x5] =	stream.linear.gather [hbm4b:s8+s3], $0x1400, $0x38;
	[tilespmem:$0x1E800] =	vst v63  }
0x17: {  	_ =	swait.ge [sflag:s21], $0x1400  }
0x18: {  	[sflag:s21] =	ssyncset.done $0x0  }
0x19: {  	s14 =	simm.s32 $0x15400;
	s16 =	rddreg [dreg:$0x4];
	[sflag:s21] =	ssyncadd.s32 $0xFFFFEC00  }
0x1a: {  	[tilespmem:s14], [sflag:$0x5] =	stream.linear.gather [hbm4b:s16+s3], $0x1400, $0x38;
	[tilespmem:$0x1E800] =	vst v63  }
0x1b: {  	_ =	swait.ge [sflag:s21], $0x1400  }
0x1c: {  	[sflag:s21] =	ssyncset.done $0x0  }
0x1d: {  	s8 =	simm.s32 $0x200;
	s3 =	simm.s32 $0x0;
	[sflag:s21] =	ssyncadd.s32 $0xFFFFEC00  }
.LBB2_2:
0x1e: {  	p0 =	sne.s32 s8, $0xFE00;
	[tilespmem:s3+$0x16870] =	vst v0  }
0x1f: {  	[tilespmem:s3+$0x16800] =	vst v0  }
0x20: {  	[tilespmem:s3+$0x16810] =	vst v0  }
.Ltmp0:
0x21: {  	[tilespmem:s3+$0x16820] =	vst v0;
	(pc) =	sbr.rel @p0 .LBB2_2-.Ltmp0, $4  }
0x22: {  	[tilespmem:s3+$0x16830] =	vst v0  }
0x23: {  	[tilespmem:s3+$0x16840] =	vst v0  }
0x24: {  	[tilespmem:s3+$0x16850] =	vst v0  }
0x25: {  	[tilespmem:s3+$0x16860] =	vst v0;
	s3 =	sshra.s32 s8, $0x2;
	s8 =	sadd.s32 $0x200, s8  }
0x26: {  	[tilespmem:s3+$0x16870] =	vst v0  }
0x27: {  	[tilespmem:s3+$0x16800] =	vst v0  }
0x28: {  	[tilespmem:s3+$0x16810] =	vst v0  }
0x29: {  	[tilespmem:s3+$0x16820] =	vst v0  }
0x2a: {  	[tilespmem:s3+$0x16830] =	vst v0  }
0x2b: {  	[tilespmem:s3+$0x16840] =	vst v0  }
0x2c: {  	[tilespmem:s3+$0x16850] =	vst v0  }
0x2d: {  	[tilespmem:s3+$0x16860] =	vst v0  }
0x2e: {  	[spmem:s9] =	stream.linear.scatter [tilespmem:s23], [sflag:$0x5], $0x4000, $0x38;
	[tilespmem:$0x1E800] =	vst v63  }
0x2f: {  	_ =	swait.ge [sflag:s21], $0x4000  }
0x30: {  	[sflag:s21] =	ssyncset.done $0x0  }
0x31: {  	[sflag:s21] =	ssyncadd.s32 $0xFFFFC000  }
0x32: {  	[spmem:s10] =	stream.linear.scatter [tilespmem:s23], [sflag:$0x5], $0x4000, $0x38;
	[tilespmem:$0x1E800] =	vst v63  }
0x33: {  	_ =	swait.ge [sflag:s21], $0x4000  }
0x34: {  	[sflag:s21] =	ssyncset.done $0x0  }
0x35: {  	[sflag:s21] =	ssyncadd.s32 $0xFFFFC000  }
0x36: {  	[spmem:s11] =	stream.linear.scatter [tilespmem:s23], [sflag:$0x5], $0x4000, $0x38;
	[tilespmem:$0x1E800] =	vst v63  }
0x37: {  	_ =	swait.ge [sflag:s21], $0x4000  }
0x38: {  	[sflag:s21] =	ssyncset.done $0x0  }
0x39: {  	[sflag:s21] =	ssyncadd.s32 $0xFFFFC000  }
0x3a: {  	[spmem:s12] =	stream.linear.scatter [tilespmem:s23], [sflag:$0x5], $0x4000, $0x38;
	[tilespmem:$0x1E800] =	vst v63  }
0x3b: {  	_ =	swait.ge [sflag:s21], $0x4000  }
0x3c: {  	[sflag:s21] =	ssyncset.done $0x0  }
0x3d: {  	[sflag:s21] =	ssyncadd.s32 $0xFFFFC000  }
0x3e: {  	[spmem:s13] =	stream.linear.scatter [tilespmem:s23], [sflag:$0x5], $0x4000, $0x38;
	[tilespmem:$0x1E800] =	vst v63  }
0x3f: {  	_ =	swait.ge [sflag:s21], $0x4000  }
0x40: {  	[sflag:s21] =	ssyncset.done $0x0  }
0x41: {  	[sflag:s21] =	ssyncadd.s32 $0xFFFFC000  }
0x42: {  	[bflag:$0x0] =	sbarrier.arrive $0xFFFF  }
0x43: {  	[tilespmem:s23], [sflag:$0x1] =	stream.indirect.gather [hbm4b:s4+s24], $0x80, s20, s24, $0xb8;
	[tilespmem:$0x1E800] =	vst v63  }
0x44: {  	_ = 	snop  }
0x45: {  	[tilespmem:s26], [sflag:$0x2] =	stream.indirect.gather [hbm4b:s4+s24], $0x80, s25, s24, $0xb8;
	[tilespmem:$0x1E800] =	vst v63  }
0x46: {  	_ =	swait.ge [sflag:s28], $0x4000  }
0x47: {  	[sflag:s28] =	ssyncset.done $0x0  }
0x48: {  	s14 =	simm.s32 $0x15400;
	[sflag:s28] =	ssyncadd.s32 $0xFFFFC000  }
0x49: {  	[spmem:s1] =	stream.indirect.scatter.add.f32 [tilespmem:s23], [sflag:$0x3], $0x80, s14, s24, $0xb8;
	[tilespmem:$0x1E800] =	vst v63  }
0x4a: {  	_ =	swait.ge [sflag:s29], $0x4000  }
0x4b: {  	[sflag:s29] =	ssyncset.done $0x0  }
0x4c: {  	s15 =	simm.s32 $0x15480;
	[sflag:s29] =	ssyncadd.s32 $0xFFFFC000  }
0x4d: {  	[spmem:s1] =	stream.indirect.scatter.add.f32 [tilespmem:s26], [sflag:$0x4], $0x80, s15, s24, $0xb8;
	[tilespmem:$0x1E800] =	vst v63  }
0x4e: {  	_ =	swait.ge [sflag:s30], $0x4000  }
0x4f: {  	[sflag:s30] =	ssyncset.done $0x0  }
0x50: {  	s16 =	simm.s32 $0x14100;
	[sflag:s30] =	ssyncadd.s32 $0xFFFFC000  }
0x51: {  	[tilespmem:s23], [sflag:$0x1] =	stream.indirect.gather [hbm4b:s4+s24], $0x80, s16, s24, $0xb8;
	[tilespmem:$0x1E800] =	vst v63  }
0x52: {  	_ =	swait.ge [sflag:s31], $0x4000  }
0x53: {  	[sflag:s31] =	ssyncset.done $0x0  }
0x54: {  	s3 =	simm.s32 $0x400;
	s8 =	simm.s32 $0x14180;
	[sflag:s31] =	ssyncadd.s32 $0xFFFFC000  }
.LBB2_4:
0x55: {  	[tilespmem:s26], [sflag:$0x2] =	stream.indirect.gather [hbm4b:s4+s24], $0x80, s8, s24, $0xb8;
	[tilespmem:$0x1E800] =	vst v63  }
0x56: {  	s8 =	smov.u32 s3  }
0x57: {  	p0 =	sne.s32 s3, $0x4800;
	s3 =	sadd.s32 $0x400, s3;
	_ =	swait.ge [sflag:s28], $0x4000  }
0x58: {  	s8 =	sshra.s32 s8, $0x2;
	[sflag:s28] =	ssyncset.done $0x0  }
0x59: {  	s14 =	sadd.s32 $0x15400, s8;
	[sflag:s28] =	ssyncadd.s32 $0xFFFFC000  }
0x5a: {  	[spmem:s1] =	stream.indirect.scatter.add.f32 [tilespmem:s23], [sflag:$0x3], $0x80, s14, s24, $0xb8;
	[tilespmem:$0x1E800] =	vst v63  }
0x5b: {  	_ =	swait.ge [sflag:s29], $0x4000  }
0x5c: {  	[sflag:s29] =	ssyncset.done $0x0  }
0x5d: {  	s14 =	sadd.s32 $0x15480, s8;
	[sflag:s29] =	ssyncadd.s32 $0xFFFFC000  }
0x5e: {  	[spmem:s1] =	stream.indirect.scatter.add.f32 [tilespmem:s26], [sflag:$0x4], $0x80, s14, s24, $0xb8;
	[tilespmem:$0x1E800] =	vst v63  }
0x5f: {  	_ =	swait.ge [sflag:s30], $0x4000  }
0x60: {  	[sflag:s30] =	ssyncset.done $0x0  }
.Ltmp1:
0x61: {  	s14 =	sadd.s32 $0x14100, s8;
	[sflag:s30] =	ssyncadd.s32 $0xFFFFC000;
	(pc) =	sbr.rel @p0 .LBB2_4-.Ltmp1, $4  }
0x62: {  	[tilespmem:s23], [sflag:$0x1] =	stream.indirect.gather [hbm4b:s4+s24], $0x80, s14, s24, $0xb8;
	[tilespmem:$0x1E800] =	vst v63  }
0x63: {  	_ =	swait.ge [sflag:s31], $0x4000  }
0x64: {  	[sflag:s31] =	ssyncset.done $0x0  }
0x65: {  	s8 =	sadd.s32 $0x14180, s8;
	[sflag:s31] =	ssyncadd.s32 $0xFFFFC000  }
0x66: {  	[tilespmem:s26], [sflag:$0x2] =	stream.indirect.gather [hbm4b:s4+s24], $0x80, s8, s24, $0xb8;
	[tilespmem:$0x1E800] =	vst v63  }
0x67: {  	_ =	swait.ge [sflag:s28], $0x4000  }
0x68: {  	[sflag:s28] =	ssyncset.done $0x0  }
0x69: {  	[sflag:s28] =	ssyncadd.s32 $0xFFFFC000  }
0x6a: {  	[spmem:s1] =	stream.indirect.scatter.add.f32 [tilespmem:s23], [sflag:$0x3], $0x80, s0, s24, $0xb8;
	[tilespmem:$0x1E800] =	vst v63  }
0x6b: {  	_ =	swait.ge [sflag:s29], $0x4000  }
0x6c: {  	[sflag:s29] =	ssyncset.done $0x0  }
0x6d: {  	[sflag:s29] =	ssyncadd.s32 $0xFFFFC000  }
0x6e: {  	[spmem:s1] =	stream.indirect.scatter.add.f32 [tilespmem:s26], [sflag:$0x4], $0x80, s22, s24, $0xb8;
	[tilespmem:$0x1E800] =	vst v63  }
0x6f: {  	_ =	swait.ge [sflag:s30], $0x4000  }
0x70: {  	[sflag:s30] =	ssyncset.done $0x0  }
0x71: {  	[sflag:s30] =	ssyncadd.s32 $0xFFFFC000  }
0x72: {  	_ =	swait.ge [sflag:s31], $0x4000  }
0x73: {  	[sflag:s31] =	ssyncset.done $0x0  }
0x74: {  	s3 =	stileid.u32;
	[sflag:s31] =	ssyncadd.s32 $0xFFFFC000  }
0x75: {  	s3 =	sshll.u32 s3, $0x6;
	[bflag:$0x0] =	sbarrier.arrive $0xFFFF  }
0x76: {  	s8 =	sshrl.u32 s9, $0x3;
	s3 =	sor.u32 $0x1C05, s3;
	s14 =	rddreg [dreg:$0x5]  }
0x77: {  	[hbm:s14], [sflag:s3] =	dma.local [spmem:s8], $0x2800  }
0x78: {  	_ =	swait.ge [sflag:s21], $0x2800  }
0x79: {  	[sflag:s21] =	ssyncset.done $0x0  }
0x7a: {  	s15 =	simm.s32 $0x200;
	s14 =	simm.s32 $0x0;
	[sflag:s21] =	ssyncadd.s32 $0xFFFFD800  }
.LBB2_6:
0x7b: {  	p0 =	sne.s32 s15, $0xFE00;
	[tilespmem:s14+$0x16870] =	vst v0  }
0x7c: {  	[tilespmem:s14+$0x16800] =	vst v0  }
0x7d: {  	[tilespmem:s14+$0x16810] =	vst v0  }
.Ltmp2:
0x7e: {  	[tilespmem:s14+$0x16820] =	vst v0;
	(pc) =	sbr.rel @p0 .LBB2_6-.Ltmp2, $4  }
0x7f: {  	[tilespmem:s14+$0x16830] =	vst v0  }
0x80: {  	[tilespmem:s14+$0x16840] =	vst v0  }
0x81: {  	[tilespmem:s14+$0x16850] =	vst v0  }
0x82: {  	[tilespmem:s14+$0x16860] =	vst v0;
	s14 =	sshra.s32 s15, $0x2;
	s15 =	sadd.s32 $0x200, s15  }
0x83: {  	[tilespmem:s14+$0x16870] =	vst v0  }
0x84: {  	[tilespmem:s14+$0x16800] =	vst v0  }
0x85: {  	[tilespmem:s14+$0x16810] =	vst v0  }
0x86: {  	[tilespmem:s14+$0x16820] =	vst v0  }
0x87: {  	[tilespmem:s14+$0x16830] =	vst v0  }
0x88: {  	[tilespmem:s14+$0x16840] =	vst v0  }
0x89: {  	[tilespmem:s14+$0x16850] =	vst v0  }
0x8a: {  	[tilespmem:s14+$0x16860] =	vst v0  }
0x8b: {  	[spmem:s9] =	stream.linear.scatter [tilespmem:s23], [sflag:$0x5], $0x4000, $0x38;
	[tilespmem:$0x1E800] =	vst v63  }
0x8c: {  	_ =	swait.ge [sflag:s21], $0x4000  }
0x8d: {  	[sflag:s21] =	ssyncset.done $0x0  }
0x8e: {  	[sflag:s21] =	ssyncadd.s32 $0xFFFFC000  }
0x8f: {  	[spmem:s10] =	stream.linear.scatter [tilespmem:s23], [sflag:$0x5], $0x4000, $0x38;
	[tilespmem:$0x1E800] =	vst v63  }
0x90: {  	_ =	swait.ge [sflag:s21], $0x4000  }
0x91: {  	[sflag:s21] =	ssyncset.done $0x0  }
0x92: {  	[sflag:s21] =	ssyncadd.s32 $0xFFFFC000  }
0x93: {  	[spmem:s11] =	stream.linear.scatter [tilespmem:s23], [sflag:$0x5], $0x4000, $0x38;
	[tilespmem:$0x1E800] =	vst v63  }
0x94: {  	_ =	swait.ge [sflag:s21], $0x4000  }
0x95: {  	[sflag:s21] =	ssyncset.done $0x0  }
0x96: {  	[sflag:s21] =	ssyncadd.s32 $0xFFFFC000  }
0x97: {  	[spmem:s12] =	stream.linear.scatter [tilespmem:s23], [sflag:$0x5], $0x4000, $0x38;
	[tilespmem:$0x1E800] =	vst v63  }
0x98: {  	_ =	swait.ge [sflag:s21], $0x4000  }
0x99: {  	[sflag:s21] =	ssyncset.done $0x0  }
0x9a: {  	[sflag:s21] =	ssyncadd.s32 $0xFFFFC000  }
0x9b: {  	[spmem:s13] =	stream.linear.scatter [tilespmem:s23], [sflag:$0x5], $0x4000, $0x38;
	[tilespmem:$0x1E800] =	vst v63  }
0x9c: {  	_ =	swait.ge [sflag:s21], $0x4000  }
0x9d: {  	[sflag:s21] =	ssyncset.done $0x0  }
0x9e: {  	[sflag:s21] =	ssyncadd.s32 $0xFFFFC000  }
0x9f: {  	[bflag:$0x0] =	sbarrier.arrive $0xFFFF  }
0xa0: {  	[tilespmem:s23], [sflag:$0x1] =	stream.indirect.gather [hbm4b:s5+s24], $0x80, s20, s24, $0xb8;
	[tilespmem:$0x1E800] =	vst v63  }
0xa1: {  	_ = 	snop  }
0xa2: {  	[tilespmem:s26], [sflag:$0x2] =	stream.indirect.gather [hbm4b:s5+s24], $0x80, s25, s24, $0xb8;
	[tilespmem:$0x1E800] =	vst v63  }
0xa3: {  	_ =	swait.ge [sflag:s28], $0x4000  }
0xa4: {  	[sflag:s28] =	ssyncset.done $0x0  }
0xa5: {  	s16 =	simm.s32 $0x15400;
	[sflag:s28] =	ssyncadd.s32 $0xFFFFC000  }
0xa6: {  	[spmem:s1] =	stream.indirect.scatter.add.f32 [tilespmem:s23], [sflag:$0x3], $0x80, s16, s24, $0xb8;
	[tilespmem:$0x1E800] =	vst v63  }
0xa7: {  	_ =	swait.ge [sflag:s29], $0x4000  }
0xa8: {  	[sflag:s29] =	ssyncset.done $0x0  }
0xa9: {  	s15 =	simm.s32 $0x15480;
	[sflag:s29] =	ssyncadd.s32 $0xFFFFC000  }
0xaa: {  	[spmem:s1] =	stream.indirect.scatter.add.f32 [tilespmem:s26], [sflag:$0x4], $0x80, s15, s24, $0xb8;
	[tilespmem:$0x1E800] =	vst v63  }
0xab: {  	_ =	swait.ge [sflag:s30], $0x4000  }
0xac: {  	[sflag:s30] =	ssyncset.done $0x0  }
0xad: {  	s16 =	simm.s32 $0x14100;
	[sflag:s30] =	ssyncadd.s32 $0xFFFFC000  }
0xae: {  	[tilespmem:s23], [sflag:$0x1] =	stream.indirect.gather [hbm4b:s5+s24], $0x80, s16, s24, $0xb8;
	[tilespmem:$0x1E800] =	vst v63  }
0xaf: {  	_ =	swait.ge [sflag:s31], $0x4000  }
0xb0: {  	[sflag:s31] =	ssyncset.done $0x0  }
0xb1: {  	s14 =	simm.s32 $0x400;
	s15 =	simm.s32 $0x14180;
	[sflag:s31] =	ssyncadd.s32 $0xFFFFC000  }
.LBB2_8:
0xb2: {  	[tilespmem:s26], [sflag:$0x2] =	stream.indirect.gather [hbm4b:s5+s24], $0x80, s15, s24, $0xb8;
	[tilespmem:$0x1E800] =	vst v63  }
0xb3: {  	s15 =	smov.u32 s14  }
0xb4: {  	p0 =	sne.s32 s14, $0x4800;
	s14 =	sadd.s32 $0x400, s14;
	_ =	swait.ge [sflag:s28], $0x4000  }
0xb5: {  	s15 =	sshra.s32 s15, $0x2;
	[sflag:s28] =	ssyncset.done $0x0  }
0xb6: {  	s16 =	sadd.s32 $0x15400, s15;
	[sflag:s28] =	ssyncadd.s32 $0xFFFFC000  }
0xb7: {  	[spmem:s1] =	stream.indirect.scatter.add.f32 [tilespmem:s23], [sflag:$0x3], $0x80, s16, s24, $0xb8;
	[tilespmem:$0x1E800] =	vst v63  }
0xb8: {  	_ =	swait.ge [sflag:s29], $0x4000  }
0xb9: {  	[sflag:s29] =	ssyncset.done $0x0  }
0xba: {  	s16 =	sadd.s32 $0x15480, s15;
	[sflag:s29] =	ssyncadd.s32 $0xFFFFC000  }
0xbb: {  	[spmem:s1] =	stream.indirect.scatter.add.f32 [tilespmem:s26], [sflag:$0x4], $0x80, s16, s24, $0xb8;
	[tilespmem:$0x1E800] =	vst v63  }
0xbc: {  	_ =	swait.ge [sflag:s30], $0x4000  }
0xbd: {  	[sflag:s30] =	ssyncset.done $0x0  }
.Ltmp3:
0xbe: {  	s16 =	sadd.s32 $0x14100, s15;
	[sflag:s30] =	ssyncadd.s32 $0xFFFFC000;
	(pc) =	sbr.rel @p0 .LBB2_8-.Ltmp3, $4  }
0xbf: {  	[tilespmem:s23], [sflag:$0x1] =	stream.indirect.gather [hbm4b:s5+s24], $0x80, s16, s24, $0xb8;
	[tilespmem:$0x1E800] =	vst v63  }
0xc0: {  	_ =	swait.ge [sflag:s31], $0x4000  }
0xc1: {  	[sflag:s31] =	ssyncset.done $0x0  }
0xc2: {  	s15 =	sadd.s32 $0x14180, s15;
	[sflag:s31] =	ssyncadd.s32 $0xFFFFC000  }
0xc3: {  	[tilespmem:s26], [sflag:$0x2] =	stream.indirect.gather [hbm4b:s5+s24], $0x80, s15, s24, $0xb8;
	[tilespmem:$0x1E800] =	vst v63  }
0xc4: {  	_ =	swait.ge [sflag:s28], $0x4000  }
0xc5: {  	[sflag:s28] =	ssyncset.done $0x0  }
0xc6: {  	[sflag:s28] =	ssyncadd.s32 $0xFFFFC000  }
0xc7: {  	[spmem:s1] =	stream.indirect.scatter.add.f32 [tilespmem:s23], [sflag:$0x3], $0x80, s0, s24, $0xb8;
	[tilespmem:$0x1E800] =	vst v63  }
0xc8: {  	_ =	swait.ge [sflag:s29], $0x4000  }
0xc9: {  	[sflag:s29] =	ssyncset.done $0x0  }
0xca: {  	[sflag:s29] =	ssyncadd.s32 $0xFFFFC000  }
0xcb: {  	[spmem:s1] =	stream.indirect.scatter.add.f32 [tilespmem:s26], [sflag:$0x4], $0x80, s22, s24, $0xb8;
	[tilespmem:$0x1E800] =	vst v63  }
0xcc: {  	_ =	swait.ge [sflag:s30], $0x4000  }
0xcd: {  	[sflag:s30] =	ssyncset.done $0x0  }
0xce: {  	[sflag:s30] =	ssyncadd.s32 $0xFFFFC000  }
0xcf: {  	_ =	swait.ge [sflag:s31], $0x4000  }
0xd0: {  	[sflag:s31] =	ssyncset.done $0x0  }
0xd1: {  	[sflag:s31] =	ssyncadd.s32 $0xFFFFC000  }
0xd2: {  	[bflag:$0x0] =	sbarrier.arrive $0xFFFF  }
0xd3: {  	s14 =	rddreg [dreg:$0x6]  }
0xd4: {  	[hbm:s14], [sflag:s3] =	dma.local [spmem:s8], $0x2800  }
0xd5: {  	_ =	swait.ge [sflag:s21], $0x2800  }
0xd6: {  	[sflag:s21] =	ssyncset.done $0x0  }
0xd7: {  	s15 =	simm.s32 $0x200;
	s14 =	simm.s32 $0x0;
	[sflag:s21] =	ssyncadd.s32 $0xFFFFD800  }
.LBB2_10:
0xd8: {  	p0 =	sne.s32 s15, $0xFE00;
	[tilespmem:s14+$0x16870] =	vst v0  }
0xd9: {  	[tilespmem:s14+$0x16800] =	vst v0  }
0xda: {  	[tilespmem:s14+$0x16810] =	vst v0  }
.Ltmp4:
0xdb: {  	[tilespmem:s14+$0x16820] =	vst v0;
	(pc) =	sbr.rel @p0 .LBB2_10-.Ltmp4, $4  }
0xdc: {  	[tilespmem:s14+$0x16830] =	vst v0  }
0xdd: {  	[tilespmem:s14+$0x16840] =	vst v0  }
0xde: {  	[tilespmem:s14+$0x16850] =	vst v0  }
0xdf: {  	[tilespmem:s14+$0x16860] =	vst v0;
	s14 =	sshra.s32 s15, $0x2;
	s15 =	sadd.s32 $0x200, s15  }
0xe0: {  	[tilespmem:s14+$0x16870] =	vst v0  }
0xe1: {  	[tilespmem:s14+$0x16800] =	vst v0  }
0xe2: {  	[tilespmem:s14+$0x16810] =	vst v0  }
0xe3: {  	[tilespmem:s14+$0x16820] =	vst v0  }
0xe4: {  	[tilespmem:s14+$0x16830] =	vst v0  }
0xe5: {  	[tilespmem:s14+$0x16840] =	vst v0  }
0xe6: {  	[tilespmem:s14+$0x16850] =	vst v0  }
0xe7: {  	[tilespmem:s14+$0x16860] =	vst v0  }
0xe8: {  	[spmem:s9] =	stream.linear.scatter [tilespmem:s23], [sflag:$0x5], $0x4000, $0x38;
	[tilespmem:$0x1E800] =	vst v63  }
0xe9: {  	_ =	swait.ge [sflag:s21], $0x4000  }
0xea: {  	[sflag:s21] =	ssyncset.done $0x0  }
0xeb: {  	[sflag:s21] =	ssyncadd.s32 $0xFFFFC000  }
0xec: {  	[spmem:s10] =	stream.linear.scatter [tilespmem:s23], [sflag:$0x5], $0x4000, $0x38;
	[tilespmem:$0x1E800] =	vst v63  }
0xed: {  	_ =	swait.ge [sflag:s21], $0x4000  }
0xee: {  	[sflag:s21] =	ssyncset.done $0x0  }
0xef: {  	[sflag:s21] =	ssyncadd.s32 $0xFFFFC000  }
0xf0: {  	[spmem:s11] =	stream.linear.scatter [tilespmem:s23], [sflag:$0x5], $0x4000, $0x38;
	[tilespmem:$0x1E800] =	vst v63  }
0xf1: {  	_ =	swait.ge [sflag:s21], $0x4000  }
0xf2: {  	[sflag:s21] =	ssyncset.done $0x0  }
0xf3: {  	[sflag:s21] =	ssyncadd.s32 $0xFFFFC000  }
0xf4: {  	[spmem:s12] =	stream.linear.scatter [tilespmem:s23], [sflag:$0x5], $0x4000, $0x38;
	[tilespmem:$0x1E800] =	vst v63  }
0xf5: {  	_ =	swait.ge [sflag:s21], $0x4000  }
0xf6: {  	[sflag:s21] =	ssyncset.done $0x0  }
0xf7: {  	[sflag:s21] =	ssyncadd.s32 $0xFFFFC000  }
0xf8: {  	[spmem:s13] =	stream.linear.scatter [tilespmem:s23], [sflag:$0x5], $0x4000, $0x38;
	[tilespmem:$0x1E800] =	vst v63  }
0xf9: {  	_ =	swait.ge [sflag:s21], $0x4000  }
0xfa: {  	[sflag:s21] =	ssyncset.done $0x0  }
0xfb: {  	[sflag:s21] =	ssyncadd.s32 $0xFFFFC000  }
0xfc: {  	[bflag:$0x0] =	sbarrier.arrive $0xFFFF  }
0xfd: {  	[tilespmem:s23], [sflag:$0x1] =	stream.indirect.gather [hbm4b:s6+s24], $0x80, s20, s24, $0xb8;
	[tilespmem:$0x1E800] =	vst v63  }
0xfe: {  	_ = 	snop  }
0xff: {  	[tilespmem:s26], [sflag:$0x2] =	stream.indirect.gather [hbm4b:s6+s24], $0x80, s25, s24, $0xb8;
	[tilespmem:$0x1E800] =	vst v63  }
0x100: {  	_ =	swait.ge [sflag:s28], $0x4000  }
0x101: {  	[sflag:s28] =	ssyncset.done $0x0  }
0x102: {  	s16 =	simm.s32 $0x15400;
	[sflag:s28] =	ssyncadd.s32 $0xFFFFC000  }
0x103: {  	[spmem:s1] =	stream.indirect.scatter.add.f32 [tilespmem:s23], [sflag:$0x3], $0x80, s16, s24, $0xb8;
	[tilespmem:$0x1E800] =	vst v63  }
0x104: {  	_ =	swait.ge [sflag:s29], $0x4000  }
0x105: {  	[sflag:s29] =	ssyncset.done $0x0  }
0x106: {  	s15 =	simm.s32 $0x15480;
	[sflag:s29] =	ssyncadd.s32 $0xFFFFC000  }
0x107: {  	[spmem:s1] =	stream.indirect.scatter.add.f32 [tilespmem:s26], [sflag:$0x4], $0x80, s15, s24, $0xb8;
	[tilespmem:$0x1E800] =	vst v63  }
0x108: {  	_ =	swait.ge [sflag:s30], $0x4000  }
0x109: {  	[sflag:s30] =	ssyncset.done $0x0  }
0x10a: {  	s16 =	simm.s32 $0x14100;
	[sflag:s30] =	ssyncadd.s32 $0xFFFFC000  }
0x10b: {  	[tilespmem:s23], [sflag:$0x1] =	stream.indirect.gather [hbm4b:s6+s24], $0x80, s16, s24, $0xb8;
	[tilespmem:$0x1E800] =	vst v63  }
0x10c: {  	_ =	swait.ge [sflag:s31], $0x4000  }
0x10d: {  	[sflag:s31] =	ssyncset.done $0x0  }
0x10e: {  	s14 =	simm.s32 $0x400;
	s15 =	simm.s32 $0x14180;
	[sflag:s31] =	ssyncadd.s32 $0xFFFFC000  }
.LBB2_12:
0x10f: {  	[tilespmem:s26], [sflag:$0x2] =	stream.indirect.gather [hbm4b:s6+s24], $0x80, s15, s24, $0xb8;
	[tilespmem:$0x1E800] =	vst v63  }
0x110: {  	s15 =	smov.u32 s14  }
0x111: {  	p0 =	sne.s32 s14, $0x4800;
	s14 =	sadd.s32 $0x400, s14;
	_ =	swait.ge [sflag:s28], $0x4000  }
0x112: {  	s15 =	sshra.s32 s15, $0x2;
	[sflag:s28] =	ssyncset.done $0x0  }
0x113: {  	s16 =	sadd.s32 $0x15400, s15;
	[sflag:s28] =	ssyncadd.s32 $0xFFFFC000  }
0x114: {  	[spmem:s1] =	stream.indirect.scatter.add.f32 [tilespmem:s23], [sflag:$0x3], $0x80, s16, s24, $0xb8;
	[tilespmem:$0x1E800] =	vst v63  }
0x115: {  	_ =	swait.ge [sflag:s29], $0x4000  }
0x116: {  	[sflag:s29] =	ssyncset.done $0x0  }
0x117: {  	s16 =	sadd.s32 $0x15480, s15;
	[sflag:s29] =	ssyncadd.s32 $0xFFFFC000  }
0x118: {  	[spmem:s1] =	stream.indirect.scatter.add.f32 [tilespmem:s26], [sflag:$0x4], $0x80, s16, s24, $0xb8;
	[tilespmem:$0x1E800] =	vst v63  }
0x119: {  	_ =	swait.ge [sflag:s30], $0x4000  }
0x11a: {  	[sflag:s30] =	ssyncset.done $0x0  }
.Ltmp5:
0x11b: {  	s16 =	sadd.s32 $0x14100, s15;
	[sflag:s30] =	ssyncadd.s32 $0xFFFFC000;
	(pc) =	sbr.rel @p0 .LBB2_12-.Ltmp5, $4  }
0x11c: {  	[tilespmem:s23], [sflag:$0x1] =	stream.indirect.gather [hbm4b:s6+s24], $0x80, s16, s24, $0xb8;
	[tilespmem:$0x1E800] =	vst v63  }
0x11d: {  	_ =	swait.ge [sflag:s31], $0x4000  }
0x11e: {  	[sflag:s31] =	ssyncset.done $0x0  }
0x11f: {  	s15 =	sadd.s32 $0x14180, s15;
	[sflag:s31] =	ssyncadd.s32 $0xFFFFC000  }
0x120: {  	[tilespmem:s26], [sflag:$0x2] =	stream.indirect.gather [hbm4b:s6+s24], $0x80, s15, s24, $0xb8;
	[tilespmem:$0x1E800] =	vst v63  }
0x121: {  	_ =	swait.ge [sflag:s28], $0x4000  }
0x122: {  	[sflag:s28] =	ssyncset.done $0x0  }
0x123: {  	[sflag:s28] =	ssyncadd.s32 $0xFFFFC000  }
0x124: {  	[spmem:s1] =	stream.indirect.scatter.add.f32 [tilespmem:s23], [sflag:$0x3], $0x80, s0, s24, $0xb8;
	[tilespmem:$0x1E800] =	vst v63  }
0x125: {  	_ =	swait.ge [sflag:s29], $0x4000  }
0x126: {  	[sflag:s29] =	ssyncset.done $0x0  }
0x127: {  	[sflag:s29] =	ssyncadd.s32 $0xFFFFC000  }
0x128: {  	[spmem:s1] =	stream.indirect.scatter.add.f32 [tilespmem:s26], [sflag:$0x4], $0x80, s22, s24, $0xb8;
	[tilespmem:$0x1E800] =	vst v63  }
0x129: {  	_ =	swait.ge [sflag:s30], $0x4000  }
0x12a: {  	[sflag:s30] =	ssyncset.done $0x0  }
0x12b: {  	[sflag:s30] =	ssyncadd.s32 $0xFFFFC000  }
0x12c: {  	_ =	swait.ge [sflag:s31], $0x4000  }
0x12d: {  	[sflag:s31] =	ssyncset.done $0x0  }
0x12e: {  	[sflag:s31] =	ssyncadd.s32 $0xFFFFC000  }
0x12f: {  	[bflag:$0x0] =	sbarrier.arrive $0xFFFF  }
0x130: {  	[hbm:s17], [sflag:s3] =	dma.local [spmem:s8], $0x2800  }
0x131: {  	_ =	swait.ge [sflag:s21], $0x2800  }
0x132: {  	[sflag:s21] =	ssyncset.done $0x0  }
0x133: {  	s14 =	simm.s32 $0x0;
	s15 =	simm.s32 $0x200;
	[sflag:s21] =	ssyncadd.s32 $0xFFFFD800  }
.LBB2_14:
0x134: {  	p0 =	sne.s32 s15, $0xFE00;
	[tilespmem:s14+$0x16870] =	vst v0  }
0x135: {  	[tilespmem:s14+$0x16800] =	vst v0  }
0x136: {  	[tilespmem:s14+$0x16810] =	vst v0  }
.Ltmp6:
0x137: {  	[tilespmem:s14+$0x16820] =	vst v0;
	(pc) =	sbr.rel @p0 .LBB2_14-.Ltmp6, $4  }
0x138: {  	[tilespmem:s14+$0x16830] =	vst v0  }
0x139: {  	[tilespmem:s14+$0x16840] =	vst v0  }
0x13a: {  	[tilespmem:s14+$0x16850] =	vst v0  }
0x13b: {  	[tilespmem:s14+$0x16860] =	vst v0;
	s14 =	sshra.s32 s15, $0x2;
	s15 =	sadd.s32 $0x200, s15  }
0x13c: {  	[tilespmem:s14+$0x16870] =	vst v0  }
0x13d: {  	[tilespmem:s14+$0x16800] =	vst v0  }
0x13e: {  	[tilespmem:s14+$0x16810] =	vst v0  }
0x13f: {  	[tilespmem:s14+$0x16820] =	vst v0  }
0x140: {  	[tilespmem:s14+$0x16830] =	vst v0  }
0x141: {  	[tilespmem:s14+$0x16840] =	vst v0  }
0x142: {  	[tilespmem:s14+$0x16850] =	vst v0  }
0x143: {  	[tilespmem:s14+$0x16860] =	vst v0  }
0x144: {  	[spmem:s9] =	stream.linear.scatter [tilespmem:s23], [sflag:$0x5], $0x4000, $0x38;
	[tilespmem:$0x1E800] =	vst v63  }
0x145: {  	_ =	swait.ge [sflag:s21], $0x4000  }
0x146: {  	[sflag:s21] =	ssyncset.done $0x0  }
0x147: {  	[sflag:s21] =	ssyncadd.s32 $0xFFFFC000  }
0x148: {  	[spmem:s10] =	stream.linear.scatter [tilespmem:s23], [sflag:$0x5], $0x4000, $0x38;
	[tilespmem:$0x1E800] =	vst v63  }
0x149: {  	_ =	swait.ge [sflag:s21], $0x4000  }
0x14a: {  	[sflag:s21] =	ssyncset.done $0x0  }
0x14b: {  	[sflag:s21] =	ssyncadd.s32 $0xFFFFC000  }
0x14c: {  	[spmem:s11] =	stream.linear.scatter [tilespmem:s23], [sflag:$0x5], $0x4000, $0x38;
	[tilespmem:$0x1E800] =	vst v63  }
0x14d: {  	_ =	swait.ge [sflag:s21], $0x4000  }
0x14e: {  	[sflag:s21] =	ssyncset.done $0x0  }
0x14f: {  	[sflag:s21] =	ssyncadd.s32 $0xFFFFC000  }
0x150: {  	[spmem:s12] =	stream.linear.scatter [tilespmem:s23], [sflag:$0x5], $0x4000, $0x38;
	[tilespmem:$0x1E800] =	vst v63  }
0x151: {  	_ =	swait.ge [sflag:s21], $0x4000  }
0x152: {  	[sflag:s21] =	ssyncset.done $0x0  }
0x153: {  	[sflag:s21] =	ssyncadd.s32 $0xFFFFC000  }
0x154: {  	[spmem:s13] =	stream.linear.scatter [tilespmem:s23], [sflag:$0x5], $0x4000, $0x38;
	[tilespmem:$0x1E800] =	vst v63  }
0x155: {  	_ =	swait.ge [sflag:s21], $0x4000  }
0x156: {  	[sflag:s21] =	ssyncset.done $0x0  }
0x157: {  	[sflag:s21] =	ssyncadd.s32 $0xFFFFC000  }
0x158: {  	[bflag:$0x0] =	sbarrier.arrive $0xFFFF  }
0x159: {  	[tilespmem:s23], [sflag:$0x1] =	stream.indirect.gather [hbm4b:s7+s24], $0x80, s20, s24, $0xb8;
	[tilespmem:$0x1E800] =	vst v63  }
0x15a: {  	_ = 	snop  }
0x15b: {  	[tilespmem:s26], [sflag:$0x2] =	stream.indirect.gather [hbm4b:s7+s24], $0x80, s25, s24, $0xb8;
	[tilespmem:$0x1E800] =	vst v63  }
0x15c: {  	_ =	swait.ge [sflag:s28], $0x4000  }
0x15d: {  	[sflag:s28] =	ssyncset.done $0x0  }
0x15e: {  	s16 =	simm.s32 $0x15400;
	[sflag:s28] =	ssyncadd.s32 $0xFFFFC000  }
0x15f: {  	[spmem:s1] =	stream.indirect.scatter.add.f32 [tilespmem:s23], [sflag:$0x3], $0x80, s16, s24, $0xb8;
	[tilespmem:$0x1E800] =	vst v63  }
0x160: {  	_ =	swait.ge [sflag:s29], $0x4000  }
0x161: {  	[sflag:s29] =	ssyncset.done $0x0  }
0x162: {  	s15 =	simm.s32 $0x15480;
	[sflag:s29] =	ssyncadd.s32 $0xFFFFC000  }
0x163: {  	[spmem:s1] =	stream.indirect.scatter.add.f32 [tilespmem:s26], [sflag:$0x4], $0x80, s15, s24, $0xb8;
	[tilespmem:$0x1E800] =	vst v63  }
0x164: {  	_ =	swait.ge [sflag:s30], $0x4000  }
0x165: {  	[sflag:s30] =	ssyncset.done $0x0  }
0x166: {  	s16 =	simm.s32 $0x14100;
	[sflag:s30] =	ssyncadd.s32 $0xFFFFC000  }
0x167: {  	[tilespmem:s23], [sflag:$0x1] =	stream.indirect.gather [hbm4b:s7+s24], $0x80, s16, s24, $0xb8;
	[tilespmem:$0x1E800] =	vst v63  }
0x168: {  	_ =	swait.ge [sflag:s31], $0x4000  }
0x169: {  	[sflag:s31] =	ssyncset.done $0x0  }
0x16a: {  	s14 =	simm.s32 $0x400;
	s15 =	simm.s32 $0x14180;
	[sflag:s31] =	ssyncadd.s32 $0xFFFFC000  }
.LBB2_16:
0x16b: {  	[tilespmem:s26], [sflag:$0x2] =	stream.indirect.gather [hbm4b:s7+s24], $0x80, s15, s24, $0xb8;
	[tilespmem:$0x1E800] =	vst v63  }
0x16c: {  	s15 =	smov.u32 s14  }
0x16d: {  	p0 =	sne.s32 s14, $0x4800;
	s14 =	sadd.s32 $0x400, s14;
	_ =	swait.ge [sflag:s28], $0x4000  }
0x16e: {  	s15 =	sshra.s32 s15, $0x2;
	[sflag:s28] =	ssyncset.done $0x0  }
0x16f: {  	s16 =	sadd.s32 $0x15400, s15;
	[sflag:s28] =	ssyncadd.s32 $0xFFFFC000  }
0x170: {  	[spmem:s1] =	stream.indirect.scatter.add.f32 [tilespmem:s23], [sflag:$0x3], $0x80, s16, s24, $0xb8;
	[tilespmem:$0x1E800] =	vst v63  }
0x171: {  	_ =	swait.ge [sflag:s29], $0x4000  }
0x172: {  	[sflag:s29] =	ssyncset.done $0x0  }
0x173: {  	s16 =	sadd.s32 $0x15480, s15;
	[sflag:s29] =	ssyncadd.s32 $0xFFFFC000  }
0x174: {  	[spmem:s1] =	stream.indirect.scatter.add.f32 [tilespmem:s26], [sflag:$0x4], $0x80, s16, s24, $0xb8;
	[tilespmem:$0x1E800] =	vst v63  }
0x175: {  	_ =	swait.ge [sflag:s30], $0x4000  }
0x176: {  	[sflag:s30] =	ssyncset.done $0x0  }
.Ltmp7:
0x177: {  	s16 =	sadd.s32 $0x14100, s15;
	[sflag:s30] =	ssyncadd.s32 $0xFFFFC000;
	(pc) =	sbr.rel @p0 .LBB2_16-.Ltmp7, $4  }
0x178: {  	[tilespmem:s23], [sflag:$0x1] =	stream.indirect.gather [hbm4b:s7+s24], $0x80, s16, s24, $0xb8;
	[tilespmem:$0x1E800] =	vst v63  }
0x179: {  	_ =	swait.ge [sflag:s31], $0x4000  }
0x17a: {  	[sflag:s31] =	ssyncset.done $0x0  }
0x17b: {  	s15 =	sadd.s32 $0x14180, s15;
	[sflag:s31] =	ssyncadd.s32 $0xFFFFC000  }
0x17c: {  	[tilespmem:s26], [sflag:$0x2] =	stream.indirect.gather [hbm4b:s7+s24], $0x80, s15, s24, $0xb8;
	[tilespmem:$0x1E800] =	vst v63  }
0x17d: {  	_ =	swait.ge [sflag:s28], $0x4000  }
0x17e: {  	[sflag:s28] =	ssyncset.done $0x0  }
0x17f: {  	[sflag:s28] =	ssyncadd.s32 $0xFFFFC000  }
0x180: {  	[spmem:s1] =	stream.indirect.scatter.add.f32 [tilespmem:s23], [sflag:$0x3], $0x80, s0, s24, $0xb8;
	[tilespmem:$0x1E800] =	vst v63  }
0x181: {  	_ =	swait.ge [sflag:s29], $0x4000  }
0x182: {  	[sflag:s29] =	ssyncset.done $0x0  }
0x183: {  	[sflag:s29] =	ssyncadd.s32 $0xFFFFC000  }
0x184: {  	[spmem:s1] =	stream.indirect.scatter.add.f32 [tilespmem:s26], [sflag:$0x4], $0x80, s22, s24, $0xb8;
	[tilespmem:$0x1E800] =	vst v63  }
0x185: {  	_ =	swait.ge [sflag:s30], $0x4000  }
0x186: {  	[sflag:s30] =	ssyncset.done $0x0  }
0x187: {  	[sflag:s30] =	ssyncadd.s32 $0xFFFFC000  }
0x188: {  	_ =	swait.ge [sflag:s31], $0x4000  }
0x189: {  	s2 =	sadd.s32 $0x1, s2;
	[sflag:s31] =	ssyncset.done $0x0  }
0x18a: {  	p0 =	sne.s32 s2, s19;
	[sflag:s31] =	ssyncadd.s32 $0xFFFFC000  }
.Ltmp8:
0x18b: {  	[bflag:$0x0] =	sbarrier.arrive $0xFFFF;
	(pc) =	sbr.rel @p0 .LBB2_1-.Ltmp8, $4  }
0x18c: {  	[hbm:s18], [sflag:s3] =	dma.local [spmem:s8], $0x2800  }
0x18d: {  	_ =	swait.ge [sflag:s21], $0x2800  }
0x18e: {  	[sflag:s21] =	ssyncset.done $0x0  }
0x18f: {  	[sflag:s21] =	ssyncadd.s32 $0xFFFFD800  }
0x190: {  	_ =	sfence.sel $0x180000  }
0x191: {  	[bflag:$0x0] =	sbarrier.arrive $0xFFFF  }
0x192: {  	_ =	strace $0x9000004D  }
0x193: {  	s0 =	stileid.u32;
	[bflag:$0x2] =	sbarrier.arrive $0xFFFF  }
0x194: {  	p0 =	sne.s32 s0, $0x0;
	s0 =	rddreg [dreg:$0x3]  }
0x195: {  	s0 =	sadd.s32 @!p0 $0x100000, s0  }
0x196: {  	[sflag:s0] =	ssyncadd.tile.s32 @!p0 $0x1;
	_ =	shalt  }
.Lfunc_end2:
_tile_overlayer_lowered:
.L_overlay_start_2:
0x197: {  	(tag) =	ssettag $0x2  }
0x198: {  	s0 =	rddreg [dreg:$0x0];
	s2 =	stileid.u32  }
0x199: {  	s1 =	rddreg [dreg:$0x1];
	p0 =	sne.s32 s2, $0x0  }
0x19a: {  	s3 =	rddreg [dreg:$0x2];
	[bflag:$0x3] =	sbarrier.arrive $0xFFFF;
	s2 =	simm.s32 @!p0 $0x1C05  }
0x19b: {  	[timem:s3], [sflag:s2] =	dma.local @!p0 [hbm:s0], s1  }
0x19c: {  	s0 =	simm.s32 @!p0 $0x5  }
0x19d: {  	_ =	swait.ge @!p0 [sflag:s0], s1  }
0x19e: {  	s1 =	ssub.s32 @!p0 $0x0, s1;
	[sflag:s0] =	ssyncset.done @!p0 $0x0  }
0x19f: {  	[sflag:s0] =	ssyncadd.s32 @!p0 s1  }
0x1a0: {  	[bflag:$0x3] =	sbarrier.arrive $0xFFFF  }
0x1a1: {  	_ =	shalt  }

// kernel: kernel.21.cloned.1.call-start
scs
__scs_entry_jumppad:
0x0: {  	(pc) =	sbr.rel $0x88, $3  }
0x1: {  	(tag) =	ssettag $0x0;
	lr =	simm.s32 $0x1  }
0x2: {  	[smem:$0x3F99] =	sst lr;
	_ =	strace $0xD0000000  }
0x3: {  	_ = 	snop  }
0x4: {  	_ = 	snop  }
0x5: {  	_ = 	snop  }
0x6: {  	_ = 	snop  }
0x7: {  	_ = 	snop  }
__scs_overlays_trampoline_lowered:
0x8: {  	[smem:$0x3FA8] =	sst s0  }
0x9: {  	[smem:$0x3FA9] =	sst s1  }
0xa: {  	[smem:$0x3FAA] =	sst s2  }
0xb: {  	[smem:$0x3FAB] =	sst s3  }
0xc: {  	[smem:$0x3FAC] =	sst s4  }
0xd: {  	[smem:$0x3FAD] =	sst s5  }
0xe: {  	[smem:$0x3FAE] =	sst s6  }
0xf: {  	[smem:$0x3FAF] =	sst s7  }
0x10: {  	[smem:$0x3FB0] =	sst s8  }
0x11: {  	[smem:$0x3FB1] =	sst s9;
	s0 =	simm.s32 @!p0 $0x0  }
0x12: {  	s1 =	sld [smem:$0x3F97];
	s0 =	simm.s32 @p0 $0x1  }
0x13: {  	[smem:$0x3FB2] =	sst s0;
	s0 =	simm.s32 @!p1 $0x0  }
0x14: {  	s2 =	sld [smem:$0x3F96];
	s0 =	simm.s32 @p1 $0x1  }
0x15: {  	[smem:$0x3FB3] =	sst s0;
	s0 =	simm.s32 @!p2 $0x0  }
0x16: {  	s3 =	sld [smem:$0x3FDB];
	s0 =	simm.s32 @p2 $0x1  }
0x17: {  	s4 =	simm.s32 $0x1BF5;
	[smem:$0x3FB5] =	sst s0  }
0x18: {  	s0 =	sld [smem:$0x3F98];
	_ =	swait.ge [sflag:s4], $0x0  }
0x19: {  	s7 =	sld [smem:$0x3F99]  }
0x1a: {  	s8 =	sadd.s32 $0xFFFFE003, lr  }
0x1b: {  	s9 =	sadd.s32 $0xFFFFFEF7, lr;
	s5 =	simm.s32 $0xFFFFFFFF;
	p2 =	slt.u32 s8, $0xFFFFF086  }
0x1c: {  	p1 =	slt.u32 s9, $0xF7A;
	s5 =	simm.s32 @!p2 $0x0  }
0x1d: {  	s5 =	simm.s32 @p1 $0x1;
	p0 =	seq.s32 s7, s2  }
0x1e: {  	s7 =	smul.u32 @!p0 $0xF7A, s2;
	p2 =	seq.s32 @!p0 s5, $0x0  }
0x1f: {  	s9 =	smul.u32 $0xF7A, s1;
	s8 =	simm.s32 @!p0 $0x1BF5;
	p2 =	por !p2, p0  }
0x20: {  	[sflag:s8] =	ssyncset.s32 @!p0 $0xFFFFF086;
	s6 =	sadd.s32 @!p0 s3, s7;
	s7 =	simm.s32 @!p0 $0x108  }
0x21: {  	s3 =	sadd.s32 s3, s9;
	s6 =	sadd.s32 @!p0 $0x88, s6;
	s7 =	simm.s32 @p2 $0x1082  }
0x22: {  	[simem:s7], [sflag:s8] =	dma.local @!p0 [hbm:s6], $0xF7A  }
0x23: {  	s9 =	sor.u32 $0xD0000000, s2;
	s6 =	simm.s32 $0x108;
	_ =	swait.ge @!p0 [sflag:s8], $0x0  }
0x24: {  	s3 =	sadd.s32 $0x88, s3;
	s6 =	simm.s32 @!p1 $0x1082;
	[sflag:s4] =	ssyncset.s32 $0xFFFFF086  }
0x25: {  	[simem:s6], [sflag:s4] =	dma.local [hbm:s3], $0xF7A  }
0x26: {  	[smem:$0x3F99] =	sst s1;
	(tag) =	ssettag s2;
	_ =	strace s9  }
0x27: {  	s1 =	sld [smem:$0x3FA9]  }
0x28: {  	s2 =	sld [smem:$0x3FAA]  }
0x29: {  	s4 =	sld [smem:$0x3FAC]  }
0x2a: {  	p0 =	seq.s32 s5, $0x0;
	s5 =	sld [smem:$0x3FAD]  }
0x2b: {  	s6 =	sld [smem:$0x3FAE]  }
0x2c: {  	s7 =	sld [smem:$0x3FAF]  }
0x2d: {  	s3 =	simm.s32 $0x108;
	s8 =	sld [smem:$0x3FB0]  }
0x2e: {  	s3 =	simm.s32 @!p0 $0x1082;
	s9 =	sld [smem:$0x3FB1]  }
0x2f: {  	lr =	sadd.s32 s0, s3;
	s0 =	sld [smem:$0x3FA8]  }
0x30: {  	s3 =	sld [smem:$0x3FAB]  }
0x31: {  	[smem:$0x3FB4] =	sst s10  }
0x32: {  	s10 =	sld [smem:$0x3FB2];
	_ =	sdelay $0x3  }
0x33: {  	p0 =	seq.s32 s10, $0x1;
	s10 =	sld [smem:$0x3FB4];
	_ =	sdelay $0x3  }
0x34: {  	[smem:$0x3FB4] =	sst s10  }
0x35: {  	s10 =	sld [smem:$0x3FB3];
	_ =	sdelay $0x3  }
0x36: {  	p1 =	seq.s32 s10, $0x1;
	s10 =	sld [smem:$0x3FB4];
	_ =	sdelay $0x3  }
0x37: {  	[smem:$0x3FB4] =	sst s10  }
0x38: {  	s10 =	sld [smem:$0x3FB5]  }
0x39: {  	_ = 	snop;
	(pc) =	sbr.ind lr, $3  }
0x3a: {  	_ = 	snop  }
0x3b: {  	_ = 	snop  }
0x3c: {  	p2 =	seq.s32 s10, $0x1;
	s10 =	sld [smem:$0x3FB4]  }
0x3d: {  	_ =	shalt  }
0x3e: {  	_ =	shalt  }
0x3f: {  	_ =	shalt  }
0x40: {  	_ =	shalt  }
0x41: {  	_ =	shalt  }
0x42: {  	_ =	shalt  }
0x43: {  	_ =	shalt  }
0x44: {  	_ =	shalt  }
0x45: {  	_ =	shalt  }
0x46: {  	_ =	shalt  }
0x47: {  	_ =	shalt  }
0x48: {  	_ =	shalt  }
0x49: {  	_ =	shalt  }
0x4a: {  	_ =	shalt  }
0x4b: {  	_ =	shalt  }
0x4c: {  	_ =	shalt  }
0x4d: {  	_ =	shalt  }
0x4e: {  	_ =	shalt  }
0x4f: {  	_ =	shalt  }
0x50: {  	_ =	shalt  }
0x51: {  	_ =	shalt  }
0x52: {  	_ =	shalt  }
0x53: {  	_ =	shalt  }
0x54: {  	_ =	shalt  }
0x55: {  	_ =	shalt  }
0x56: {  	_ =	shalt  }
0x57: {  	_ =	shalt  }
0x58: {  	_ =	shalt  }
0x59: {  	_ =	shalt  }
0x5a: {  	_ =	shalt  }
0x5b: {  	_ =	shalt  }
0x5c: {  	_ =	shalt  }
0x5d: {  	_ =	shalt  }
0x5e: {  	_ =	shalt  }
0x5f: {  	_ =	shalt  }
0x60: {  	_ =	shalt  }
0x61: {  	_ =	shalt  }
0x62: {  	_ =	shalt  }
0x63: {  	_ =	shalt  }
0x64: {  	_ =	shalt  }
0x65: {  	_ =	shalt  }
0x66: {  	_ =	shalt  }
0x67: {  	_ =	shalt  }
0x68: {  	_ =	shalt  }
0x69: {  	_ =	shalt  }
0x6a: {  	_ =	shalt  }
0x6b: {  	_ =	shalt  }
0x6c: {  	_ =	shalt  }
0x6d: {  	_ =	shalt  }
0x6e: {  	_ =	shalt  }
0x6f: {  	_ =	shalt  }
0x70: {  	_ =	shalt  }
0x71: {  	_ =	shalt  }
0x72: {  	_ =	shalt  }
0x73: {  	_ =	shalt  }
0x74: {  	_ =	shalt  }
0x75: {  	_ =	shalt  }
0x76: {  	_ =	shalt  }
0x77: {  	_ =	shalt  }
0x78: {  	_ =	shalt  }
0x79: {  	_ =	shalt  }
0x7a: {  	_ =	shalt  }
0x7b: {  	_ =	shalt  }
0x7c: {  	_ =	shalt  }
0x7d: {  	_ =	shalt  }
0x7e: {  	_ =	shalt  }
0x7f: {  	_ =	shalt  }
0x80: {  	_ =	shalt  }
0x81: {  	_ =	shalt  }
0x82: {  	_ =	shalt  }
0x83: {  	_ =	shalt  }
0x84: {  	_ =	shalt  }
0x85: {  	_ =	shalt  }
0x86: {  	_ =	shalt  }
0x87: {  	_ =	shalt  }
.Lfunc_end0:
.L_simem_size_0:
called_computation.3_lowered:
.L_overlay_start_0:
0x88: {  	s2 =	sld [smem:$0x3FD9]  }
0x89: {  	s3 =	sld [smem:$0x3FFE];
	_ =	sdelay $0x1  }
0x8a: {  	s1 =	srdreg.scid  }
0x8b: {  	s0 =	sand.u32 $0x1, s1  }
0x8c: {  	s17 =	sshll.u32 s0, $0xA;
	s2 =	sadd.s32 s3, s2  }
0x8d: {  	s2 =	sadd.s32 s2, s17  }
0x8e: {  	[smem:$0x3FC0] =	sst s2  }
0x8f: {  	_ = 	snop  }
0x90: {  	s2 =	sld [smem:$0x3FD0];
	(tm) =	ssettm $0x1  }
0x91: {  	s18 =	sld [smem:$0x3FFB];
	_ =	sdelay $0x3  }
0x92: {  	_ =	strace s18  }
0x93: {  	s3 =	sld [smem:$0x3FFC];
	_ =	sdelay $0x3  }
0x94: {  	_ =	strace s3  }
0x95: {  	s3 =	sld [smem:$0x3FFD];
	_ =	sdelay $0x3  }
0x96: {  	_ =	strace s3  }
0x97: {  	_ =	strace $0x8FFFFFFF  }
0x98: {  	s19 =	sld [smem:$0x3FDB];
	_ =	sdelay $0x1  }
0x99: {  	s4 =	simm.s32 $_scs_section_size  }
0x9a: {  	s5 =	simm.s32 $_size__tile_overlayer_lowered;
	s6 =	simm.s32 $_tile_overlayer_lowered  }
0x9b: {  	s22 =	simm.s32 $0x1BFF;
	s21 =	sshll.u32 s6, $0x1;
	s3 =	sadd.s32 s4, s19  }
0x9c: {  	s7 =	simm.s32 $0x0;
	s20 =	sshll.u32 s5, $0x1;
	s5 =	sadd.s32 s21, s3  }
0x9d: {  	[timem:s7], [sflag:s22] =	dma.local [hbm:s5], s20  }
0x9e: {  	_ =	swait.ge [sflag:s22], s20  }
0x9f: {  	s4 =	ssub.s32 $0x0, s20;
	[sflag:s22] =	ssyncset.done $0x0  }
0xa0: {  	[sflag:s22] =	ssyncadd.s32 s4;
	_ =	sdelay $0x1  }
0xa1: {  	s23 =	simm.s32 $0x1B8B  }
0xa2: {  	_ =	swait.ge [sflag:s23], $0x1  }
0xa3: {  	[sflag:s23] =	ssyncset.done $0x0  }
0xa4: {  	s25 =	simm.s32 $0x1B8E;
	s24 =	sld [smem:$0x3FFE];
	[sflag:s23] =	ssyncadd.s32 $0xFFFFFFFF  }
0xa5: {  	s26 =	simm.s32 $execute0_lowered;
	[smem:$0x3FD2] =	sst s25  }
0xa6: {  	s5 =	sshll.u32 s26, $0x1;
	_ =	strace $0x8000004F;
	[dreg:$0x1] =	wrdreg $0xFFFFFFFF  }
0xa7: {  	s28 =	simm.s32 $_size_execute0_lowered;
	s3 =	sadd.s32 s3, s5;
	[dreg:$0x0] =	wrdreg $0x0  }
0xa8: {  	s5 =	sshll.u32 s28, $0x1;
	[dreg:$0x2] =	wrdreg s3  }
0xa9: {  	[dreg:$0x3] =	wrdreg s5  }
0xaa: {  	[dreg:$0x4] =	wrdreg $0xC0  }
0xab: {  	_ =	task [dreg:s7], $0x5FFFF  }
0xac: {  	[dreg:$0x1] =	wrdreg $0xFFFFFFFF  }
0xad: {  	[dreg:$0x0] =	wrdreg $0x60  }
0xae: {  	[dreg:$0x2] =	wrdreg s24  }
0xaf: {  	[dreg:$0x3] =	wrdreg s2  }
0xb0: {  	[dreg:$0x4] =	wrdreg $0x0  }
0xb1: {  	[dreg:$0x5] =	wrdreg $0x9  }
0xb2: {  	_ =	task.clear_ibuf [dreg:s7], $0x6FFFF;
	_ =	strace $0x9000004F  }
0xb3: {  	s29 =	simm.s32 $0x9;
	_ =	strace $0x80000051  }
0xb4: {  	_ =	swait.ge [sflag:s29], $0x1  }
0xb5: {  	[sflag:s29] =	ssyncadd.s32 $0xFFFFFFFF  }
0xb6: {  	_ =	strace $0x90000051  }
0xb7: {  	_ =	sfence  }
0xb8: {  	s30 =	sld [smem:$0x0];
	_ =	sdelay $0x2  }
0xb9: {  	s31 =	sshll.u32 s1, $0xD;
	s1 =	sshrl.u32 s1, $0x2  }
0xba: {  	s3 =	sand.u32 $0x4000, s31;
	s1 =	sadd.s32 s1, s30  }
0xbb: {  	s0 =	sor.u32 s3, s0;
	s1 =	sshll.u32 s1, $0x11  }
0xbc: {  	s0 =	sor.u32 s1, s0  }
0xbd: {  	s0 =	sadd.s32 $0x8F2B, s0  }
0xbe: {  	[sflag:s0] =	ssyncadd.remote.s32 $0x1  }
0xbf: {  	_ =	sfence.sel $0xFFFF  }
0xc0: {  	[dreg:$0x0] =	wrdreg $0xFFFFFFFF;
	(pc) =	sbr.abs _section_cstart, $3  }
0xc1: {  	[dreg:$0x1] =	wrdreg $0xFFFFFFFF  }
0xc2: {  	_ =	task.clear_ibuf [dreg:s7], $0x2FFFF;
	_ =	strace $0x9FFFFFFF  }
0xc3: {  	(tm) =	ssettm $0x7FFFFFFF  }
tec
execute0_lowered:
.L_overlay_start_1:
0x0: {  	(tag) =	ssettag $0x1  }
0x1: {  	s5 =	rddreg [dreg:$0x0]  }
0x2: {  	s6 =	rddreg [dreg:$0x1]  }
0x3: {  	s2 =	rddreg [dreg:$0x2];
	s3 =	srdreg.scid  }
0x4: {  	s0 =	rddreg [dreg:$0x3];
	s1 =	stileid.u32  }
0x5: {  	s14 =	simm.s32 $0x14000;
	s15 =	simm.s32 $0x5;
	s16 =	simm.s32 $0x15400  }
0x6: {  	s17 =	simm.s32 $0x16800;
	s18 =	simm.s32 $0x80;
	s19 =	simm.s32 $0x14080  }
0x7: {  	s20 =	simm.s32 $0x1A800;
	s21 =	simm.s32 $0x1;
	s22 =	simm.s32 $0x2  }
0x8: {  	s23 =	simm.s32 $0x3;
	s24 =	simm.s32 $0x4;
	s25 =	simm.s32 $0x16700  }
0x9: {  	s26 =	simm.s32 $0x16780;
	s28 =	simm.s32 $0x0;
	s9 =	smul.u32 $0x14000, s1  }
0xa: {  	s7 =	sand.u32 $0x1, s3;
	s3 =	simm.s32 $0x0;
	s29 =	smul.u32 $0x50000, s1  }
0xb: {  	s4 =	sshll.u32 s1, $0x1;
	s8 =	smul.u32 $0x140000, s7;
	[smem:$0x7FF] =	sst s3  }
0xc: {  	s4 =	sor.u32 s7, s4;
	s7 =	ssub.s32 $0x2, s7;
	_ =	strace $0x80000050  }
0xd: {  	s10 =	smul.u32 $0x280, s4;
	s4 =	sadd.s32 $0x9200, s5;
	s30 =	sshrl.u32 s7, $0x1  }
0xe: {  	s31 =	sshrl.u32 s29, $0x2;
	s8 =	sadd.s32 s9, s8;
	s13 =	ssub.s32 s7, s30  }
0xf: {  	s11 =	sadd.s32 s10, s5;
	s8 =	sshrl.u32 s8, $0x3;
	s13 =	smax.u32 s13, $0x1  }
0x10: {  	s12 =	sadd.s32 s8, s5;
	s5 =	sadd.s32 s6, s10;
	s6 =	sadd.s32 s31, s2  }
0x11: {  	s7 =	sadd.s32 $0x4200, s11;
	s8 =	sadd.s32 $0x4000, s6;
	s9 =	sadd.s32 $0x8000, s6  }
0x12: {  	v0 =	vimm.f32 $0.0e+00;
	s10 =	sadd.s32 $0xC000, s6;
	s11 =	sadd.s32 $0x10000, s6;
	s12 =	sadd.s32 $0x30400, s12  }
.LBB2_1:
0x13: {  	[tilespmem:s14], [sflag:$0x5] =	stream.linear.gather [hbm4b:s5+s3], $0x1400, $0x38;
	[tilespmem:$0x1E800] =	vst v63  }
0x14: {  	_ =	swait.ge [sflag:s15], $0x1400  }
0x15: {  	[sflag:s15] =	ssyncset.done $0x0  }
0x16: {  	[sflag:s15] =	ssyncadd.s32 $0xFFFFEC00  }
0x17: {  	[tilespmem:s16], [sflag:$0x5] =	stream.linear.gather [hbm4b:s7+s3], $0x1400, $0x38;
	[tilespmem:$0x1E800] =	vst v63  }
0x18: {  	_ =	swait.ge [sflag:s15], $0x1400  }
0x19: {  	[sflag:s15] =	ssyncset.done $0x0  }
0x1a: {  	s29 =	simm.s32 $0x0;
	s30 =	simm.s32 $0x200;
	[sflag:s15] =	ssyncadd.s32 $0xFFFFEC00  }
.LBB2_2:
0x1b: {  	p0 =	sne.s32 s30, $0xFE00;
	[tilespmem:s29+$0x16870] =	vst v0  }
0x1c: {  	[tilespmem:s29+$0x16800] =	vst v0  }
0x1d: {  	[tilespmem:s29+$0x16810] =	vst v0  }
.Ltmp0:
0x1e: {  	[tilespmem:s29+$0x16820] =	vst v0;
	(pc) =	sbr.rel @p0 .LBB2_2-.Ltmp0, $4  }
0x1f: {  	[tilespmem:s29+$0x16830] =	vst v0  }
0x20: {  	[tilespmem:s29+$0x16840] =	vst v0  }
0x21: {  	[tilespmem:s29+$0x16850] =	vst v0  }
0x22: {  	[tilespmem:s29+$0x16860] =	vst v0;
	s29 =	sshra.s32 s30, $0x2;
	s30 =	sadd.s32 $0x200, s30  }
0x23: {  	[tilespmem:s29+$0x16870] =	vst v0  }
0x24: {  	[tilespmem:s29+$0x16800] =	vst v0  }
0x25: {  	[tilespmem:s29+$0x16810] =	vst v0  }
0x26: {  	[tilespmem:s29+$0x16820] =	vst v0  }
0x27: {  	[tilespmem:s29+$0x16830] =	vst v0  }
0x28: {  	[tilespmem:s29+$0x16840] =	vst v0  }
0x29: {  	[tilespmem:s29+$0x16850] =	vst v0  }
0x2a: {  	[tilespmem:s29+$0x16860] =	vst v0  }
0x2b: {  	[spmem:s6] =	stream.linear.scatter [tilespmem:s17], [sflag:$0x5], $0x4000, $0x38;
	[tilespmem:$0x1E800] =	vst v63  }
0x2c: {  	_ =	swait.ge [sflag:s15], $0x4000  }
0x2d: {  	[sflag:s15] =	ssyncset.done $0x0  }
0x2e: {  	[sflag:s15] =	ssyncadd.s32 $0xFFFFC000  }
0x2f: {  	[spmem:s8] =	stream.linear.scatter [tilespmem:s17], [sflag:$0x5], $0x4000, $0x38;
	[tilespmem:$0x1E800] =	vst v63  }
0x30: {  	_ =	swait.ge [sflag:s15], $0x4000  }
0x31: {  	[sflag:s15] =	ssyncset.done $0x0  }
0x32: {  	[sflag:s15] =	ssyncadd.s32 $0xFFFFC000  }
0x33: {  	[spmem:s9] =	stream.linear.scatter [tilespmem:s17], [sflag:$0x5], $0x4000, $0x38;
	[tilespmem:$0x1E800] =	vst v63  }
0x34: {  	_ =	swait.ge [sflag:s15], $0x4000  }
0x35: {  	[sflag:s15] =	ssyncset.done $0x0  }
0x36: {  	[sflag:s15] =	ssyncadd.s32 $0xFFFFC000  }
0x37: {  	[spmem:s10] =	stream.linear.scatter [tilespmem:s17], [sflag:$0x5], $0x4000, $0x38;
	[tilespmem:$0x1E800] =	vst v63  }
0x38: {  	_ =	swait.ge [sflag:s15], $0x4000  }
0x39: {  	[sflag:s15] =	ssyncset.done $0x0  }
0x3a: {  	[sflag:s15] =	ssyncadd.s32 $0xFFFFC000  }
0x3b: {  	[spmem:s11] =	stream.linear.scatter [tilespmem:s17], [sflag:$0x5], $0x4000, $0x38;
	[tilespmem:$0x1E800] =	vst v63  }
0x3c: {  	_ =	swait.ge [sflag:s15], $0x4000  }
0x3d: {  	[sflag:s15] =	ssyncset.done $0x0  }
0x3e: {  	[sflag:s15] =	ssyncadd.s32 $0xFFFFC000  }
0x3f: {  	[bflag:$0x0] =	sbarrier.arrive $0xFFFF  }
0x40: {  	[tilespmem:s17], [sflag:$0x1] =	stream.indirect.gather [hbm4b:s4+s18], $0x80, s14, s18, $0xb8;
	[tilespmem:$0x1E800] =	vst v63  }
0x41: {  	_ = 	snop  }
0x42: {  	[tilespmem:s20], [sflag:$0x2] =	stream.indirect.gather [hbm4b:s4+s18], $0x80, s19, s18, $0xb8;
	[tilespmem:$0x1E800] =	vst v63  }
0x43: {  	_ =	swait.ge [sflag:s21], $0x4000  }
0x44: {  	[sflag:s21] =	ssyncset.done $0x0  }
0x45: {  	s29 =	simm.s32 $0x15400;
	[sflag:s21] =	ssyncadd.s32 $0xFFFFC000  }
0x46: {  	[spmem:s2] =	stream.indirect.scatter.add.f32 [tilespmem:s17], [sflag:$0x3], $0x80, s29, s18, $0xb8;
	[tilespmem:$0x1E800] =	vst v63  }
0x47: {  	_ =	swait.ge [sflag:s22], $0x4000  }
0x48: {  	[sflag:s22] =	ssyncset.done $0x0  }
0x49: {  	s29 =	simm.s32 $0x15480;
	[sflag:s22] =	ssyncadd.s32 $0xFFFFC000  }
0x4a: {  	[spmem:s2] =	stream.indirect.scatter.add.f32 [tilespmem:s20], [sflag:$0x4], $0x80, s29, s18, $0xb8;
	[tilespmem:$0x1E800] =	vst v63  }
0x4b: {  	_ =	swait.ge [sflag:s23], $0x4000  }
0x4c: {  	[sflag:s23] =	ssyncset.done $0x0  }
0x4d: {  	s29 =	simm.s32 $0x14100;
	[sflag:s23] =	ssyncadd.s32 $0xFFFFC000  }
0x4e: {  	[tilespmem:s17], [sflag:$0x1] =	stream.indirect.gather [hbm4b:s4+s18], $0x80, s29, s18, $0xb8;
	[tilespmem:$0x1E800] =	vst v63  }
0x4f: {  	_ =	swait.ge [sflag:s24], $0x4000  }
0x50: {  	[sflag:s24] =	ssyncset.done $0x0  }
0x51: {  	s30 =	simm.s32 $0x14180;
	s29 =	simm.s32 $0x400;
	[sflag:s24] =	ssyncadd.s32 $0xFFFFC000  }
.LBB2_4:
0x52: {  	[tilespmem:s20], [sflag:$0x2] =	stream.indirect.gather [hbm4b:s4+s18], $0x80, s30, s18, $0xb8;
	[tilespmem:$0x1E800] =	vst v63  }
0x53: {  	s30 =	smov.u32 s29  }
0x54: {  	p0 =	sne.s32 s29, $0x4800;
	s29 =	sadd.s32 $0x400, s29;
	_ =	swait.ge [sflag:s21], $0x4000  }
0x55: {  	s30 =	sshra.s32 s30, $0x2;
	[sflag:s21] =	ssyncset.done $0x0  }
0x56: {  	s31 =	sadd.s32 $0x15400, s30;
	[sflag:s21] =	ssyncadd.s32 $0xFFFFC000  }
0x57: {  	[spmem:s2] =	stream.indirect.scatter.add.f32 [tilespmem:s17], [sflag:$0x3], $0x80, s31, s18, $0xb8;
	[tilespmem:$0x1E800] =	vst v63  }
0x58: {  	_ =	swait.ge [sflag:s22], $0x4000  }
0x59: {  	[sflag:s22] =	ssyncset.done $0x0  }
0x5a: {  	s31 =	sadd.s32 $0x15480, s30;
	[sflag:s22] =	ssyncadd.s32 $0xFFFFC000  }
0x5b: {  	[spmem:s2] =	stream.indirect.scatter.add.f32 [tilespmem:s20], [sflag:$0x4], $0x80, s31, s18, $0xb8;
	[tilespmem:$0x1E800] =	vst v63  }
0x5c: {  	_ =	swait.ge [sflag:s23], $0x4000  }
0x5d: {  	[sflag:s23] =	ssyncset.done $0x0  }
.Ltmp1:
0x5e: {  	s31 =	sadd.s32 $0x14100, s30;
	[sflag:s23] =	ssyncadd.s32 $0xFFFFC000;
	(pc) =	sbr.rel @p0 .LBB2_4-.Ltmp1, $4  }
0x5f: {  	[tilespmem:s17], [sflag:$0x1] =	stream.indirect.gather [hbm4b:s4+s18], $0x80, s31, s18, $0xb8;
	[tilespmem:$0x1E800] =	vst v63  }
0x60: {  	_ =	swait.ge [sflag:s24], $0x4000  }
0x61: {  	[sflag:s24] =	ssyncset.done $0x0  }
0x62: {  	s30 =	sadd.s32 $0x14180, s30;
	[sflag:s24] =	ssyncadd.s32 $0xFFFFC000  }
0x63: {  	[tilespmem:s20], [sflag:$0x2] =	stream.indirect.gather [hbm4b:s4+s18], $0x80, s30, s18, $0xb8;
	[tilespmem:$0x1E800] =	vst v63  }
0x64: {  	_ =	swait.ge [sflag:s21], $0x4000  }
0x65: {  	[sflag:s21] =	ssyncset.done $0x0  }
0x66: {  	[sflag:s21] =	ssyncadd.s32 $0xFFFFC000  }
0x67: {  	[spmem:s2] =	stream.indirect.scatter.add.f32 [tilespmem:s17], [sflag:$0x3], $0x80, s25, s18, $0xb8;
	[tilespmem:$0x1E800] =	vst v63  }
0x68: {  	_ =	swait.ge [sflag:s22], $0x4000  }
0x69: {  	[sflag:s22] =	ssyncset.done $0x0  }
0x6a: {  	[sflag:s22] =	ssyncadd.s32 $0xFFFFC000  }
0x6b: {  	[spmem:s2] =	stream.indirect.scatter.add.f32 [tilespmem:s20], [sflag:$0x4], $0x80, s26, s18, $0xb8;
	[tilespmem:$0x1E800] =	vst v63  }
0x6c: {  	_ =	swait.ge [sflag:s23], $0x4000  }
0x6d: {  	[sflag:s23] =	ssyncset.done $0x0  }
0x6e: {  	[sflag:s23] =	ssyncadd.s32 $0xFFFFC000  }
0x6f: {  	_ =	swait.ge [sflag:s24], $0x4000  }
0x70: {  	s29 =	sshll.u32 s1, $0x6;
	s28 =	sadd.s32 $0x1, s28;
	[sflag:s24] =	ssyncset.done $0x0  }
0x71: {  	s31 =	sshrl.u32 s6, $0x3;
	p0 =	sne.s32 s28, s13;
	[sflag:s24] =	ssyncadd.s32 $0xFFFFC000  }
.Ltmp2:
0x72: {  	s29 =	sor.u32 $0x1C05, s29;
	[bflag:$0x0] =	sbarrier.arrive $0xFFFF;
	(pc) =	sbr.rel @p0 .LBB2_1-.Ltmp2, $4  }
0x73: {  	[hbm:s12], [sflag:s29] =	dma.local [spmem:s31], $0x2800  }
0x74: {  	_ =	swait.ge [sflag:s15], $0x2800  }
0x75: {  	[sflag:s15] =	ssyncset.done $0x0  }
0x76: {  	[sflag:s15] =	ssyncadd.s32 $0xFFFFD800  }
0x77: {  	_ =	sfence.sel $0x180000  }
0x78: {  	[bflag:$0x0] =	sbarrier.arrive $0xFFFF  }
0x79: {  	p0 =	sne.s32 s1, $0x0;
	_ =	strace $0x90000050  }
0x7a: {  	s0 =	sadd.s32 @!p0 $0x100000, s0;
	[bflag:$0x2] =	sbarrier.arrive $0xFFFF  }
0x7b: {  	[sflag:s0] =	ssyncadd.tile.s32 @!p0 $0x1;
	_ =	shalt  }
.Lfunc_end2:
_tile_overlayer_lowered:
.L_overlay_start_2:
0x7c: {  	(tag) =	ssettag $0x2  }
0x7d: {  	s0 =	rddreg [dreg:$0x0];
	s2 =	stileid.u32  }
0x7e: {  	s1 =	rddreg [dreg:$0x1];
	p0 =	sne.s32 s2, $0x0  }
0x7f: {  	s3 =	rddreg [dreg:$0x2];
	[bflag:$0x3] =	sbarrier.arrive $0xFFFF;
	s2 =	simm.s32 @!p0 $0x1C05  }
0x80: {  	[timem:s3], [sflag:s2] =	dma.local @!p0 [hbm:s0], s1  }
0x81: {  	s0 =	simm.s32 @!p0 $0x5  }
0x82: {  	_ =	swait.ge @!p0 [sflag:s0], s1  }
0x83: {  	s1 =	ssub.s32 @!p0 $0x0, s1;
	[sflag:s0] =	ssyncset.done @!p0 $0x0  }
0x84: {  	[sflag:s0] =	ssyncadd.s32 @!p0 s1  }
0x85: {  	[bflag:$0x3] =	sbarrier.arrive $0xFFFF  }
0x86: {  	_ =	shalt  }

</sc_bundles>
